<compile_context>
chip_gen: v7x
topology: tpu7x:2x2x1
jax: 0.10.2.dev20260603
libtpu: 0.0.44.dev20260713+nightly
codegen_flags: <defaults>
</compile_context>

<pallas_src>
import jax
import jax.numpy as jnp
from jax import lax
from jax.experimental import pallas as pl
from jax.experimental.pallas import tpu as pltpu
from jax.experimental.pallas import tpu_sc as plsc

NUM_FIELDS = 26
FIELD_SIZE = 40000
BATCH = 16384
L = 16
NC = 2
NS = 16
NW = NC * NS
B_PER_W = BATCH // NW
NPIECE = 2
FPP = NUM_FIELDS // NPIECE

_SC_PARAMS = pltpu.CompilerParams(needs_layout_passes=False)


def _mesh():
    return plsc.VectorSubcoreMesh(core_axis_name="c", subcore_axis_name="s")


def _wid():
    return lax.axis_index("s") * NC + lax.axis_index("c")


def _transpose_body(x_hbm, xt_hbm, xb_v, xtl_v):
    w = _wid()
    rowbase = pl.multiple_of(w * B_PER_W, 8)
    pltpu.sync_copy(x_hbm.at[pl.ds(rowbase, B_PER_W), :], xb_v)
    iota = lax.iota(jnp.int32, L)

    def chunk(g, carry):
        rows = iota + g * L
        for f in range(NUM_FIELDS):
            xtl_v[f, pl.ds(g * L, L)] = plsc.load_gather(xb_v, [rows, iota * 0 + f])
        return carry

    lax.fori_loop(0, B_PER_W // L, chunk, 0)
    pltpu.sync_copy(xtl_v, xt_hbm.at[:, pl.ds(rowbase, B_PER_W)])


def _gather_body(p0_hbm, p1_hbm, xt_hbm, partials_hbm, tab_v, xrow_v, vals_v, sem, sem2):
    w = _wid()

    for f in range(NUM_FIELDS):

        @pl.when(w == f)
        def _(f=f):
            src = (p0_hbm, p1_hbm)[f // FPP]
            pltpu.async_copy(
                src.at[pl.ds((f % FPP) * FIELD_SIZE, FIELD_SIZE)], tab_v, sem2
            )
            pltpu.async_copy(xt_hbm.at[f], xrow_v, sem)
            pltpu.make_async_copy(xt_hbm.at[f], xrow_v, sem).wait()
            pltpu.make_async_copy(
                src.at[pl.ds((f % FPP) * FIELD_SIZE, FIELD_SIZE)], tab_v, sem2
            ).wait()

            def gath(i, carry):
                sl = pl.ds(i * L, L)
                vals_v[sl] = plsc.load_gather(tab_v, [xrow_v[sl]])
                return carry

            lax.fori_loop(0, BATCH // L, gath, 0)
            pltpu.sync_copy(vals_v, partials_hbm.at[f])


def _reduce_body(partials_hbm, bias_hbm, out_hbm, pcols_v, bias_v, out_v):
    w = _wid()
    base = pl.multiple_of(w * B_PER_W, 8)
    pltpu.sync_copy(partials_hbm.at[:, pl.ds(base, B_PER_W)], pcols_v)
    pltpu.sync_copy(bias_hbm, bias_v)
    iota = lax.iota(jnp.int32, L)
    bias_b = plsc.load_gather(bias_v, [iota * 0])

    def red(q, carry):
        acc = bias_b
        for f in range(NUM_FIELDS):
            acc = acc + pcols_v[f, pl.ds(q * L, L)]
        out_v[pl.ds(q * L, L)] = acc
        return carry

    lax.fori_loop(0, B_PER_W // L, red, 0)
    pltpu.sync_copy(out_v, out_hbm.at[pl.ds(base, B_PER_W)])


@jax.jit
def _run(x, bias, p0, p1):
    k1 = pl.kernel(
        _transpose_body,
        out_type=jax.ShapeDtypeStruct((NUM_FIELDS, BATCH), jnp.int32),
        mesh=_mesh(),
        scratch_types=[
            pltpu.VMEM((B_PER_W, NUM_FIELDS), jnp.int32),
            pltpu.VMEM((NUM_FIELDS, B_PER_W), jnp.int32),
        ],
        name="fl_transpose",
        compiler_params=_SC_PARAMS,
    )
    xt = k1(x)

    k2 = pl.kernel(
        _gather_body,
        out_type=jax.ShapeDtypeStruct((NUM_FIELDS, BATCH), jnp.float32),
        mesh=_mesh(),
        scratch_types=[
            pltpu.VMEM((FIELD_SIZE,), jnp.float32),
            pltpu.VMEM((BATCH,), jnp.int32),
            pltpu.VMEM((BATCH,), jnp.float32),
            pltpu.SemaphoreType.DMA,
            pltpu.SemaphoreType.DMA,
        ],
        name="fl_gather",
        compiler_params=_SC_PARAMS,
    )
    partials = k2(p0, p1, xt)

    k3 = pl.kernel(
        _reduce_body,
        out_type=jax.ShapeDtypeStruct((BATCH,), jnp.float32),
        mesh=_mesh(),
        scratch_types=[
            pltpu.VMEM((NUM_FIELDS, B_PER_W), jnp.float32),
            pltpu.VMEM((1,), jnp.float32),
            pltpu.VMEM((B_PER_W,), jnp.float32),
        ],
        name="fl_reduce",
        compiler_params=_SC_PARAMS,
    )
    return k3(partials, bias)


def kernel(x, fc_weight, bias):
    psz = FPP * FIELD_SIZE
    p0 = fc_weight[:psz, 0]
    p1 = fc_weight[psz:, 0]
    out = _run(x.astype(jnp.int32), bias.astype(jnp.float32), p0, p1)
    return out.reshape(BATCH, 1)

# --- scband reference (transcript-rebuilt; emitter-appended) ---
"""Pipeline reference for scband-features-linear-71262097375717 (READ-ONLY COPY).

The authoritative reference and input builder live on the scoring server;
editing this copy changes nothing except your own understanding.
"""

import jax, jax.numpy as jnp
import numpy as np

FIELD_DIMS = [40000] * 26
FEATURE_DIMS = int(np.sum(FIELD_DIMS))
OFFSETS = np.concatenate([[0], np.cumsum(FIELD_DIMS)[:-1]]).astype(np.int64)
OUTPUT_DIM = 1
BATCH = 16384


def setup_inputs(seed: int = 0) -> dict:
    key = jax.random.key(seed)
    k1, k2 = jax.random.split(key)
    x = jax.random.randint(k1, (BATCH, len(FIELD_DIMS)), 0, 40000, dtype=jnp.int64)
    # xavier_uniform for embedding weight of shape [FEATURE_DIMS, OUTPUT_DIM]
    fan_in, fan_out = FEATURE_DIMS, OUTPUT_DIM
    limit = float(np.sqrt(6.0 / (fan_in + fan_out)))
    fc_weight = jax.random.uniform(k2, (FEATURE_DIMS, OUTPUT_DIM), minval=-limit, maxval=limit, dtype=jnp.float32)
    bias = jnp.zeros((OUTPUT_DIM,), dtype=jnp.float32)
    return {"x": x, "fc_weight": fc_weight, "bias": bias}


def reference(x, fc_weight, bias):
    offsets = jnp.asarray(OFFSETS, dtype=x.dtype)
    x_off = x + offsets[None, :]
    # embedding lookup: [B, F, OUTPUT_DIM]
    emb = jnp.take(fc_weight, x_off, axis=0)
    out = jnp.sum(emb, axis=1)
    out = out + bias
    return out

if __name__ == "__main__":
    import jax
    _d = setup_inputs()
    print(jax.jit(kernel)(*tuple(_d.values())))

</pallas_src>

<mosaic_0001>
#map = affine_map<(d0, d1) -> (0, 0)>
#map1 = affine_map<(d0, d1) -> (0)>
module attributes {stable_mosaic.version = 14 : i64} {
  func.func @fl_reduce(%arg0: i32, %arg1: i32, %arg2: memref<26x16384xf32, #tpu.memory_space<hbm>>, %arg3: memref<1xf32, #tpu.memory_space<hbm>>, %arg4: memref<16384xf32, #tpu.memory_space<hbm>>, %arg5: memref<26x512xf32, #tpu.memory_space<vmem>>, %arg6: memref<1xf32, #tpu.memory_space<vmem>>, %arg7: memref<512xf32, #tpu.memory_space<vmem>>) attributes {dimension_semantics = [#tpu.dimension_semantics<core_parallel>, #tpu.dimension_semantics<subcore_parallel>], iteration_bounds = array<i64: 2, 16>, scalar_prefetch = 0 : i64, scratch_operands = 3 : i64, tpu.core_type = #tpu.core_type<sc_vector_subcore>, window_params = [{transform_indices = #map}, {transform_indices = #map1}, {transform_indices = #map1}]} {
    %mul3A = arith.constant 2 : i32
    %mul3A_0 = arith.muli %arg1, %mul3A : i32
    %add3A = arith.addi %mul3A_0, %arg0 : i32
    %mul3A_1 = arith.constant 512 : i32
    %mul3A_2 = arith.muli %add3A, %mul3A_1 : i32
    %multiple_of3A = tpu.assume_multiple %mul3A_2, 8 : i32
    "tpu.region"() ({
      %run_scoped3A = tpu.sem_alloc : memref<!tpu.dma_semaphore, #tpu.memory_space<semaphore_mem>>
      %dma_start3A = arith.constant 0 : i32
      %dma_start3A_11 = tpu.memref_slice %arg2[%dma_start3A, %multiple_of3A] : memref<26x16384xf32, #tpu.memory_space<hbm>> -> memref<26x512xf32, #tpu.memory_space<hbm>>
      %dma_start3A_12 = arith.constant 0 : i32
      %dma_start3A_13 = tpu.memref_slice %arg2[%dma_start3A_12, %multiple_of3A] : memref<26x16384xf32, #tpu.memory_space<hbm>> -> memref<26x512xf32, #tpu.memory_space<hbm>>
      tpu.enqueue_dma source(%dma_start3A_13 : memref<26x512xf32, #tpu.memory_space<hbm>>) target(%arg5 : memref<26x512xf32, #tpu.memory_space<vmem>>) target_semaphore(%run_scoped3A : memref<!tpu.dma_semaphore, #tpu.memory_space<semaphore_mem>>)
      %dma_wait3A = arith.constant 0 : i32
      %dma_wait3A_14 = tpu.memref_slice %arg2[%dma_wait3A, %multiple_of3A] : memref<26x16384xf32, #tpu.memory_space<hbm>> -> memref<26x512xf32, #tpu.memory_space<hbm>>
      %dma_wait3A_15 = arith.constant 0 : i32
      %dma_wait3A_16 = tpu.memref_slice %arg2[%dma_wait3A_15, %multiple_of3A] : memref<26x16384xf32, #tpu.memory_space<hbm>> -> memref<26x512xf32, #tpu.memory_space<hbm>>
      tpu.wait_dma2 semaphore(%run_scoped3A : memref<!tpu.dma_semaphore, #tpu.memory_space<semaphore_mem>>) src(%dma_wait3A_16 : memref<26x512xf32, #tpu.memory_space<hbm>>) dst(%arg5 : memref<26x512xf32, #tpu.memory_space<vmem>>)
      tpu.yield
    }) : () -> ()
    "tpu.region"() ({
      %run_scoped3A = tpu.sem_alloc : memref<!tpu.dma_semaphore, #tpu.memory_space<semaphore_mem>>
      tpu.enqueue_dma source(%arg3 : memref<1xf32, #tpu.memory_space<hbm>>) target(%arg6 : memref<1xf32, #tpu.memory_space<vmem>>) target_semaphore(%run_scoped3A : memref<!tpu.dma_semaphore, #tpu.memory_space<semaphore_mem>>)
      tpu.wait_dma2 semaphore(%run_scoped3A : memref<!tpu.dma_semaphore, #tpu.memory_space<semaphore_mem>>) src(%arg3 : memref<1xf32, #tpu.memory_space<hbm>>) dst(%arg6 : memref<1xf32, #tpu.memory_space<vmem>>)
      tpu.yield
    }) : () -> ()
    %iota3A = tpu.iota {dimensions = array<i32: 0>} : vector<16xi32>
    %mul3A_3 = arith.constant 0 : i32
    %mul3A_4 = vector.broadcast %mul3A_3 : i32 to vector<16xi32>
    %mul3A_5 = arith.muli %iota3A, %mul3A_4 : vector<16xi32>
    %gather3A = tpu.vector_load_idx %arg6[%mul3A_5] : memref<1xf32, #tpu.memory_space<vmem>>[vector<16xi32>], vector<16xf32>,
    %scan3A = arith.constant 0 : i32
    %scan3A_6 = arith.constant 0 : i32
    %scan3A_7 = arith.constant 32 : i32
    %scan3A_8 = arith.addi %scan3A_6, %scan3A_7 : i32
    %scan3A_9 = arith.constant 1 : i32
    scf.for %scan3A_11 = %scan3A_6 to %scan3A_8 step %scan3A_9  : i32 {
      %mul3A_12 = arith.constant 16 : i32
      %mul3A_13 = arith.muli %scan3A_11, %mul3A_12 : i32
      %get3A = arith.constant 0 : i32
      %get3A_14 = arith.index_cast %get3A : i32 to index
      %get3A_15 = arith.index_cast %mul3A_13 : i32 to index
      %get3A_16 = tpu.vector_load %arg5[%get3A_14, %get3A_15] {strides = array<i32>} : memref<26x512xf32, #tpu.memory_space<vmem>>, vector<16xf32>,
      %add3A_17 = arith.addf %gather3A, %get3A_16 : vector<16xf32>
      %mul3A_18 = arith.constant 16 : i32
      %mul3A_19 = arith.muli %scan3A_11, %mul3A_18 : i32
      %get3A_20 = arith.constant 1 : i32
      %get3A_21 = arith.index_cast %get3A_20 : i32 to index
      %get3A_22 = arith.index_cast %mul3A_19 : i32 to index
      %get3A_23 = tpu.vector_load %arg5[%get3A_21, %get3A_22] {strides = array<i32>} : memref<26x512xf32, #tpu.memory_space<vmem>>, vector<16xf32>,
      %add3A_24 = arith.addf %add3A_17, %get3A_23 : vector<16xf32>
      %mul3A_25 = arith.constant 16 : i32
      %mul3A_26 = arith.muli %scan3A_11, %mul3A_25 : i32
      %get3A_27 = arith.constant 2 : i32
      %get3A_28 = arith.index_cast %get3A_27 : i32 to index
      %get3A_29 = arith.index_cast %mul3A_26 : i32 to index
      %get3A_30 = tpu.vector_load %arg5[%get3A_28, %get3A_29] {strides = array<i32>} : memref<26x512xf32, #tpu.memory_space<vmem>>, vector<16xf32>,
      %add3A_31 = arith.addf %add3A_24, %get3A_30 : vector<16xf32>
      %mul3A_32 = arith.constant 16 : i32
      %mul3A_33 = arith.muli %scan3A_11, %mul3A_32 : i32
      %get3A_34 = arith.constant 3 : i32
      %get3A_35 = arith.index_cast %get3A_34 : i32 to index
      %get3A_36 = arith.index_cast %mul3A_33 : i32 to index
      %get3A_37 = tpu.vector_load %arg5[%get3A_35, %get3A_36] {strides = array<i32>} : memref<26x512xf32, #tpu.memory_space<vmem>>, vector<16xf32>,
      %add3A_38 = arith.addf %add3A_31, %get3A_37 : vector<16xf32>
      %mul3A_39 = arith.constant 16 : i32
      %mul3A_40 = arith.muli %scan3A_11, %mul3A_39 : i32
      %get3A_41 = arith.constant 4 : i32
      %get3A_42 = arith.index_cast %get3A_41 : i32 to index
      %get3A_43 = arith.index_cast %mul3A_40 : i32 to index
      %get3A_44 = tpu.vector_load %arg5[%get3A_42, %get3A_43] {strides = array<i32>} : memref<26x512xf32, #tpu.memory_space<vmem>>, vector<16xf32>,
      %add3A_45 = arith.addf %add3A_38, %get3A_44 : vector<16xf32>
      %mul3A_46 = arith.constant 16 : i32
      %mul3A_47 = arith.muli %scan3A_11, %mul3A_46 : i32
      %get3A_48 = arith.constant 5 : i32
      %get3A_49 = arith.index_cast %get3A_48 : i32 to index
      %get3A_50 = arith.index_cast %mul3A_47 : i32 to index
      %get3A_51 = tpu.vector_load %arg5[%get3A_49, %get3A_50] {strides = array<i32>} : memref<26x512xf32, #tpu.memory_space<vmem>>, vector<16xf32>,
      %add3A_52 = arith.addf %add3A_45, %get3A_51 : vector<16xf32>
      %mul3A_53 = arith.constant 16 : i32
      %mul3A_54 = arith.muli %scan3A_11, %mul3A_53 : i32
      %get3A_55 = arith.constant 6 : i32
      %get3A_56 = arith.index_cast %get3A_55 : i32 to index
      %get3A_57 = arith.index_cast %mul3A_54 : i32 to index
      %get3A_58 = tpu.vector_load %arg5[%get3A_56, %get3A_57] {strides = array<i32>} : memref<26x512xf32, #tpu.memory_space<vmem>>, vector<16xf32>,
      %add3A_59 = arith.addf %add3A_52, %get3A_58 : vector<16xf32>
      %mul3A_60 = arith.constant 16 : i32
      %mul3A_61 = arith.muli %scan3A_11, %mul3A_60 : i32
      %get3A_62 = arith.constant 7 : i32
      %get3A_63 = arith.index_cast %get3A_62 : i32 to index
      %get3A_64 = arith.index_cast %mul3A_61 : i32 to index
      %get3A_65 = tpu.vector_load %arg5[%get3A_63, %get3A_64] {strides = array<i32>} : memref<26x512xf32, #tpu.memory_space<vmem>>, vector<16xf32>,
      %add3A_66 = arith.addf %add3A_59, %get3A_65 : vector<16xf32>
      %mul3A_67 = arith.constant 16 : i32
      %mul3A_68 = arith.muli %scan3A_11, %mul3A_67 : i32
      %get3A_69 = arith.constant 8 : i32
      %get3A_70 = arith.index_cast %get3A_69 : i32 to index
      %get3A_71 = arith.index_cast %mul3A_68 : i32 to index
      %get3A_72 = tpu.vector_load %arg5[%get3A_70, %get3A_71] {strides = array<i32>} : memref<26x512xf32, #tpu.memory_space<vmem>>, vector<16xf32>,
      %add3A_73 = arith.addf %add3A_66, %get3A_72 : vector<16xf32>
      %mul3A_74 = arith.constant 16 : i32
      %mul3A_75 = arith.muli %scan3A_11, %mul3A_74 : i32
      %get3A_76 = arith.constant 9 : i32
      %get3A_77 = arith.index_cast %get3A_76 : i32 to index
      %get3A_78 = arith.index_cast %mul3A_75 : i32 to index
      %get3A_79 = tpu.vector_load %arg5[%get3A_77, %get3A_78] {strides = array<i32>} : memref<26x512xf32, #tpu.memory_space<vmem>>, vector<16xf32>,
      %add3A_80 = arith.addf %add3A_73, %get3A_79 : vector<16xf32>
      %mul3A_81 = arith.constant 16 : i32
      %mul3A_82 = arith.muli %scan3A_11, %mul3A_81 : i32
      %get3A_83 = arith.constant 10 : i32
      %get3A_84 = arith.index_cast %get3A_83 : i32 to index
      %get3A_85 = arith.index_cast %mul3A_82 : i32 to index
      %get3A_86 = tpu.vector_load %arg5[%get3A_84, %get3A_85] {strides = array<i32>} : memref<26x512xf32, #tpu.memory_space<vmem>>, vector<16xf32>,
      %add3A_87 = arith.addf %add3A_80, %get3A_86 : vector<16xf32>
      %mul3A_88 = arith.constant 16 : i32
      %mul3A_89 = arith.muli %scan3A_11, %mul3A_88 : i32
      %get3A_90 = arith.constant 11 : i32
      %get3A_91 = arith.index_cast %get3A_90 : i32 to index
      %get3A_92 = arith.index_cast %mul3A_89 : i32 to index
      %get3A_93 = tpu.vector_load %arg5[%get3A_91, %get3A_92] {strides = array<i32>} : memref<26x512xf32, #tpu.memory_space<vmem>>, vector<16xf32>,
      %add3A_94 = arith.addf %add3A_87, %get3A_93 : vector<16xf32>
      %mul3A_95 = arith.constant 16 : i32
      %mul3A_96 = arith.muli %scan3A_11, %mul3A_95 : i32
      %get3A_97 = arith.constant 12 : i32
      %get3A_98 = arith.index_cast %get3A_97 : i32 to index
      %get3A_99 = arith.index_cast %mul3A_96 : i32 to index
      %get3A_100 = tpu.vector_load %arg5[%get3A_98, %get3A_99] {strides = array<i32>} : memref<26x512xf32, #tpu.memory_space<vmem>>, vector<16xf32>,
      %add3A_101 = arith.addf %add3A_94, %get3A_100 : vector<16xf32>
      %mul3A_102 = arith.constant 16 : i32
      %mul3A_103 = arith.muli %scan3A_11, %mul3A_102 : i32
      %get3A_104 = arith.constant 13 : i32
      %get3A_105 = arith.index_cast %get3A_104 : i32 to index
      %get3A_106 = arith.index_cast %mul3A_103 : i32 to index
      %get3A_107 = tpu.vector_load %arg5[%get3A_105, %get3A_106] {strides = array<i32>} : memref<26x512xf32, #tpu.memory_space<vmem>>, vector<16xf32>,
      %add3A_108 = arith.addf %add3A_101, %get3A_107 : vector<16xf32>
      %mul3A_109 = arith.constant 16 : i32
      %mul3A_110 = arith.muli %scan3A_11, %mul3A_109 : i32
      %get3A_111 = arith.constant 14 : i32
      %get3A_112 = arith.index_cast %get3A_111 : i32 to index
      %get3A_113 = arith.index_cast %mul3A_110 : i32 to index
      %get3A_114 = tpu.vector_load %arg5[%get3A_112, %get3A_113] {strides = array<i32>} : memref<26x512xf32, #tpu.memory_space<vmem>>, vector<16xf32>,
      %add3A_115 = arith.addf %add3A_108, %get3A_114 : vector<16xf32>
      %mul3A_116 = arith.constant 16 : i32
      %mul3A_117 = arith.muli %scan3A_11, %mul3A_116 : i32
      %get3A_118 = arith.constant 15 : i32
      %get3A_119 = arith.index_cast %get3A_118 : i32 to index
      %get3A_120 = arith.index_cast %mul3A_117 : i32 to index
      %get3A_121 = tpu.vector_load %arg5[%get3A_119, %get3A_120] {strides = array<i32>} : memref<26x512xf32, #tpu.memory_space<vmem>>, vector<16xf32>,
      %add3A_122 = arith.addf %add3A_115, %get3A_121 : vector<16xf32>
      %mul3A_123 = arith.constant 16 : i32
      %mul3A_124 = arith.muli %scan3A_11, %mul3A_123 : i32
      %get3A_125 = arith.constant 16 : i32
      %get3A_126 = arith.index_cast %get3A_125 : i32 to index
      %get3A_127 = arith.index_cast %mul3A_124 : i32 to index
      %get3A_128 = tpu.vector_load %arg5[%get3A_126, %get3A_127] {strides = array<i32>} : memref<26x512xf32, #tpu.memory_space<vmem>>, vector<16xf32>,
      %add3A_129 = arith.addf %add3A_122, %get3A_128 : vector<16xf32>
      %mul3A_130 = arith.constant 16 : i32
      %mul3A_131 = arith.muli %scan3A_11, %mul3A_130 : i32
      %get3A_132 = arith.constant 17 : i32
      %get3A_133 = arith.index_cast %get3A_132 : i32 to index
      %get3A_134 = arith.index_cast %mul3A_131 : i32 to index
      %get3A_135 = tpu.vector_load %arg5[%get3A_133, %get3A_134] {strides = array<i32>} : memref<26x512xf32, #tpu.memory_space<vmem>>, vector<16xf32>,
      %add3A_136 = arith.addf %add3A_129, %get3A_135 : vector<16xf32>
      %mul3A_137 = arith.constant 16 : i32
      %mul3A_138 = arith.muli %scan3A_11, %mul3A_137 : i32
      %get3A_139 = arith.constant 18 : i32
      %get3A_140 = arith.index_cast %get3A_139 : i32 to index
      %get3A_141 = arith.index_cast %mul3A_138 : i32 to index
      %get3A_142 = tpu.vector_load %arg5[%get3A_140, %get3A_141] {strides = array<i32>} : memref<26x512xf32, #tpu.memory_space<vmem>>, vector<16xf32>,
      %add3A_143 = arith.addf %add3A_136, %get3A_142 : vector<16xf32>
      %mul3A_144 = arith.constant 16 : i32
      %mul3A_145 = arith.muli %scan3A_11, %mul3A_144 : i32
      %get3A_146 = arith.constant 19 : i32
      %get3A_147 = arith.index_cast %get3A_146 : i32 to index
      %get3A_148 = arith.index_cast %mul3A_145 : i32 to index
      %get3A_149 = tpu.vector_load %arg5[%get3A_147, %get3A_148] {strides = array<i32>} : memref<26x512xf32, #tpu.memory_space<vmem>>, vector<16xf32>,
      %add3A_150 = arith.addf %add3A_143, %get3A_149 : vector<16xf32>
      %mul3A_151 = arith.constant 16 : i32
      %mul3A_152 = arith.muli %scan3A_11, %mul3A_151 : i32
      %get3A_153 = arith.constant 20 : i32
      %get3A_154 = arith.index_cast %get3A_153 : i32 to index
      %get3A_155 = arith.index_cast %mul3A_152 : i32 to index
      %get3A_156 = tpu.vector_load %arg5[%get3A_154, %get3A_155] {strides = array<i32>} : memref<26x512xf32, #tpu.memory_space<vmem>>, vector<16xf32>,
      %add3A_157 = arith.addf %add3A_150, %get3A_156 : vector<16xf32>
      %mul3A_158 = arith.constant 16 : i32
      %mul3A_159 = arith.muli %scan3A_11, %mul3A_158 : i32
      %get3A_160 = arith.constant 21 : i32
      %get3A_161 = arith.index_cast %get3A_160 : i32 to index
      %get3A_162 = arith.index_cast %mul3A_159 : i32 to index
      %get3A_163 = tpu.vector_load %arg5[%get3A_161, %get3A_162] {strides = array<i32>} : memref<26x512xf32, #tpu.memory_space<vmem>>, vector<16xf32>,
      %add3A_164 = arith.addf %add3A_157, %get3A_163 : vector<16xf32>
      %mul3A_165 = arith.constant 16 : i32
      %mul3A_166 = arith.muli %scan3A_11, %mul3A_165 : i32
      %get3A_167 = arith.constant 22 : i32
      %get3A_168 = arith.index_cast %get3A_167 : i32 to index
      %get3A_169 = arith.index_cast %mul3A_166 : i32 to index
      %get3A_170 = tpu.vector_load %arg5[%get3A_168, %get3A_169] {strides = array<i32>} : memref<26x512xf32, #tpu.memory_space<vmem>>, vector<16xf32>,
      %add3A_171 = arith.addf %add3A_164, %get3A_170 : vector<16xf32>
      %mul3A_172 = arith.constant 16 : i32
      %mul3A_173 = arith.muli %scan3A_11, %mul3A_172 : i32
      %get3A_174 = arith.constant 23 : i32
      %get3A_175 = arith.index_cast %get3A_174 : i32 to index
      %get3A_176 = arith.index_cast %mul3A_173 : i32 to index
      %get3A_177 = tpu.vector_load %arg5[%get3A_175, %get3A_176] {strides = array<i32>} : memref<26x512xf32, #tpu.memory_space<vmem>>, vector<16xf32>,
      %add3A_178 = arith.addf %add3A_171, %get3A_177 : vector<16xf32>
      %mul3A_179 = arith.constant 16 : i32
      %mul3A_180 = arith.muli %scan3A_11, %mul3A_179 : i32
      %get3A_181 = arith.constant 24 : i32
      %get3A_182 = arith.index_cast %get3A_181 : i32 to index
      %get3A_183 = arith.index_cast %mul3A_180 : i32 to index
      %get3A_184 = tpu.vector_load %arg5[%get3A_182, %get3A_183] {strides = array<i32>} : memref<26x512xf32, #tpu.memory_space<vmem>>, vector<16xf32>,
      %add3A_185 = arith.addf %add3A_178, %get3A_184 : vector<16xf32>
      %mul3A_186 = arith.constant 16 : i32
      %mul3A_187 = arith.muli %scan3A_11, %mul3A_186 : i32
      %get3A_188 = arith.constant 25 : i32
      %get3A_189 = arith.index_cast %get3A_188 : i32 to index
      %get3A_190 = arith.index_cast %mul3A_187 : i32 to index
      %get3A_191 = tpu.vector_load %arg5[%get3A_189, %get3A_190] {strides = array<i32>} : memref<26x512xf32, #tpu.memory_space<vmem>>, vector<16xf32>,
      %add3A_192 = arith.addf %add3A_185, %get3A_191 : vector<16xf32>
      %mul3A_193 = arith.constant 16 : i32
      %mul3A_194 = arith.muli %scan3A_11, %mul3A_193 : i32
      %swap3A = arith.index_cast %mul3A_194 : i32 to index
      %swap3A_195 = tpu.vector_load %arg7[%swap3A] {strides = array<i32>} : memref<512xf32, #tpu.memory_space<vmem>>, vector<16xf32>,
      tpu.vector_store %arg7[%swap3A], %add3A_192 {strides = array<i32>} : memref<512xf32, #tpu.memory_space<vmem>>, vector<16xf32>,
    }
    %scan3A_10 = arith.constant 32 : i32
    "tpu.region"() ({
      %run_scoped3A = tpu.sem_alloc : memref<!tpu.dma_semaphore, #tpu.memory_space<semaphore_mem>>
      %dma_start3A = tpu.memref_slice %arg4[%multiple_of3A] : memref<16384xf32, #tpu.memory_space<hbm>> -> memref<512xf32, #tpu.memory_space<hbm>>
      %dma_start3A_11 = tpu.memref_slice %arg4[%multiple_of3A] : memref<16384xf32, #tpu.memory_space<hbm>> -> memref<512xf32, #tpu.memory_space<hbm>>
      tpu.enqueue_dma source(%arg7 : memref<512xf32, #tpu.memory_space<vmem>>) target(%dma_start3A_11 : memref<512xf32, #tpu.memory_space<hbm>>) target_semaphore(%run_scoped3A : memref<!tpu.dma_semaphore, #tpu.memory_space<semaphore_mem>>)
      %dma_wait3A = tpu.memref_slice %arg4[%multiple_of3A] : memref<16384xf32, #tpu.memory_space<hbm>> -> memref<512xf32, #tpu.memory_space<hbm>>
      %dma_wait3A_12 = tpu.memref_slice %arg4[%multiple_of3A] : memref<16384xf32, #tpu.memory_space<hbm>> -> memref<512xf32, #tpu.memory_space<hbm>>
      tpu.wait_dma2 semaphore(%run_scoped3A : memref<!tpu.dma_semaphore, #tpu.memory_space<semaphore_mem>>) src(%arg7 : memref<512xf32, #tpu.memory_space<vmem>>) dst(%dma_wait3A_12 : memref<512xf32, #tpu.memory_space<hbm>>)
      tpu.yield
    }) : () -> ()
    return
  }
}

#map = affine_map<(d0, d1) -> (0, 0)>
module attributes {stable_mosaic.version = 14 : i64} {
  func.func @fl_transpose(%arg0: i32, %arg1: i32, %arg2: memref<16384x26xi32, #tpu.memory_space<hbm>>, %arg3: memref<26x16384xi32, #tpu.memory_space<hbm>>, %arg4: memref<512x26xi32, #tpu.memory_space<vmem>>, %arg5: memref<26x512xi32, #tpu.memory_space<vmem>>) attributes {dimension_semantics = [#tpu.dimension_semantics<core_parallel>, #tpu.dimension_semantics<subcore_parallel>], iteration_bounds = array<i64: 2, 16>, scalar_prefetch = 0 : i64, scratch_operands = 2 : i64, tpu.core_type = #tpu.core_type<sc_vector_subcore>, window_params = [{transform_indices = #map}, {transform_indices = #map}]} {
    %mul3A = arith.constant 2 : i32
    %mul3A_0 = arith.muli %arg1, %mul3A : i32
    %add3A = arith.addi %mul3A_0, %arg0 : i32
    %mul3A_1 = arith.constant 512 : i32
    %mul3A_2 = arith.muli %add3A, %mul3A_1 : i32
    %multiple_of3A = tpu.assume_multiple %mul3A_2, 8 : i32
    "tpu.region"() ({
      %run_scoped3A = tpu.sem_alloc : memref<!tpu.dma_semaphore, #tpu.memory_space<semaphore_mem>>
      %dma_start3A = arith.constant 0 : i32
      %dma_start3A_8 = tpu.memref_slice %arg2[%multiple_of3A, %dma_start3A] : memref<16384x26xi32, #tpu.memory_space<hbm>> -> memref<512x26xi32, #tpu.memory_space<hbm>>
      %dma_start3A_9 = arith.constant 0 : i32
      %dma_start3A_10 = tpu.memref_slice %arg2[%multiple_of3A, %dma_start3A_9] : memref<16384x26xi32, #tpu.memory_space<hbm>> -> memref<512x26xi32, #tpu.memory_space<hbm>>
      tpu.enqueue_dma source(%dma_start3A_10 : memref<512x26xi32, #tpu.memory_space<hbm>>) target(%arg4 : memref<512x26xi32, #tpu.memory_space<vmem>>) target_semaphore(%run_scoped3A : memref<!tpu.dma_semaphore, #tpu.memory_space<semaphore_mem>>)
      %dma_wait3A = arith.constant 0 : i32
      %dma_wait3A_11 = tpu.memref_slice %arg2[%multiple_of3A, %dma_wait3A] : memref<16384x26xi32, #tpu.memory_space<hbm>> -> memref<512x26xi32, #tpu.memory_space<hbm>>
      %dma_wait3A_12 = arith.constant 0 : i32
      %dma_wait3A_13 = tpu.memref_slice %arg2[%multiple_of3A, %dma_wait3A_12] : memref<16384x26xi32, #tpu.memory_space<hbm>> -> memref<512x26xi32, #tpu.memory_space<hbm>>
      tpu.wait_dma2 semaphore(%run_scoped3A : memref<!tpu.dma_semaphore, #tpu.memory_space<semaphore_mem>>) src(%dma_wait3A_13 : memref<512x26xi32, #tpu.memory_space<hbm>>) dst(%arg4 : memref<512x26xi32, #tpu.memory_space<vmem>>)
      tpu.yield
    }) : () -> ()
    %iota3A = tpu.iota {dimensions = array<i32: 0>} : vector<16xi32>
    %scan3A = arith.constant 0 : i32
    %scan3A_3 = arith.constant 0 : i32
    %scan3A_4 = arith.constant 32 : i32
    %scan3A_5 = arith.addi %scan3A_3, %scan3A_4 : i32
    %scan3A_6 = arith.constant 1 : i32
    scf.for %scan3A_8 = %scan3A_3 to %scan3A_5 step %scan3A_6  : i32 {
      %mul3A_9 = arith.constant 16 : i32
      %mul3A_10 = arith.muli %scan3A_8, %mul3A_9 : i32
      %add3A_11 = vector.broadcast %mul3A_10 : i32 to vector<16xi32>
      %add3A_12 = arith.addi %iota3A, %add3A_11 : vector<16xi32>
      %mul3A_13 = arith.constant 0 : i32
      %mul3A_14 = vector.broadcast %mul3A_13 : i32 to vector<16xi32>
      %mul3A_15 = arith.muli %iota3A, %mul3A_14 : vector<16xi32>
      %add3A_16 = arith.constant 0 : i32
      %add3A_17 = vector.broadcast %add3A_16 : i32 to vector<16xi32>
      %add3A_18 = arith.addi %mul3A_15, %add3A_17 : vector<16xi32>
      %gather3A = tpu.vector_load_idx %arg4[%add3A_12, %add3A_18] : memref<512x26xi32, #tpu.memory_space<vmem>>[vector<16xi32>, vector<16xi32>], vector<16xi32>,
      %mul3A_19 = arith.constant 16 : i32
      %mul3A_20 = arith.muli %scan3A_8, %mul3A_19 : i32
      %swap3A = arith.constant 0 : i32
      %swap3A_21 = arith.index_cast %swap3A : i32 to index
      %swap3A_22 = arith.index_cast %mul3A_20 : i32 to index
      %swap3A_23 = tpu.vector_load %arg5[%swap3A_21, %swap3A_22] {strides = array<i32>} : memref<26x512xi32, #tpu.memory_space<vmem>>, vector<16xi32>,
      tpu.vector_store %arg5[%swap3A_21, %swap3A_22], %gather3A {strides = array<i32>} : memref<26x512xi32, #tpu.memory_space<vmem>>, vector<16xi32>,
      %mul3A_24 = arith.constant 0 : i32
      %mul3A_25 = vector.broadcast %mul3A_24 : i32 to vector<16xi32>
      %mul3A_26 = arith.muli %iota3A, %mul3A_25 : vector<16xi32>
      %add3A_27 = arith.constant 1 : i32
      %add3A_28 = vector.broadcast %add3A_27 : i32 to vector<16xi32>
      %add3A_29 = arith.addi %mul3A_26, %add3A_28 : vector<16xi32>
      %gather3A_30 = tpu.vector_load_idx %arg4[%add3A_12, %add3A_29] : memref<512x26xi32, #tpu.memory_space<vmem>>[vector<16xi32>, vector<16xi32>], vector<16xi32>,
      %mul3A_31 = arith.constant 16 : i32
      %mul3A_32 = arith.muli %scan3A_8, %mul3A_31 : i32
      %swap3A_33 = arith.constant 1 : i32
      %swap3A_34 = arith.index_cast %swap3A_33 : i32 to index
      %swap3A_35 = arith.index_cast %mul3A_32 : i32 to index
      %swap3A_36 = tpu.vector_load %arg5[%swap3A_34, %swap3A_35] {strides = array<i32>} : memref<26x512xi32, #tpu.memory_space<vmem>>, vector<16xi32>,
      tpu.vector_store %arg5[%swap3A_34, %swap3A_35], %gather3A_30 {strides = array<i32>} : memref<26x512xi32, #tpu.memory_space<vmem>>, vector<16xi32>,
      %mul3A_37 = arith.constant 0 : i32
      %mul3A_38 = vector.broadcast %mul3A_37 : i32 to vector<16xi32>
      %mul3A_39 = arith.muli %iota3A, %mul3A_38 : vector<16xi32>
      %add3A_40 = arith.constant 2 : i32
      %add3A_41 = vector.broadcast %add3A_40 : i32 to vector<16xi32>
      %add3A_42 = arith.addi %mul3A_39, %add3A_41 : vector<16xi32>
      %gather3A_43 = tpu.vector_load_idx %arg4[%add3A_12, %add3A_42] : memref<512x26xi32, #tpu.memory_space<vmem>>[vector<16xi32>, vector<16xi32>], vector<16xi32>,
      %mul3A_44 = arith.constant 16 : i32
      %mul3A_45 = arith.muli %scan3A_8, %mul3A_44 : i32
      %swap3A_46 = arith.constant 2 : i32
      %swap3A_47 = arith.index_cast %swap3A_46 : i32 to index
      %swap3A_48 = arith.index_cast %mul3A_45 : i32 to index
      %swap3A_49 = tpu.vector_load %arg5[%swap3A_47, %swap3A_48] {strides = array<i32>} : memref<26x512xi32, #tpu.memory_space<vmem>>, vector<16xi32>,
      tpu.vector_store %arg5[%swap3A_47, %swap3A_48], %gather3A_43 {strides = array<i32>} : memref<26x512xi32, #tpu.memory_space<vmem>>, vector<16xi32>,
      %mul3A_50 = arith.constant 0 : i32
      %mul3A_51 = vector.broadcast %mul3A_50 : i32 to vector<16xi32>
      %mul3A_52 = arith.muli %iota3A, %mul3A_51 : vector<16xi32>
      %add3A_53 = arith.constant 3 : i32
      %add3A_54 = vector.broadcast %add3A_53 : i32 to vector<16xi32>
      %add3A_55 = arith.addi %mul3A_52, %add3A_54 : vector<16xi32>
      %gather3A_56 = tpu.vector_load_idx %arg4[%add3A_12, %add3A_55] : memref<512x26xi32, #tpu.memory_space<vmem>>[vector<16xi32>, vector<16xi32>], vector<16xi32>,
      %mul3A_57 = arith.constant 16 : i32
      %mul3A_58 = arith.muli %scan3A_8, %mul3A_57 : i32
      %swap3A_59 = arith.constant 3 : i32
      %swap3A_60 = arith.index_cast %swap3A_59 : i32 to index
      %swap3A_61 = arith.index_cast %mul3A_58 : i32 to index
      %swap3A_62 = tpu.vector_load %arg5[%swap3A_60, %swap3A_61] {strides = array<i32>} : memref<26x512xi32, #tpu.memory_space<vmem>>, vector<16xi32>,
      tpu.vector_store %arg5[%swap3A_60, %swap3A_61], %gather3A_56 {strides = array<i32>} : memref<26x512xi32, #tpu.memory_space<vmem>>, vector<16xi32>,
      %mul3A_63 = arith.constant 0 : i32
      %mul3A_64 = vector.broadcast %mul3A_63 : i32 to vector<16xi32>
      %mul3A_65 = arith.muli %iota3A, %mul3A_64 : vector<16xi32>
      %add3A_66 = arith.constant 4 : i32
      %add3A_67 = vector.broadcast %add3A_66 : i32 to vector<16xi32>
      %add3A_68 = arith.addi %mul3A_65, %add3A_67 : vector<16xi32>
      %gather3A_69 = tpu.vector_load_idx %arg4[%add3A_12, %add3A_68] : memref<512x26xi32, #tpu.memory_space<vmem>>[vector<16xi32>, vector<16xi32>], vector<16xi32>,
      %mul3A_70 = arith.constant 16 : i32
      %mul3A_71 = arith.muli %scan3A_8, %mul3A_70 : i32
      %swap3A_72 = arith.constant 4 : i32
      %swap3A_73 = arith.index_cast %swap3A_72 : i32 to index
      %swap3A_74 = arith.index_cast %mul3A_71 : i32 to index
      %swap3A_75 = tpu.vector_load %arg5[%swap3A_73, %swap3A_74] {strides = array<i32>} : memref<26x512xi32, #tpu.memory_space<vmem>>, vector<16xi32>,
      tpu.vector_store %arg5[%swap3A_73, %swap3A_74], %gather3A_69 {strides = array<i32>} : memref<26x512xi32, #tpu.memory_space<vmem>>, vector<16xi32>,
      %mul3A_76 = arith.constant 0 : i32
      %mul3A_77 = vector.broadcast %mul3A_76 : i32 to vector<16xi32>
      %mul3A_78 = arith.muli %iota3A, %mul3A_77 : vector<16xi32>
      %add3A_79 = arith.constant 5 : i32
      %add3A_80 = vector.broadcast %add3A_79 : i32 to vector<16xi32>
      %add3A_81 = arith.addi %mul3A_78, %add3A_80 : vector<16xi32>
      %gather3A_82 = tpu.vector_load_idx %arg4[%add3A_12, %add3A_81] : memref<512x26xi32, #tpu.memory_space<vmem>>[vector<16xi32>, vector<16xi32>], vector<16xi32>,
      %mul3A_83 = arith.constant 16 : i32
      %mul3A_84 = arith.muli %scan3A_8, %mul3A_83 : i32
      %swap3A_85 = arith.constant 5 : i32
      %swap3A_86 = arith.index_cast %swap3A_85 : i32 to index
      %swap3A_87 = arith.index_cast %mul3A_84 : i32 to index
      %swap3A_88 = tpu.vector_load %arg5[%swap3A_86, %swap3A_87] {strides = array<i32>} : memref<26x512xi32, #tpu.memory_space<vmem>>, vector<16xi32>,
      tpu.vector_store %arg5[%swap3A_86, %swap3A_87], %gather3A_82 {strides = array<i32>} : memref<26x512xi32, #tpu.memory_space<vmem>>, vector<16xi32>,
      %mul3A_89 = arith.constant 0 : i32
      %mul3A_90 = vector.broadcast %mul3A_89 : i32 to vector<16xi32>
      %mul3A_91 = arith.muli %iota3A, %mul3A_90 : vector<16xi32>
      %add3A_92 = arith.constant 6 : i32
      %add3A_93 = vector.broadcast %add3A_92 : i32 to vector<16xi32>
      %add3A_94 = arith.addi %mul3A_91, %add3A_93 : vector<16xi32>
      %gather3A_95 = tpu.vector_load_idx %arg4[%add3A_12, %add3A_94] : memref<512x26xi32, #tpu.memory_space<vmem>>[vector<16xi32>, vector<16xi32>], vector<16xi32>,
      %mul3A_96 = arith.constant 16 : i32
      %mul3A_97 = arith.muli %scan3A_8, %mul3A_96 : i32
      %swap3A_98 = arith.constant 6 : i32
      %swap3A_99 = arith.index_cast %swap3A_98 : i32 to index
      %swap3A_100 = arith.index_cast %mul3A_97 : i32 to index
      %swap3A_101 = tpu.vector_load %arg5[%swap3A_99, %swap3A_100] {strides = array<i32>} : memref<26x512xi32, #tpu.memory_space<vmem>>, vector<16xi32>,
      tpu.vector_store %arg5[%swap3A_99, %swap3A_100], %gather3A_95 {strides = array<i32>} : memref<26x512xi32, #tpu.memory_space<vmem>>, vector<16xi32>,
      %mul3A_102 = arith.constant 0 : i32
      %mul3A_103 = vector.broadcast %mul3A_102 : i32 to vector<16xi32>
      %mul3A_104 = arith.muli %iota3A, %mul3A_103 : vector<16xi32>
      %add3A_105 = arith.constant 7 : i32
      %add3A_106 = vector.broadcast %add3A_105 : i32 to vector<16xi32>
      %add3A_107 = arith.addi %mul3A_104, %add3A_106 : vector<16xi32>
      %gather3A_108 = tpu.vector_load_idx %arg4[%add3A_12, %add3A_107] : memref<512x26xi32, #tpu.memory_space<vmem>>[vector<16xi32>, vector<16xi32>], vector<16xi32>,
      %mul3A_109 = arith.constant 16 : i32
      %mul3A_110 = arith.muli %scan3A_8, %mul3A_109 : i32
      %swap3A_111 = arith.constant 7 : i32
      %swap3A_112 = arith.index_cast %swap3A_111 : i32 to index
      %swap3A_113 = arith.index_cast %mul3A_110 : i32 to index
      %swap3A_114 = tpu.vector_load %arg5[%swap3A_112, %swap3A_113] {strides = array<i32>} : memref<26x512xi32, #tpu.memory_space<vmem>>, vector<16xi32>,
      tpu.vector_store %arg5[%swap3A_112, %swap3A_113], %gather3A_108 {strides = array<i32>} : memref<26x512xi32, #tpu.memory_space<vmem>>, vector<16xi32>,
      %mul3A_115 = arith.constant 0 : i32
      %mul3A_116 = vector.broadcast %mul3A_115 : i32 to vector<16xi32>
      %mul3A_117 = arith.muli %iota3A, %mul3A_116 : vector<16xi32>
      %add3A_118 = arith.constant 8 : i32
      %add3A_119 = vector.broadcast %add3A_118 : i32 to vector<16xi32>
      %add3A_120 = arith.addi %mul3A_117, %add3A_119 : vector<16xi32>
      %gather3A_121 = tpu.vector_load_idx %arg4[%add3A_12, %add3A_120] : memref<512x26xi32, #tpu.memory_space<vmem>>[vector<16xi32>, vector<16xi32>], vector<16xi32>,
      %mul3A_122 = arith.constant 16 : i32
      %mul3A_123 = arith.muli %scan3A_8, %mul3A_122 : i32
      %swap3A_124 = arith.constant 8 : i32
      %swap3A_125 = arith.index_cast %swap3A_124 : i32 to index
      %swap3A_126 = arith.index_cast %mul3A_123 : i32 to index
      %swap3A_127 = tpu.vector_load %arg5[%swap3A_125, %swap3A_126] {strides = array<i32>} : memref<26x512xi32, #tpu.memory_space<vmem>>, vector<16xi32>,
      tpu.vector_store %arg5[%swap3A_125, %swap3A_126], %gather3A_121 {strides = array<i32>} : memref<26x512xi32, #tpu.memory_space<vmem>>, vector<16xi32>,
      %mul3A_128 = arith.constant 0 : i32
      %mul3A_129 = vector.broadcast %mul3A_128 : i32 to vector<16xi32>
      %mul3A_130 = arith.muli %iota3A, %mul3A_129 : vector<16xi32>
      %add3A_131 = arith.constant 9 : i32
      %add3A_132 = vector.broadcast %add3A_131 : i32 to vector<16xi32>
      %add3A_133 = arith.addi %mul3A_130, %add3A_132 : vector<16xi32>
      %gather3A_134 = tpu.vector_load_idx %arg4[%add3A_12, %add3A_133] : memref<512x26xi32, #tpu.memory_space<vmem>>[vector<16xi32>, vector<16xi32>], vector<16xi32>,
      %mul3A_135 = arith.constant 16 : i32
      %mul3A_136 = arith.muli %scan3A_8, %mul3A_135 : i32
      %swap3A_137 = arith.constant 9 : i32
      %swap3A_138 = arith.index_cast %swap3A_137 : i32 to index
      %swap3A_139 = arith.index_cast %mul3A_136 : i32 to index
      %swap3A_140 = tpu.vector_load %arg5[%swap3A_138, %swap3A_139] {strides = array<i32>} : memref<26x512xi32, #tpu.memory_space<vmem>>, vector<16xi32>,
      tpu.vector_store %arg5[%swap3A_138, %swap3A_139], %gather3A_134 {strides = array<i32>} : memref<26x512xi32, #tpu.memory_space<vmem>>, vector<16xi32>,
      %mul3A_141 = arith.constant 0 : i32
      %mul3A_142 = vector.broadcast %mul3A_141 : i32 to vector<16xi32>
      %mul3A_143 = arith.muli %iota3A, %mul3A_142 : vector<16xi32>
      %add3A_144 = arith.constant 10 : i32
      %add3A_145 = vector.broadcast %add3A_144 : i32 to vector<16xi32>
      %add3A_146 = arith.addi %mul3A_143, %add3A_145 : vector<16xi32>
      %gather3A_147 = tpu.vector_load_idx %arg4[%add3A_12, %add3A_146] : memref<512x26xi32, #tpu.memory_space<vmem>>[vector<16xi32>, vector<16xi32>], vector<16xi32>,
      %mul3A_148 = arith.constant 16 : i32
      %mul3A_149 = arith.muli %scan3A_8, %mul3A_148 : i32
      %swap3A_150 = arith.constant 10 : i32
      %swap3A_151 = arith.index_cast %swap3A_150 : i32 to index
      %swap3A_152 = arith.index_cast %mul3A_149 : i32 to index
      %swap3A_153 = tpu.vector_load %arg5[%swap3A_151, %swap3A_152] {strides = array<i32>} : memref<26x512xi32, #tpu.memory_space<vmem>>, vector<16xi32>,
      tpu.vector_store %arg5[%swap3A_151, %swap3A_152], %gather3A_147 {strides = array<i32>} : memref<26x512xi32, #tpu.memory_space<vmem>>, vector<16xi32>,
      %mul3A_154 = arith.constant 0 : i32
      %mul3A_155 = vector.broadcast %mul3A_154 : i32 to vector<16xi32>
      %mul3A_156 = arith.muli %iota3A, %mul3A_155 : vector<16xi32>
      %add3A_157 = arith.constant 11 : i32
      %add3A_158 = vector.broadcast %add3A_157 : i32 to vector<16xi32>
      %add3A_159 = arith.addi %mul3A_156, %add3A_158 : vector<16xi32>
      %gather3A_160 = tpu.vector_load_idx %arg4[%add3A_12, %add3A_159] : memref<512x26xi32, #tpu.memory_space<vmem>>[vector<16xi32>, vector<16xi32>], vector<16xi32>,
      %mul3A_161 = arith.constant 16 : i32
      %mul3A_162 = arith.muli %scan3A_8, %mul3A_161 : i32
      %swap3A_163 = arith.constant 11 : i32
      %swap3A_164 = arith.index_cast %swap3A_163 : i32 to index
      %swap3A_165 = arith.index_cast %mul3A_162 : i32 to index
      %swap3A_166 = tpu.vector_load %arg5[%swap3A_164, %swap3A_165] {strides = array<i32>} : memref<26x512xi32, #tpu.memory_space<vmem>>, vector<16xi32>,
      tpu.vector_store %arg5[%swap3A_164, %swap3A_165], %gather3A_160 {strides = array<i32>} : memref<26x512xi32, #tpu.memory_space<vmem>>, vector<16xi32>,
      %mul3A_167 = arith.constant 0 : i32
      %mul3A_168 = vector.broadcast %mul3A_167 : i32 to vector<16xi32>
      %mul3A_169 = arith.muli %iota3A, %mul3A_168 : vector<16xi32>
      %add3A_170 = arith.constant 12 : i32
      %add3A_171 = vector.broadcast %add3A_170 : i32 to vector<16xi32>
      %add3A_172 = arith.addi %mul3A_169, %add3A_171 : vector<16xi32>
      %gather3A_173 = tpu.vector_load_idx %arg4[%add3A_12, %add3A_172] : memref<512x26xi32, #tpu.memory_space<vmem>>[vector<16xi32>, vector<16xi32>], vector<16xi32>,
      %mul3A_174 = arith.constant 16 : i32
      %mul3A_175 = arith.muli %scan3A_8, %mul3A_174 : i32
      %swap3A_176 = arith.constant 12 : i32
      %swap3A_177 = arith.index_cast %swap3A_176 : i32 to index
      %swap3A_178 = arith.index_cast %mul3A_175 : i32 to index
      %swap3A_179 = tpu.vector_load %arg5[%swap3A_177, %swap3A_178] {strides = array<i32>} : memref<26x512xi32, #tpu.memory_space<vmem>>, vector<16xi32>,
      tpu.vector_store %arg5[%swap3A_177, %swap3A_178], %gather3A_173 {strides = array<i32>} : memref<26x512xi32, #tpu.memory_space<vmem>>, vector<16xi32>,
      %mul3A_180 = arith.constant 0 : i32
      %mul3A_181 = vector.broadcast %mul3A_180 : i32 to vector<16xi32>
      %mul3A_182 = arith.muli %iota3A, %mul3A_181 : vector<16xi32>
      %add3A_183 = arith.constant 13 : i32
      %add3A_184 = vector.broadcast %add3A_183 : i32 to vector<16xi32>
      %add3A_185 = arith.addi %mul3A_182, %add3A_184 : vector<16xi32>
      %gather3A_186 = tpu.vector_load_idx %arg4[%add3A_12, %add3A_185] : memref<512x26xi32, #tpu.memory_space<vmem>>[vector<16xi32>, vector<16xi32>], vector<16xi32>,
      %mul3A_187 = arith.constant 16 : i32
      %mul3A_188 = arith.muli %scan3A_8, %mul3A_187 : i32
      %swap3A_189 = arith.constant 13 : i32
      %swap3A_190 = arith.index_cast %swap3A_189 : i32 to index
      %swap3A_191 = arith.index_cast %mul3A_188 : i32 to index
      %swap3A_192 = tpu.vector_load %arg5[%swap3A_190, %swap3A_191] {strides = array<i32>} : memref<26x512xi32, #tpu.memory_space<vmem>>, vector<16xi32>,
      tpu.vector_store %arg5[%swap3A_190, %swap3A_191], %gather3A_186 {strides = array<i32>} : memref<26x512xi32, #tpu.memory_space<vmem>>, vector<16xi32>,
      %mul3A_193 = arith.constant 0 : i32
      %mul3A_194 = vector.broadcast %mul3A_193 : i32 to vector<16xi32>
      %mul3A_195 = arith.muli %iota3A, %mul3A_194 : vector<16xi32>
      %add3A_196 = arith.constant 14 : i32
      %add3A_197 = vector.broadcast %add3A_196 : i32 to vector<16xi32>
      %add3A_198 = arith.addi %mul3A_195, %add3A_197 : vector<16xi32>
      %gather3A_199 = tpu.vector_load_idx %arg4[%add3A_12, %add3A_198] : memref<512x26xi32, #tpu.memory_space<vmem>>[vector<16xi32>, vector<16xi32>], vector<16xi32>,
      %mul3A_200 = arith.constant 16 : i32
      %mul3A_201 = arith.muli %scan3A_8, %mul3A_200 : i32
      %swap3A_202 = arith.constant 14 : i32
      %swap3A_203 = arith.index_cast %swap3A_202 : i32 to index
      %swap3A_204 = arith.index_cast %mul3A_201 : i32 to index
      %swap3A_205 = tpu.vector_load %arg5[%swap3A_203, %swap3A_204] {strides = array<i32>} : memref<26x512xi32, #tpu.memory_space<vmem>>, vector<16xi32>,
      tpu.vector_store %arg5[%swap3A_203, %swap3A_204], %gather3A_199 {strides = array<i32>} : memref<26x512xi32, #tpu.memory_space<vmem>>, vector<16xi32>,
      %mul3A_206 = arith.constant 0 : i32
      %mul3A_207 = vector.broadcast %mul3A_206 : i32 to vector<16xi32>
      %mul3A_208 = arith.muli %iota3A, %mul3A_207 : vector<16xi32>
      %add3A_209 = arith.constant 15 : i32
      %add3A_210 = vector.broadcast %add3A_209 : i32 to vector<16xi32>
      %add3A_211 = arith.addi %mul3A_208, %add3A_210 : vector<16xi32>
      %gather3A_212 = tpu.vector_load_idx %arg4[%add3A_12, %add3A_211] : memref<512x26xi32, #tpu.memory_space<vmem>>[vector<16xi32>, vector<16xi32>], vector<16xi32>,
      %mul3A_213 = arith.constant 16 : i32
      %mul3A_214 = arith.muli %scan3A_8, %mul3A_213 : i32
      %swap3A_215 = arith.constant 15 : i32
      %swap3A_216 = arith.index_cast %swap3A_215 : i32 to index
      %swap3A_217 = arith.index_cast %mul3A_214 : i32 to index
      %swap3A_218 = tpu.vector_load %arg5[%swap3A_216, %swap3A_217] {strides = array<i32>} : memref<26x512xi32, #tpu.memory_space<vmem>>, vector<16xi32>,
      tpu.vector_store %arg5[%swap3A_216, %swap3A_217], %gather3A_212 {strides = array<i32>} : memref<26x512xi32, #tpu.memory_space<vmem>>, vector<16xi32>,
      %mul3A_219 = arith.constant 0 : i32
      %mul3A_220 = vector.broadcast %mul3A_219 : i32 to vector<16xi32>
      %mul3A_221 = arith.muli %iota3A, %mul3A_220 : vector<16xi32>
      %add3A_222 = arith.constant 16 : i32
      %add3A_223 = vector.broadcast %add3A_222 : i32 to vector<16xi32>
      %add3A_224 = arith.addi %mul3A_221, %add3A_223 : vector<16xi32>
      %gather3A_225 = tpu.vector_load_idx %arg4[%add3A_12, %add3A_224] : memref<512x26xi32, #tpu.memory_space<vmem>>[vector<16xi32>, vector<16xi32>], vector<16xi32>,
      %mul3A_226 = arith.constant 16 : i32
      %mul3A_227 = arith.muli %scan3A_8, %mul3A_226 : i32
      %swap3A_228 = arith.constant 16 : i32
      %swap3A_229 = arith.index_cast %swap3A_228 : i32 to index
      %swap3A_230 = arith.index_cast %mul3A_227 : i32 to index
      %swap3A_231 = tpu.vector_load %arg5[%swap3A_229, %swap3A_230] {strides = array<i32>} : memref<26x512xi32, #tpu.memory_space<vmem>>, vector<16xi32>,
      tpu.vector_store %arg5[%swap3A_229, %swap3A_230], %gather3A_225 {strides = array<i32>} : memref<26x512xi32, #tpu.memory_space<vmem>>, vector<16xi32>,
      %mul3A_232 = arith.constant 0 : i32
      %mul3A_233 = vector.broadcast %mul3A_232 : i32 to vector<16xi32>
      %mul3A_234 = arith.muli %iota3A, %mul3A_233 : vector<16xi32>
      %add3A_235 = arith.constant 17 : i32
      %add3A_236 = vector.broadcast %add3A_235 : i32 to vector<16xi32>
      %add3A_237 = arith.addi %mul3A_234, %add3A_236 : vector<16xi32>
      %gather3A_238 = tpu.vector_load_idx %arg4[%add3A_12, %add3A_237] : memref<512x26xi32, #tpu.memory_space<vmem>>[vector<16xi32>, vector<16xi32>], vector<16xi32>,
      %mul3A_239 = arith.constant 16 : i32
      %mul3A_240 = arith.muli %scan3A_8, %mul3A_239 : i32
      %swap3A_241 = arith.constant 17 : i32
      %swap3A_242 = arith.index_cast %swap3A_241 : i32 to index
      %swap3A_243 = arith.index_cast %mul3A_240 : i32 to index
      %swap3A_244 = tpu.vector_load %arg5[%swap3A_242, %swap3A_243] {strides = array<i32>} : memref<26x512xi32, #tpu.memory_space<vmem>>, vector<16xi32>,
      tpu.vector_store %arg5[%swap3A_242, %swap3A_243], %gather3A_238 {strides = array<i32>} : memref<26x512xi32, #tpu.memory_space<vmem>>, vector<16xi32>,
      %mul3A_245 = arith.constant 0 : i32
      %mul3A_246 = vector.broadcast %mul3A_245 : i32 to vector<16xi32>
      %mul3A_247 = arith.muli %iota3A, %mul3A_246 : vector<16xi32>
      %add3A_248 = arith.constant 18 : i32
      %add3A_249 = vector.broadcast %add3A_248 : i32 to vector<16xi32>
      %add3A_250 = arith.addi %mul3A_247, %add3A_249 : vector<16xi32>
      %gather3A_251 = tpu.vector_load_idx %arg4[%add3A_12, %add3A_250] : memref<512x26xi32, #tpu.memory_space<vmem>>[vector<16xi32>, vector<16xi32>], vector<16xi32>,
      %mul3A_252 = arith.constant 16 : i32
      %mul3A_253 = arith.muli %scan3A_8, %mul3A_252 : i32
      %swap3A_254 = arith.constant 18 : i32
      %swap3A_255 = arith.index_cast %swap3A_254 : i32 to index
      %swap3A_256 = arith.index_cast %mul3A_253 : i32 to index
      %swap3A_257 = tpu.vector_load %arg5[%swap3A_255, %swap3A_256] {strides = array<i32>} : memref<26x512xi32, #tpu.memory_space<vmem>>, vector<16xi32>,
      tpu.vector_store %arg5[%swap3A_255, %swap3A_256], %gather3A_251 {strides = array<i32>} : memref<26x512xi32, #tpu.memory_space<vmem>>, vector<16xi32>,
      %mul3A_258 = arith.constant 0 : i32
      %mul3A_259 = vector.broadcast %mul3A_258 : i32 to vector<16xi32>
      %mul3A_260 = arith.muli %iota3A, %mul3A_259 : vector<16xi32>
      %add3A_261 = arith.constant 19 : i32
      %add3A_262 = vector.broadcast %add3A_261 : i32 to vector<16xi32>
      %add3A_263 = arith.addi %mul3A_260, %add3A_262 : vector<16xi32>
      %gather3A_264 = tpu.vector_load_idx %arg4[%add3A_12, %add3A_263] : memref<512x26xi32, #tpu.memory_space<vmem>>[vector<16xi32>, vector<16xi32>], vector<16xi32>,
      %mul3A_265 = arith.constant 16 : i32
      %mul3A_266 = arith.muli %scan3A_8, %mul3A_265 : i32
      %swap3A_267 = arith.constant 19 : i32
      %swap3A_268 = arith.index_cast %swap3A_267 : i32 to index
      %swap3A_269 = arith.index_cast %mul3A_266 : i32 to index
      %swap3A_270 = tpu.vector_load %arg5[%swap3A_268, %swap3A_269] {strides = array<i32>} : memref<26x512xi32, #tpu.memory_space<vmem>>, vector<16xi32>,
      tpu.vector_store %arg5[%swap3A_268, %swap3A_269], %gather3A_264 {strides = array<i32>} : memref<26x512xi32, #tpu.memory_space<vmem>>, vector<16xi32>,
      %mul3A_271 = arith.constant 0 : i32
      %mul3A_272 = vector.broadcast %mul3A_271 : i32 to vector<16xi32>
      %mul3A_273 = arith.muli %iota3A, %mul3A_272 : vector<16xi32>
      %add3A_274 = arith.constant 20 : i32
      %add3A_275 = vector.broadcast %add3A_274 : i32 to vector<16xi32>
      %add3A_276 = arith.addi %mul3A_273, %add3A_275 : vector<16xi32>
      %gather3A_277 = tpu.vector_load_idx %arg4[%add3A_12, %add3A_276] : memref<512x26xi32, #tpu.memory_space<vmem>>[vector<16xi32>, vector<16xi32>], vector<16xi32>,
      %mul3A_278 = arith.constant 16 : i32
      %mul3A_279 = arith.muli %scan3A_8, %mul3A_278 : i32
      %swap3A_280 = arith.constant 20 : i32
      %swap3A_281 = arith.index_cast %swap3A_280 : i32 to index
      %swap3A_282 = arith.index_cast %mul3A_279 : i32 to index
      %swap3A_283 = tpu.vector_load %arg5[%swap3A_281, %swap3A_282] {strides = array<i32>} : memref<26x512xi32, #tpu.memory_space<vmem>>, vector<16xi32>,
      tpu.vector_store %arg5[%swap3A_281, %swap3A_282], %gather3A_277 {strides = array<i32>} : memref<26x512xi32, #tpu.memory_space<vmem>>, vector<16xi32>,
      %mul3A_284 = arith.constant 0 : i32
      %mul3A_285 = vector.broadcast %mul3A_284 : i32 to vector<16xi32>
      %mul3A_286 = arith.muli %iota3A, %mul3A_285 : vector<16xi32>
      %add3A_287 = arith.constant 21 : i32
      %add3A_288 = vector.broadcast %add3A_287 : i32 to vector<16xi32>
      %add3A_289 = arith.addi %mul3A_286, %add3A_288 : vector<16xi32>
      %gather3A_290 = tpu.vector_load_idx %arg4[%add3A_12, %add3A_289] : memref<512x26xi32, #tpu.memory_space<vmem>>[vector<16xi32>, vector<16xi32>], vector<16xi32>,
      %mul3A_291 = arith.constant 16 : i32
      %mul3A_292 = arith.muli %scan3A_8, %mul3A_291 : i32
      %swap3A_293 = arith.constant 21 : i32
      %swap3A_294 = arith.index_cast %swap3A_293 : i32 to index
      %swap3A_295 = arith.index_cast %mul3A_292 : i32 to index
      %swap3A_296 = tpu.vector_load %arg5[%swap3A_294, %swap3A_295] {strides = array<i32>} : memref<26x512xi32, #tpu.memory_space<vmem>>, vector<16xi32>,
      tpu.vector_store %arg5[%swap3A_294, %swap3A_295], %gather3A_290 {strides = array<i32>} : memref<26x512xi32, #tpu.memory_space<vmem>>, vector<16xi32>,
      %mul3A_297 = arith.constant 0 : i32
      %mul3A_298 = vector.broadcast %mul3A_297 : i32 to vector<16xi32>
      %mul3A_299 = arith.muli %iota3A, %mul3A_298 : vector<16xi32>
      %add3A_300 = arith.constant 22 : i32
      %add3A_301 = vector.broadcast %add3A_300 : i32 to vector<16xi32>
      %add3A_302 = arith.addi %mul3A_299, %add3A_301 : vector<16xi32>
      %gather3A_303 = tpu.vector_load_idx %arg4[%add3A_12, %add3A_302] : memref<512x26xi32, #tpu.memory_space<vmem>>[vector<16xi32>, vector<16xi32>], vector<16xi32>,
      %mul3A_304 = arith.constant 16 : i32
      %mul3A_305 = arith.muli %scan3A_8, %mul3A_304 : i32
      %swap3A_306 = arith.constant 22 : i32
      %swap3A_307 = arith.index_cast %swap3A_306 : i32 to index
      %swap3A_308 = arith.index_cast %mul3A_305 : i32 to index
      %swap3A_309 = tpu.vector_load %arg5[%swap3A_307, %swap3A_308] {strides = array<i32>} : memref<26x512xi32, #tpu.memory_space<vmem>>, vector<16xi32>,
      tpu.vector_store %arg5[%swap3A_307, %swap3A_308], %gather3A_303 {strides = array<i32>} : memref<26x512xi32, #tpu.memory_space<vmem>>, vector<16xi32>,
      %mul3A_310 = arith.constant 0 : i32
      %mul3A_311 = vector.broadcast %mul3A_310 : i32 to vector<16xi32>
      %mul3A_312 = arith.muli %iota3A, %mul3A_311 : vector<16xi32>
      %add3A_313 = arith.constant 23 : i32
      %add3A_314 = vector.broadcast %add3A_313 : i32 to vector<16xi32>
      %add3A_315 = arith.addi %mul3A_312, %add3A_314 : vector<16xi32>
      %gather3A_316 = tpu.vector_load_idx %arg4[%add3A_12, %add3A_315] : memref<512x26xi32, #tpu.memory_space<vmem>>[vector<16xi32>, vector<16xi32>], vector<16xi32>,
      %mul3A_317 = arith.constant 16 : i32
      %mul3A_318 = arith.muli %scan3A_8, %mul3A_317 : i32
      %swap3A_319 = arith.constant 23 : i32
      %swap3A_320 = arith.index_cast %swap3A_319 : i32 to index
      %swap3A_321 = arith.index_cast %mul3A_318 : i32 to index
      %swap3A_322 = tpu.vector_load %arg5[%swap3A_320, %swap3A_321] {strides = array<i32>} : memref<26x512xi32, #tpu.memory_space<vmem>>, vector<16xi32>,
      tpu.vector_store %arg5[%swap3A_320, %swap3A_321], %gather3A_316 {strides = array<i32>} : memref<26x512xi32, #tpu.memory_space<vmem>>, vector<16xi32>,
      %mul3A_323 = arith.constant 0 : i32
      %mul3A_324 = vector.broadcast %mul3A_323 : i32 to vector<16xi32>
      %mul3A_325 = arith.muli %iota3A, %mul3A_324 : vector<16xi32>
      %add3A_326 = arith.constant 24 : i32
      %add3A_327 = vector.broadcast %add3A_326 : i32 to vector<16xi32>
      %add3A_328 = arith.addi %mul3A_325, %add3A_327 : vector<16xi32>
      %gather3A_329 = tpu.vector_load_idx %arg4[%add3A_12, %add3A_328] : memref<512x26xi32, #tpu.memory_space<vmem>>[vector<16xi32>, vector<16xi32>], vector<16xi32>,
      %mul3A_330 = arith.constant 16 : i32
      %mul3A_331 = arith.muli %scan3A_8, %mul3A_330 : i32
      %swap3A_332 = arith.constant 24 : i32
      %swap3A_333 = arith.index_cast %swap3A_332 : i32 to index
      %swap3A_334 = arith.index_cast %mul3A_331 : i32 to index
      %swap3A_335 = tpu.vector_load %arg5[%swap3A_333, %swap3A_334] {strides = array<i32>} : memref<26x512xi32, #tpu.memory_space<vmem>>, vector<16xi32>,
      tpu.vector_store %arg5[%swap3A_333, %swap3A_334], %gather3A_329 {strides = array<i32>} : memref<26x512xi32, #tpu.memory_space<vmem>>, vector<16xi32>,
      %mul3A_336 = arith.constant 0 : i32
      %mul3A_337 = vector.broadcast %mul3A_336 : i32 to vector<16xi32>
      %mul3A_338 = arith.muli %iota3A, %mul3A_337 : vector<16xi32>
      %add3A_339 = arith.constant 25 : i32
      %add3A_340 = vector.broadcast %add3A_339 : i32 to vector<16xi32>
      %add3A_341 = arith.addi %mul3A_338, %add3A_340 : vector<16xi32>
      %gather3A_342 = tpu.vector_load_idx %arg4[%add3A_12, %add3A_341] : memref<512x26xi32, #tpu.memory_space<vmem>>[vector<16xi32>, vector<16xi32>], vector<16xi32>,
      %mul3A_343 = arith.constant 16 : i32
      %mul3A_344 = arith.muli %scan3A_8, %mul3A_343 : i32
      %swap3A_345 = arith.constant 25 : i32
      %swap3A_346 = arith.index_cast %swap3A_345 : i32 to index
      %swap3A_347 = arith.index_cast %mul3A_344 : i32 to index
      %swap3A_348 = tpu.vector_load %arg5[%swap3A_346, %swap3A_347] {strides = array<i32>} : memref<26x512xi32, #tpu.memory_space<vmem>>, vector<16xi32>,
      tpu.vector_store %arg5[%swap3A_346, %swap3A_347], %gather3A_342 {strides = array<i32>} : memref<26x512xi32, #tpu.memory_space<vmem>>, vector<16xi32>,
    }
    %scan3A_7 = arith.constant 32 : i32
    "tpu.region"() ({
      %run_scoped3A = tpu.sem_alloc : memref<!tpu.dma_semaphore, #tpu.memory_space<semaphore_mem>>
      %dma_start3A = arith.constant 0 : i32
      %dma_start3A_8 = tpu.memref_slice %arg3[%dma_start3A, %multiple_of3A] : memref<26x16384xi32, #tpu.memory_space<hbm>> -> memref<26x512xi32, #tpu.memory_space<hbm>>
      %dma_start3A_9 = arith.constant 0 : i32
      %dma_start3A_10 = tpu.memref_slice %arg3[%dma_start3A_9, %multiple_of3A] : memref<26x16384xi32, #tpu.memory_space<hbm>> -> memref<26x512xi32, #tpu.memory_space<hbm>>
      tpu.enqueue_dma source(%arg5 : memref<26x512xi32, #tpu.memory_space<vmem>>) target(%dma_start3A_10 : memref<26x512xi32, #tpu.memory_space<hbm>>) target_semaphore(%run_scoped3A : memref<!tpu.dma_semaphore, #tpu.memory_space<semaphore_mem>>)
      %dma_wait3A = arith.constant 0 : i32
      %dma_wait3A_11 = tpu.memref_slice %arg3[%dma_wait3A, %multiple_of3A] : memref<26x16384xi32, #tpu.memory_space<hbm>> -> memref<26x512xi32, #tpu.memory_space<hbm>>
      %dma_wait3A_12 = arith.constant 0 : i32
      %dma_wait3A_13 = tpu.memref_slice %arg3[%dma_wait3A_12, %multiple_of3A] : memref<26x16384xi32, #tpu.memory_space<hbm>> -> memref<26x512xi32, #tpu.memory_space<hbm>>
      tpu.wait_dma2 semaphore(%run_scoped3A : memref<!tpu.dma_semaphore, #tpu.memory_space<semaphore_mem>>) src(%arg5 : memref<26x512xi32, #tpu.memory_space<vmem>>) dst(%dma_wait3A_13 : memref<26x512xi32, #tpu.memory_space<hbm>>)
      tpu.yield
    }) : () -> ()
    return
  }
}

#map = affine_map<(d0, d1) -> (0)>
#map1 = affine_map<(d0, d1) -> (0, 0)>
module attributes {stable_mosaic.version = 14 : i64} {
  func.func @fl_gather(%arg0: i32, %arg1: i32, %arg2: memref<520000xf32, #tpu.memory_space<hbm>>, %arg3: memref<520000xf32, #tpu.memory_space<hbm>>, %arg4: memref<26x16384xi32, #tpu.memory_space<hbm>>, %arg5: memref<26x16384xf32, #tpu.memory_space<hbm>>, %arg6: memref<40000xf32, #tpu.memory_space<vmem>>, %arg7: memref<16384xi32, #tpu.memory_space<vmem>>, %arg8: memref<16384xf32, #tpu.memory_space<vmem>>, %arg9: memref<!tpu.dma_semaphore, #tpu.memory_space<semaphore_mem>>, %arg10: memref<!tpu.dma_semaphore, #tpu.memory_space<semaphore_mem>>) attributes {dimension_semantics = [#tpu.dimension_semantics<core_parallel>, #tpu.dimension_semantics<subcore_parallel>], iteration_bounds = array<i64: 2, 16>, scalar_prefetch = 0 : i64, scratch_operands = 5 : i64, tpu.core_type = #tpu.core_type<sc_vector_subcore>, window_params = [{transform_indices = #map}, {transform_indices = #map}, {transform_indices = #map1}, {transform_indices = #map1}]} {
    %mul3A = arith.constant 2 : i32
    %mul3A_0 = arith.muli %arg1, %mul3A : i32
    %add3A = arith.addi %mul3A_0, %arg0 : i32
    %eq3A = arith.constant 0 : i32
    %eq3A_1 = arith.cmpi eq, %add3A, %eq3A : i32
    %convert_element_type3A = arith.extui %eq3A_1 : i1 to i32
    %cond3A = arith.constant 0 : i32
    %cond3A_2 = arith.cmpi ne, %convert_element_type3A, %cond3A : i32
    scf.if %cond3A_2 {
      %dma_start3A = arith.constant 0 : i32
      %dma_start3A_128 = tpu.memref_slice %arg2[%dma_start3A] : memref<520000xf32, #tpu.memory_space<hbm>> -> memref<40000xf32, #tpu.memory_space<hbm>>
      %dma_start3A_129 = arith.constant 0 : i32
      %dma_start3A_130 = tpu.memref_slice %arg2[%dma_start3A_129] : memref<520000xf32, #tpu.memory_space<hbm>> -> memref<40000xf32, #tpu.memory_space<hbm>>
      tpu.enqueue_dma source(%dma_start3A_130 : memref<40000xf32, #tpu.memory_space<hbm>>) target(%arg6 : memref<40000xf32, #tpu.memory_space<vmem>>) target_semaphore(%arg10 : memref<!tpu.dma_semaphore, #tpu.memory_space<semaphore_mem>>)
      %dma_start3A_131 = arith.constant 0 : i32
      %dma_start3A_132 = arith.constant 0 : i32
      %dma_start3A_133 = tpu.memref_slice %arg4[%dma_start3A_131, %dma_start3A_132] : memref<26x16384xi32, #tpu.memory_space<hbm>> -> memref<1x16384xi32, #tpu.memory_space<hbm>>
      %dma_start3A_134 = tpu.memref_squeeze %dma_start3A_133 : memref<1x16384xi32, #tpu.memory_space<hbm>> -> memref<16384xi32, #tpu.memory_space<hbm>>
      %dma_start3A_135 = arith.constant 0 : i32
      %dma_start3A_136 = tpu.memref_slice %arg4[%dma_start3A_131, %dma_start3A_135] : memref<26x16384xi32, #tpu.memory_space<hbm>> -> memref<1x16384xi32, #tpu.memory_space<hbm>>
      %dma_start3A_137 = tpu.memref_squeeze %dma_start3A_136 : memref<1x16384xi32, #tpu.memory_space<hbm>> -> memref<16384xi32, #tpu.memory_space<hbm>>
      tpu.enqueue_dma source(%dma_start3A_137 : memref<16384xi32, #tpu.memory_space<hbm>>) target(%arg7 : memref<16384xi32, #tpu.memory_space<vmem>>) target_semaphore(%arg9 : memref<!tpu.dma_semaphore, #tpu.memory_space<semaphore_mem>>)
      %dma_wait3A = arith.constant 0 : i32
      %dma_wait3A_138 = arith.constant 0 : i32
      %dma_wait3A_139 = tpu.memref_slice %arg4[%dma_wait3A, %dma_wait3A_138] : memref<26x16384xi32, #tpu.memory_space<hbm>> -> memref<1x16384xi32, #tpu.memory_space<hbm>>
      %dma_wait3A_140 = tpu.memref_squeeze %dma_wait3A_139 : memref<1x16384xi32, #tpu.memory_space<hbm>> -> memref<16384xi32, #tpu.memory_space<hbm>>
      %dma_wait3A_141 = arith.constant 0 : i32
      %dma_wait3A_142 = tpu.memref_slice %arg4[%dma_wait3A, %dma_wait3A_141] : memref<26x16384xi32, #tpu.memory_space<hbm>> -> memref<1x16384xi32, #tpu.memory_space<hbm>>
      %dma_wait3A_143 = tpu.memref_squeeze %dma_wait3A_142 : memref<1x16384xi32, #tpu.memory_space<hbm>> -> memref<16384xi32, #tpu.memory_space<hbm>>
      tpu.wait_dma2 semaphore(%arg9 : memref<!tpu.dma_semaphore, #tpu.memory_space<semaphore_mem>>) src(%dma_wait3A_143 : memref<16384xi32, #tpu.memory_space<hbm>>) dst(%arg7 : memref<16384xi32, #tpu.memory_space<vmem>>)
      %dma_wait3A_144 = arith.constant 0 : i32
      %dma_wait3A_145 = tpu.memref_slice %arg2[%dma_wait3A_144] : memref<520000xf32, #tpu.memory_space<hbm>> -> memref<40000xf32, #tpu.memory_space<hbm>>
      %dma_wait3A_146 = arith.constant 0 : i32
      %dma_wait3A_147 = tpu.memref_slice %arg2[%dma_wait3A_146] : memref<520000xf32, #tpu.memory_space<hbm>> -> memref<40000xf32, #tpu.memory_space<hbm>>
      tpu.wait_dma2 semaphore(%arg10 : memref<!tpu.dma_semaphore, #tpu.memory_space<semaphore_mem>>) src(%dma_wait3A_147 : memref<40000xf32, #tpu.memory_space<hbm>>) dst(%arg6 : memref<40000xf32, #tpu.memory_space<vmem>>)
      %scan3A = arith.constant 0 : i32
      %scan3A_148 = arith.constant 0 : i32
      %scan3A_149 = arith.constant 1024 : i32
      %scan3A_150 = arith.addi %scan3A_148, %scan3A_149 : i32
      %scan3A_151 = arith.constant 1 : i32
      scf.for %scan3A_153 = %scan3A_148 to %scan3A_150 step %scan3A_151  : i32 {
        %mul3A_154 = arith.constant 16 : i32
        %mul3A_155 = arith.muli %scan3A_153, %mul3A_154 : i32
        %get3A = arith.index_cast %mul3A_155 : i32 to index
        %get3A_156 = tpu.vector_load %arg7[%get3A] {strides = array<i32>} : memref<16384xi32, #tpu.memory_space<vmem>>, vector<16xi32>,
        %gather3A = tpu.vector_load_idx %arg6[%get3A_156] : memref<40000xf32, #tpu.memory_space<vmem>>[vector<16xi32>], vector<16xf32>,
        %swap3A = arith.index_cast %mul3A_155 : i32 to index
        %swap3A_157 = tpu.vector_load %arg8[%swap3A] {strides = array<i32>} : memref<16384xf32, #tpu.memory_space<vmem>>, vector<16xf32>,
        tpu.vector_store %arg8[%swap3A], %gather3A {strides = array<i32>} : memref<16384xf32, #tpu.memory_space<vmem>>, vector<16xf32>,
      }
      %scan3A_152 = arith.constant 1024 : i32
      %run_scoped3A = arith.constant 0 : i32
      "tpu.region"() ({
        %run_scoped3A_153 = tpu.sem_alloc : memref<!tpu.dma_semaphore, #tpu.memory_space<semaphore_mem>>
        %dma_start3A_154 = arith.constant 0 : i32
        %dma_start3A_155 = tpu.memref_slice %arg5[%run_scoped3A, %dma_start3A_154] : memref<26x16384xf32, #tpu.memory_space<hbm>> -> memref<1x16384xf32, #tpu.memory_space<hbm>>
        %dma_start3A_156 = tpu.memref_squeeze %dma_start3A_155 : memref<1x16384xf32, #tpu.memory_space<hbm>> -> memref<16384xf32, #tpu.memory_space<hbm>>
        %dma_start3A_157 = arith.constant 0 : i32
        %dma_start3A_158 = tpu.memref_slice %arg5[%run_scoped3A, %dma_start3A_157] : memref<26x16384xf32, #tpu.memory_space<hbm>> -> memref<1x16384xf32, #tpu.memory_space<hbm>>
        %dma_start3A_159 = tpu.memref_squeeze %dma_start3A_158 : memref<1x16384xf32, #tpu.memory_space<hbm>> -> memref<16384xf32, #tpu.memory_space<hbm>>
        tpu.enqueue_dma source(%arg8 : memref<16384xf32, #tpu.memory_space<vmem>>) target(%dma_start3A_159 : memref<16384xf32, #tpu.memory_space<hbm>>) target_semaphore(%run_scoped3A_153 : memref<!tpu.dma_semaphore, #tpu.memory_space<semaphore_mem>>)
        %dma_wait3A_160 = arith.constant 0 : i32
        %dma_wait3A_161 = tpu.memref_slice %arg5[%run_scoped3A, %dma_wait3A_160] : memref<26x16384xf32, #tpu.memory_space<hbm>> -> memref<1x16384xf32, #tpu.memory_space<hbm>>
        %dma_wait3A_162 = tpu.memref_squeeze %dma_wait3A_161 : memref<1x16384xf32, #tpu.memory_space<hbm>> -> memref<16384xf32, #tpu.memory_space<hbm>>
        %dma_wait3A_163 = arith.constant 0 : i32
        %dma_wait3A_164 = tpu.memref_slice %arg5[%run_scoped3A, %dma_wait3A_163] : memref<26x16384xf32, #tpu.memory_space<hbm>> -> memref<1x16384xf32, #tpu.memory_space<hbm>>
        %dma_wait3A_165 = tpu.memref_squeeze %dma_wait3A_164 : memref<1x16384xf32, #tpu.memory_space<hbm>> -> memref<16384xf32, #tpu.memory_space<hbm>>
        tpu.wait_dma2 semaphore(%run_scoped3A_153 : memref<!tpu.dma_semaphore, #tpu.memory_space<semaphore_mem>>) src(%arg8 : memref<16384xf32, #tpu.memory_space<vmem>>) dst(%dma_wait3A_165 : memref<16384xf32, #tpu.memory_space<hbm>>)
        tpu.yield
      }) : () -> ()
    } else {
    }
    %eq3A_3 = arith.constant 1 : i32
    %eq3A_4 = arith.cmpi eq, %add3A, %eq3A_3 : i32
    %convert_element_type3A_5 = arith.extui %eq3A_4 : i1 to i32
    %cond3A_6 = arith.constant 0 : i32
    %cond3A_7 = arith.cmpi ne, %convert_element_type3A_5, %cond3A_6 : i32
    scf.if %cond3A_7 {
      %dma_start3A = arith.constant 40000 : i32
      %dma_start3A_128 = tpu.memref_slice %arg2[%dma_start3A] : memref<520000xf32, #tpu.memory_space<hbm>> -> memref<40000xf32, #tpu.memory_space<hbm>>
      %dma_start3A_129 = arith.constant 40000 : i32
      %dma_start3A_130 = tpu.memref_slice %arg2[%dma_start3A_129] : memref<520000xf32, #tpu.memory_space<hbm>> -> memref<40000xf32, #tpu.memory_space<hbm>>
      tpu.enqueue_dma source(%dma_start3A_130 : memref<40000xf32, #tpu.memory_space<hbm>>) target(%arg6 : memref<40000xf32, #tpu.memory_space<vmem>>) target_semaphore(%arg10 : memref<!tpu.dma_semaphore, #tpu.memory_space<semaphore_mem>>)
      %dma_start3A_131 = arith.constant 1 : i32
      %dma_start3A_132 = arith.constant 0 : i32
      %dma_start3A_133 = tpu.memref_slice %arg4[%dma_start3A_131, %dma_start3A_132] : memref<26x16384xi32, #tpu.memory_space<hbm>> -> memref<1x16384xi32, #tpu.memory_space<hbm>>
      %dma_start3A_134 = tpu.memref_squeeze %dma_start3A_133 : memref<1x16384xi32, #tpu.memory_space<hbm>> -> memref<16384xi32, #tpu.memory_space<hbm>>
      %dma_start3A_135 = arith.constant 0 : i32
      %dma_start3A_136 = tpu.memref_slice %arg4[%dma_start3A_131, %dma_start3A_135] : memref<26x16384xi32, #tpu.memory_space<hbm>> -> memref<1x16384xi32, #tpu.memory_space<hbm>>
      %dma_start3A_137 = tpu.memref_squeeze %dma_start3A_136 : memref<1x16384xi32, #tpu.memory_space<hbm>> -> memref<16384xi32, #tpu.memory_space<hbm>>
      tpu.enqueue_dma source(%dma_start3A_137 : memref<16384xi32, #tpu.memory_space<hbm>>) target(%arg7 : memref<16384xi32, #tpu.memory_space<vmem>>) target_semaphore(%arg9 : memref<!tpu.dma_semaphore, #tpu.memory_space<semaphore_mem>>)
      %dma_wait3A = arith.constant 1 : i32
      %dma_wait3A_138 = arith.constant 0 : i32
      %dma_wait3A_139 = tpu.memref_slice %arg4[%dma_wait3A, %dma_wait3A_138] : memref<26x16384xi32, #tpu.memory_space<hbm>> -> memref<1x16384xi32, #tpu.memory_space<hbm>>
      %dma_wait3A_140 = tpu.memref_squeeze %dma_wait3A_139 : memref<1x16384xi32, #tpu.memory_space<hbm>> -> memref<16384xi32, #tpu.memory_space<hbm>>
      %dma_wait3A_141 = arith.constant 0 : i32
      %dma_wait3A_142 = tpu.memref_slice %arg4[%dma_wait3A, %dma_wait3A_141] : memref<26x16384xi32, #tpu.memory_space<hbm>> -> memref<1x16384xi32, #tpu.memory_space<hbm>>
      %dma_wait3A_143 = tpu.memref_squeeze %dma_wait3A_142 : memref<1x16384xi32, #tpu.memory_space<hbm>> -> memref<16384xi32, #tpu.memory_space<hbm>>
      tpu.wait_dma2 semaphore(%arg9 : memref<!tpu.dma_semaphore, #tpu.memory_space<semaphore_mem>>) src(%dma_wait3A_143 : memref<16384xi32, #tpu.memory_space<hbm>>) dst(%arg7 : memref<16384xi32, #tpu.memory_space<vmem>>)
      %dma_wait3A_144 = arith.constant 40000 : i32
      %dma_wait3A_145 = tpu.memref_slice %arg2[%dma_wait3A_144] : memref<520000xf32, #tpu.memory_space<hbm>> -> memref<40000xf32, #tpu.memory_space<hbm>>
      %dma_wait3A_146 = arith.constant 40000 : i32
      %dma_wait3A_147 = tpu.memref_slice %arg2[%dma_wait3A_146] : memref<520000xf32, #tpu.memory_space<hbm>> -> memref<40000xf32, #tpu.memory_space<hbm>>
      tpu.wait_dma2 semaphore(%arg10 : memref<!tpu.dma_semaphore, #tpu.memory_space<semaphore_mem>>) src(%dma_wait3A_147 : memref<40000xf32, #tpu.memory_space<hbm>>) dst(%arg6 : memref<40000xf32, #tpu.memory_space<vmem>>)
      %scan3A = arith.constant 0 : i32
      %scan3A_148 = arith.constant 0 : i32
      %scan3A_149 = arith.constant 1024 : i32
      %scan3A_150 = arith.addi %scan3A_148, %scan3A_149 : i32
      %scan3A_151 = arith.constant 1 : i32
      scf.for %scan3A_153 = %scan3A_148 to %scan3A_150 step %scan3A_151  : i32 {
        %mul3A_154 = arith.constant 16 : i32
        %mul3A_155 = arith.muli %scan3A_153, %mul3A_154 : i32
        %get3A = arith.index_cast %mul3A_155 : i32 to index
        %get3A_156 = tpu.vector_load %arg7[%get3A] {strides = array<i32>} : memref<16384xi32, #tpu.memory_space<vmem>>, vector<16xi32>,
        %gather3A = tpu.vector_load_idx %arg6[%get3A_156] : memref<40000xf32, #tpu.memory_space<vmem>>[vector<16xi32>], vector<16xf32>,
        %swap3A = arith.index_cast %mul3A_155 : i32 to index
        %swap3A_157 = tpu.vector_load %arg8[%swap3A] {strides = array<i32>} : memref<16384xf32, #tpu.memory_space<vmem>>, vector<16xf32>,
        tpu.vector_store %arg8[%swap3A], %gather3A {strides = array<i32>} : memref<16384xf32, #tpu.memory_space<vmem>>, vector<16xf32>,
      }
      %scan3A_152 = arith.constant 1024 : i32
      %run_scoped3A = arith.constant 1 : i32
      "tpu.region"() ({
        %run_scoped3A_153 = tpu.sem_alloc : memref<!tpu.dma_semaphore, #tpu.memory_space<semaphore_mem>>
        %dma_start3A_154 = arith.constant 0 : i32
        %dma_start3A_155 = tpu.memref_slice %arg5[%run_scoped3A, %dma_start3A_154] : memref<26x16384xf32, #tpu.memory_space<hbm>> -> memref<1x16384xf32, #tpu.memory_space<hbm>>
        %dma_start3A_156 = tpu.memref_squeeze %dma_start3A_155 : memref<1x16384xf32, #tpu.memory_space<hbm>> -> memref<16384xf32, #tpu.memory_space<hbm>>
        %dma_start3A_157 = arith.constant 0 : i32
        %dma_start3A_158 = tpu.memref_slice %arg5[%run_scoped3A, %dma_start3A_157] : memref<26x16384xf32, #tpu.memory_space<hbm>> -> memref<1x16384xf32, #tpu.memory_space<hbm>>
        %dma_start3A_159 = tpu.memref_squeeze %dma_start3A_158 : memref<1x16384xf32, #tpu.memory_space<hbm>> -> memref<16384xf32, #tpu.memory_space<hbm>>
        tpu.enqueue_dma source(%arg8 : memref<16384xf32, #tpu.memory_space<vmem>>) target(%dma_start3A_159 : memref<16384xf32, #tpu.memory_space<hbm>>) target_semaphore(%run_scoped3A_153 : memref<!tpu.dma_semaphore, #tpu.memory_space<semaphore_mem>>)
        %dma_wait3A_160 = arith.constant 0 : i32
        %dma_wait3A_161 = tpu.memref_slice %arg5[%run_scoped3A, %dma_wait3A_160] : memref<26x16384xf32, #tpu.memory_space<hbm>> -> memref<1x16384xf32, #tpu.memory_space<hbm>>
        %dma_wait3A_162 = tpu.memref_squeeze %dma_wait3A_161 : memref<1x16384xf32, #tpu.memory_space<hbm>> -> memref<16384xf32, #tpu.memory_space<hbm>>
        %dma_wait3A_163 = arith.constant 0 : i32
        %dma_wait3A_164 = tpu.memref_slice %arg5[%run_scoped3A, %dma_wait3A_163] : memref<26x16384xf32, #tpu.memory_space<hbm>> -> memref<1x16384xf32, #tpu.memory_space<hbm>>
        %dma_wait3A_165 = tpu.memref_squeeze %dma_wait3A_164 : memref<1x16384xf32, #tpu.memory_space<hbm>> -> memref<16384xf32, #tpu.memory_space<hbm>>
        tpu.wait_dma2 semaphore(%run_scoped3A_153 : memref<!tpu.dma_semaphore, #tpu.memory_space<semaphore_mem>>) src(%arg8 : memref<16384xf32, #tpu.memory_space<vmem>>) dst(%dma_wait3A_165 : memref<16384xf32, #tpu.memory_space<hbm>>)
        tpu.yield
      }) : () -> ()
    } else {
    }
    %eq3A_8 = arith.constant 2 : i32
    %eq3A_9 = arith.cmpi eq, %add3A, %eq3A_8 : i32
    %convert_element_type3A_10 = arith.extui %eq3A_9 : i1 to i32
    %cond3A_11 = arith.constant 0 : i32
    %cond3A_12 = arith.cmpi ne, %convert_element_type3A_10, %cond3A_11 : i32
    scf.if %cond3A_12 {
      %dma_start3A = arith.constant 80000 : i32
      %dma_start3A_128 = tpu.memref_slice %arg2[%dma_start3A] : memref<520000xf32, #tpu.memory_space<hbm>> -> memref<40000xf32, #tpu.memory_space<hbm>>
      %dma_start3A_129 = arith.constant 80000 : i32
      %dma_start3A_130 = tpu.memref_slice %arg2[%dma_start3A_129] : memref<520000xf32, #tpu.memory_space<hbm>> -> memref<40000xf32, #tpu.memory_space<hbm>>
      tpu.enqueue_dma source(%dma_start3A_130 : memref<40000xf32, #tpu.memory_space<hbm>>) target(%arg6 : memref<40000xf32, #tpu.memory_space<vmem>>) target_semaphore(%arg10 : memref<!tpu.dma_semaphore, #tpu.memory_space<semaphore_mem>>)
      %dma_start3A_131 = arith.constant 2 : i32
      %dma_start3A_132 = arith.constant 0 : i32
      %dma_start3A_133 = tpu.memref_slice %arg4[%dma_start3A_131, %dma_start3A_132] : memref<26x16384xi32, #tpu.memory_space<hbm>> -> memref<1x16384xi32, #tpu.memory_space<hbm>>
      %dma_start3A_134 = tpu.memref_squeeze %dma_start3A_133 : memref<1x16384xi32, #tpu.memory_space<hbm>> -> memref<16384xi32, #tpu.memory_space<hbm>>
      %dma_start3A_135 = arith.constant 0 : i32
      %dma_start3A_136 = tpu.memref_slice %arg4[%dma_start3A_131, %dma_start3A_135] : memref<26x16384xi32, #tpu.memory_space<hbm>> -> memref<1x16384xi32, #tpu.memory_space<hbm>>
      %dma_start3A_137 = tpu.memref_squeeze %dma_start3A_136 : memref<1x16384xi32, #tpu.memory_space<hbm>> -> memref<16384xi32, #tpu.memory_space<hbm>>
      tpu.enqueue_dma source(%dma_start3A_137 : memref<16384xi32, #tpu.memory_space<hbm>>) target(%arg7 : memref<16384xi32, #tpu.memory_space<vmem>>) target_semaphore(%arg9 : memref<!tpu.dma_semaphore, #tpu.memory_space<semaphore_mem>>)
      %dma_wait3A = arith.constant 2 : i32
      %dma_wait3A_138 = arith.constant 0 : i32
      %dma_wait3A_139 = tpu.memref_slice %arg4[%dma_wait3A, %dma_wait3A_138] : memref<26x16384xi32, #tpu.memory_space<hbm>> -> memref<1x16384xi32, #tpu.memory_space<hbm>>
      %dma_wait3A_140 = tpu.memref_squeeze %dma_wait3A_139 : memref<1x16384xi32, #tpu.memory_space<hbm>> -> memref<16384xi32, #tpu.memory_space<hbm>>
      %dma_wait3A_141 = arith.constant 0 : i32
      %dma_wait3A_142 = tpu.memref_slice %arg4[%dma_wait3A, %dma_wait3A_141] : memref<26x16384xi32, #tpu.memory_space<hbm>> -> memref<1x16384xi32, #tpu.memory_space<hbm>>
      %dma_wait3A_143 = tpu.memref_squeeze %dma_wait3A_142 : memref<1x16384xi32, #tpu.memory_space<hbm>> -> memref<16384xi32, #tpu.memory_space<hbm>>
      tpu.wait_dma2 semaphore(%arg9 : memref<!tpu.dma_semaphore, #tpu.memory_space<semaphore_mem>>) src(%dma_wait3A_143 : memref<16384xi32, #tpu.memory_space<hbm>>) dst(%arg7 : memref<16384xi32, #tpu.memory_space<vmem>>)
      %dma_wait3A_144 = arith.constant 80000 : i32
      %dma_wait3A_145 = tpu.memref_slice %arg2[%dma_wait3A_144] : memref<520000xf32, #tpu.memory_space<hbm>> -> memref<40000xf32, #tpu.memory_space<hbm>>
      %dma_wait3A_146 = arith.constant 80000 : i32
      %dma_wait3A_147 = tpu.memref_slice %arg2[%dma_wait3A_146] : memref<520000xf32, #tpu.memory_space<hbm>> -> memref<40000xf32, #tpu.memory_space<hbm>>
      tpu.wait_dma2 semaphore(%arg10 : memref<!tpu.dma_semaphore, #tpu.memory_space<semaphore_mem>>) src(%dma_wait3A_147 : memref<40000xf32, #tpu.memory_space<hbm>>) dst(%arg6 : memref<40000xf32, #tpu.memory_space<vmem>>)
      %scan3A = arith.constant 0 : i32
      %scan3A_148 = arith.constant 0 : i32
      %scan3A_149 = arith.constant 1024 : i32
      %scan3A_150 = arith.addi %scan3A_148, %scan3A_149 : i32
      %scan3A_151 = arith.constant 1 : i32
      scf.for %scan3A_153 = %scan3A_148 to %scan3A_150 step %scan3A_151  : i32 {
        %mul3A_154 = arith.constant 16 : i32
        %mul3A_155 = arith.muli %scan3A_153, %mul3A_154 : i32
        %get3A = arith.index_cast %mul3A_155 : i32 to index
        %get3A_156 = tpu.vector_load %arg7[%get3A] {strides = array<i32>} : memref<16384xi32, #tpu.memory_space<vmem>>, vector<16xi32>,
        %gather3A = tpu.vector_load_idx %arg6[%get3A_156] : memref<40000xf32, #tpu.memory_space<vmem>>[vector<16xi32>], vector<16xf32>,
        %swap3A = arith.index_cast %mul3A_155 : i32 to index
        %swap3A_157 = tpu.vector_load %arg8[%swap3A] {strides = array<i32>} : memref<16384xf32, #tpu.memory_space<vmem>>, vector<16xf32>,
        tpu.vector_store %arg8[%swap3A], %gather3A {strides = array<i32>} : memref<16384xf32, #tpu.memory_space<vmem>>, vector<16xf32>,
      }
      %scan3A_152 = arith.constant 1024 : i32
      %run_scoped3A = arith.constant 2 : i32
      "tpu.region"() ({
        %run_scoped3A_153 = tpu.sem_alloc : memref<!tpu.dma_semaphore, #tpu.memory_space<semaphore_mem>>
        %dma_start3A_154 = arith.constant 0 : i32
        %dma_start3A_155 = tpu.memref_slice %arg5[%run_scoped3A, %dma_start3A_154] : memref<26x16384xf32, #tpu.memory_space<hbm>> -> memref<1x16384xf32, #tpu.memory_space<hbm>>
        %dma_start3A_156 = tpu.memref_squeeze %dma_start3A_155 : memref<1x16384xf32, #tpu.memory_space<hbm>> -> memref<16384xf32, #tpu.memory_space<hbm>>
        %dma_start3A_157 = arith.constant 0 : i32
        %dma_start3A_158 = tpu.memref_slice %arg5[%run_scoped3A, %dma_start3A_157] : memref<26x16384xf32, #tpu.memory_space<hbm>> -> memref<1x16384xf32, #tpu.memory_space<hbm>>
        %dma_start3A_159 = tpu.memref_squeeze %dma_start3A_158 : memref<1x16384xf32, #tpu.memory_space<hbm>> -> memref<16384xf32, #tpu.memory_space<hbm>>
        tpu.enqueue_dma source(%arg8 : memref<16384xf32, #tpu.memory_space<vmem>>) target(%dma_start3A_159 : memref<16384xf32, #tpu.memory_space<hbm>>) target_semaphore(%run_scoped3A_153 : memref<!tpu.dma_semaphore, #tpu.memory_space<semaphore_mem>>)
        %dma_wait3A_160 = arith.constant 0 : i32
        %dma_wait3A_161 = tpu.memref_slice %arg5[%run_scoped3A, %dma_wait3A_160] : memref<26x16384xf32, #tpu.memory_space<hbm>> -> memref<1x16384xf32, #tpu.memory_space<hbm>>
        %dma_wait3A_162 = tpu.memref_squeeze %dma_wait3A_161 : memref<1x16384xf32, #tpu.memory_space<hbm>> -> memref<16384xf32, #tpu.memory_space<hbm>>
        %dma_wait3A_163 = arith.constant 0 : i32
        %dma_wait3A_164 = tpu.memref_slice %arg5[%run_scoped3A, %dma_wait3A_163] : memref<26x16384xf32, #tpu.memory_space<hbm>> -> memref<1x16384xf32, #tpu.memory_space<hbm>>
        %dma_wait3A_165 = tpu.memref_squeeze %dma_wait3A_164 : memref<1x16384xf32, #tpu.memory_space<hbm>> -> memref<16384xf32, #tpu.memory_space<hbm>>
        tpu.wait_dma2 semaphore(%run_scoped3A_153 : memref<!tpu.dma_semaphore, #tpu.memory_space<semaphore_mem>>) src(%arg8 : memref<16384xf32, #tpu.memory_space<vmem>>) dst(%dma_wait3A_165 : memref<16384xf32, #tpu.memory_space<hbm>>)
        tpu.yield
      }) : () -> ()
    } else {
    }
    %eq3A_13 = arith.constant 3 : i32
    %eq3A_14 = arith.cmpi eq, %add3A, %eq3A_13 : i32
    %convert_element_type3A_15 = arith.extui %eq3A_14 : i1 to i32
    %cond3A_16 = arith.constant 0 : i32
    %cond3A_17 = arith.cmpi ne, %convert_element_type3A_15, %cond3A_16 : i32
    scf.if %cond3A_17 {
      %dma_start3A = arith.constant 120000 : i32
      %dma_start3A_128 = tpu.memref_slice %arg2[%dma_start3A] : memref<520000xf32, #tpu.memory_space<hbm>> -> memref<40000xf32, #tpu.memory_space<hbm>>
      %dma_start3A_129 = arith.constant 120000 : i32
      %dma_start3A_130 = tpu.memref_slice %arg2[%dma_start3A_129] : memref<520000xf32, #tpu.memory_space<hbm>> -> memref<40000xf32, #tpu.memory_space<hbm>>
      tpu.enqueue_dma source(%dma_start3A_130 : memref<40000xf32, #tpu.memory_space<hbm>>) target(%arg6 : memref<40000xf32, #tpu.memory_space<vmem>>) target_semaphore(%arg10 : memref<!tpu.dma_semaphore, #tpu.memory_space<semaphore_mem>>)
      %dma_start3A_131 = arith.constant 3 : i32
      %dma_start3A_132 = arith.constant 0 : i32
      %dma_start3A_133 = tpu.memref_slice %arg4[%dma_start3A_131, %dma_start3A_132] : memref<26x16384xi32, #tpu.memory_space<hbm>> -> memref<1x16384xi32, #tpu.memory_space<hbm>>
      %dma_start3A_134 = tpu.memref_squeeze %dma_start3A_133 : memref<1x16384xi32, #tpu.memory_space<hbm>> -> memref<16384xi32, #tpu.memory_space<hbm>>
      %dma_start3A_135 = arith.constant 0 : i32
      %dma_start3A_136 = tpu.memref_slice %arg4[%dma_start3A_131, %dma_start3A_135] : memref<26x16384xi32, #tpu.memory_space<hbm>> -> memref<1x16384xi32, #tpu.memory_space<hbm>>
      %dma_start3A_137 = tpu.memref_squeeze %dma_start3A_136 : memref<1x16384xi32, #tpu.memory_space<hbm>> -> memref<16384xi32, #tpu.memory_space<hbm>>
      tpu.enqueue_dma source(%dma_start3A_137 : memref<16384xi32, #tpu.memory_space<hbm>>) target(%arg7 : memref<16384xi32, #tpu.memory_space<vmem>>) target_semaphore(%arg9 : memref<!tpu.dma_semaphore, #tpu.memory_space<semaphore_mem>>)
      %dma_wait3A = arith.constant 3 : i32
      %dma_wait3A_138 = arith.constant 0 : i32
      %dma_wait3A_139 = tpu.memref_slice %arg4[%dma_wait3A, %dma_wait3A_138] : memref<26x16384xi32, #tpu.memory_space<hbm>> -> memref<1x16384xi32, #tpu.memory_space<hbm>>
      %dma_wait3A_140 = tpu.memref_squeeze %dma_wait3A_139 : memref<1x16384xi32, #tpu.memory_space<hbm>> -> memref<16384xi32, #tpu.memory_space<hbm>>
      %dma_wait3A_141 = arith.constant 0 : i32
      %dma_wait3A_142 = tpu.memref_slice %arg4[%dma_wait3A, %dma_wait3A_141] : memref<26x16384xi32, #tpu.memory_space<hbm>> -> memref<1x16384xi32, #tpu.memory_space<hbm>>
      %dma_wait3A_143 = tpu.memref_squeeze %dma_wait3A_142 : memref<1x16384xi32, #tpu.memory_space<hbm>> -> memref<16384xi32, #tpu.memory_space<hbm>>
      tpu.wait_dma2 semaphore(%arg9 : memref<!tpu.dma_semaphore, #tpu.memory_space<semaphore_mem>>) src(%dma_wait3A_143 : memref<16384xi32, #tpu.memory_space<hbm>>) dst(%arg7 : memref<16384xi32, #tpu.memory_space<vmem>>)
      %dma_wait3A_144 = arith.constant 120000 : i32
      %dma_wait3A_145 = tpu.memref_slice %arg2[%dma_wait3A_144] : memref<520000xf32, #tpu.memory_space<hbm>> -> memref<40000xf32, #tpu.memory_space<hbm>>
      %dma_wait3A_146 = arith.constant 120000 : i32
      %dma_wait3A_147 = tpu.memref_slice %arg2[%dma_wait3A_146] : memref<520000xf32, #tpu.memory_space<hbm>> -> memref<40000xf32, #tpu.memory_space<hbm>>
      tpu.wait_dma2 semaphore(%arg10 : memref<!tpu.dma_semaphore, #tpu.memory_space<semaphore_mem>>) src(%dma_wait3A_147 : memref<40000xf32, #tpu.memory_space<hbm>>) dst(%arg6 : memref<40000xf32, #tpu.memory_space<vmem>>)
      %scan3A = arith.constant 0 : i32
      %scan3A_148 = arith.constant 0 : i32
      %scan3A_149 = arith.constant 1024 : i32
      %scan3A_150 = arith.addi %scan3A_148, %scan3A_149 : i32
      %scan3A_151 = arith.constant 1 : i32
      scf.for %scan3A_153 = %scan3A_148 to %scan3A_150 step %scan3A_151  : i32 {
        %mul3A_154 = arith.constant 16 : i32
        %mul3A_155 = arith.muli %scan3A_153, %mul3A_154 : i32
        %get3A = arith.index_cast %mul3A_155 : i32 to index
        %get3A_156 = tpu.vector_load %arg7[%get3A] {strides = array<i32>} : memref<16384xi32, #tpu.memory_space<vmem>>, vector<16xi32>,
        %gather3A = tpu.vector_load_idx %arg6[%get3A_156] : memref<40000xf32, #tpu.memory_space<vmem>>[vector<16xi32>], vector<16xf32>,
        %swap3A = arith.index_cast %mul3A_155 : i32 to index
        %swap3A_157 = tpu.vector_load %arg8[%swap3A] {strides = array<i32>} : memref<16384xf32, #tpu.memory_space<vmem>>, vector<16xf32>,
        tpu.vector_store %arg8[%swap3A], %gather3A {strides = array<i32>} : memref<16384xf32, #tpu.memory_space<vmem>>, vector<16xf32>,
      }
      %scan3A_152 = arith.constant 1024 : i32
      %run_scoped3A = arith.constant 3 : i32
      "tpu.region"() ({
        %run_scoped3A_153 = tpu.sem_alloc : memref<!tpu.dma_semaphore, #tpu.memory_space<semaphore_mem>>
        %dma_start3A_154 = arith.constant 0 : i32
        %dma_start3A_155 = tpu.memref_slice %arg5[%run_scoped3A, %dma_start3A_154] : memref<26x16384xf32, #tpu.memory_space<hbm>> -> memref<1x16384xf32, #tpu.memory_space<hbm>>
        %dma_start3A_156 = tpu.memref_squeeze %dma_start3A_155 : memref<1x16384xf32, #tpu.memory_space<hbm>> -> memref<16384xf32, #tpu.memory_space<hbm>>
        %dma_start3A_157 = arith.constant 0 : i32
        %dma_start3A_158 = tpu.memref_slice %arg5[%run_scoped3A, %dma_start3A_157] : memref<26x16384xf32, #tpu.memory_space<hbm>> -> memref<1x16384xf32, #tpu.memory_space<hbm>>
        %dma_start3A_159 = tpu.memref_squeeze %dma_start3A_158 : memref<1x16384xf32, #tpu.memory_space<hbm>> -> memref<16384xf32, #tpu.memory_space<hbm>>
        tpu.enqueue_dma source(%arg8 : memref<16384xf32, #tpu.memory_space<vmem>>) target(%dma_start3A_159 : memref<16384xf32, #tpu.memory_space<hbm>>) target_semaphore(%run_scoped3A_153 : memref<!tpu.dma_semaphore, #tpu.memory_space<semaphore_mem>>)
        %dma_wait3A_160 = arith.constant 0 : i32
        %dma_wait3A_161 = tpu.memref_slice %arg5[%run_scoped3A, %dma_wait3A_160] : memref<26x16384xf32, #tpu.memory_space<hbm>> -> memref<1x16384xf32, #tpu.memory_space<hbm>>
        %dma_wait3A_162 = tpu.memref_squeeze %dma_wait3A_161 : memref<1x16384xf32, #tpu.memory_space<hbm>> -> memref<16384xf32, #tpu.memory_space<hbm>>
        %dma_wait3A_163 = arith.constant 0 : i32
        %dma_wait3A_164 = tpu.memref_slice %arg5[%run_scoped3A, %dma_wait3A_163] : memref<26x16384xf32, #tpu.memory_space<hbm>> -> memref<1x16384xf32, #tpu.memory_space<hbm>>
        %dma_wait3A_165 = tpu.memref_squeeze %dma_wait3A_164 : memref<1x16384xf32, #tpu.memory_space<hbm>> -> memref<16384xf32, #tpu.memory_space<hbm>>
        tpu.wait_dma2 semaphore(%run_scoped3A_153 : memref<!tpu.dma_semaphore, #tpu.memory_space<semaphore_mem>>) src(%arg8 : memref<16384xf32, #tpu.memory_space<vmem>>) dst(%dma_wait3A_165 : memref<16384xf32, #tpu.memory_space<hbm>>)
        tpu.yield
      }) : () -> ()
    } else {
    }
    %eq3A_18 = arith.constant 4 : i32
    %eq3A_19 = arith.cmpi eq, %add3A, %eq3A_18 : i32
    %convert_element_type3A_20 = arith.extui %eq3A_19 : i1 to i32
    %cond3A_21 = arith.constant 0 : i32
    %cond3A_22 = arith.cmpi ne, %convert_element_type3A_20, %cond3A_21 : i32
    scf.if %cond3A_22 {
      %dma_start3A = arith.constant 160000 : i32
      %dma_start3A_128 = tpu.memref_slice %arg2[%dma_start3A] : memref<520000xf32, #tpu.memory_space<hbm>> -> memref<40000xf32, #tpu.memory_space<hbm>>
      %dma_start3A_129 = arith.constant 160000 : i32
      %dma_start3A_130 = tpu.memref_slice %arg2[%dma_start3A_129] : memref<520000xf32, #tpu.memory_space<hbm>> -> memref<40000xf32, #tpu.memory_space<hbm>>
      tpu.enqueue_dma source(%dma_start3A_130 : memref<40000xf32, #tpu.memory_space<hbm>>) target(%arg6 : memref<40000xf32, #tpu.memory_space<vmem>>) target_semaphore(%arg10 : memref<!tpu.dma_semaphore, #tpu.memory_space<semaphore_mem>>)
      %dma_start3A_131 = arith.constant 4 : i32
      %dma_start3A_132 = arith.constant 0 : i32
      %dma_start3A_133 = tpu.memref_slice %arg4[%dma_start3A_131, %dma_start3A_132] : memref<26x16384xi32, #tpu.memory_space<hbm>> -> memref<1x16384xi32, #tpu.memory_space<hbm>>
      %dma_start3A_134 = tpu.memref_squeeze %dma_start3A_133 : memref<1x16384xi32, #tpu.memory_space<hbm>> -> memref<16384xi32, #tpu.memory_space<hbm>>
      %dma_start3A_135 = arith.constant 0 : i32
      %dma_start3A_136 = tpu.memref_slice %arg4[%dma_start3A_131, %dma_start3A_135] : memref<26x16384xi32, #tpu.memory_space<hbm>> -> memref<1x16384xi32, #tpu.memory_space<hbm>>
      %dma_start3A_137 = tpu.memref_squeeze %dma_start3A_136 : memref<1x16384xi32, #tpu.memory_space<hbm>> -> memref<16384xi32, #tpu.memory_space<hbm>>
      tpu.enqueue_dma source(%dma_start3A_137 : memref<16384xi32, #tpu.memory_space<hbm>>) target(%arg7 : memref<16384xi32, #tpu.memory_space<vmem>>) target_semaphore(%arg9 : memref<!tpu.dma_semaphore, #tpu.memory_space<semaphore_mem>>)
      %dma_wait3A = arith.constant 4 : i32
      %dma_wait3A_138 = arith.constant 0 : i32
      %dma_wait3A_139 = tpu.memref_slice %arg4[%dma_wait3A, %dma_wait3A_138] : memref<26x16384xi32, #tpu.memory_space<hbm>> -> memref<1x16384xi32, #tpu.memory_space<hbm>>
      %dma_wait3A_140 = tpu.memref_squeeze %dma_wait3A_139 : memref<1x16384xi32, #tpu.memory_space<hbm>> -> memref<16384xi32, #tpu.memory_space<hbm>>
      %dma_wait3A_141 = arith.constant 0 : i32
      %dma_wait3A_142 = tpu.memref_slice %arg4[%dma_wait3A, %dma_wait3A_141] : memref<26x16384xi32, #tpu.memory_space<hbm>> -> memref<1x16384xi32, #tpu.memory_space<hbm>>
      %dma_wait3A_143 = tpu.memref_squeeze %dma_wait3A_142 : memref<1x16384xi32, #tpu.memory_space<hbm>> -> memref<16384xi32, #tpu.memory_space<hbm>>
      tpu.wait_dma2 semaphore(%arg9 : memref<!tpu.dma_semaphore, #tpu.memory_space<semaphore_mem>>) src(%dma_wait3A_143 : memref<16384xi32, #tpu.memory_space<hbm>>) dst(%arg7 : memref<16384xi32, #tpu.memory_space<vmem>>)
      %dma_wait3A_144 = arith.constant 160000 : i32
      %dma_wait3A_145 = tpu.memref_slice %arg2[%dma_wait3A_144] : memref<520000xf32, #tpu.memory_space<hbm>> -> memref<40000xf32, #tpu.memory_space<hbm>>
      %dma_wait3A_146 = arith.constant 160000 : i32
      %dma_wait3A_147 = tpu.memref_slice %arg2[%dma_wait3A_146] : memref<520000xf32, #tpu.memory_space<hbm>> -> memref<40000xf32, #tpu.memory_space<hbm>>
      tpu.wait_dma2 semaphore(%arg10 : memref<!tpu.dma_semaphore, #tpu.memory_space<semaphore_mem>>) src(%dma_wait3A_147 : memref<40000xf32, #tpu.memory_space<hbm>>) dst(%arg6 : memref<40000xf32, #tpu.memory_space<vmem>>)
      %scan3A = arith.constant 0 : i32
      %scan3A_148 = arith.constant 0 : i32
      %scan3A_149 = arith.constant 1024 : i32
      %scan3A_150 = arith.addi %scan3A_148, %scan3A_149 : i32
      %scan3A_151 = arith.constant 1 : i32
      scf.for %scan3A_153 = %scan3A_148 to %scan3A_150 step %scan3A_151  : i32 {
        %mul3A_154 = arith.constant 16 : i32
        %mul3A_155 = arith.muli %scan3A_153, %mul3A_154 : i32
        %get3A = arith.index_cast %mul3A_155 : i32 to index
        %get3A_156 = tpu.vector_load %arg7[%get3A] {strides = array<i32>} : memref<16384xi32, #tpu.memory_space<vmem>>, vector<16xi32>,
        %gather3A = tpu.vector_load_idx %arg6[%get3A_156] : memref<40000xf32, #tpu.memory_space<vmem>>[vector<16xi32>], vector<16xf32>,
        %swap3A = arith.index_cast %mul3A_155 : i32 to index
        %swap3A_157 = tpu.vector_load %arg8[%swap3A] {strides = array<i32>} : memref<16384xf32, #tpu.memory_space<vmem>>, vector<16xf32>,
        tpu.vector_store %arg8[%swap3A], %gather3A {strides = array<i32>} : memref<16384xf32, #tpu.memory_space<vmem>>, vector<16xf32>,
      }
      %scan3A_152 = arith.constant 1024 : i32
      %run_scoped3A = arith.constant 4 : i32
      "tpu.region"() ({
        %run_scoped3A_153 = tpu.sem_alloc : memref<!tpu.dma_semaphore, #tpu.memory_space<semaphore_mem>>
        %dma_start3A_154 = arith.constant 0 : i32
        %dma_start3A_155 = tpu.memref_slice %arg5[%run_scoped3A, %dma_start3A_154] : memref<26x16384xf32, #tpu.memory_space<hbm>> -> memref<1x16384xf32, #tpu.memory_space<hbm>>
        %dma_start3A_156 = tpu.memref_squeeze %dma_start3A_155 : memref<1x16384xf32, #tpu.memory_space<hbm>> -> memref<16384xf32, #tpu.memory_space<hbm>>
        %dma_start3A_157 = arith.constant 0 : i32
        %dma_start3A_158 = tpu.memref_slice %arg5[%run_scoped3A, %dma_start3A_157] : memref<26x16384xf32, #tpu.memory_space<hbm>> -> memref<1x16384xf32, #tpu.memory_space<hbm>>
        %dma_start3A_159 = tpu.memref_squeeze %dma_start3A_158 : memref<1x16384xf32, #tpu.memory_space<hbm>> -> memref<16384xf32, #tpu.memory_space<hbm>>
        tpu.enqueue_dma source(%arg8 : memref<16384xf32, #tpu.memory_space<vmem>>) target(%dma_start3A_159 : memref<16384xf32, #tpu.memory_space<hbm>>) target_semaphore(%run_scoped3A_153 : memref<!tpu.dma_semaphore, #tpu.memory_space<semaphore_mem>>)
        %dma_wait3A_160 = arith.constant 0 : i32
        %dma_wait3A_161 = tpu.memref_slice %arg5[%run_scoped3A, %dma_wait3A_160] : memref<26x16384xf32, #tpu.memory_space<hbm>> -> memref<1x16384xf32, #tpu.memory_space<hbm>>
        %dma_wait3A_162 = tpu.memref_squeeze %dma_wait3A_161 : memref<1x16384xf32, #tpu.memory_space<hbm>> -> memref<16384xf32, #tpu.memory_space<hbm>>
        %dma_wait3A_163 = arith.constant 0 : i32
        %dma_wait3A_164 = tpu.memref_slice %arg5[%run_scoped3A, %dma_wait3A_163] : memref<26x16384xf32, #tpu.memory_space<hbm>> -> memref<1x16384xf32, #tpu.memory_space<hbm>>
        %dma_wait3A_165 = tpu.memref_squeeze %dma_wait3A_164 : memref<1x16384xf32, #tpu.memory_space<hbm>> -> memref<16384xf32, #tpu.memory_space<hbm>>
        tpu.wait_dma2 semaphore(%run_scoped3A_153 : memref<!tpu.dma_semaphore, #tpu.memory_space<semaphore_mem>>) src(%arg8 : memref<16384xf32, #tpu.memory_space<vmem>>) dst(%dma_wait3A_165 : memref<16384xf32, #tpu.memory_space<hbm>>)
        tpu.yield
      }) : () -> ()
    } else {
    }
    %eq3A_23 = arith.constant 5 : i32
    %eq3A_24 = arith.cmpi eq, %add3A, %eq3A_23 : i32
    %convert_element_type3A_25 = arith.extui %eq3A_24 : i1 to i32
    %cond3A_26 = arith.constant 0 : i32
    %cond3A_27 = arith.cmpi ne, %convert_element_type3A_25, %cond3A_26 : i32
    scf.if %cond3A_27 {
      %dma_start3A = arith.constant 200000 : i32
      %dma_start3A_128 = tpu.memref_slice %arg2[%dma_start3A] : memref<520000xf32, #tpu.memory_space<hbm>> -> memref<40000xf32, #tpu.memory_space<hbm>>
      %dma_start3A_129 = arith.constant 200000 : i32
      %dma_start3A_130 = tpu.memref_slice %arg2[%dma_start3A_129] : memref<520000xf32, #tpu.memory_space<hbm>> -> memref<40000xf32, #tpu.memory_space<hbm>>
      tpu.enqueue_dma source(%dma_start3A_130 : memref<40000xf32, #tpu.memory_space<hbm>>) target(%arg6 : memref<40000xf32, #tpu.memory_space<vmem>>) target_semaphore(%arg10 : memref<!tpu.dma_semaphore, #tpu.memory_space<semaphore_mem>>)
      %dma_start3A_131 = arith.constant 5 : i32
      %dma_start3A_132 = arith.constant 0 : i32
      %dma_start3A_133 = tpu.memref_slice %arg4[%dma_start3A_131, %dma_start3A_132] : memref<26x16384xi32, #tpu.memory_space<hbm>> -> memref<1x16384xi32, #tpu.memory_space<hbm>>
      %dma_start3A_134 = tpu.memref_squeeze %dma_start3A_133 : memref<1x16384xi32, #tpu.memory_space<hbm>> -> memref<16384xi32, #tpu.memory_space<hbm>>
      %dma_start3A_135 = arith.constant 0 : i32
      %dma_start3A_136 = tpu.memref_slice %arg4[%dma_start3A_131, %dma_start3A_135] : memref<26x16384xi32, #tpu.memory_space<hbm>> -> memref<1x16384xi32, #tpu.memory_space<hbm>>
      %dma_start3A_137 = tpu.memref_squeeze %dma_start3A_136 : memref<1x16384xi32, #tpu.memory_space<hbm>> -> memref<16384xi32, #tpu.memory_space<hbm>>
      tpu.enqueue_dma source(%dma_start3A_137 : memref<16384xi32, #tpu.memory_space<hbm>>) target(%arg7 : memref<16384xi32, #tpu.memory_space<vmem>>) target_semaphore(%arg9 : memref<!tpu.dma_semaphore, #tpu.memory_space<semaphore_mem>>)
      %dma_wait3A = arith.constant 5 : i32
      %dma_wait3A_138 = arith.constant 0 : i32
      %dma_wait3A_139 = tpu.memref_slice %arg4[%dma_wait3A, %dma_wait3A_138] : memref<26x16384xi32, #tpu.memory_space<hbm>> -> memref<1x16384xi32, #tpu.memory_space<hbm>>
      %dma_wait3A_140 = tpu.memref_squeeze %dma_wait3A_139 : memref<1x16384xi32, #tpu.memory_space<hbm>> -> memref<16384xi32, #tpu.memory_space<hbm>>
      %dma_wait3A_141 = arith.constant 0 : i32
      %dma_wait3A_142 = tpu.memref_slice %arg4[%dma_wait3A, %dma_wait3A_141] : memref<26x16384xi32, #tpu.memory_space<hbm>> -> memref<1x16384xi32, #tpu.memory_space<hbm>>
      %dma_wait3A_143 = tpu.memref_squeeze %dma_wait3A_142 : memref<1x16384xi32, #tpu.memory_space<hbm>> -> memref<16384xi32, #tpu.memory_space<hbm>>
      tpu.wait_dma2 semaphore(%arg9 : memref<!tpu.dma_semaphore, #tpu.memory_space<semaphore_mem>>) src(%dma_wait3A_143 : memref<16384xi32, #tpu.memory_space<hbm>>) dst(%arg7 : memref<16384xi32, #tpu.memory_space<vmem>>)
      %dma_wait3A_144 = arith.constant 200000 : i32
      %dma_wait3A_145 = tpu.memref_slice %arg2[%dma_wait3A_144] : memref<520000xf32, #tpu.memory_space<hbm>> -> memref<40000xf32, #tpu.memory_space<hbm>>
      %dma_wait3A_146 = arith.constant 200000 : i32
      %dma_wait3A_147 = tpu.memref_slice %arg2[%dma_wait3A_146] : memref<520000xf32, #tpu.memory_space<hbm>> -> memref<40000xf32, #tpu.memory_space<hbm>>
      tpu.wait_dma2 semaphore(%arg10 : memref<!tpu.dma_semaphore, #tpu.memory_space<semaphore_mem>>) src(%dma_wait3A_147 : memref<40000xf32, #tpu.memory_space<hbm>>) dst(%arg6 : memref<40000xf32, #tpu.memory_space<vmem>>)
      %scan3A = arith.constant 0 : i32
      %scan3A_148 = arith.constant 0 : i32
      %scan3A_149 = arith.constant 1024 : i32
      %scan3A_150 = arith.addi %scan3A_148, %scan3A_149 : i32
      %scan3A_151 = arith.constant 1 : i32
      scf.for %scan3A_153 = %scan3A_148 to %scan3A_150 step %scan3A_151  : i32 {
        %mul3A_154 = arith.constant 16 : i32
        %mul3A_155 = arith.muli %scan3A_153, %mul3A_154 : i32
        %get3A = arith.index_cast %mul3A_155 : i32 to index
        %get3A_156 = tpu.vector_load %arg7[%get3A] {strides = array<i32>} : memref<16384xi32, #tpu.memory_space<vmem>>, vector<16xi32>,
        %gather3A = tpu.vector_load_idx %arg6[%get3A_156] : memref<40000xf32, #tpu.memory_space<vmem>>[vector<16xi32>], vector<16xf32>,
        %swap3A = arith.index_cast %mul3A_155 : i32 to index
        %swap3A_157 = tpu.vector_load %arg8[%swap3A] {strides = array<i32>} : memref<16384xf32, #tpu.memory_space<vmem>>, vector<16xf32>,
        tpu.vector_store %arg8[%swap3A], %gather3A {strides = array<i32>} : memref<16384xf32, #tpu.memory_space<vmem>>, vector<16xf32>,
      }
      %scan3A_152 = arith.constant 1024 : i32
      %run_scoped3A = arith.constant 5 : i32
      "tpu.region"() ({
        %run_scoped3A_153 = tpu.sem_alloc : memref<!tpu.dma_semaphore, #tpu.memory_space<semaphore_mem>>
        %dma_start3A_154 = arith.constant 0 : i32
        %dma_start3A_155 = tpu.memref_slice %arg5[%run_scoped3A, %dma_start3A_154] : memref<26x16384xf32, #tpu.memory_space<hbm>> -> memref<1x16384xf32, #tpu.memory_space<hbm>>
        %dma_start3A_156 = tpu.memref_squeeze %dma_start3A_155 : memref<1x16384xf32, #tpu.memory_space<hbm>> -> memref<16384xf32, #tpu.memory_space<hbm>>
        %dma_start3A_157 = arith.constant 0 : i32
        %dma_start3A_158 = tpu.memref_slice %arg5[%run_scoped3A, %dma_start3A_157] : memref<26x16384xf32, #tpu.memory_space<hbm>> -> memref<1x16384xf32, #tpu.memory_space<hbm>>
        %dma_start3A_159 = tpu.memref_squeeze %dma_start3A_158 : memref<1x16384xf32, #tpu.memory_space<hbm>> -> memref<16384xf32, #tpu.memory_space<hbm>>
        tpu.enqueue_dma source(%arg8 : memref<16384xf32, #tpu.memory_space<vmem>>) target(%dma_start3A_159 : memref<16384xf32, #tpu.memory_space<hbm>>) target_semaphore(%run_scoped3A_153 : memref<!tpu.dma_semaphore, #tpu.memory_space<semaphore_mem>>)
        %dma_wait3A_160 = arith.constant 0 : i32
        %dma_wait3A_161 = tpu.memref_slice %arg5[%run_scoped3A, %dma_wait3A_160] : memref<26x16384xf32, #tpu.memory_space<hbm>> -> memref<1x16384xf32, #tpu.memory_space<hbm>>
        %dma_wait3A_162 = tpu.memref_squeeze %dma_wait3A_161 : memref<1x16384xf32, #tpu.memory_space<hbm>> -> memref<16384xf32, #tpu.memory_space<hbm>>
        %dma_wait3A_163 = arith.constant 0 : i32
        %dma_wait3A_164 = tpu.memref_slice %arg5[%run_scoped3A, %dma_wait3A_163] : memref<26x16384xf32, #tpu.memory_space<hbm>> -> memref<1x16384xf32, #tpu.memory_space<hbm>>
        %dma_wait3A_165 = tpu.memref_squeeze %dma_wait3A_164 : memref<1x16384xf32, #tpu.memory_space<hbm>> -> memref<16384xf32, #tpu.memory_space<hbm>>
        tpu.wait_dma2 semaphore(%run_scoped3A_153 : memref<!tpu.dma_semaphore, #tpu.memory_space<semaphore_mem>>) src(%arg8 : memref<16384xf32, #tpu.memory_space<vmem>>) dst(%dma_wait3A_165 : memref<16384xf32, #tpu.memory_space<hbm>>)
        tpu.yield
      }) : () -> ()
    } else {
    }
    %eq3A_28 = arith.constant 6 : i32
    %eq3A_29 = arith.cmpi eq, %add3A, %eq3A_28 : i32
    %convert_element_type3A_30 = arith.extui %eq3A_29 : i1 to i32
    %cond3A_31 = arith.constant 0 : i32
    %cond3A_32 = arith.cmpi ne, %convert_element_type3A_30, %cond3A_31 : i32
    scf.if %cond3A_32 {
      %dma_start3A = arith.constant 240000 : i32
      %dma_start3A_128 = tpu.memref_slice %arg2[%dma_start3A] : memref<520000xf32, #tpu.memory_space<hbm>> -> memref<40000xf32, #tpu.memory_space<hbm>>
      %dma_start3A_129 = arith.constant 240000 : i32
      %dma_start3A_130 = tpu.memref_slice %arg2[%dma_start3A_129] : memref<520000xf32, #tpu.memory_space<hbm>> -> memref<40000xf32, #tpu.memory_space<hbm>>
      tpu.enqueue_dma source(%dma_start3A_130 : memref<40000xf32, #tpu.memory_space<hbm>>) target(%arg6 : memref<40000xf32, #tpu.memory_space<vmem>>) target_semaphore(%arg10 : memref<!tpu.dma_semaphore, #tpu.memory_space<semaphore_mem>>)
      %dma_start3A_131 = arith.constant 6 : i32
      %dma_start3A_132 = arith.constant 0 : i32
      %dma_start3A_133 = tpu.memref_slice %arg4[%dma_start3A_131, %dma_start3A_132] : memref<26x16384xi32, #tpu.memory_space<hbm>> -> memref<1x16384xi32, #tpu.memory_space<hbm>>
      %dma_start3A_134 = tpu.memref_squeeze %dma_start3A_133 : memref<1x16384xi32, #tpu.memory_space<hbm>> -> memref<16384xi32, #tpu.memory_space<hbm>>
      %dma_start3A_135 = arith.constant 0 : i32
      %dma_start3A_136 = tpu.memref_slice %arg4[%dma_start3A_131, %dma_start3A_135] : memref<26x16384xi32, #tpu.memory_space<hbm>> -> memref<1x16384xi32, #tpu.memory_space<hbm>>
      %dma_start3A_137 = tpu.memref_squeeze %dma_start3A_136 : memref<1x16384xi32, #tpu.memory_space<hbm>> -> memref<16384xi32, #tpu.memory_space<hbm>>
      tpu.enqueue_dma source(%dma_start3A_137 : memref<16384xi32, #tpu.memory_space<hbm>>) target(%arg7 : memref<16384xi32, #tpu.memory_space<vmem>>) target_semaphore(%arg9 : memref<!tpu.dma_semaphore, #tpu.memory_space<semaphore_mem>>)
      %dma_wait3A = arith.constant 6 : i32
      %dma_wait3A_138 = arith.constant 0 : i32
      %dma_wait3A_139 = tpu.memref_slice %arg4[%dma_wait3A, %dma_wait3A_138] : memref<26x16384xi32, #tpu.memory_space<hbm>> -> memref<1x16384xi32, #tpu.memory_space<hbm>>
      %dma_wait3A_140 = tpu.memref_squeeze %dma_wait3A_139 : memref<1x16384xi32, #tpu.memory_space<hbm>> -> memref<16384xi32, #tpu.memory_space<hbm>>
      %dma_wait3A_141 = arith.constant 0 : i32
      %dma_wait3A_142 = tpu.memref_slice %arg4[%dma_wait3A, %dma_wait3A_141] : memref<26x16384xi32, #tpu.memory_space<hbm>> -> memref<1x16384xi32, #tpu.memory_space<hbm>>
      %dma_wait3A_143 = tpu.memref_squeeze %dma_wait3A_142 : memref<1x16384xi32, #tpu.memory_space<hbm>> -> memref<16384xi32, #tpu.memory_space<hbm>>
      tpu.wait_dma2 semaphore(%arg9 : memref<!tpu.dma_semaphore, #tpu.memory_space<semaphore_mem>>) src(%dma_wait3A_143 : memref<16384xi32, #tpu.memory_space<hbm>>) dst(%arg7 : memref<16384xi32, #tpu.memory_space<vmem>>)
      %dma_wait3A_144 = arith.constant 240000 : i32
      %dma_wait3A_145 = tpu.memref_slice %arg2[%dma_wait3A_144] : memref<520000xf32, #tpu.memory_space<hbm>> -> memref<40000xf32, #tpu.memory_space<hbm>>
      %dma_wait3A_146 = arith.constant 240000 : i32
      %dma_wait3A_147 = tpu.memref_slice %arg2[%dma_wait3A_146] : memref<520000xf32, #tpu.memory_space<hbm>> -> memref<40000xf32, #tpu.memory_space<hbm>>
      tpu.wait_dma2 semaphore(%arg10 : memref<!tpu.dma_semaphore, #tpu.memory_space<semaphore_mem>>) src(%dma_wait3A_147 : memref<40000xf32, #tpu.memory_space<hbm>>) dst(%arg6 : memref<40000xf32, #tpu.memory_space<vmem>>)
      %scan3A = arith.constant 0 : i32
      %scan3A_148 = arith.constant 0 : i32
      %scan3A_149 = arith.constant 1024 : i32
      %scan3A_150 = arith.addi %scan3A_148, %scan3A_149 : i32
      %scan3A_151 = arith.constant 1 : i32
      scf.for %scan3A_153 = %scan3A_148 to %scan3A_150 step %scan3A_151  : i32 {
        %mul3A_154 = arith.constant 16 : i32
        %mul3A_155 = arith.muli %scan3A_153, %mul3A_154 : i32
        %get3A = arith.index_cast %mul3A_155 : i32 to index
        %get3A_156 = tpu.vector_load %arg7[%get3A] {strides = array<i32>} : memref<16384xi32, #tpu.memory_space<vmem>>, vector<16xi32>,
        %gather3A = tpu.vector_load_idx %arg6[%get3A_156] : memref<40000xf32, #tpu.memory_space<vmem>>[vector<16xi32>], vector<16xf32>,
        %swap3A = arith.index_cast %mul3A_155 : i32 to index
        %swap3A_157 = tpu.vector_load %arg8[%swap3A] {strides = array<i32>} : memref<16384xf32, #tpu.memory_space<vmem>>, vector<16xf32>,
        tpu.vector_store %arg8[%swap3A], %gather3A {strides = array<i32>} : memref<16384xf32, #tpu.memory_space<vmem>>, vector<16xf32>,
      }
      %scan3A_152 = arith.constant 1024 : i32
      %run_scoped3A = arith.constant 6 : i32
      "tpu.region"() ({
        %run_scoped3A_153 = tpu.sem_alloc : memref<!tpu.dma_semaphore, #tpu.memory_space<semaphore_mem>>
        %dma_start3A_154 = arith.constant 0 : i32
        %dma_start3A_155 = tpu.memref_slice %arg5[%run_scoped3A, %dma_start3A_154] : memref<26x16384xf32, #tpu.memory_space<hbm>> -> memref<1x16384xf32, #tpu.memory_space<hbm>>
        %dma_start3A_156 = tpu.memref_squeeze %dma_start3A_155 : memref<1x16384xf32, #tpu.memory_space<hbm>> -> memref<16384xf32, #tpu.memory_space<hbm>>
        %dma_start3A_157 = arith.constant 0 : i32
        %dma_start3A_158 = tpu.memref_slice %arg5[%run_scoped3A, %dma_start3A_157] : memref<26x16384xf32, #tpu.memory_space<hbm>> -> memref<1x16384xf32, #tpu.memory_space<hbm>>
        %dma_start3A_159 = tpu.memref_squeeze %dma_start3A_158 : memref<1x16384xf32, #tpu.memory_space<hbm>> -> memref<16384xf32, #tpu.memory_space<hbm>>
        tpu.enqueue_dma source(%arg8 : memref<16384xf32, #tpu.memory_space<vmem>>) target(%dma_start3A_159 : memref<16384xf32, #tpu.memory_space<hbm>>) target_semaphore(%run_scoped3A_153 : memref<!tpu.dma_semaphore, #tpu.memory_space<semaphore_mem>>)
        %dma_wait3A_160 = arith.constant 0 : i32
        %dma_wait3A_161 = tpu.memref_slice %arg5[%run_scoped3A, %dma_wait3A_160] : memref<26x16384xf32, #tpu.memory_space<hbm>> -> memref<1x16384xf32, #tpu.memory_space<hbm>>
        %dma_wait3A_162 = tpu.memref_squeeze %dma_wait3A_161 : memref<1x16384xf32, #tpu.memory_space<hbm>> -> memref<16384xf32, #tpu.memory_space<hbm>>
        %dma_wait3A_163 = arith.constant 0 : i32
        %dma_wait3A_164 = tpu.memref_slice %arg5[%run_scoped3A, %dma_wait3A_163] : memref<26x16384xf32, #tpu.memory_space<hbm>> -> memref<1x16384xf32, #tpu.memory_space<hbm>>
        %dma_wait3A_165 = tpu.memref_squeeze %dma_wait3A_164 : memref<1x16384xf32, #tpu.memory_space<hbm>> -> memref<16384xf32, #tpu.memory_space<hbm>>
        tpu.wait_dma2 semaphore(%run_scoped3A_153 : memref<!tpu.dma_semaphore, #tpu.memory_space<semaphore_mem>>) src(%arg8 : memref<16384xf32, #tpu.memory_space<vmem>>) dst(%dma_wait3A_165 : memref<16384xf32, #tpu.memory_space<hbm>>)
        tpu.yield
      }) : () -> ()
    } else {
    }
    %eq3A_33 = arith.constant 7 : i32
    %eq3A_34 = arith.cmpi eq, %add3A, %eq3A_33 : i32
    %convert_element_type3A_35 = arith.extui %eq3A_34 : i1 to i32
    %cond3A_36 = arith.constant 0 : i32
    %cond3A_37 = arith.cmpi ne, %convert_element_type3A_35, %cond3A_36 : i32
    scf.if %cond3A_37 {
      %dma_start3A = arith.constant 280000 : i32
      %dma_start3A_128 = tpu.memref_slice %arg2[%dma_start3A] : memref<520000xf32, #tpu.memory_space<hbm>> -> memref<40000xf32, #tpu.memory_space<hbm>>
      %dma_start3A_129 = arith.constant 280000 : i32
      %dma_start3A_130 = tpu.memref_slice %arg2[%dma_start3A_129] : memref<520000xf32, #tpu.memory_space<hbm>> -> memref<40000xf32, #tpu.memory_space<hbm>>
      tpu.enqueue_dma source(%dma_start3A_130 : memref<40000xf32, #tpu.memory_space<hbm>>) target(%arg6 : memref<40000xf32, #tpu.memory_space<vmem>>) target_semaphore(%arg10 : memref<!tpu.dma_semaphore, #tpu.memory_space<semaphore_mem>>)
      %dma_start3A_131 = arith.constant 7 : i32
      %dma_start3A_132 = arith.constant 0 : i32
      %dma_start3A_133 = tpu.memref_slice %arg4[%dma_start3A_131, %dma_start3A_132] : memref<26x16384xi32, #tpu.memory_space<hbm>> -> memref<1x16384xi32, #tpu.memory_space<hbm>>
      %dma_start3A_134 = tpu.memref_squeeze %dma_start3A_133 : memref<1x16384xi32, #tpu.memory_space<hbm>> -> memref<16384xi32, #tpu.memory_space<hbm>>
      %dma_start3A_135 = arith.constant 0 : i32
      %dma_start3A_136 = tpu.memref_slice %arg4[%dma_start3A_131, %dma_start3A_135] : memref<26x16384xi32, #tpu.memory_space<hbm>> -> memref<1x16384xi32, #tpu.memory_space<hbm>>
      %dma_start3A_137 = tpu.memref_squeeze %dma_start3A_136 : memref<1x16384xi32, #tpu.memory_space<hbm>> -> memref<16384xi32, #tpu.memory_space<hbm>>
      tpu.enqueue_dma source(%dma_start3A_137 : memref<16384xi32, #tpu.memory_space<hbm>>) target(%arg7 : memref<16384xi32, #tpu.memory_space<vmem>>) target_semaphore(%arg9 : memref<!tpu.dma_semaphore, #tpu.memory_space<semaphore_mem>>)
      %dma_wait3A = arith.constant 7 : i32
      %dma_wait3A_138 = arith.constant 0 : i32
      %dma_wait3A_139 = tpu.memref_slice %arg4[%dma_wait3A, %dma_wait3A_138] : memref<26x16384xi32, #tpu.memory_space<hbm>> -> memref<1x16384xi32, #tpu.memory_space<hbm>>
      %dma_wait3A_140 = tpu.memref_squeeze %dma_wait3A_139 : memref<1x16384xi32, #tpu.memory_space<hbm>> -> memref<16384xi32, #tpu.memory_space<hbm>>
      %dma_wait3A_141 = arith.constant 0 : i32
      %dma_wait3A_142 = tpu.memref_slice %arg4[%dma_wait3A, %dma_wait3A_141] : memref<26x16384xi32, #tpu.memory_space<hbm>> -> memref<1x16384xi32, #tpu.memory_space<hbm>>
      %dma_wait3A_143 = tpu.memref_squeeze %dma_wait3A_142 : memref<1x16384xi32, #tpu.memory_space<hbm>> -> memref<16384xi32, #tpu.memory_space<hbm>>
      tpu.wait_dma2 semaphore(%arg9 : memref<!tpu.dma_semaphore, #tpu.memory_space<semaphore_mem>>) src(%dma_wait3A_143 : memref<16384xi32, #tpu.memory_space<hbm>>) dst(%arg7 : memref<16384xi32, #tpu.memory_space<vmem>>)
      %dma_wait3A_144 = arith.constant 280000 : i32
      %dma_wait3A_145 = tpu.memref_slice %arg2[%dma_wait3A_144] : memref<520000xf32, #tpu.memory_space<hbm>> -> memref<40000xf32, #tpu.memory_space<hbm>>
      %dma_wait3A_146 = arith.constant 280000 : i32
      %dma_wait3A_147 = tpu.memref_slice %arg2[%dma_wait3A_146] : memref<520000xf32, #tpu.memory_space<hbm>> -> memref<40000xf32, #tpu.memory_space<hbm>>
      tpu.wait_dma2 semaphore(%arg10 : memref<!tpu.dma_semaphore, #tpu.memory_space<semaphore_mem>>) src(%dma_wait3A_147 : memref<40000xf32, #tpu.memory_space<hbm>>) dst(%arg6 : memref<40000xf32, #tpu.memory_space<vmem>>)
      %scan3A = arith.constant 0 : i32
      %scan3A_148 = arith.constant 0 : i32
      %scan3A_149 = arith.constant 1024 : i32
      %scan3A_150 = arith.addi %scan3A_148, %scan3A_149 : i32
      %scan3A_151 = arith.constant 1 : i32
      scf.for %scan3A_153 = %scan3A_148 to %scan3A_150 step %scan3A_151  : i32 {
        %mul3A_154 = arith.constant 16 : i32
        %mul3A_155 = arith.muli %scan3A_153, %mul3A_154 : i32
        %get3A = arith.index_cast %mul3A_155 : i32 to index
        %get3A_156 = tpu.vector_load %arg7[%get3A] {strides = array<i32>} : memref<16384xi32, #tpu.memory_space<vmem>>, vector<16xi32>,
        %gather3A = tpu.vector_load_idx %arg6[%get3A_156] : memref<40000xf32, #tpu.memory_space<vmem>>[vector<16xi32>], vector<16xf32>,
        %swap3A = arith.index_cast %mul3A_155 : i32 to index
        %swap3A_157 = tpu.vector_load %arg8[%swap3A] {strides = array<i32>} : memref<16384xf32, #tpu.memory_space<vmem>>, vector<16xf32>,
        tpu.vector_store %arg8[%swap3A], %gather3A {strides = array<i32>} : memref<16384xf32, #tpu.memory_space<vmem>>, vector<16xf32>,
      }
      %scan3A_152 = arith.constant 1024 : i32
      %run_scoped3A = arith.constant 7 : i32
      "tpu.region"() ({
        %run_scoped3A_153 = tpu.sem_alloc : memref<!tpu.dma_semaphore, #tpu.memory_space<semaphore_mem>>
        %dma_start3A_154 = arith.constant 0 : i32
        %dma_start3A_155 = tpu.memref_slice %arg5[%run_scoped3A, %dma_start3A_154] : memref<26x16384xf32, #tpu.memory_space<hbm>> -> memref<1x16384xf32, #tpu.memory_space<hbm>>
        %dma_start3A_156 = tpu.memref_squeeze %dma_start3A_155 : memref<1x16384xf32, #tpu.memory_space<hbm>> -> memref<16384xf32, #tpu.memory_space<hbm>>
        %dma_start3A_157 = arith.constant 0 : i32
        %dma_start3A_158 = tpu.memref_slice %arg5[%run_scoped3A, %dma_start3A_157] : memref<26x16384xf32, #tpu.memory_space<hbm>> -> memref<1x16384xf32, #tpu.memory_space<hbm>>
        %dma_start3A_159 = tpu.memref_squeeze %dma_start3A_158 : memref<1x16384xf32, #tpu.memory_space<hbm>> -> memref<16384xf32, #tpu.memory_space<hbm>>
        tpu.enqueue_dma source(%arg8 : memref<16384xf32, #tpu.memory_space<vmem>>) target(%dma_start3A_159 : memref<16384xf32, #tpu.memory_space<hbm>>) target_semaphore(%run_scoped3A_153 : memref<!tpu.dma_semaphore, #tpu.memory_space<semaphore_mem>>)
        %dma_wait3A_160 = arith.constant 0 : i32
        %dma_wait3A_161 = tpu.memref_slice %arg5[%run_scoped3A, %dma_wait3A_160] : memref<26x16384xf32, #tpu.memory_space<hbm>> -> memref<1x16384xf32, #tpu.memory_space<hbm>>
        %dma_wait3A_162 = tpu.memref_squeeze %dma_wait3A_161 : memref<1x16384xf32, #tpu.memory_space<hbm>> -> memref<16384xf32, #tpu.memory_space<hbm>>
        %dma_wait3A_163 = arith.constant 0 : i32
        %dma_wait3A_164 = tpu.memref_slice %arg5[%run_scoped3A, %dma_wait3A_163] : memref<26x16384xf32, #tpu.memory_space<hbm>> -> memref<1x16384xf32, #tpu.memory_space<hbm>>
        %dma_wait3A_165 = tpu.memref_squeeze %dma_wait3A_164 : memref<1x16384xf32, #tpu.memory_space<hbm>> -> memref<16384xf32, #tpu.memory_space<hbm>>
        tpu.wait_dma2 semaphore(%run_scoped3A_153 : memref<!tpu.dma_semaphore, #tpu.memory_space<semaphore_mem>>) src(%arg8 : memref<16384xf32, #tpu.memory_space<vmem>>) dst(%dma_wait3A_165 : memref<16384xf32, #tpu.memory_space<hbm>>)
        tpu.yield
      }) : () -> ()
    } else {
    }
    %eq3A_38 = arith.constant 8 : i32
    %eq3A_39 = arith.cmpi eq, %add3A, %eq3A_38 : i32
    %convert_element_type3A_40 = arith.extui %eq3A_39 : i1 to i32
    %cond3A_41 = arith.constant 0 : i32
    %cond3A_42 = arith.cmpi ne, %convert_element_type3A_40, %cond3A_41 : i32
    scf.if %cond3A_42 {
      %dma_start3A = arith.constant 320000 : i32
      %dma_start3A_128 = tpu.memref_slice %arg2[%dma_start3A] : memref<520000xf32, #tpu.memory_space<hbm>> -> memref<40000xf32, #tpu.memory_space<hbm>>
      %dma_start3A_129 = arith.constant 320000 : i32
      %dma_start3A_130 = tpu.memref_slice %arg2[%dma_start3A_129] : memref<520000xf32, #tpu.memory_space<hbm>> -> memref<40000xf32, #tpu.memory_space<hbm>>
      tpu.enqueue_dma source(%dma_start3A_130 : memref<40000xf32, #tpu.memory_space<hbm>>) target(%arg6 : memref<40000xf32, #tpu.memory_space<vmem>>) target_semaphore(%arg10 : memref<!tpu.dma_semaphore, #tpu.memory_space<semaphore_mem>>)
      %dma_start3A_131 = arith.constant 8 : i32
      %dma_start3A_132 = arith.constant 0 : i32
      %dma_start3A_133 = tpu.memref_slice %arg4[%dma_start3A_131, %dma_start3A_132] : memref<26x16384xi32, #tpu.memory_space<hbm>> -> memref<1x16384xi32, #tpu.memory_space<hbm>>
      %dma_start3A_134 = tpu.memref_squeeze %dma_start3A_133 : memref<1x16384xi32, #tpu.memory_space<hbm>> -> memref<16384xi32, #tpu.memory_space<hbm>>
      %dma_start3A_135 = arith.constant 0 : i32
      %dma_start3A_136 = tpu.memref_slice %arg4[%dma_start3A_131, %dma_start3A_135] : memref<26x16384xi32, #tpu.memory_space<hbm>> -> memref<1x16384xi32, #tpu.memory_space<hbm>>
      %dma_start3A_137 = tpu.memref_squeeze %dma_start3A_136 : memref<1x16384xi32, #tpu.memory_space<hbm>> -> memref<16384xi32, #tpu.memory_space<hbm>>
      tpu.enqueue_dma source(%dma_start3A_137 : memref<16384xi32, #tpu.memory_space<hbm>>) target(%arg7 : memref<16384xi32, #tpu.memory_space<vmem>>) target_semaphore(%arg9 : memref<!tpu.dma_semaphore, #tpu.memory_space<semaphore_mem>>)
      %dma_wait3A = arith.constant 8 : i32
      %dma_wait3A_138 = arith.constant 0 : i32
      %dma_wait3A_139 = tpu.memref_slice %arg4[%dma_wait3A, %dma_wait3A_138] : memref<26x16384xi32, #tpu.memory_space<hbm>> -> memref<1x16384xi32, #tpu.memory_space<hbm>>
      %dma_wait3A_140 = tpu.memref_squeeze %dma_wait3A_139 : memref<1x16384xi32, #tpu.memory_space<hbm>> -> memref<16384xi32, #tpu.memory_space<hbm>>
      %dma_wait3A_141 = arith.constant 0 : i32
      %dma_wait3A_142 = tpu.memref_slice %arg4[%dma_wait3A, %dma_wait3A_141] : memref<26x16384xi32, #tpu.memory_space<hbm>> -> memref<1x16384xi32, #tpu.memory_space<hbm>>
      %dma_wait3A_143 = tpu.memref_squeeze %dma_wait3A_142 : memref<1x16384xi32, #tpu.memory_space<hbm>> -> memref<16384xi32, #tpu.memory_space<hbm>>
      tpu.wait_dma2 semaphore(%arg9 : memref<!tpu.dma_semaphore, #tpu.memory_space<semaphore_mem>>) src(%dma_wait3A_143 : memref<16384xi32, #tpu.memory_space<hbm>>) dst(%arg7 : memref<16384xi32, #tpu.memory_space<vmem>>)
      %dma_wait3A_144 = arith.constant 320000 : i32
      %dma_wait3A_145 = tpu.memref_slice %arg2[%dma_wait3A_144] : memref<520000xf32, #tpu.memory_space<hbm>> -> memref<40000xf32, #tpu.memory_space<hbm>>
      %dma_wait3A_146 = arith.constant 320000 : i32
      %dma_wait3A_147 = tpu.memref_slice %arg2[%dma_wait3A_146] : memref<520000xf32, #tpu.memory_space<hbm>> -> memref<40000xf32, #tpu.memory_space<hbm>>
      tpu.wait_dma2 semaphore(%arg10 : memref<!tpu.dma_semaphore, #tpu.memory_space<semaphore_mem>>) src(%dma_wait3A_147 : memref<40000xf32, #tpu.memory_space<hbm>>) dst(%arg6 : memref<40000xf32, #tpu.memory_space<vmem>>)
      %scan3A = arith.constant 0 : i32
      %scan3A_148 = arith.constant 0 : i32
      %scan3A_149 = arith.constant 1024 : i32
      %scan3A_150 = arith.addi %scan3A_148, %scan3A_149 : i32
      %scan3A_151 = arith.constant 1 : i32
      scf.for %scan3A_153 = %scan3A_148 to %scan3A_150 step %scan3A_151  : i32 {
        %mul3A_154 = arith.constant 16 : i32
        %mul3A_155 = arith.muli %scan3A_153, %mul3A_154 : i32
        %get3A = arith.index_cast %mul3A_155 : i32 to index
        %get3A_156 = tpu.vector_load %arg7[%get3A] {strides = array<i32>} : memref<16384xi32, #tpu.memory_space<vmem>>, vector<16xi32>,
        %gather3A = tpu.vector_load_idx %arg6[%get3A_156] : memref<40000xf32, #tpu.memory_space<vmem>>[vector<16xi32>], vector<16xf32>,
        %swap3A = arith.index_cast %mul3A_155 : i32 to index
        %swap3A_157 = tpu.vector_load %arg8[%swap3A] {strides = array<i32>} : memref<16384xf32, #tpu.memory_space<vmem>>, vector<16xf32>,
        tpu.vector_store %arg8[%swap3A], %gather3A {strides = array<i32>} : memref<16384xf32, #tpu.memory_space<vmem>>, vector<16xf32>,
      }
      %scan3A_152 = arith.constant 1024 : i32
      %run_scoped3A = arith.constant 8 : i32
      "tpu.region"() ({
        %run_scoped3A_153 = tpu.sem_alloc : memref<!tpu.dma_semaphore, #tpu.memory_space<semaphore_mem>>
        %dma_start3A_154 = arith.constant 0 : i32
        %dma_start3A_155 = tpu.memref_slice %arg5[%run_scoped3A, %dma_start3A_154] : memref<26x16384xf32, #tpu.memory_space<hbm>> -> memref<1x16384xf32, #tpu.memory_space<hbm>>
        %dma_start3A_156 = tpu.memref_squeeze %dma_start3A_155 : memref<1x16384xf32, #tpu.memory_space<hbm>> -> memref<16384xf32, #tpu.memory_space<hbm>>
        %dma_start3A_157 = arith.constant 0 : i32
        %dma_start3A_158 = tpu.memref_slice %arg5[%run_scoped3A, %dma_start3A_157] : memref<26x16384xf32, #tpu.memory_space<hbm>> -> memref<1x16384xf32, #tpu.memory_space<hbm>>
        %dma_start3A_159 = tpu.memref_squeeze %dma_start3A_158 : memref<1x16384xf32, #tpu.memory_space<hbm>> -> memref<16384xf32, #tpu.memory_space<hbm>>
        tpu.enqueue_dma source(%arg8 : memref<16384xf32, #tpu.memory_space<vmem>>) target(%dma_start3A_159 : memref<16384xf32, #tpu.memory_space<hbm>>) target_semaphore(%run_scoped3A_153 : memref<!tpu.dma_semaphore, #tpu.memory_space<semaphore_mem>>)
        %dma_wait3A_160 = arith.constant 0 : i32
        %dma_wait3A_161 = tpu.memref_slice %arg5[%run_scoped3A, %dma_wait3A_160] : memref<26x16384xf32, #tpu.memory_space<hbm>> -> memref<1x16384xf32, #tpu.memory_space<hbm>>
        %dma_wait3A_162 = tpu.memref_squeeze %dma_wait3A_161 : memref<1x16384xf32, #tpu.memory_space<hbm>> -> memref<16384xf32, #tpu.memory_space<hbm>>
        %dma_wait3A_163 = arith.constant 0 : i32
        %dma_wait3A_164 = tpu.memref_slice %arg5[%run_scoped3A, %dma_wait3A_163] : memref<26x16384xf32, #tpu.memory_space<hbm>> -> memref<1x16384xf32, #tpu.memory_space<hbm>>
        %dma_wait3A_165 = tpu.memref_squeeze %dma_wait3A_164 : memref<1x16384xf32, #tpu.memory_space<hbm>> -> memref<16384xf32, #tpu.memory_space<hbm>>
        tpu.wait_dma2 semaphore(%run_scoped3A_153 : memref<!tpu.dma_semaphore, #tpu.memory_space<semaphore_mem>>) src(%arg8 : memref<16384xf32, #tpu.memory_space<vmem>>) dst(%dma_wait3A_165 : memref<16384xf32, #tpu.memory_space<hbm>>)
        tpu.yield
      }) : () -> ()
    } else {
    }
    %eq3A_43 = arith.constant 9 : i32
    %eq3A_44 = arith.cmpi eq, %add3A, %eq3A_43 : i32
    %convert_element_type3A_45 = arith.extui %eq3A_44 : i1 to i32
    %cond3A_46 = arith.constant 0 : i32
    %cond3A_47 = arith.cmpi ne, %convert_element_type3A_45, %cond3A_46 : i32
    scf.if %cond3A_47 {
      %dma_start3A = arith.constant 360000 : i32
      %dma_start3A_128 = tpu.memref_slice %arg2[%dma_start3A] : memref<520000xf32, #tpu.memory_space<hbm>> -> memref<40000xf32, #tpu.memory_space<hbm>>
      %dma_start3A_129 = arith.constant 360000 : i32
      %dma_start3A_130 = tpu.memref_slice %arg2[%dma_start3A_129] : memref<520000xf32, #tpu.memory_space<hbm>> -> memref<40000xf32, #tpu.memory_space<hbm>>
      tpu.enqueue_dma source(%dma_start3A_130 : memref<40000xf32, #tpu.memory_space<hbm>>) target(%arg6 : memref<40000xf32, #tpu.memory_space<vmem>>) target_semaphore(%arg10 : memref<!tpu.dma_semaphore, #tpu.memory_space<semaphore_mem>>)
      %dma_start3A_131 = arith.constant 9 : i32
      %dma_start3A_132 = arith.constant 0 : i32
      %dma_start3A_133 = tpu.memref_slice %arg4[%dma_start3A_131, %dma_start3A_132] : memref<26x16384xi32, #tpu.memory_space<hbm>> -> memref<1x16384xi32, #tpu.memory_space<hbm>>
      %dma_start3A_134 = tpu.memref_squeeze %dma_start3A_133 : memref<1x16384xi32, #tpu.memory_space<hbm>> -> memref<16384xi32, #tpu.memory_space<hbm>>
      %dma_start3A_135 = arith.constant 0 : i32
      %dma_start3A_136 = tpu.memref_slice %arg4[%dma_start3A_131, %dma_start3A_135] : memref<26x16384xi32, #tpu.memory_space<hbm>> -> memref<1x16384xi32, #tpu.memory_space<hbm>>
      %dma_start3A_137 = tpu.memref_squeeze %dma_start3A_136 : memref<1x16384xi32, #tpu.memory_space<hbm>> -> memref<16384xi32, #tpu.memory_space<hbm>>
      tpu.enqueue_dma source(%dma_start3A_137 : memref<16384xi32, #tpu.memory_space<hbm>>) target(%arg7 : memref<16384xi32, #tpu.memory_space<vmem>>) target_semaphore(%arg9 : memref<!tpu.dma_semaphore, #tpu.memory_space<semaphore_mem>>)
      %dma_wait3A = arith.constant 9 : i32
      %dma_wait3A_138 = arith.constant 0 : i32
      %dma_wait3A_139 = tpu.memref_slice %arg4[%dma_wait3A, %dma_wait3A_138] : memref<26x16384xi32, #tpu.memory_space<hbm>> -> memref<1x16384xi32, #tpu.memory_space<hbm>>
      %dma_wait3A_140 = tpu.memref_squeeze %dma_wait3A_139 : memref<1x16384xi32, #tpu.memory_space<hbm>> -> memref<16384xi32, #tpu.memory_space<hbm>>
      %dma_wait3A_141 = arith.constant 0 : i32
      %dma_wait3A_142 = tpu.memref_slice %arg4[%dma_wait3A, %dma_wait3A_141] : memref<26x16384xi32, #tpu.memory_space<hbm>> -> memref<1x16384xi32, #tpu.memory_space<hbm>>
      %dma_wait3A_143 = tpu.memref_squeeze %dma_wait3A_142 : memref<1x16384xi32, #tpu.memory_space<hbm>> -> memref<16384xi32, #tpu.memory_space<hbm>>
      tpu.wait_dma2 semaphore(%arg9 : memref<!tpu.dma_semaphore, #tpu.memory_space<semaphore_mem>>) src(%dma_wait3A_143 : memref<16384xi32, #tpu.memory_space<hbm>>) dst(%arg7 : memref<16384xi32, #tpu.memory_space<vmem>>)
      %dma_wait3A_144 = arith.constant 360000 : i32
      %dma_wait3A_145 = tpu.memref_slice %arg2[%dma_wait3A_144] : memref<520000xf32, #tpu.memory_space<hbm>> -> memref<40000xf32, #tpu.memory_space<hbm>>
      %dma_wait3A_146 = arith.constant 360000 : i32
      %dma_wait3A_147 = tpu.memref_slice %arg2[%dma_wait3A_146] : memref<520000xf32, #tpu.memory_space<hbm>> -> memref<40000xf32, #tpu.memory_space<hbm>>
      tpu.wait_dma2 semaphore(%arg10 : memref<!tpu.dma_semaphore, #tpu.memory_space<semaphore_mem>>) src(%dma_wait3A_147 : memref<40000xf32, #tpu.memory_space<hbm>>) dst(%arg6 : memref<40000xf32, #tpu.memory_space<vmem>>)
      %scan3A = arith.constant 0 : i32
      %scan3A_148 = arith.constant 0 : i32
      %scan3A_149 = arith.constant 1024 : i32
      %scan3A_150 = arith.addi %scan3A_148, %scan3A_149 : i32
      %scan3A_151 = arith.constant 1 : i32
      scf.for %scan3A_153 = %scan3A_148 to %scan3A_150 step %scan3A_151  : i32 {
        %mul3A_154 = arith.constant 16 : i32
        %mul3A_155 = arith.muli %scan3A_153, %mul3A_154 : i32
        %get3A = arith.index_cast %mul3A_155 : i32 to index
        %get3A_156 = tpu.vector_load %arg7[%get3A] {strides = array<i32>} : memref<16384xi32, #tpu.memory_space<vmem>>, vector<16xi32>,
        %gather3A = tpu.vector_load_idx %arg6[%get3A_156] : memref<40000xf32, #tpu.memory_space<vmem>>[vector<16xi32>], vector<16xf32>,
        %swap3A = arith.index_cast %mul3A_155 : i32 to index
        %swap3A_157 = tpu.vector_load %arg8[%swap3A] {strides = array<i32>} : memref<16384xf32, #tpu.memory_space<vmem>>, vector<16xf32>,
        tpu.vector_store %arg8[%swap3A], %gather3A {strides = array<i32>} : memref<16384xf32, #tpu.memory_space<vmem>>, vector<16xf32>,
      }
      %scan3A_152 = arith.constant 1024 : i32
      %run_scoped3A = arith.constant 9 : i32
      "tpu.region"() ({
        %run_scoped3A_153 = tpu.sem_alloc : memref<!tpu.dma_semaphore, #tpu.memory_space<semaphore_mem>>
        %dma_start3A_154 = arith.constant 0 : i32
        %dma_start3A_155 = tpu.memref_slice %arg5[%run_scoped3A, %dma_start3A_154] : memref<26x16384xf32, #tpu.memory_space<hbm>> -> memref<1x16384xf32, #tpu.memory_space<hbm>>
        %dma_start3A_156 = tpu.memref_squeeze %dma_start3A_155 : memref<1x16384xf32, #tpu.memory_space<hbm>> -> memref<16384xf32, #tpu.memory_space<hbm>>
        %dma_start3A_157 = arith.constant 0 : i32
        %dma_start3A_158 = tpu.memref_slice %arg5[%run_scoped3A, %dma_start3A_157] : memref<26x16384xf32, #tpu.memory_space<hbm>> -> memref<1x16384xf32, #tpu.memory_space<hbm>>
        %dma_start3A_159 = tpu.memref_squeeze %dma_start3A_158 : memref<1x16384xf32, #tpu.memory_space<hbm>> -> memref<16384xf32, #tpu.memory_space<hbm>>
        tpu.enqueue_dma source(%arg8 : memref<16384xf32, #tpu.memory_space<vmem>>) target(%dma_start3A_159 : memref<16384xf32, #tpu.memory_space<hbm>>) target_semaphore(%run_scoped3A_153 : memref<!tpu.dma_semaphore, #tpu.memory_space<semaphore_mem>>)
        %dma_wait3A_160 = arith.constant 0 : i32
        %dma_wait3A_161 = tpu.memref_slice %arg5[%run_scoped3A, %dma_wait3A_160] : memref<26x16384xf32, #tpu.memory_space<hbm>> -> memref<1x16384xf32, #tpu.memory_space<hbm>>
        %dma_wait3A_162 = tpu.memref_squeeze %dma_wait3A_161 : memref<1x16384xf32, #tpu.memory_space<hbm>> -> memref<16384xf32, #tpu.memory_space<hbm>>
        %dma_wait3A_163 = arith.constant 0 : i32
        %dma_wait3A_164 = tpu.memref_slice %arg5[%run_scoped3A, %dma_wait3A_163] : memref<26x16384xf32, #tpu.memory_space<hbm>> -> memref<1x16384xf32, #tpu.memory_space<hbm>>
        %dma_wait3A_165 = tpu.memref_squeeze %dma_wait3A_164 : memref<1x16384xf32, #tpu.memory_space<hbm>> -> memref<16384xf32, #tpu.memory_space<hbm>>
        tpu.wait_dma2 semaphore(%run_scoped3A_153 : memref<!tpu.dma_semaphore, #tpu.memory_space<semaphore_mem>>) src(%arg8 : memref<16384xf32, #tpu.memory_space<vmem>>) dst(%dma_wait3A_165 : memref<16384xf32, #tpu.memory_space<hbm>>)
        tpu.yield
      }) : () -> ()
    } else {
    }
    %eq3A_48 = arith.constant 10 : i32
    %eq3A_49 = arith.cmpi eq, %add3A, %eq3A_48 : i32
    %convert_element_type3A_50 = arith.extui %eq3A_49 : i1 to i32
    %cond3A_51 = arith.constant 0 : i32
    %cond3A_52 = arith.cmpi ne, %convert_element_type3A_50, %cond3A_51 : i32
    scf.if %cond3A_52 {
      %dma_start3A = arith.constant 400000 : i32
      %dma_start3A_128 = tpu.memref_slice %arg2[%dma_start3A] : memref<520000xf32, #tpu.memory_space<hbm>> -> memref<40000xf32, #tpu.memory_space<hbm>>
      %dma_start3A_129 = arith.constant 400000 : i32
      %dma_start3A_130 = tpu.memref_slice %arg2[%dma_start3A_129] : memref<520000xf32, #tpu.memory_space<hbm>> -> memref<40000xf32, #tpu.memory_space<hbm>>
      tpu.enqueue_dma source(%dma_start3A_130 : memref<40000xf32, #tpu.memory_space<hbm>>) target(%arg6 : memref<40000xf32, #tpu.memory_space<vmem>>) target_semaphore(%arg10 : memref<!tpu.dma_semaphore, #tpu.memory_space<semaphore_mem>>)
      %dma_start3A_131 = arith.constant 10 : i32
      %dma_start3A_132 = arith.constant 0 : i32
      %dma_start3A_133 = tpu.memref_slice %arg4[%dma_start3A_131, %dma_start3A_132] : memref<26x16384xi32, #tpu.memory_space<hbm>> -> memref<1x16384xi32, #tpu.memory_space<hbm>>
      %dma_start3A_134 = tpu.memref_squeeze %dma_start3A_133 : memref<1x16384xi32, #tpu.memory_space<hbm>> -> memref<16384xi32, #tpu.memory_space<hbm>>
      %dma_start3A_135 = arith.constant 0 : i32
      %dma_start3A_136 = tpu.memref_slice %arg4[%dma_start3A_131, %dma_start3A_135] : memref<26x16384xi32, #tpu.memory_space<hbm>> -> memref<1x16384xi32, #tpu.memory_space<hbm>>
      %dma_start3A_137 = tpu.memref_squeeze %dma_start3A_136 : memref<1x16384xi32, #tpu.memory_space<hbm>> -> memref<16384xi32, #tpu.memory_space<hbm>>
      tpu.enqueue_dma source(%dma_start3A_137 : memref<16384xi32, #tpu.memory_space<hbm>>) target(%arg7 : memref<16384xi32, #tpu.memory_space<vmem>>) target_semaphore(%arg9 : memref<!tpu.dma_semaphore, #tpu.memory_space<semaphore_mem>>)
      %dma_wait3A = arith.constant 10 : i32
      %dma_wait3A_138 = arith.constant 0 : i32
      %dma_wait3A_139 = tpu.memref_slice %arg4[%dma_wait3A, %dma_wait3A_138] : memref<26x16384xi32, #tpu.memory_space<hbm>> -> memref<1x16384xi32, #tpu.memory_space<hbm>>
      %dma_wait3A_140 = tpu.memref_squeeze %dma_wait3A_139 : memref<1x16384xi32, #tpu.memory_space<hbm>> -> memref<16384xi32, #tpu.memory_space<hbm>>
      %dma_wait3A_141 = arith.constant 0 : i32
      %dma_wait3A_142 = tpu.memref_slice %arg4[%dma_wait3A, %dma_wait3A_141] : memref<26x16384xi32, #tpu.memory_space<hbm>> -> memref<1x16384xi32, #tpu.memory_space<hbm>>
      %dma_wait3A_143 = tpu.memref_squeeze %dma_wait3A_142 : memref<1x16384xi32, #tpu.memory_space<hbm>> -> memref<16384xi32, #tpu.memory_space<hbm>>
      tpu.wait_dma2 semaphore(%arg9 : memref<!tpu.dma_semaphore, #tpu.memory_space<semaphore_mem>>) src(%dma_wait3A_143 : memref<16384xi32, #tpu.memory_space<hbm>>) dst(%arg7 : memref<16384xi32, #tpu.memory_space<vmem>>)
      %dma_wait3A_144 = arith.constant 400000 : i32
      %dma_wait3A_145 = tpu.memref_slice %arg2[%dma_wait3A_144] : memref<520000xf32, #tpu.memory_space<hbm>> -> memref<40000xf32, #tpu.memory_space<hbm>>
      %dma_wait3A_146 = arith.constant 400000 : i32
      %dma_wait3A_147 = tpu.memref_slice %arg2[%dma_wait3A_146] : memref<520000xf32, #tpu.memory_space<hbm>> -> memref<40000xf32, #tpu.memory_space<hbm>>
      tpu.wait_dma2 semaphore(%arg10 : memref<!tpu.dma_semaphore, #tpu.memory_space<semaphore_mem>>) src(%dma_wait3A_147 : memref<40000xf32, #tpu.memory_space<hbm>>) dst(%arg6 : memref<40000xf32, #tpu.memory_space<vmem>>)
      %scan3A = arith.constant 0 : i32
      %scan3A_148 = arith.constant 0 : i32
      %scan3A_149 = arith.constant 1024 : i32
      %scan3A_150 = arith.addi %scan3A_148, %scan3A_149 : i32
      %scan3A_151 = arith.constant 1 : i32
      scf.for %scan3A_153 = %scan3A_148 to %scan3A_150 step %scan3A_151  : i32 {
        %mul3A_154 = arith.constant 16 : i32
        %mul3A_155 = arith.muli %scan3A_153, %mul3A_154 : i32
        %get3A = arith.index_cast %mul3A_155 : i32 to index
        %get3A_156 = tpu.vector_load %arg7[%get3A] {strides = array<i32>} : memref<16384xi32, #tpu.memory_space<vmem>>, vector<16xi32>,
        %gather3A = tpu.vector_load_idx %arg6[%get3A_156] : memref<40000xf32, #tpu.memory_space<vmem>>[vector<16xi32>], vector<16xf32>,
        %swap3A = arith.index_cast %mul3A_155 : i32 to index
        %swap3A_157 = tpu.vector_load %arg8[%swap3A] {strides = array<i32>} : memref<16384xf32, #tpu.memory_space<vmem>>, vector<16xf32>,
        tpu.vector_store %arg8[%swap3A], %gather3A {strides = array<i32>} : memref<16384xf32, #tpu.memory_space<vmem>>, vector<16xf32>,
      }
      %scan3A_152 = arith.constant 1024 : i32
      %run_scoped3A = arith.constant 10 : i32
      "tpu.region"() ({
        %run_scoped3A_153 = tpu.sem_alloc : memref<!tpu.dma_semaphore, #tpu.memory_space<semaphore_mem>>
        %dma_start3A_154 = arith.constant 0 : i32
        %dma_start3A_155 = tpu.memref_slice %arg5[%run_scoped3A, %dma_start3A_154] : memref<26x16384xf32, #tpu.memory_space<hbm>> -> memref<1x16384xf32, #tpu.memory_space<hbm>>
        %dma_start3A_156 = tpu.memref_squeeze %dma_start3A_155 : memref<1x16384xf32, #tpu.memory_space<hbm>> -> memref<16384xf32, #tpu.memory_space<hbm>>
        %dma_start3A_157 = arith.constant 0 : i32
        %dma_start3A_158 = tpu.memref_slice %arg5[%run_scoped3A, %dma_start3A_157] : memref<26x16384xf32, #tpu.memory_space<hbm>> -> memref<1x16384xf32, #tpu.memory_space<hbm>>
        %dma_start3A_159 = tpu.memref_squeeze %dma_start3A_158 : memref<1x16384xf32, #tpu.memory_space<hbm>> -> memref<16384xf32, #tpu.memory_space<hbm>>
        tpu.enqueue_dma source(%arg8 : memref<16384xf32, #tpu.memory_space<vmem>>) target(%dma_start3A_159 : memref<16384xf32, #tpu.memory_space<hbm>>) target_semaphore(%run_scoped3A_153 : memref<!tpu.dma_semaphore, #tpu.memory_space<semaphore_mem>>)
        %dma_wait3A_160 = arith.constant 0 : i32
        %dma_wait3A_161 = tpu.memref_slice %arg5[%run_scoped3A, %dma_wait3A_160] : memref<26x16384xf32, #tpu.memory_space<hbm>> -> memref<1x16384xf32, #tpu.memory_space<hbm>>
        %dma_wait3A_162 = tpu.memref_squeeze %dma_wait3A_161 : memref<1x16384xf32, #tpu.memory_space<hbm>> -> memref<16384xf32, #tpu.memory_space<hbm>>
        %dma_wait3A_163 = arith.constant 0 : i32
        %dma_wait3A_164 = tpu.memref_slice %arg5[%run_scoped3A, %dma_wait3A_163] : memref<26x16384xf32, #tpu.memory_space<hbm>> -> memref<1x16384xf32, #tpu.memory_space<hbm>>
        %dma_wait3A_165 = tpu.memref_squeeze %dma_wait3A_164 : memref<1x16384xf32, #tpu.memory_space<hbm>> -> memref<16384xf32, #tpu.memory_space<hbm>>
        tpu.wait_dma2 semaphore(%run_scoped3A_153 : memref<!tpu.dma_semaphore, #tpu.memory_space<semaphore_mem>>) src(%arg8 : memref<16384xf32, #tpu.memory_space<vmem>>) dst(%dma_wait3A_165 : memref<16384xf32, #tpu.memory_space<hbm>>)
        tpu.yield
      }) : () -> ()
    } else {
    }
    %eq3A_53 = arith.constant 11 : i32
    %eq3A_54 = arith.cmpi eq, %add3A, %eq3A_53 : i32
    %convert_element_type3A_55 = arith.extui %eq3A_54 : i1 to i32
    %cond3A_56 = arith.constant 0 : i32
    %cond3A_57 = arith.cmpi ne, %convert_element_type3A_55, %cond3A_56 : i32
    scf.if %cond3A_57 {
      %dma_start3A = arith.constant 440000 : i32
      %dma_start3A_128 = tpu.memref_slice %arg2[%dma_start3A] : memref<520000xf32, #tpu.memory_space<hbm>> -> memref<40000xf32, #tpu.memory_space<hbm>>
      %dma_start3A_129 = arith.constant 440000 : i32
      %dma_start3A_130 = tpu.memref_slice %arg2[%dma_start3A_129] : memref<520000xf32, #tpu.memory_space<hbm>> -> memref<40000xf32, #tpu.memory_space<hbm>>
      tpu.enqueue_dma source(%dma_start3A_130 : memref<40000xf32, #tpu.memory_space<hbm>>) target(%arg6 : memref<40000xf32, #tpu.memory_space<vmem>>) target_semaphore(%arg10 : memref<!tpu.dma_semaphore, #tpu.memory_space<semaphore_mem>>)
      %dma_start3A_131 = arith.constant 11 : i32
      %dma_start3A_132 = arith.constant 0 : i32
      %dma_start3A_133 = tpu.memref_slice %arg4[%dma_start3A_131, %dma_start3A_132] : memref<26x16384xi32, #tpu.memory_space<hbm>> -> memref<1x16384xi32, #tpu.memory_space<hbm>>
      %dma_start3A_134 = tpu.memref_squeeze %dma_start3A_133 : memref<1x16384xi32, #tpu.memory_space<hbm>> -> memref<16384xi32, #tpu.memory_space<hbm>>
      %dma_start3A_135 = arith.constant 0 : i32
      %dma_start3A_136 = tpu.memref_slice %arg4[%dma_start3A_131, %dma_start3A_135] : memref<26x16384xi32, #tpu.memory_space<hbm>> -> memref<1x16384xi32, #tpu.memory_space<hbm>>
      %dma_start3A_137 = tpu.memref_squeeze %dma_start3A_136 : memref<1x16384xi32, #tpu.memory_space<hbm>> -> memref<16384xi32, #tpu.memory_space<hbm>>
      tpu.enqueue_dma source(%dma_start3A_137 : memref<16384xi32, #tpu.memory_space<hbm>>) target(%arg7 : memref<16384xi32, #tpu.memory_space<vmem>>) target_semaphore(%arg9 : memref<!tpu.dma_semaphore, #tpu.memory_space<semaphore_mem>>)
      %dma_wait3A = arith.constant 11 : i32
      %dma_wait3A_138 = arith.constant 0 : i32
      %dma_wait3A_139 = tpu.memref_slice %arg4[%dma_wait3A, %dma_wait3A_138] : memref<26x16384xi32, #tpu.memory_space<hbm>> -> memref<1x16384xi32, #tpu.memory_space<hbm>>
      %dma_wait3A_140 = tpu.memref_squeeze %dma_wait3A_139 : memref<1x16384xi32, #tpu.memory_space<hbm>> -> memref<16384xi32, #tpu.memory_space<hbm>>
      %dma_wait3A_141 = arith.constant 0 : i32
      %dma_wait3A_142 = tpu.memref_slice %arg4[%dma_wait3A, %dma_wait3A_141] : memref<26x16384xi32, #tpu.memory_space<hbm>> -> memref<1x16384xi32, #tpu.memory_space<hbm>>
      %dma_wait3A_143 = tpu.memref_squeeze %dma_wait3A_142 : memref<1x16384xi32, #tpu.memory_space<hbm>> -> memref<16384xi32, #tpu.memory_space<hbm>>
      tpu.wait_dma2 semaphore(%arg9 : memref<!tpu.dma_semaphore, #tpu.memory_space<semaphore_mem>>) src(%dma_wait3A_143 : memref<16384xi32, #tpu.memory_space<hbm>>) dst(%arg7 : memref<16384xi32, #tpu.memory_space<vmem>>)
      %dma_wait3A_144 = arith.constant 440000 : i32
      %dma_wait3A_145 = tpu.memref_slice %arg2[%dma_wait3A_144] : memref<520000xf32, #tpu.memory_space<hbm>> -> memref<40000xf32, #tpu.memory_space<hbm>>
      %dma_wait3A_146 = arith.constant 440000 : i32
      %dma_wait3A_147 = tpu.memref_slice %arg2[%dma_wait3A_146] : memref<520000xf32, #tpu.memory_space<hbm>> -> memref<40000xf32, #tpu.memory_space<hbm>>
      tpu.wait_dma2 semaphore(%arg10 : memref<!tpu.dma_semaphore, #tpu.memory_space<semaphore_mem>>) src(%dma_wait3A_147 : memref<40000xf32, #tpu.memory_space<hbm>>) dst(%arg6 : memref<40000xf32, #tpu.memory_space<vmem>>)
      %scan3A = arith.constant 0 : i32
      %scan3A_148 = arith.constant 0 : i32
      %scan3A_149 = arith.constant 1024 : i32
      %scan3A_150 = arith.addi %scan3A_148, %scan3A_149 : i32
      %scan3A_151 = arith.constant 1 : i32
      scf.for %scan3A_153 = %scan3A_148 to %scan3A_150 step %scan3A_151  : i32 {
        %mul3A_154 = arith.constant 16 : i32
        %mul3A_155 = arith.muli %scan3A_153, %mul3A_154 : i32
        %get3A = arith.index_cast %mul3A_155 : i32 to index
        %get3A_156 = tpu.vector_load %arg7[%get3A] {strides = array<i32>} : memref<16384xi32, #tpu.memory_space<vmem>>, vector<16xi32>,
        %gather3A = tpu.vector_load_idx %arg6[%get3A_156] : memref<40000xf32, #tpu.memory_space<vmem>>[vector<16xi32>], vector<16xf32>,
        %swap3A = arith.index_cast %mul3A_155 : i32 to index
        %swap3A_157 = tpu.vector_load %arg8[%swap3A] {strides = array<i32>} : memref<16384xf32, #tpu.memory_space<vmem>>, vector<16xf32>,
        tpu.vector_store %arg8[%swap3A], %gather3A {strides = array<i32>} : memref<16384xf32, #tpu.memory_space<vmem>>, vector<16xf32>,
      }
      %scan3A_152 = arith.constant 1024 : i32
      %run_scoped3A = arith.constant 11 : i32
      "tpu.region"() ({
        %run_scoped3A_153 = tpu.sem_alloc : memref<!tpu.dma_semaphore, #tpu.memory_space<semaphore_mem>>
        %dma_start3A_154 = arith.constant 0 : i32
        %dma_start3A_155 = tpu.memref_slice %arg5[%run_scoped3A, %dma_start3A_154] : memref<26x16384xf32, #tpu.memory_space<hbm>> -> memref<1x16384xf32, #tpu.memory_space<hbm>>
        %dma_start3A_156 = tpu.memref_squeeze %dma_start3A_155 : memref<1x16384xf32, #tpu.memory_space<hbm>> -> memref<16384xf32, #tpu.memory_space<hbm>>
        %dma_start3A_157 = arith.constant 0 : i32
        %dma_start3A_158 = tpu.memref_slice %arg5[%run_scoped3A, %dma_start3A_157] : memref<26x16384xf32, #tpu.memory_space<hbm>> -> memref<1x16384xf32, #tpu.memory_space<hbm>>
        %dma_start3A_159 = tpu.memref_squeeze %dma_start3A_158 : memref<1x16384xf32, #tpu.memory_space<hbm>> -> memref<16384xf32, #tpu.memory_space<hbm>>
        tpu.enqueue_dma source(%arg8 : memref<16384xf32, #tpu.memory_space<vmem>>) target(%dma_start3A_159 : memref<16384xf32, #tpu.memory_space<hbm>>) target_semaphore(%run_scoped3A_153 : memref<!tpu.dma_semaphore, #tpu.memory_space<semaphore_mem>>)
        %dma_wait3A_160 = arith.constant 0 : i32
        %dma_wait3A_161 = tpu.memref_slice %arg5[%run_scoped3A, %dma_wait3A_160] : memref<26x16384xf32, #tpu.memory_space<hbm>> -> memref<1x16384xf32, #tpu.memory_space<hbm>>
        %dma_wait3A_162 = tpu.memref_squeeze %dma_wait3A_161 : memref<1x16384xf32, #tpu.memory_space<hbm>> -> memref<16384xf32, #tpu.memory_space<hbm>>
        %dma_wait3A_163 = arith.constant 0 : i32
        %dma_wait3A_164 = tpu.memref_slice %arg5[%run_scoped3A, %dma_wait3A_163] : memref<26x16384xf32, #tpu.memory_space<hbm>> -> memref<1x16384xf32, #tpu.memory_space<hbm>>
        %dma_wait3A_165 = tpu.memref_squeeze %dma_wait3A_164 : memref<1x16384xf32, #tpu.memory_space<hbm>> -> memref<16384xf32, #tpu.memory_space<hbm>>
        tpu.wait_dma2 semaphore(%run_scoped3A_153 : memref<!tpu.dma_semaphore, #tpu.memory_space<semaphore_mem>>) src(%arg8 : memref<16384xf32, #tpu.memory_space<vmem>>) dst(%dma_wait3A_165 : memref<16384xf32, #tpu.memory_space<hbm>>)
        tpu.yield
      }) : () -> ()
    } else {
    }
    %eq3A_58 = arith.constant 12 : i32
    %eq3A_59 = arith.cmpi eq, %add3A, %eq3A_58 : i32
    %convert_element_type3A_60 = arith.extui %eq3A_59 : i1 to i32
    %cond3A_61 = arith.constant 0 : i32
    %cond3A_62 = arith.cmpi ne, %convert_element_type3A_60, %cond3A_61 : i32
    scf.if %cond3A_62 {
      %dma_start3A = arith.constant 480000 : i32
      %dma_start3A_128 = tpu.memref_slice %arg2[%dma_start3A] : memref<520000xf32, #tpu.memory_space<hbm>> -> memref<40000xf32, #tpu.memory_space<hbm>>
      %dma_start3A_129 = arith.constant 480000 : i32
      %dma_start3A_130 = tpu.memref_slice %arg2[%dma_start3A_129] : memref<520000xf32, #tpu.memory_space<hbm>> -> memref<40000xf32, #tpu.memory_space<hbm>>
      tpu.enqueue_dma source(%dma_start3A_130 : memref<40000xf32, #tpu.memory_space<hbm>>) target(%arg6 : memref<40000xf32, #tpu.memory_space<vmem>>) target_semaphore(%arg10 : memref<!tpu.dma_semaphore, #tpu.memory_space<semaphore_mem>>)
      %dma_start3A_131 = arith.constant 12 : i32
      %dma_start3A_132 = arith.constant 0 : i32
      %dma_start3A_133 = tpu.memref_slice %arg4[%dma_start3A_131, %dma_start3A_132] : memref<26x16384xi32, #tpu.memory_space<hbm>> -> memref<1x16384xi32, #tpu.memory_space<hbm>>
      %dma_start3A_134 = tpu.memref_squeeze %dma_start3A_133 : memref<1x16384xi32, #tpu.memory_space<hbm>> -> memref<16384xi32, #tpu.memory_space<hbm>>
      %dma_start3A_135 = arith.constant 0 : i32
      %dma_start3A_136 = tpu.memref_slice %arg4[%dma_start3A_131, %dma_start3A_135] : memref<26x16384xi32, #tpu.memory_space<hbm>> -> memref<1x16384xi32, #tpu.memory_space<hbm>>
      %dma_start3A_137 = tpu.memref_squeeze %dma_start3A_136 : memref<1x16384xi32, #tpu.memory_space<hbm>> -> memref<16384xi32, #tpu.memory_space<hbm>>
      tpu.enqueue_dma source(%dma_start3A_137 : memref<16384xi32, #tpu.memory_space<hbm>>) target(%arg7 : memref<16384xi32, #tpu.memory_space<vmem>>) target_semaphore(%arg9 : memref<!tpu.dma_semaphore, #tpu.memory_space<semaphore_mem>>)
      %dma_wait3A = arith.constant 12 : i32
      %dma_wait3A_138 = arith.constant 0 : i32
      %dma_wait3A_139 = tpu.memref_slice %arg4[%dma_wait3A, %dma_wait3A_138] : memref<26x16384xi32, #tpu.memory_space<hbm>> -> memref<1x16384xi32, #tpu.memory_space<hbm>>
      %dma_wait3A_140 = tpu.memref_squeeze %dma_wait3A_139 : memref<1x16384xi32, #tpu.memory_space<hbm>> -> memref<16384xi32, #tpu.memory_space<hbm>>
      %dma_wait3A_141 = arith.constant 0 : i32
      %dma_wait3A_142 = tpu.memref_slice %arg4[%dma_wait3A, %dma_wait3A_141] : memref<26x16384xi32, #tpu.memory_space<hbm>> -> memref<1x16384xi32, #tpu.memory_space<hbm>>
      %dma_wait3A_143 = tpu.memref_squeeze %dma_wait3A_142 : memref<1x16384xi32, #tpu.memory_space<hbm>> -> memref<16384xi32, #tpu.memory_space<hbm>>
      tpu.wait_dma2 semaphore(%arg9 : memref<!tpu.dma_semaphore, #tpu.memory_space<semaphore_mem>>) src(%dma_wait3A_143 : memref<16384xi32, #tpu.memory_space<hbm>>) dst(%arg7 : memref<16384xi32, #tpu.memory_space<vmem>>)
      %dma_wait3A_144 = arith.constant 480000 : i32
      %dma_wait3A_145 = tpu.memref_slice %arg2[%dma_wait3A_144] : memref<520000xf32, #tpu.memory_space<hbm>> -> memref<40000xf32, #tpu.memory_space<hbm>>
      %dma_wait3A_146 = arith.constant 480000 : i32
      %dma_wait3A_147 = tpu.memref_slice %arg2[%dma_wait3A_146] : memref<520000xf32, #tpu.memory_space<hbm>> -> memref<40000xf32, #tpu.memory_space<hbm>>
      tpu.wait_dma2 semaphore(%arg10 : memref<!tpu.dma_semaphore, #tpu.memory_space<semaphore_mem>>) src(%dma_wait3A_147 : memref<40000xf32, #tpu.memory_space<hbm>>) dst(%arg6 : memref<40000xf32, #tpu.memory_space<vmem>>)
      %scan3A = arith.constant 0 : i32
      %scan3A_148 = arith.constant 0 : i32
      %scan3A_149 = arith.constant 1024 : i32
      %scan3A_150 = arith.addi %scan3A_148, %scan3A_149 : i32
      %scan3A_151 = arith.constant 1 : i32
      scf.for %scan3A_153 = %scan3A_148 to %scan3A_150 step %scan3A_151  : i32 {
        %mul3A_154 = arith.constant 16 : i32
        %mul3A_155 = arith.muli %scan3A_153, %mul3A_154 : i32
        %get3A = arith.index_cast %mul3A_155 : i32 to index
        %get3A_156 = tpu.vector_load %arg7[%get3A] {strides = array<i32>} : memref<16384xi32, #tpu.memory_space<vmem>>, vector<16xi32>,
        %gather3A = tpu.vector_load_idx %arg6[%get3A_156] : memref<40000xf32, #tpu.memory_space<vmem>>[vector<16xi32>], vector<16xf32>,
        %swap3A = arith.index_cast %mul3A_155 : i32 to index
        %swap3A_157 = tpu.vector_load %arg8[%swap3A] {strides = array<i32>} : memref<16384xf32, #tpu.memory_space<vmem>>, vector<16xf32>,
        tpu.vector_store %arg8[%swap3A], %gather3A {strides = array<i32>} : memref<16384xf32, #tpu.memory_space<vmem>>, vector<16xf32>,
      }
      %scan3A_152 = arith.constant 1024 : i32
      %run_scoped3A = arith.constant 12 : i32
      "tpu.region"() ({
        %run_scoped3A_153 = tpu.sem_alloc : memref<!tpu.dma_semaphore, #tpu.memory_space<semaphore_mem>>
        %dma_start3A_154 = arith.constant 0 : i32
        %dma_start3A_155 = tpu.memref_slice %arg5[%run_scoped3A, %dma_start3A_154] : memref<26x16384xf32, #tpu.memory_space<hbm>> -> memref<1x16384xf32, #tpu.memory_space<hbm>>
        %dma_start3A_156 = tpu.memref_squeeze %dma_start3A_155 : memref<1x16384xf32, #tpu.memory_space<hbm>> -> memref<16384xf32, #tpu.memory_space<hbm>>
        %dma_start3A_157 = arith.constant 0 : i32
        %dma_start3A_158 = tpu.memref_slice %arg5[%run_scoped3A, %dma_start3A_157] : memref<26x16384xf32, #tpu.memory_space<hbm>> -> memref<1x16384xf32, #tpu.memory_space<hbm>>
        %dma_start3A_159 = tpu.memref_squeeze %dma_start3A_158 : memref<1x16384xf32, #tpu.memory_space<hbm>> -> memref<16384xf32, #tpu.memory_space<hbm>>
        tpu.enqueue_dma source(%arg8 : memref<16384xf32, #tpu.memory_space<vmem>>) target(%dma_start3A_159 : memref<16384xf32, #tpu.memory_space<hbm>>) target_semaphore(%run_scoped3A_153 : memref<!tpu.dma_semaphore, #tpu.memory_space<semaphore_mem>>)
        %dma_wait3A_160 = arith.constant 0 : i32
        %dma_wait3A_161 = tpu.memref_slice %arg5[%run_scoped3A, %dma_wait3A_160] : memref<26x16384xf32, #tpu.memory_space<hbm>> -> memref<1x16384xf32, #tpu.memory_space<hbm>>
        %dma_wait3A_162 = tpu.memref_squeeze %dma_wait3A_161 : memref<1x16384xf32, #tpu.memory_space<hbm>> -> memref<16384xf32, #tpu.memory_space<hbm>>
        %dma_wait3A_163 = arith.constant 0 : i32
        %dma_wait3A_164 = tpu.memref_slice %arg5[%run_scoped3A, %dma_wait3A_163] : memref<26x16384xf32, #tpu.memory_space<hbm>> -> memref<1x16384xf32, #tpu.memory_space<hbm>>
        %dma_wait3A_165 = tpu.memref_squeeze %dma_wait3A_164 : memref<1x16384xf32, #tpu.memory_space<hbm>> -> memref<16384xf32, #tpu.memory_space<hbm>>
        tpu.wait_dma2 semaphore(%run_scoped3A_153 : memref<!tpu.dma_semaphore, #tpu.memory_space<semaphore_mem>>) src(%arg8 : memref<16384xf32, #tpu.memory_space<vmem>>) dst(%dma_wait3A_165 : memref<16384xf32, #tpu.memory_space<hbm>>)
        tpu.yield
      }) : () -> ()
    } else {
    }
    %eq3A_63 = arith.constant 13 : i32
    %eq3A_64 = arith.cmpi eq, %add3A, %eq3A_63 : i32
    %convert_element_type3A_65 = arith.extui %eq3A_64 : i1 to i32
    %cond3A_66 = arith.constant 0 : i32
    %cond3A_67 = arith.cmpi ne, %convert_element_type3A_65, %cond3A_66 : i32
    scf.if %cond3A_67 {
      %dma_start3A = arith.constant 0 : i32
      %dma_start3A_128 = tpu.memref_slice %arg3[%dma_start3A] : memref<520000xf32, #tpu.memory_space<hbm>> -> memref<40000xf32, #tpu.memory_space<hbm>>
      %dma_start3A_129 = arith.constant 0 : i32
      %dma_start3A_130 = tpu.memref_slice %arg3[%dma_start3A_129] : memref<520000xf32, #tpu.memory_space<hbm>> -> memref<40000xf32, #tpu.memory_space<hbm>>
      tpu.enqueue_dma source(%dma_start3A_130 : memref<40000xf32, #tpu.memory_space<hbm>>) target(%arg6 : memref<40000xf32, #tpu.memory_space<vmem>>) target_semaphore(%arg10 : memref<!tpu.dma_semaphore, #tpu.memory_space<semaphore_mem>>)
      %dma_start3A_131 = arith.constant 13 : i32
      %dma_start3A_132 = arith.constant 0 : i32
      %dma_start3A_133 = tpu.memref_slice %arg4[%dma_start3A_131, %dma_start3A_132] : memref<26x16384xi32, #tpu.memory_space<hbm>> -> memref<1x16384xi32, #tpu.memory_space<hbm>>
      %dma_start3A_134 = tpu.memref_squeeze %dma_start3A_133 : memref<1x16384xi32, #tpu.memory_space<hbm>> -> memref<16384xi32, #tpu.memory_space<hbm>>
      %dma_start3A_135 = arith.constant 0 : i32
      %dma_start3A_136 = tpu.memref_slice %arg4[%dma_start3A_131, %dma_start3A_135] : memref<26x16384xi32, #tpu.memory_space<hbm>> -> memref<1x16384xi32, #tpu.memory_space<hbm>>
      %dma_start3A_137 = tpu.memref_squeeze %dma_start3A_136 : memref<1x16384xi32, #tpu.memory_space<hbm>> -> memref<16384xi32, #tpu.memory_space<hbm>>
      tpu.enqueue_dma source(%dma_start3A_137 : memref<16384xi32, #tpu.memory_space<hbm>>) target(%arg7 : memref<16384xi32, #tpu.memory_space<vmem>>) target_semaphore(%arg9 : memref<!tpu.dma_semaphore, #tpu.memory_space<semaphore_mem>>)
      %dma_wait3A = arith.constant 13 : i32
      %dma_wait3A_138 = arith.constant 0 : i32
      %dma_wait3A_139 = tpu.memref_slice %arg4[%dma_wait3A, %dma_wait3A_138] : memref<26x16384xi32, #tpu.memory_space<hbm>> -> memref<1x16384xi32, #tpu.memory_space<hbm>>
      %dma_wait3A_140 = tpu.memref_squeeze %dma_wait3A_139 : memref<1x16384xi32, #tpu.memory_space<hbm>> -> memref<16384xi32, #tpu.memory_space<hbm>>
      %dma_wait3A_141 = arith.constant 0 : i32
      %dma_wait3A_142 = tpu.memref_slice %arg4[%dma_wait3A, %dma_wait3A_141] : memref<26x16384xi32, #tpu.memory_space<hbm>> -> memref<1x16384xi32, #tpu.memory_space<hbm>>
      %dma_wait3A_143 = tpu.memref_squeeze %dma_wait3A_142 : memref<1x16384xi32, #tpu.memory_space<hbm>> -> memref<16384xi32, #tpu.memory_space<hbm>>
      tpu.wait_dma2 semaphore(%arg9 : memref<!tpu.dma_semaphore, #tpu.memory_space<semaphore_mem>>) src(%dma_wait3A_143 : memref<16384xi32, #tpu.memory_space<hbm>>) dst(%arg7 : memref<16384xi32, #tpu.memory_space<vmem>>)
      %dma_wait3A_144 = arith.constant 0 : i32
      %dma_wait3A_145 = tpu.memref_slice %arg3[%dma_wait3A_144] : memref<520000xf32, #tpu.memory_space<hbm>> -> memref<40000xf32, #tpu.memory_space<hbm>>
      %dma_wait3A_146 = arith.constant 0 : i32
      %dma_wait3A_147 = tpu.memref_slice %arg3[%dma_wait3A_146] : memref<520000xf32, #tpu.memory_space<hbm>> -> memref<40000xf32, #tpu.memory_space<hbm>>
      tpu.wait_dma2 semaphore(%arg10 : memref<!tpu.dma_semaphore, #tpu.memory_space<semaphore_mem>>) src(%dma_wait3A_147 : memref<40000xf32, #tpu.memory_space<hbm>>) dst(%arg6 : memref<40000xf32, #tpu.memory_space<vmem>>)
      %scan3A = arith.constant 0 : i32
      %scan3A_148 = arith.constant 0 : i32
      %scan3A_149 = arith.constant 1024 : i32
      %scan3A_150 = arith.addi %scan3A_148, %scan3A_149 : i32
      %scan3A_151 = arith.constant 1 : i32
      scf.for %scan3A_153 = %scan3A_148 to %scan3A_150 step %scan3A_151  : i32 {
        %mul3A_154 = arith.constant 16 : i32
        %mul3A_155 = arith.muli %scan3A_153, %mul3A_154 : i32
        %get3A = arith.index_cast %mul3A_155 : i32 to index
        %get3A_156 = tpu.vector_load %arg7[%get3A] {strides = array<i32>} : memref<16384xi32, #tpu.memory_space<vmem>>, vector<16xi32>,
        %gather3A = tpu.vector_load_idx %arg6[%get3A_156] : memref<40000xf32, #tpu.memory_space<vmem>>[vector<16xi32>], vector<16xf32>,
        %swap3A = arith.index_cast %mul3A_155 : i32 to index
        %swap3A_157 = tpu.vector_load %arg8[%swap3A] {strides = array<i32>} : memref<16384xf32, #tpu.memory_space<vmem>>, vector<16xf32>,
        tpu.vector_store %arg8[%swap3A], %gather3A {strides = array<i32>} : memref<16384xf32, #tpu.memory_space<vmem>>, vector<16xf32>,
      }
      %scan3A_152 = arith.constant 1024 : i32
      %run_scoped3A = arith.constant 13 : i32
      "tpu.region"() ({
        %run_scoped3A_153 = tpu.sem_alloc : memref<!tpu.dma_semaphore, #tpu.memory_space<semaphore_mem>>
        %dma_start3A_154 = arith.constant 0 : i32
        %dma_start3A_155 = tpu.memref_slice %arg5[%run_scoped3A, %dma_start3A_154] : memref<26x16384xf32, #tpu.memory_space<hbm>> -> memref<1x16384xf32, #tpu.memory_space<hbm>>
        %dma_start3A_156 = tpu.memref_squeeze %dma_start3A_155 : memref<1x16384xf32, #tpu.memory_space<hbm>> -> memref<16384xf32, #tpu.memory_space<hbm>>
        %dma_start3A_157 = arith.constant 0 : i32
        %dma_start3A_158 = tpu.memref_slice %arg5[%run_scoped3A, %dma_start3A_157] : memref<26x16384xf32, #tpu.memory_space<hbm>> -> memref<1x16384xf32, #tpu.memory_space<hbm>>
        %dma_start3A_159 = tpu.memref_squeeze %dma_start3A_158 : memref<1x16384xf32, #tpu.memory_space<hbm>> -> memref<16384xf32, #tpu.memory_space<hbm>>
        tpu.enqueue_dma source(%arg8 : memref<16384xf32, #tpu.memory_space<vmem>>) target(%dma_start3A_159 : memref<16384xf32, #tpu.memory_space<hbm>>) target_semaphore(%run_scoped3A_153 : memref<!tpu.dma_semaphore, #tpu.memory_space<semaphore_mem>>)
        %dma_wait3A_160 = arith.constant 0 : i32
        %dma_wait3A_161 = tpu.memref_slice %arg5[%run_scoped3A, %dma_wait3A_160] : memref<26x16384xf32, #tpu.memory_space<hbm>> -> memref<1x16384xf32, #tpu.memory_space<hbm>>
        %dma_wait3A_162 = tpu.memref_squeeze %dma_wait3A_161 : memref<1x16384xf32, #tpu.memory_space<hbm>> -> memref<16384xf32, #tpu.memory_space<hbm>>
        %dma_wait3A_163 = arith.constant 0 : i32
        %dma_wait3A_164 = tpu.memref_slice %arg5[%run_scoped3A, %dma_wait3A_163] : memref<26x16384xf32, #tpu.memory_space<hbm>> -> memref<1x16384xf32, #tpu.memory_space<hbm>>
        %dma_wait3A_165 = tpu.memref_squeeze %dma_wait3A_164 : memref<1x16384xf32, #tpu.memory_space<hbm>> -> memref<16384xf32, #tpu.memory_space<hbm>>
        tpu.wait_dma2 semaphore(%run_scoped3A_153 : memref<!tpu.dma_semaphore, #tpu.memory_space<semaphore_mem>>) src(%arg8 : memref<16384xf32, #tpu.memory_space<vmem>>) dst(%dma_wait3A_165 : memref<16384xf32, #tpu.memory_space<hbm>>)
        tpu.yield
      }) : () -> ()
    } else {
    }
    %eq3A_68 = arith.constant 14 : i32
    %eq3A_69 = arith.cmpi eq, %add3A, %eq3A_68 : i32
    %convert_element_type3A_70 = arith.extui %eq3A_69 : i1 to i32
    %cond3A_71 = arith.constant 0 : i32
    %cond3A_72 = arith.cmpi ne, %convert_element_type3A_70, %cond3A_71 : i32
    scf.if %cond3A_72 {
      %dma_start3A = arith.constant 40000 : i32
      %dma_start3A_128 = tpu.memref_slice %arg3[%dma_start3A] : memref<520000xf32, #tpu.memory_space<hbm>> -> memref<40000xf32, #tpu.memory_space<hbm>>
      %dma_start3A_129 = arith.constant 40000 : i32
      %dma_start3A_130 = tpu.memref_slice %arg3[%dma_start3A_129] : memref<520000xf32, #tpu.memory_space<hbm>> -> memref<40000xf32, #tpu.memory_space<hbm>>
      tpu.enqueue_dma source(%dma_start3A_130 : memref<40000xf32, #tpu.memory_space<hbm>>) target(%arg6 : memref<40000xf32, #tpu.memory_space<vmem>>) target_semaphore(%arg10 : memref<!tpu.dma_semaphore, #tpu.memory_space<semaphore_mem>>)
      %dma_start3A_131 = arith.constant 14 : i32
      %dma_start3A_132 = arith.constant 0 : i32
      %dma_start3A_133 = tpu.memref_slice %arg4[%dma_start3A_131, %dma_start3A_132] : memref<26x16384xi32, #tpu.memory_space<hbm>> -> memref<1x16384xi32, #tpu.memory_space<hbm>>
      %dma_start3A_134 = tpu.memref_squeeze %dma_start3A_133 : memref<1x16384xi32, #tpu.memory_space<hbm>> -> memref<16384xi32, #tpu.memory_space<hbm>>
      %dma_start3A_135 = arith.constant 0 : i32
      %dma_start3A_136 = tpu.memref_slice %arg4[%dma_start3A_131, %dma_start3A_135] : memref<26x16384xi32, #tpu.memory_space<hbm>> -> memref<1x16384xi32, #tpu.memory_space<hbm>>
      %dma_start3A_137 = tpu.memref_squeeze %dma_start3A_136 : memref<1x16384xi32, #tpu.memory_space<hbm>> -> memref<16384xi32, #tpu.memory_space<hbm>>
      tpu.enqueue_dma source(%dma_start3A_137 : memref<16384xi32, #tpu.memory_space<hbm>>) target(%arg7 : memref<16384xi32, #tpu.memory_space<vmem>>) target_semaphore(%arg9 : memref<!tpu.dma_semaphore, #tpu.memory_space<semaphore_mem>>)
      %dma_wait3A = arith.constant 14 : i32
      %dma_wait3A_138 = arith.constant 0 : i32
      %dma_wait3A_139 = tpu.memref_slice %arg4[%dma_wait3A, %dma_wait3A_138] : memref<26x16384xi32, #tpu.memory_space<hbm>> -> memref<1x16384xi32, #tpu.memory_space<hbm>>
      %dma_wait3A_140 = tpu.memref_squeeze %dma_wait3A_139 : memref<1x16384xi32, #tpu.memory_space<hbm>> -> memref<16384xi32, #tpu.memory_space<hbm>>
      %dma_wait3A_141 = arith.constant 0 : i32
      %dma_wait3A_142 = tpu.memref_slice %arg4[%dma_wait3A, %dma_wait3A_141] : memref<26x16384xi32, #tpu.memory_space<hbm>> -> memref<1x16384xi32, #tpu.memory_space<hbm>>
      %dma_wait3A_143 = tpu.memref_squeeze %dma_wait3A_142 : memref<1x16384xi32, #tpu.memory_space<hbm>> -> memref<16384xi32, #tpu.memory_space<hbm>>
      tpu.wait_dma2 semaphore(%arg9 : memref<!tpu.dma_semaphore, #tpu.memory_space<semaphore_mem>>) src(%dma_wait3A_143 : memref<16384xi32, #tpu.memory_space<hbm>>) dst(%arg7 : memref<16384xi32, #tpu.memory_space<vmem>>)
      %dma_wait3A_144 = arith.constant 40000 : i32
      %dma_wait3A_145 = tpu.memref_slice %arg3[%dma_wait3A_144] : memref<520000xf32, #tpu.memory_space<hbm>> -> memref<40000xf32, #tpu.memory_space<hbm>>
      %dma_wait3A_146 = arith.constant 40000 : i32
      %dma_wait3A_147 = tpu.memref_slice %arg3[%dma_wait3A_146] : memref<520000xf32, #tpu.memory_space<hbm>> -> memref<40000xf32, #tpu.memory_space<hbm>>
      tpu.wait_dma2 semaphore(%arg10 : memref<!tpu.dma_semaphore, #tpu.memory_space<semaphore_mem>>) src(%dma_wait3A_147 : memref<40000xf32, #tpu.memory_space<hbm>>) dst(%arg6 : memref<40000xf32, #tpu.memory_space<vmem>>)
      %scan3A = arith.constant 0 : i32
      %scan3A_148 = arith.constant 0 : i32
      %scan3A_149 = arith.constant 1024 : i32
      %scan3A_150 = arith.addi %scan3A_148, %scan3A_149 : i32
      %scan3A_151 = arith.constant 1 : i32
      scf.for %scan3A_153 = %scan3A_148 to %scan3A_150 step %scan3A_151  : i32 {
        %mul3A_154 = arith.constant 16 : i32
        %mul3A_155 = arith.muli %scan3A_153, %mul3A_154 : i32
        %get3A = arith.index_cast %mul3A_155 : i32 to index
        %get3A_156 = tpu.vector_load %arg7[%get3A] {strides = array<i32>} : memref<16384xi32, #tpu.memory_space<vmem>>, vector<16xi32>,
        %gather3A = tpu.vector_load_idx %arg6[%get3A_156] : memref<40000xf32, #tpu.memory_space<vmem>>[vector<16xi32>], vector<16xf32>,
        %swap3A = arith.index_cast %mul3A_155 : i32 to index
        %swap3A_157 = tpu.vector_load %arg8[%swap3A] {strides = array<i32>} : memref<16384xf32, #tpu.memory_space<vmem>>, vector<16xf32>,
        tpu.vector_store %arg8[%swap3A], %gather3A {strides = array<i32>} : memref<16384xf32, #tpu.memory_space<vmem>>, vector<16xf32>,
      }
      %scan3A_152 = arith.constant 1024 : i32
      %run_scoped3A = arith.constant 14 : i32
      "tpu.region"() ({
        %run_scoped3A_153 = tpu.sem_alloc : memref<!tpu.dma_semaphore, #tpu.memory_space<semaphore_mem>>
        %dma_start3A_154 = arith.constant 0 : i32
        %dma_start3A_155 = tpu.memref_slice %arg5[%run_scoped3A, %dma_start3A_154] : memref<26x16384xf32, #tpu.memory_space<hbm>> -> memref<1x16384xf32, #tpu.memory_space<hbm>>
        %dma_start3A_156 = tpu.memref_squeeze %dma_start3A_155 : memref<1x16384xf32, #tpu.memory_space<hbm>> -> memref<16384xf32, #tpu.memory_space<hbm>>
        %dma_start3A_157 = arith.constant 0 : i32
        %dma_start3A_158 = tpu.memref_slice %arg5[%run_scoped3A, %dma_start3A_157] : memref<26x16384xf32, #tpu.memory_space<hbm>> -> memref<1x16384xf32, #tpu.memory_space<hbm>>
        %dma_start3A_159 = tpu.memref_squeeze %dma_start3A_158 : memref<1x16384xf32, #tpu.memory_space<hbm>> -> memref<16384xf32, #tpu.memory_space<hbm>>
        tpu.enqueue_dma source(%arg8 : memref<16384xf32, #tpu.memory_space<vmem>>) target(%dma_start3A_159 : memref<16384xf32, #tpu.memory_space<hbm>>) target_semaphore(%run_scoped3A_153 : memref<!tpu.dma_semaphore, #tpu.memory_space<semaphore_mem>>)
        %dma_wait3A_160 = arith.constant 0 : i32
        %dma_wait3A_161 = tpu.memref_slice %arg5[%run_scoped3A, %dma_wait3A_160] : memref<26x16384xf32, #tpu.memory_space<hbm>> -> memref<1x16384xf32, #tpu.memory_space<hbm>>
        %dma_wait3A_162 = tpu.memref_squeeze %dma_wait3A_161 : memref<1x16384xf32, #tpu.memory_space<hbm>> -> memref<16384xf32, #tpu.memory_space<hbm>>
        %dma_wait3A_163 = arith.constant 0 : i32
        %dma_wait3A_164 = tpu.memref_slice %arg5[%run_scoped3A, %dma_wait3A_163] : memref<26x16384xf32, #tpu.memory_space<hbm>> -> memref<1x16384xf32, #tpu.memory_space<hbm>>
        %dma_wait3A_165 = tpu.memref_squeeze %dma_wait3A_164 : memref<1x16384xf32, #tpu.memory_space<hbm>> -> memref<16384xf32, #tpu.memory_space<hbm>>
        tpu.wait_dma2 semaphore(%run_scoped3A_153 : memref<!tpu.dma_semaphore, #tpu.memory_space<semaphore_mem>>) src(%arg8 : memref<16384xf32, #tpu.memory_space<vmem>>) dst(%dma_wait3A_165 : memref<16384xf32, #tpu.memory_space<hbm>>)
        tpu.yield
      }) : () -> ()
    } else {
    }
    %eq3A_73 = arith.constant 15 : i32
    %eq3A_74 = arith.cmpi eq, %add3A, %eq3A_73 : i32
    %convert_element_type3A_75 = arith.extui %eq3A_74 : i1 to i32
    %cond3A_76 = arith.constant 0 : i32
    %cond3A_77 = arith.cmpi ne, %convert_element_type3A_75, %cond3A_76 : i32
    scf.if %cond3A_77 {
      %dma_start3A = arith.constant 80000 : i32
      %dma_start3A_128 = tpu.memref_slice %arg3[%dma_start3A] : memref<520000xf32, #tpu.memory_space<hbm>> -> memref<40000xf32, #tpu.memory_space<hbm>>
      %dma_start3A_129 = arith.constant 80000 : i32
      %dma_start3A_130 = tpu.memref_slice %arg3[%dma_start3A_129] : memref<520000xf32, #tpu.memory_space<hbm>> -> memref<40000xf32, #tpu.memory_space<hbm>>
      tpu.enqueue_dma source(%dma_start3A_130 : memref<40000xf32, #tpu.memory_space<hbm>>) target(%arg6 : memref<40000xf32, #tpu.memory_space<vmem>>) target_semaphore(%arg10 : memref<!tpu.dma_semaphore, #tpu.memory_space<semaphore_mem>>)
      %dma_start3A_131 = arith.constant 15 : i32
      %dma_start3A_132 = arith.constant 0 : i32
      %dma_start3A_133 = tpu.memref_slice %arg4[%dma_start3A_131, %dma_start3A_132] : memref<26x16384xi32, #tpu.memory_space<hbm>> -> memref<1x16384xi32, #tpu.memory_space<hbm>>
      %dma_start3A_134 = tpu.memref_squeeze %dma_start3A_133 : memref<1x16384xi32, #tpu.memory_space<hbm>> -> memref<16384xi32, #tpu.memory_space<hbm>>
      %dma_start3A_135 = arith.constant 0 : i32
      %dma_start3A_136 = tpu.memref_slice %arg4[%dma_start3A_131, %dma_start3A_135] : memref<26x16384xi32, #tpu.memory_space<hbm>> -> memref<1x16384xi32, #tpu.memory_space<hbm>>
      %dma_start3A_137 = tpu.memref_squeeze %dma_start3A_136 : memref<1x16384xi32, #tpu.memory_space<hbm>> -> memref<16384xi32, #tpu.memory_space<hbm>>
      tpu.enqueue_dma source(%dma_start3A_137 : memref<16384xi32, #tpu.memory_space<hbm>>) target(%arg7 : memref<16384xi32, #tpu.memory_space<vmem>>) target_semaphore(%arg9 : memref<!tpu.dma_semaphore, #tpu.memory_space<semaphore_mem>>)
      %dma_wait3A = arith.constant 15 : i32
      %dma_wait3A_138 = arith.constant 0 : i32
      %dma_wait3A_139 = tpu.memref_slice %arg4[%dma_wait3A, %dma_wait3A_138] : memref<26x16384xi32, #tpu.memory_space<hbm>> -> memref<1x16384xi32, #tpu.memory_space<hbm>>
      %dma_wait3A_140 = tpu.memref_squeeze %dma_wait3A_139 : memref<1x16384xi32, #tpu.memory_space<hbm>> -> memref<16384xi32, #tpu.memory_space<hbm>>
      %dma_wait3A_141 = arith.constant 0 : i32
      %dma_wait3A_142 = tpu.memref_slice %arg4[%dma_wait3A, %dma_wait3A_141] : memref<26x16384xi32, #tpu.memory_space<hbm>> -> memref<1x16384xi32, #tpu.memory_space<hbm>>
      %dma_wait3A_143 = tpu.memref_squeeze %dma_wait3A_142 : memref<1x16384xi32, #tpu.memory_space<hbm>> -> memref<16384xi32, #tpu.memory_space<hbm>>
      tpu.wait_dma2 semaphore(%arg9 : memref<!tpu.dma_semaphore, #tpu.memory_space<semaphore_mem>>) src(%dma_wait3A_143 : memref<16384xi32, #tpu.memory_space<hbm>>) dst(%arg7 : memref<16384xi32, #tpu.memory_space<vmem>>)
      %dma_wait3A_144 = arith.constant 80000 : i32
      %dma_wait3A_145 = tpu.memref_slice %arg3[%dma_wait3A_144] : memref<520000xf32, #tpu.memory_space<hbm>> -> memref<40000xf32, #tpu.memory_space<hbm>>
      %dma_wait3A_146 = arith.constant 80000 : i32
      %dma_wait3A_147 = tpu.memref_slice %arg3[%dma_wait3A_146] : memref<520000xf32, #tpu.memory_space<hbm>> -> memref<40000xf32, #tpu.memory_space<hbm>>
      tpu.wait_dma2 semaphore(%arg10 : memref<!tpu.dma_semaphore, #tpu.memory_space<semaphore_mem>>) src(%dma_wait3A_147 : memref<40000xf32, #tpu.memory_space<hbm>>) dst(%arg6 : memref<40000xf32, #tpu.memory_space<vmem>>)
      %scan3A = arith.constant 0 : i32
      %scan3A_148 = arith.constant 0 : i32
      %scan3A_149 = arith.constant 1024 : i32
      %scan3A_150 = arith.addi %scan3A_148, %scan3A_149 : i32
      %scan3A_151 = arith.constant 1 : i32
      scf.for %scan3A_153 = %scan3A_148 to %scan3A_150 step %scan3A_151  : i32 {
        %mul3A_154 = arith.constant 16 : i32
        %mul3A_155 = arith.muli %scan3A_153, %mul3A_154 : i32
        %get3A = arith.index_cast %mul3A_155 : i32 to index
        %get3A_156 = tpu.vector_load %arg7[%get3A] {strides = array<i32>} : memref<16384xi32, #tpu.memory_space<vmem>>, vector<16xi32>,
        %gather3A = tpu.vector_load_idx %arg6[%get3A_156] : memref<40000xf32, #tpu.memory_space<vmem>>[vector<16xi32>], vector<16xf32>,
        %swap3A = arith.index_cast %mul3A_155 : i32 to index
        %swap3A_157 = tpu.vector_load %arg8[%swap3A] {strides = array<i32>} : memref<16384xf32, #tpu.memory_space<vmem>>, vector<16xf32>,
        tpu.vector_store %arg8[%swap3A], %gather3A {strides = array<i32>} : memref<16384xf32, #tpu.memory_space<vmem>>, vector<16xf32>,
      }
      %scan3A_152 = arith.constant 1024 : i32
      %run_scoped3A = arith.constant 15 : i32
      "tpu.region"() ({
        %run_scoped3A_153 = tpu.sem_alloc : memref<!tpu.dma_semaphore, #tpu.memory_space<semaphore_mem>>
        %dma_start3A_154 = arith.constant 0 : i32
        %dma_start3A_155 = tpu.memref_slice %arg5[%run_scoped3A, %dma_start3A_154] : memref<26x16384xf32, #tpu.memory_space<hbm>> -> memref<1x16384xf32, #tpu.memory_space<hbm>>
        %dma_start3A_156 = tpu.memref_squeeze %dma_start3A_155 : memref<1x16384xf32, #tpu.memory_space<hbm>> -> memref<16384xf32, #tpu.memory_space<hbm>>
        %dma_start3A_157 = arith.constant 0 : i32
        %dma_start3A_158 = tpu.memref_slice %arg5[%run_scoped3A, %dma_start3A_157] : memref<26x16384xf32, #tpu.memory_space<hbm>> -> memref<1x16384xf32, #tpu.memory_space<hbm>>
        %dma_start3A_159 = tpu.memref_squeeze %dma_start3A_158 : memref<1x16384xf32, #tpu.memory_space<hbm>> -> memref<16384xf32, #tpu.memory_space<hbm>>
        tpu.enqueue_dma source(%arg8 : memref<16384xf32, #tpu.memory_space<vmem>>) target(%dma_start3A_159 : memref<16384xf32, #tpu.memory_space<hbm>>) target_semaphore(%run_scoped3A_153 : memref<!tpu.dma_semaphore, #tpu.memory_space<semaphore_mem>>)
        %dma_wait3A_160 = arith.constant 0 : i32
        %dma_wait3A_161 = tpu.memref_slice %arg5[%run_scoped3A, %dma_wait3A_160] : memref<26x16384xf32, #tpu.memory_space<hbm>> -> memref<1x16384xf32, #tpu.memory_space<hbm>>
        %dma_wait3A_162 = tpu.memref_squeeze %dma_wait3A_161 : memref<1x16384xf32, #tpu.memory_space<hbm>> -> memref<16384xf32, #tpu.memory_space<hbm>>
        %dma_wait3A_163 = arith.constant 0 : i32
        %dma_wait3A_164 = tpu.memref_slice %arg5[%run_scoped3A, %dma_wait3A_163] : memref<26x16384xf32, #tpu.memory_space<hbm>> -> memref<1x16384xf32, #tpu.memory_space<hbm>>
        %dma_wait3A_165 = tpu.memref_squeeze %dma_wait3A_164 : memref<1x16384xf32, #tpu.memory_space<hbm>> -> memref<16384xf32, #tpu.memory_space<hbm>>
        tpu.wait_dma2 semaphore(%run_scoped3A_153 : memref<!tpu.dma_semaphore, #tpu.memory_space<semaphore_mem>>) src(%arg8 : memref<16384xf32, #tpu.memory_space<vmem>>) dst(%dma_wait3A_165 : memref<16384xf32, #tpu.memory_space<hbm>>)
        tpu.yield
      }) : () -> ()
    } else {
    }
    %eq3A_78 = arith.constant 16 : i32
    %eq3A_79 = arith.cmpi eq, %add3A, %eq3A_78 : i32
    %convert_element_type3A_80 = arith.extui %eq3A_79 : i1 to i32
    %cond3A_81 = arith.constant 0 : i32
    %cond3A_82 = arith.cmpi ne, %convert_element_type3A_80, %cond3A_81 : i32
    scf.if %cond3A_82 {
      %dma_start3A = arith.constant 120000 : i32
      %dma_start3A_128 = tpu.memref_slice %arg3[%dma_start3A] : memref<520000xf32, #tpu.memory_space<hbm>> -> memref<40000xf32, #tpu.memory_space<hbm>>
      %dma_start3A_129 = arith.constant 120000 : i32
      %dma_start3A_130 = tpu.memref_slice %arg3[%dma_start3A_129] : memref<520000xf32, #tpu.memory_space<hbm>> -> memref<40000xf32, #tpu.memory_space<hbm>>
      tpu.enqueue_dma source(%dma_start3A_130 : memref<40000xf32, #tpu.memory_space<hbm>>) target(%arg6 : memref<40000xf32, #tpu.memory_space<vmem>>) target_semaphore(%arg10 : memref<!tpu.dma_semaphore, #tpu.memory_space<semaphore_mem>>)
      %dma_start3A_131 = arith.constant 16 : i32
      %dma_start3A_132 = arith.constant 0 : i32
      %dma_start3A_133 = tpu.memref_slice %arg4[%dma_start3A_131, %dma_start3A_132] : memref<26x16384xi32, #tpu.memory_space<hbm>> -> memref<1x16384xi32, #tpu.memory_space<hbm>>
      %dma_start3A_134 = tpu.memref_squeeze %dma_start3A_133 : memref<1x16384xi32, #tpu.memory_space<hbm>> -> memref<16384xi32, #tpu.memory_space<hbm>>
      %dma_start3A_135 = arith.constant 0 : i32
      %dma_start3A_136 = tpu.memref_slice %arg4[%dma_start3A_131, %dma_start3A_135] : memref<26x16384xi32, #tpu.memory_space<hbm>> -> memref<1x16384xi32, #tpu.memory_space<hbm>>
      %dma_start3A_137 = tpu.memref_squeeze %dma_start3A_136 : memref<1x16384xi32, #tpu.memory_space<hbm>> -> memref<16384xi32, #tpu.memory_space<hbm>>
      tpu.enqueue_dma source(%dma_start3A_137 : memref<16384xi32, #tpu.memory_space<hbm>>) target(%arg7 : memref<16384xi32, #tpu.memory_space<vmem>>) target_semaphore(%arg9 : memref<!tpu.dma_semaphore, #tpu.memory_space<semaphore_mem>>)
      %dma_wait3A = arith.constant 16 : i32
      %dma_wait3A_138 = arith.constant 0 : i32
      %dma_wait3A_139 = tpu.memref_slice %arg4[%dma_wait3A, %dma_wait3A_138] : memref<26x16384xi32, #tpu.memory_space<hbm>> -> memref<1x16384xi32, #tpu.memory_space<hbm>>
      %dma_wait3A_140 = tpu.memref_squeeze %dma_wait3A_139 : memref<1x16384xi32, #tpu.memory_space<hbm>> -> memref<16384xi32, #tpu.memory_space<hbm>>
      %dma_wait3A_141 = arith.constant 0 : i32
      %dma_wait3A_142 = tpu.memref_slice %arg4[%dma_wait3A, %dma_wait3A_141] : memref<26x16384xi32, #tpu.memory_space<hbm>> -> memref<1x16384xi32, #tpu.memory_space<hbm>>
      %dma_wait3A_143 = tpu.memref_squeeze %dma_wait3A_142 : memref<1x16384xi32, #tpu.memory_space<hbm>> -> memref<16384xi32, #tpu.memory_space<hbm>>
      tpu.wait_dma2 semaphore(%arg9 : memref<!tpu.dma_semaphore, #tpu.memory_space<semaphore_mem>>) src(%dma_wait3A_143 : memref<16384xi32, #tpu.memory_space<hbm>>) dst(%arg7 : memref<16384xi32, #tpu.memory_space<vmem>>)
      %dma_wait3A_144 = arith.constant 120000 : i32
      %dma_wait3A_145 = tpu.memref_slice %arg3[%dma_wait3A_144] : memref<520000xf32, #tpu.memory_space<hbm>> -> memref<40000xf32, #tpu.memory_space<hbm>>
      %dma_wait3A_146 = arith.constant 120000 : i32
      %dma_wait3A_147 = tpu.memref_slice %arg3[%dma_wait3A_146] : memref<520000xf32, #tpu.memory_space<hbm>> -> memref<40000xf32, #tpu.memory_space<hbm>>
      tpu.wait_dma2 semaphore(%arg10 : memref<!tpu.dma_semaphore, #tpu.memory_space<semaphore_mem>>) src(%dma_wait3A_147 : memref<40000xf32, #tpu.memory_space<hbm>>) dst(%arg6 : memref<40000xf32, #tpu.memory_space<vmem>>)
      %scan3A = arith.constant 0 : i32
      %scan3A_148 = arith.constant 0 : i32
      %scan3A_149 = arith.constant 1024 : i32
      %scan3A_150 = arith.addi %scan3A_148, %scan3A_149 : i32
      %scan3A_151 = arith.constant 1 : i32
      scf.for %scan3A_153 = %scan3A_148 to %scan3A_150 step %scan3A_151  : i32 {
        %mul3A_154 = arith.constant 16 : i32
        %mul3A_155 = arith.muli %scan3A_153, %mul3A_154 : i32
        %get3A = arith.index_cast %mul3A_155 : i32 to index
        %get3A_156 = tpu.vector_load %arg7[%get3A] {strides = array<i32>} : memref<16384xi32, #tpu.memory_space<vmem>>, vector<16xi32>,
        %gather3A = tpu.vector_load_idx %arg6[%get3A_156] : memref<40000xf32, #tpu.memory_space<vmem>>[vector<16xi32>], vector<16xf32>,
        %swap3A = arith.index_cast %mul3A_155 : i32 to index
        %swap3A_157 = tpu.vector_load %arg8[%swap3A] {strides = array<i32>} : memref<16384xf32, #tpu.memory_space<vmem>>, vector<16xf32>,
        tpu.vector_store %arg8[%swap3A], %gather3A {strides = array<i32>} : memref<16384xf32, #tpu.memory_space<vmem>>, vector<16xf32>,
      }
      %scan3A_152 = arith.constant 1024 : i32
      %run_scoped3A = arith.constant 16 : i32
      "tpu.region"() ({
        %run_scoped3A_153 = tpu.sem_alloc : memref<!tpu.dma_semaphore, #tpu.memory_space<semaphore_mem>>
        %dma_start3A_154 = arith.constant 0 : i32
        %dma_start3A_155 = tpu.memref_slice %arg5[%run_scoped3A, %dma_start3A_154] : memref<26x16384xf32, #tpu.memory_space<hbm>> -> memref<1x16384xf32, #tpu.memory_space<hbm>>
        %dma_start3A_156 = tpu.memref_squeeze %dma_start3A_155 : memref<1x16384xf32, #tpu.memory_space<hbm>> -> memref<16384xf32, #tpu.memory_space<hbm>>
        %dma_start3A_157 = arith.constant 0 : i32
        %dma_start3A_158 = tpu.memref_slice %arg5[%run_scoped3A, %dma_start3A_157] : memref<26x16384xf32, #tpu.memory_space<hbm>> -> memref<1x16384xf32, #tpu.memory_space<hbm>>
        %dma_start3A_159 = tpu.memref_squeeze %dma_start3A_158 : memref<1x16384xf32, #tpu.memory_space<hbm>> -> memref<16384xf32, #tpu.memory_space<hbm>>
        tpu.enqueue_dma source(%arg8 : memref<16384xf32, #tpu.memory_space<vmem>>) target(%dma_start3A_159 : memref<16384xf32, #tpu.memory_space<hbm>>) target_semaphore(%run_scoped3A_153 : memref<!tpu.dma_semaphore, #tpu.memory_space<semaphore_mem>>)
        %dma_wait3A_160 = arith.constant 0 : i32
        %dma_wait3A_161 = tpu.memref_slice %arg5[%run_scoped3A, %dma_wait3A_160] : memref<26x16384xf32, #tpu.memory_space<hbm>> -> memref<1x16384xf32, #tpu.memory_space<hbm>>
        %dma_wait3A_162 = tpu.memref_squeeze %dma_wait3A_161 : memref<1x16384xf32, #tpu.memory_space<hbm>> -> memref<16384xf32, #tpu.memory_space<hbm>>
        %dma_wait3A_163 = arith.constant 0 : i32
        %dma_wait3A_164 = tpu.memref_slice %arg5[%run_scoped3A, %dma_wait3A_163] : memref<26x16384xf32, #tpu.memory_space<hbm>> -> memref<1x16384xf32, #tpu.memory_space<hbm>>
        %dma_wait3A_165 = tpu.memref_squeeze %dma_wait3A_164 : memref<1x16384xf32, #tpu.memory_space<hbm>> -> memref<16384xf32, #tpu.memory_space<hbm>>
        tpu.wait_dma2 semaphore(%run_scoped3A_153 : memref<!tpu.dma_semaphore, #tpu.memory_space<semaphore_mem>>) src(%arg8 : memref<16384xf32, #tpu.memory_space<vmem>>) dst(%dma_wait3A_165 : memref<16384xf32, #tpu.memory_space<hbm>>)
        tpu.yield
      }) : () -> ()
    } else {
    }
    %eq3A_83 = arith.constant 17 : i32
    %eq3A_84 = arith.cmpi eq, %add3A, %eq3A_83 : i32
    %convert_element_type3A_85 = arith.extui %eq3A_84 : i1 to i32
    %cond3A_86 = arith.constant 0 : i32
    %cond3A_87 = arith.cmpi ne, %convert_element_type3A_85, %cond3A_86 : i32
    scf.if %cond3A_87 {
      %dma_start3A = arith.constant 160000 : i32
      %dma_start3A_128 = tpu.memref_slice %arg3[%dma_start3A] : memref<520000xf32, #tpu.memory_space<hbm>> -> memref<40000xf32, #tpu.memory_space<hbm>>
      %dma_start3A_129 = arith.constant 160000 : i32
      %dma_start3A_130 = tpu.memref_slice %arg3[%dma_start3A_129] : memref<520000xf32, #tpu.memory_space<hbm>> -> memref<40000xf32, #tpu.memory_space<hbm>>
      tpu.enqueue_dma source(%dma_start3A_130 : memref<40000xf32, #tpu.memory_space<hbm>>) target(%arg6 : memref<40000xf32, #tpu.memory_space<vmem>>) target_semaphore(%arg10 : memref<!tpu.dma_semaphore, #tpu.memory_space<semaphore_mem>>)
      %dma_start3A_131 = arith.constant 17 : i32
      %dma_start3A_132 = arith.constant 0 : i32
      %dma_start3A_133 = tpu.memref_slice %arg4[%dma_start3A_131, %dma_start3A_132] : memref<26x16384xi32, #tpu.memory_space<hbm>> -> memref<1x16384xi32, #tpu.memory_space<hbm>>
      %dma_start3A_134 = tpu.memref_squeeze %dma_start3A_133 : memref<1x16384xi32, #tpu.memory_space<hbm>> -> memref<16384xi32, #tpu.memory_space<hbm>>
      %dma_start3A_135 = arith.constant 0 : i32
      %dma_start3A_136 = tpu.memref_slice %arg4[%dma_start3A_131, %dma_start3A_135] : memref<26x16384xi32, #tpu.memory_space<hbm>> -> memref<1x16384xi32, #tpu.memory_space<hbm>>
      %dma_start3A_137 = tpu.memref_squeeze %dma_start3A_136 : memref<1x16384xi32, #tpu.memory_space<hbm>> -> memref<16384xi32, #tpu.memory_space<hbm>>
      tpu.enqueue_dma source(%dma_start3A_137 : memref<16384xi32, #tpu.memory_space<hbm>>) target(%arg7 : memref<16384xi32, #tpu.memory_space<vmem>>) target_semaphore(%arg9 : memref<!tpu.dma_semaphore, #tpu.memory_space<semaphore_mem>>)
      %dma_wait3A = arith.constant 17 : i32
      %dma_wait3A_138 = arith.constant 0 : i32
      %dma_wait3A_139 = tpu.memref_slice %arg4[%dma_wait3A, %dma_wait3A_138] : memref<26x16384xi32, #tpu.memory_space<hbm>> -> memref<1x16384xi32, #tpu.memory_space<hbm>>
      %dma_wait3A_140 = tpu.memref_squeeze %dma_wait3A_139 : memref<1x16384xi32, #tpu.memory_space<hbm>> -> memref<16384xi32, #tpu.memory_space<hbm>>
      %dma_wait3A_141 = arith.constant 0 : i32
      %dma_wait3A_142 = tpu.memref_slice %arg4[%dma_wait3A, %dma_wait3A_141] : memref<26x16384xi32, #tpu.memory_space<hbm>> -> memref<1x16384xi32, #tpu.memory_space<hbm>>
      %dma_wait3A_143 = tpu.memref_squeeze %dma_wait3A_142 : memref<1x16384xi32, #tpu.memory_space<hbm>> -> memref<16384xi32, #tpu.memory_space<hbm>>
      tpu.wait_dma2 semaphore(%arg9 : memref<!tpu.dma_semaphore, #tpu.memory_space<semaphore_mem>>) src(%dma_wait3A_143 : memref<16384xi32, #tpu.memory_space<hbm>>) dst(%arg7 : memref<16384xi32, #tpu.memory_space<vmem>>)
      %dma_wait3A_144 = arith.constant 160000 : i32
      %dma_wait3A_145 = tpu.memref_slice %arg3[%dma_wait3A_144] : memref<520000xf32, #tpu.memory_space<hbm>> -> memref<40000xf32, #tpu.memory_space<hbm>>
      %dma_wait3A_146 = arith.constant 160000 : i32
      %dma_wait3A_147 = tpu.memref_slice %arg3[%dma_wait3A_146] : memref<520000xf32, #tpu.memory_space<hbm>> -> memref<40000xf32, #tpu.memory_space<hbm>>
      tpu.wait_dma2 semaphore(%arg10 : memref<!tpu.dma_semaphore, #tpu.memory_space<semaphore_mem>>) src(%dma_wait3A_147 : memref<40000xf32, #tpu.memory_space<hbm>>) dst(%arg6 : memref<40000xf32, #tpu.memory_space<vmem>>)
      %scan3A = arith.constant 0 : i32
      %scan3A_148 = arith.constant 0 : i32
      %scan3A_149 = arith.constant 1024 : i32
      %scan3A_150 = arith.addi %scan3A_148, %scan3A_149 : i32
      %scan3A_151 = arith.constant 1 : i32
      scf.for %scan3A_153 = %scan3A_148 to %scan3A_150 step %scan3A_151  : i32 {
        %mul3A_154 = arith.constant 16 : i32
        %mul3A_155 = arith.muli %scan3A_153, %mul3A_154 : i32
        %get3A = arith.index_cast %mul3A_155 : i32 to index
        %get3A_156 = tpu.vector_load %arg7[%get3A] {strides = array<i32>} : memref<16384xi32, #tpu.memory_space<vmem>>, vector<16xi32>,
        %gather3A = tpu.vector_load_idx %arg6[%get3A_156] : memref<40000xf32, #tpu.memory_space<vmem>>[vector<16xi32>], vector<16xf32>,
        %swap3A = arith.index_cast %mul3A_155 : i32 to index
        %swap3A_157 = tpu.vector_load %arg8[%swap3A] {strides = array<i32>} : memref<16384xf32, #tpu.memory_space<vmem>>, vector<16xf32>,
        tpu.vector_store %arg8[%swap3A], %gather3A {strides = array<i32>} : memref<16384xf32, #tpu.memory_space<vmem>>, vector<16xf32>,
      }
      %scan3A_152 = arith.constant 1024 : i32
      %run_scoped3A = arith.constant 17 : i32
      "tpu.region"() ({
        %run_scoped3A_153 = tpu.sem_alloc : memref<!tpu.dma_semaphore, #tpu.memory_space<semaphore_mem>>
        %dma_start3A_154 = arith.constant 0 : i32
        %dma_start3A_155 = tpu.memref_slice %arg5[%run_scoped3A, %dma_start3A_154] : memref<26x16384xf32, #tpu.memory_space<hbm>> -> memref<1x16384xf32, #tpu.memory_space<hbm>>
        %dma_start3A_156 = tpu.memref_squeeze %dma_start3A_155 : memref<1x16384xf32, #tpu.memory_space<hbm>> -> memref<16384xf32, #tpu.memory_space<hbm>>
        %dma_start3A_157 = arith.constant 0 : i32
        %dma_start3A_158 = tpu.memref_slice %arg5[%run_scoped3A, %dma_start3A_157] : memref<26x16384xf32, #tpu.memory_space<hbm>> -> memref<1x16384xf32, #tpu.memory_space<hbm>>
        %dma_start3A_159 = tpu.memref_squeeze %dma_start3A_158 : memref<1x16384xf32, #tpu.memory_space<hbm>> -> memref<16384xf32, #tpu.memory_space<hbm>>
        tpu.enqueue_dma source(%arg8 : memref<16384xf32, #tpu.memory_space<vmem>>) target(%dma_start3A_159 : memref<16384xf32, #tpu.memory_space<hbm>>) target_semaphore(%run_scoped3A_153 : memref<!tpu.dma_semaphore, #tpu.memory_space<semaphore_mem>>)
        %dma_wait3A_160 = arith.constant 0 : i32
        %dma_wait3A_161 = tpu.memref_slice %arg5[%run_scoped3A, %dma_wait3A_160] : memref<26x16384xf32, #tpu.memory_space<hbm>> -> memref<1x16384xf32, #tpu.memory_space<hbm>>
        %dma_wait3A_162 = tpu.memref_squeeze %dma_wait3A_161 : memref<1x16384xf32, #tpu.memory_space<hbm>> -> memref<16384xf32, #tpu.memory_space<hbm>>
        %dma_wait3A_163 = arith.constant 0 : i32
        %dma_wait3A_164 = tpu.memref_slice %arg5[%run_scoped3A, %dma_wait3A_163] : memref<26x16384xf32, #tpu.memory_space<hbm>> -> memref<1x16384xf32, #tpu.memory_space<hbm>>
        %dma_wait3A_165 = tpu.memref_squeeze %dma_wait3A_164 : memref<1x16384xf32, #tpu.memory_space<hbm>> -> memref<16384xf32, #tpu.memory_space<hbm>>
        tpu.wait_dma2 semaphore(%run_scoped3A_153 : memref<!tpu.dma_semaphore, #tpu.memory_space<semaphore_mem>>) src(%arg8 : memref<16384xf32, #tpu.memory_space<vmem>>) dst(%dma_wait3A_165 : memref<16384xf32, #tpu.memory_space<hbm>>)
        tpu.yield
      }) : () -> ()
    } else {
    }
    %eq3A_88 = arith.constant 18 : i32
    %eq3A_89 = arith.cmpi eq, %add3A, %eq3A_88 : i32
    %convert_element_type3A_90 = arith.extui %eq3A_89 : i1 to i32
    %cond3A_91 = arith.constant 0 : i32
    %cond3A_92 = arith.cmpi ne, %convert_element_type3A_90, %cond3A_91 : i32
    scf.if %cond3A_92 {
      %dma_start3A = arith.constant 200000 : i32
      %dma_start3A_128 = tpu.memref_slice %arg3[%dma_start3A] : memref<520000xf32, #tpu.memory_space<hbm>> -> memref<40000xf32, #tpu.memory_space<hbm>>
      %dma_start3A_129 = arith.constant 200000 : i32
      %dma_start3A_130 = tpu.memref_slice %arg3[%dma_start3A_129] : memref<520000xf32, #tpu.memory_space<hbm>> -> memref<40000xf32, #tpu.memory_space<hbm>>
      tpu.enqueue_dma source(%dma_start3A_130 : memref<40000xf32, #tpu.memory_space<hbm>>) target(%arg6 : memref<40000xf32, #tpu.memory_space<vmem>>) target_semaphore(%arg10 : memref<!tpu.dma_semaphore, #tpu.memory_space<semaphore_mem>>)
      %dma_start3A_131 = arith.constant 18 : i32
      %dma_start3A_132 = arith.constant 0 : i32
      %dma_start3A_133 = tpu.memref_slice %arg4[%dma_start3A_131, %dma_start3A_132] : memref<26x16384xi32, #tpu.memory_space<hbm>> -> memref<1x16384xi32, #tpu.memory_space<hbm>>
      %dma_start3A_134 = tpu.memref_squeeze %dma_start3A_133 : memref<1x16384xi32, #tpu.memory_space<hbm>> -> memref<16384xi32, #tpu.memory_space<hbm>>
      %dma_start3A_135 = arith.constant 0 : i32
      %dma_start3A_136 = tpu.memref_slice %arg4[%dma_start3A_131, %dma_start3A_135] : memref<26x16384xi32, #tpu.memory_space<hbm>> -> memref<1x16384xi32, #tpu.memory_space<hbm>>
      %dma_start3A_137 = tpu.memref_squeeze %dma_start3A_136 : memref<1x16384xi32, #tpu.memory_space<hbm>> -> memref<16384xi32, #tpu.memory_space<hbm>>
      tpu.enqueue_dma source(%dma_start3A_137 : memref<16384xi32, #tpu.memory_space<hbm>>) target(%arg7 : memref<16384xi32, #tpu.memory_space<vmem>>) target_semaphore(%arg9 : memref<!tpu.dma_semaphore, #tpu.memory_space<semaphore_mem>>)
      %dma_wait3A = arith.constant 18 : i32
      %dma_wait3A_138 = arith.constant 0 : i32
      %dma_wait3A_139 = tpu.memref_slice %arg4[%dma_wait3A, %dma_wait3A_138] : memref<26x16384xi32, #tpu.memory_space<hbm>> -> memref<1x16384xi32, #tpu.memory_space<hbm>>
      %dma_wait3A_140 = tpu.memref_squeeze %dma_wait3A_139 : memref<1x16384xi32, #tpu.memory_space<hbm>> -> memref<16384xi32, #tpu.memory_space<hbm>>
      %dma_wait3A_141 = arith.constant 0 : i32
      %dma_wait3A_142 = tpu.memref_slice %arg4[%dma_wait3A, %dma_wait3A_141] : memref<26x16384xi32, #tpu.memory_space<hbm>> -> memref<1x16384xi32, #tpu.memory_space<hbm>>
      %dma_wait3A_143 = tpu.memref_squeeze %dma_wait3A_142 : memref<1x16384xi32, #tpu.memory_space<hbm>> -> memref<16384xi32, #tpu.memory_space<hbm>>
      tpu.wait_dma2 semaphore(%arg9 : memref<!tpu.dma_semaphore, #tpu.memory_space<semaphore_mem>>) src(%dma_wait3A_143 : memref<16384xi32, #tpu.memory_space<hbm>>) dst(%arg7 : memref<16384xi32, #tpu.memory_space<vmem>>)
      %dma_wait3A_144 = arith.constant 200000 : i32
      %dma_wait3A_145 = tpu.memref_slice %arg3[%dma_wait3A_144] : memref<520000xf32, #tpu.memory_space<hbm>> -> memref<40000xf32, #tpu.memory_space<hbm>>
      %dma_wait3A_146 = arith.constant 200000 : i32
      %dma_wait3A_147 = tpu.memref_slice %arg3[%dma_wait3A_146] : memref<520000xf32, #tpu.memory_space<hbm>> -> memref<40000xf32, #tpu.memory_space<hbm>>
      tpu.wait_dma2 semaphore(%arg10 : memref<!tpu.dma_semaphore, #tpu.memory_space<semaphore_mem>>) src(%dma_wait3A_147 : memref<40000xf32, #tpu.memory_space<hbm>>) dst(%arg6 : memref<40000xf32, #tpu.memory_space<vmem>>)
      %scan3A = arith.constant 0 : i32
      %scan3A_148 = arith.constant 0 : i32
      %scan3A_149 = arith.constant 1024 : i32
      %scan3A_150 = arith.addi %scan3A_148, %scan3A_149 : i32
      %scan3A_151 = arith.constant 1 : i32
      scf.for %scan3A_153 = %scan3A_148 to %scan3A_150 step %scan3A_151  : i32 {
        %mul3A_154 = arith.constant 16 : i32
        %mul3A_155 = arith.muli %scan3A_153, %mul3A_154 : i32
        %get3A = arith.index_cast %mul3A_155 : i32 to index
        %get3A_156 = tpu.vector_load %arg7[%get3A] {strides = array<i32>} : memref<16384xi32, #tpu.memory_space<vmem>>, vector<16xi32>,
        %gather3A = tpu.vector_load_idx %arg6[%get3A_156] : memref<40000xf32, #tpu.memory_space<vmem>>[vector<16xi32>], vector<16xf32>,
        %swap3A = arith.index_cast %mul3A_155 : i32 to index
        %swap3A_157 = tpu.vector_load %arg8[%swap3A] {strides = array<i32>} : memref<16384xf32, #tpu.memory_space<vmem>>, vector<16xf32>,
        tpu.vector_store %arg8[%swap3A], %gather3A {strides = array<i32>} : memref<16384xf32, #tpu.memory_space<vmem>>, vector<16xf32>,
      }
      %scan3A_152 = arith.constant 1024 : i32
      %run_scoped3A = arith.constant 18 : i32
      "tpu.region"() ({
        %run_scoped3A_153 = tpu.sem_alloc : memref<!tpu.dma_semaphore, #tpu.memory_space<semaphore_mem>>
        %dma_start3A_154 = arith.constant 0 : i32
        %dma_start3A_155 = tpu.memref_slice %arg5[%run_scoped3A, %dma_start3A_154] : memref<26x16384xf32, #tpu.memory_space<hbm>> -> memref<1x16384xf32, #tpu.memory_space<hbm>>
        %dma_start3A_156 = tpu.memref_squeeze %dma_start3A_155 : memref<1x16384xf32, #tpu.memory_space<hbm>> -> memref<16384xf32, #tpu.memory_space<hbm>>
        %dma_start3A_157 = arith.constant 0 : i32
        %dma_start3A_158 = tpu.memref_slice %arg5[%run_scoped3A, %dma_start3A_157] : memref<26x16384xf32, #tpu.memory_space<hbm>> -> memref<1x16384xf32, #tpu.memory_space<hbm>>
        %dma_start3A_159 = tpu.memref_squeeze %dma_start3A_158 : memref<1x16384xf32, #tpu.memory_space<hbm>> -> memref<16384xf32, #tpu.memory_space<hbm>>
        tpu.enqueue_dma source(%arg8 : memref<16384xf32, #tpu.memory_space<vmem>>) target(%dma_start3A_159 : memref<16384xf32, #tpu.memory_space<hbm>>) target_semaphore(%run_scoped3A_153 : memref<!tpu.dma_semaphore, #tpu.memory_space<semaphore_mem>>)
        %dma_wait3A_160 = arith.constant 0 : i32
        %dma_wait3A_161 = tpu.memref_slice %arg5[%run_scoped3A, %dma_wait3A_160] : memref<26x16384xf32, #tpu.memory_space<hbm>> -> memref<1x16384xf32, #tpu.memory_space<hbm>>
        %dma_wait3A_162 = tpu.memref_squeeze %dma_wait3A_161 : memref<1x16384xf32, #tpu.memory_space<hbm>> -> memref<16384xf32, #tpu.memory_space<hbm>>
        %dma_wait3A_163 = arith.constant 0 : i32
        %dma_wait3A_164 = tpu.memref_slice %arg5[%run_scoped3A, %dma_wait3A_163] : memref<26x16384xf32, #tpu.memory_space<hbm>> -> memref<1x16384xf32, #tpu.memory_space<hbm>>
        %dma_wait3A_165 = tpu.memref_squeeze %dma_wait3A_164 : memref<1x16384xf32, #tpu.memory_space<hbm>> -> memref<16384xf32, #tpu.memory_space<hbm>>
        tpu.wait_dma2 semaphore(%run_scoped3A_153 : memref<!tpu.dma_semaphore, #tpu.memory_space<semaphore_mem>>) src(%arg8 : memref<16384xf32, #tpu.memory_space<vmem>>) dst(%dma_wait3A_165 : memref<16384xf32, #tpu.memory_space<hbm>>)
        tpu.yield
      }) : () -> ()
    } else {
    }
    %eq3A_93 = arith.constant 19 : i32
    %eq3A_94 = arith.cmpi eq, %add3A, %eq3A_93 : i32
    %convert_element_type3A_95 = arith.extui %eq3A_94 : i1 to i32
    %cond3A_96 = arith.constant 0 : i32
    %cond3A_97 = arith.cmpi ne, %convert_element_type3A_95, %cond3A_96 : i32
    scf.if %cond3A_97 {
      %dma_start3A = arith.constant 240000 : i32
      %dma_start3A_128 = tpu.memref_slice %arg3[%dma_start3A] : memref<520000xf32, #tpu.memory_space<hbm>> -> memref<40000xf32, #tpu.memory_space<hbm>>
      %dma_start3A_129 = arith.constant 240000 : i32
      %dma_start3A_130 = tpu.memref_slice %arg3[%dma_start3A_129] : memref<520000xf32, #tpu.memory_space<hbm>> -> memref<40000xf32, #tpu.memory_space<hbm>>
      tpu.enqueue_dma source(%dma_start3A_130 : memref<40000xf32, #tpu.memory_space<hbm>>) target(%arg6 : memref<40000xf32, #tpu.memory_space<vmem>>) target_semaphore(%arg10 : memref<!tpu.dma_semaphore, #tpu.memory_space<semaphore_mem>>)
      %dma_start3A_131 = arith.constant 19 : i32
      %dma_start3A_132 = arith.constant 0 : i32
      %dma_start3A_133 = tpu.memref_slice %arg4[%dma_start3A_131, %dma_start3A_132] : memref<26x16384xi32, #tpu.memory_space<hbm>> -> memref<1x16384xi32, #tpu.memory_space<hbm>>
      %dma_start3A_134 = tpu.memref_squeeze %dma_start3A_133 : memref<1x16384xi32, #tpu.memory_space<hbm>> -> memref<16384xi32, #tpu.memory_space<hbm>>
      %dma_start3A_135 = arith.constant 0 : i32
      %dma_start3A_136 = tpu.memref_slice %arg4[%dma_start3A_131, %dma_start3A_135] : memref<26x16384xi32, #tpu.memory_space<hbm>> -> memref<1x16384xi32, #tpu.memory_space<hbm>>
      %dma_start3A_137 = tpu.memref_squeeze %dma_start3A_136 : memref<1x16384xi32, #tpu.memory_space<hbm>> -> memref<16384xi32, #tpu.memory_space<hbm>>
      tpu.enqueue_dma source(%dma_start3A_137 : memref<16384xi32, #tpu.memory_space<hbm>>) target(%arg7 : memref<16384xi32, #tpu.memory_space<vmem>>) target_semaphore(%arg9 : memref<!tpu.dma_semaphore, #tpu.memory_space<semaphore_mem>>)
      %dma_wait3A = arith.constant 19 : i32
      %dma_wait3A_138 = arith.constant 0 : i32
      %dma_wait3A_139 = tpu.memref_slice %arg4[%dma_wait3A, %dma_wait3A_138] : memref<26x16384xi32, #tpu.memory_space<hbm>> -> memref<1x16384xi32, #tpu.memory_space<hbm>>
      %dma_wait3A_140 = tpu.memref_squeeze %dma_wait3A_139 : memref<1x16384xi32, #tpu.memory_space<hbm>> -> memref<16384xi32, #tpu.memory_space<hbm>>
      %dma_wait3A_141 = arith.constant 0 : i32
      %dma_wait3A_142 = tpu.memref_slice %arg4[%dma_wait3A, %dma_wait3A_141] : memref<26x16384xi32, #tpu.memory_space<hbm>> -> memref<1x16384xi32, #tpu.memory_space<hbm>>
      %dma_wait3A_143 = tpu.memref_squeeze %dma_wait3A_142 : memref<1x16384xi32, #tpu.memory_space<hbm>> -> memref<16384xi32, #tpu.memory_space<hbm>>
      tpu.wait_dma2 semaphore(%arg9 : memref<!tpu.dma_semaphore, #tpu.memory_space<semaphore_mem>>) src(%dma_wait3A_143 : memref<16384xi32, #tpu.memory_space<hbm>>) dst(%arg7 : memref<16384xi32, #tpu.memory_space<vmem>>)
      %dma_wait3A_144 = arith.constant 240000 : i32
      %dma_wait3A_145 = tpu.memref_slice %arg3[%dma_wait3A_144] : memref<520000xf32, #tpu.memory_space<hbm>> -> memref<40000xf32, #tpu.memory_space<hbm>>
      %dma_wait3A_146 = arith.constant 240000 : i32
      %dma_wait3A_147 = tpu.memref_slice %arg3[%dma_wait3A_146] : memref<520000xf32, #tpu.memory_space<hbm>> -> memref<40000xf32, #tpu.memory_space<hbm>>
      tpu.wait_dma2 semaphore(%arg10 : memref<!tpu.dma_semaphore, #tpu.memory_space<semaphore_mem>>) src(%dma_wait3A_147 : memref<40000xf32, #tpu.memory_space<hbm>>) dst(%arg6 : memref<40000xf32, #tpu.memory_space<vmem>>)
      %scan3A = arith.constant 0 : i32
      %scan3A_148 = arith.constant 0 : i32
      %scan3A_149 = arith.constant 1024 : i32
      %scan3A_150 = arith.addi %scan3A_148, %scan3A_149 : i32
      %scan3A_151 = arith.constant 1 : i32
      scf.for %scan3A_153 = %scan3A_148 to %scan3A_150 step %scan3A_151  : i32 {
        %mul3A_154 = arith.constant 16 : i32
        %mul3A_155 = arith.muli %scan3A_153, %mul3A_154 : i32
        %get3A = arith.index_cast %mul3A_155 : i32 to index
        %get3A_156 = tpu.vector_load %arg7[%get3A] {strides = array<i32>} : memref<16384xi32, #tpu.memory_space<vmem>>, vector<16xi32>,
        %gather3A = tpu.vector_load_idx %arg6[%get3A_156] : memref<40000xf32, #tpu.memory_space<vmem>>[vector<16xi32>], vector<16xf32>,
        %swap3A = arith.index_cast %mul3A_155 : i32 to index
        %swap3A_157 = tpu.vector_load %arg8[%swap3A] {strides = array<i32>} : memref<16384xf32, #tpu.memory_space<vmem>>, vector<16xf32>,
        tpu.vector_store %arg8[%swap3A], %gather3A {strides = array<i32>} : memref<16384xf32, #tpu.memory_space<vmem>>, vector<16xf32>,
      }
      %scan3A_152 = arith.constant 1024 : i32
      %run_scoped3A = arith.constant 19 : i32
      "tpu.region"() ({
        %run_scoped3A_153 = tpu.sem_alloc : memref<!tpu.dma_semaphore, #tpu.memory_space<semaphore_mem>>
        %dma_start3A_154 = arith.constant 0 : i32
        %dma_start3A_155 = tpu.memref_slice %arg5[%run_scoped3A, %dma_start3A_154] : memref<26x16384xf32, #tpu.memory_space<hbm>> -> memref<1x16384xf32, #tpu.memory_space<hbm>>
        %dma_start3A_156 = tpu.memref_squeeze %dma_start3A_155 : memref<1x16384xf32, #tpu.memory_space<hbm>> -> memref<16384xf32, #tpu.memory_space<hbm>>
        %dma_start3A_157 = arith.constant 0 : i32
        %dma_start3A_158 = tpu.memref_slice %arg5[%run_scoped3A, %dma_start3A_157] : memref<26x16384xf32, #tpu.memory_space<hbm>> -> memref<1x16384xf32, #tpu.memory_space<hbm>>
        %dma_start3A_159 = tpu.memref_squeeze %dma_start3A_158 : memref<1x16384xf32, #tpu.memory_space<hbm>> -> memref<16384xf32, #tpu.memory_space<hbm>>
        tpu.enqueue_dma source(%arg8 : memref<16384xf32, #tpu.memory_space<vmem>>) target(%dma_start3A_159 : memref<16384xf32, #tpu.memory_space<hbm>>) target_semaphore(%run_scoped3A_153 : memref<!tpu.dma_semaphore, #tpu.memory_space<semaphore_mem>>)
        %dma_wait3A_160 = arith.constant 0 : i32
        %dma_wait3A_161 = tpu.memref_slice %arg5[%run_scoped3A, %dma_wait3A_160] : memref<26x16384xf32, #tpu.memory_space<hbm>> -> memref<1x16384xf32, #tpu.memory_space<hbm>>
        %dma_wait3A_162 = tpu.memref_squeeze %dma_wait3A_161 : memref<1x16384xf32, #tpu.memory_space<hbm>> -> memref<16384xf32, #tpu.memory_space<hbm>>
        %dma_wait3A_163 = arith.constant 0 : i32
        %dma_wait3A_164 = tpu.memref_slice %arg5[%run_scoped3A, %dma_wait3A_163] : memref<26x16384xf32, #tpu.memory_space<hbm>> -> memref<1x16384xf32, #tpu.memory_space<hbm>>
        %dma_wait3A_165 = tpu.memref_squeeze %dma_wait3A_164 : memref<1x16384xf32, #tpu.memory_space<hbm>> -> memref<16384xf32, #tpu.memory_space<hbm>>
        tpu.wait_dma2 semaphore(%run_scoped3A_153 : memref<!tpu.dma_semaphore, #tpu.memory_space<semaphore_mem>>) src(%arg8 : memref<16384xf32, #tpu.memory_space<vmem>>) dst(%dma_wait3A_165 : memref<16384xf32, #tpu.memory_space<hbm>>)
        tpu.yield
      }) : () -> ()
    } else {
    }
    %eq3A_98 = arith.constant 20 : i32
    %eq3A_99 = arith.cmpi eq, %add3A, %eq3A_98 : i32
    %convert_element_type3A_100 = arith.extui %eq3A_99 : i1 to i32
    %cond3A_101 = arith.constant 0 : i32
    %cond3A_102 = arith.cmpi ne, %convert_element_type3A_100, %cond3A_101 : i32
    scf.if %cond3A_102 {
      %dma_start3A = arith.constant 280000 : i32
      %dma_start3A_128 = tpu.memref_slice %arg3[%dma_start3A] : memref<520000xf32, #tpu.memory_space<hbm>> -> memref<40000xf32, #tpu.memory_space<hbm>>
      %dma_start3A_129 = arith.constant 280000 : i32
      %dma_start3A_130 = tpu.memref_slice %arg3[%dma_start3A_129] : memref<520000xf32, #tpu.memory_space<hbm>> -> memref<40000xf32, #tpu.memory_space<hbm>>
      tpu.enqueue_dma source(%dma_start3A_130 : memref<40000xf32, #tpu.memory_space<hbm>>) target(%arg6 : memref<40000xf32, #tpu.memory_space<vmem>>) target_semaphore(%arg10 : memref<!tpu.dma_semaphore, #tpu.memory_space<semaphore_mem>>)
      %dma_start3A_131 = arith.constant 20 : i32
      %dma_start3A_132 = arith.constant 0 : i32
      %dma_start3A_133 = tpu.memref_slice %arg4[%dma_start3A_131, %dma_start3A_132] : memref<26x16384xi32, #tpu.memory_space<hbm>> -> memref<1x16384xi32, #tpu.memory_space<hbm>>
      %dma_start3A_134 = tpu.memref_squeeze %dma_start3A_133 : memref<1x16384xi32, #tpu.memory_space<hbm>> -> memref<16384xi32, #tpu.memory_space<hbm>>
      %dma_start3A_135 = arith.constant 0 : i32
      %dma_start3A_136 = tpu.memref_slice %arg4[%dma_start3A_131, %dma_start3A_135] : memref<26x16384xi32, #tpu.memory_space<hbm>> -> memref<1x16384xi32, #tpu.memory_space<hbm>>
      %dma_start3A_137 = tpu.memref_squeeze %dma_start3A_136 : memref<1x16384xi32, #tpu.memory_space<hbm>> -> memref<16384xi32, #tpu.memory_space<hbm>>
      tpu.enqueue_dma source(%dma_start3A_137 : memref<16384xi32, #tpu.memory_space<hbm>>) target(%arg7 : memref<16384xi32, #tpu.memory_space<vmem>>) target_semaphore(%arg9 : memref<!tpu.dma_semaphore, #tpu.memory_space<semaphore_mem>>)
      %dma_wait3A = arith.constant 20 : i32
      %dma_wait3A_138 = arith.constant 0 : i32
      %dma_wait3A_139 = tpu.memref_slice %arg4[%dma_wait3A, %dma_wait3A_138] : memref<26x16384xi32, #tpu.memory_space<hbm>> -> memref<1x16384xi32, #tpu.memory_space<hbm>>
      %dma_wait3A_140 = tpu.memref_squeeze %dma_wait3A_139 : memref<1x16384xi32, #tpu.memory_space<hbm>> -> memref<16384xi32, #tpu.memory_space<hbm>>
      %dma_wait3A_141 = arith.constant 0 : i32
      %dma_wait3A_142 = tpu.memref_slice %arg4[%dma_wait3A, %dma_wait3A_141] : memref<26x16384xi32, #tpu.memory_space<hbm>> -> memref<1x16384xi32, #tpu.memory_space<hbm>>
      %dma_wait3A_143 = tpu.memref_squeeze %dma_wait3A_142 : memref<1x16384xi32, #tpu.memory_space<hbm>> -> memref<16384xi32, #tpu.memory_space<hbm>>
      tpu.wait_dma2 semaphore(%arg9 : memref<!tpu.dma_semaphore, #tpu.memory_space<semaphore_mem>>) src(%dma_wait3A_143 : memref<16384xi32, #tpu.memory_space<hbm>>) dst(%arg7 : memref<16384xi32, #tpu.memory_space<vmem>>)
      %dma_wait3A_144 = arith.constant 280000 : i32
      %dma_wait3A_145 = tpu.memref_slice %arg3[%dma_wait3A_144] : memref<520000xf32, #tpu.memory_space<hbm>> -> memref<40000xf32, #tpu.memory_space<hbm>>
      %dma_wait3A_146 = arith.constant 280000 : i32
      %dma_wait3A_147 = tpu.memref_slice %arg3[%dma_wait3A_146] : memref<520000xf32, #tpu.memory_space<hbm>> -> memref<40000xf32, #tpu.memory_space<hbm>>
      tpu.wait_dma2 semaphore(%arg10 : memref<!tpu.dma_semaphore, #tpu.memory_space<semaphore_mem>>) src(%dma_wait3A_147 : memref<40000xf32, #tpu.memory_space<hbm>>) dst(%arg6 : memref<40000xf32, #tpu.memory_space<vmem>>)
      %scan3A = arith.constant 0 : i32
      %scan3A_148 = arith.constant 0 : i32
      %scan3A_149 = arith.constant 1024 : i32
      %scan3A_150 = arith.addi %scan3A_148, %scan3A_149 : i32
      %scan3A_151 = arith.constant 1 : i32
      scf.for %scan3A_153 = %scan3A_148 to %scan3A_150 step %scan3A_151  : i32 {
        %mul3A_154 = arith.constant 16 : i32
        %mul3A_155 = arith.muli %scan3A_153, %mul3A_154 : i32
        %get3A = arith.index_cast %mul3A_155 : i32 to index
        %get3A_156 = tpu.vector_load %arg7[%get3A] {strides = array<i32>} : memref<16384xi32, #tpu.memory_space<vmem>>, vector<16xi32>,
        %gather3A = tpu.vector_load_idx %arg6[%get3A_156] : memref<40000xf32, #tpu.memory_space<vmem>>[vector<16xi32>], vector<16xf32>,
        %swap3A = arith.index_cast %mul3A_155 : i32 to index
        %swap3A_157 = tpu.vector_load %arg8[%swap3A] {strides = array<i32>} : memref<16384xf32, #tpu.memory_space<vmem>>, vector<16xf32>,
        tpu.vector_store %arg8[%swap3A], %gather3A {strides = array<i32>} : memref<16384xf32, #tpu.memory_space<vmem>>, vector<16xf32>,
      }
      %scan3A_152 = arith.constant 1024 : i32
      %run_scoped3A = arith.constant 20 : i32
      "tpu.region"() ({
        %run_scoped3A_153 = tpu.sem_alloc : memref<!tpu.dma_semaphore, #tpu.memory_space<semaphore_mem>>
        %dma_start3A_154 = arith.constant 0 : i32
        %dma_start3A_155 = tpu.memref_slice %arg5[%run_scoped3A, %dma_start3A_154] : memref<26x16384xf32, #tpu.memory_space<hbm>> -> memref<1x16384xf32, #tpu.memory_space<hbm>>
        %dma_start3A_156 = tpu.memref_squeeze %dma_start3A_155 : memref<1x16384xf32, #tpu.memory_space<hbm>> -> memref<16384xf32, #tpu.memory_space<hbm>>
        %dma_start3A_157 = arith.constant 0 : i32
        %dma_start3A_158 = tpu.memref_slice %arg5[%run_scoped3A, %dma_start3A_157] : memref<26x16384xf32, #tpu.memory_space<hbm>> -> memref<1x16384xf32, #tpu.memory_space<hbm>>
        %dma_start3A_159 = tpu.memref_squeeze %dma_start3A_158 : memref<1x16384xf32, #tpu.memory_space<hbm>> -> memref<16384xf32, #tpu.memory_space<hbm>>
        tpu.enqueue_dma source(%arg8 : memref<16384xf32, #tpu.memory_space<vmem>>) target(%dma_start3A_159 : memref<16384xf32, #tpu.memory_space<hbm>>) target_semaphore(%run_scoped3A_153 : memref<!tpu.dma_semaphore, #tpu.memory_space<semaphore_mem>>)
        %dma_wait3A_160 = arith.constant 0 : i32
        %dma_wait3A_161 = tpu.memref_slice %arg5[%run_scoped3A, %dma_wait3A_160] : memref<26x16384xf32, #tpu.memory_space<hbm>> -> memref<1x16384xf32, #tpu.memory_space<hbm>>
        %dma_wait3A_162 = tpu.memref_squeeze %dma_wait3A_161 : memref<1x16384xf32, #tpu.memory_space<hbm>> -> memref<16384xf32, #tpu.memory_space<hbm>>
        %dma_wait3A_163 = arith.constant 0 : i32
        %dma_wait3A_164 = tpu.memref_slice %arg5[%run_scoped3A, %dma_wait3A_163] : memref<26x16384xf32, #tpu.memory_space<hbm>> -> memref<1x16384xf32, #tpu.memory_space<hbm>>
        %dma_wait3A_165 = tpu.memref_squeeze %dma_wait3A_164 : memref<1x16384xf32, #tpu.memory_space<hbm>> -> memref<16384xf32, #tpu.memory_space<hbm>>
        tpu.wait_dma2 semaphore(%run_scoped3A_153 : memref<!tpu.dma_semaphore, #tpu.memory_space<semaphore_mem>>) src(%arg8 : memref<16384xf32, #tpu.memory_space<vmem>>) dst(%dma_wait3A_165 : memref<16384xf32, #tpu.memory_space<hbm>>)
        tpu.yield
      }) : () -> ()
    } else {
    }
    %eq3A_103 = arith.constant 21 : i32
    %eq3A_104 = arith.cmpi eq, %add3A, %eq3A_103 : i32
    %convert_element_type3A_105 = arith.extui %eq3A_104 : i1 to i32
    %cond3A_106 = arith.constant 0 : i32
    %cond3A_107 = arith.cmpi ne, %convert_element_type3A_105, %cond3A_106 : i32
    scf.if %cond3A_107 {
      %dma_start3A = arith.constant 320000 : i32
      %dma_start3A_128 = tpu.memref_slice %arg3[%dma_start3A] : memref<520000xf32, #tpu.memory_space<hbm>> -> memref<40000xf32, #tpu.memory_space<hbm>>
      %dma_start3A_129 = arith.constant 320000 : i32
      %dma_start3A_130 = tpu.memref_slice %arg3[%dma_start3A_129] : memref<520000xf32, #tpu.memory_space<hbm>> -> memref<40000xf32, #tpu.memory_space<hbm>>
      tpu.enqueue_dma source(%dma_start3A_130 : memref<40000xf32, #tpu.memory_space<hbm>>) target(%arg6 : memref<40000xf32, #tpu.memory_space<vmem>>) target_semaphore(%arg10 : memref<!tpu.dma_semaphore, #tpu.memory_space<semaphore_mem>>)
      %dma_start3A_131 = arith.constant 21 : i32
      %dma_start3A_132 = arith.constant 0 : i32
      %dma_start3A_133 = tpu.memref_slice %arg4[%dma_start3A_131, %dma_start3A_132] : memref<26x16384xi32, #tpu.memory_space<hbm>> -> memref<1x16384xi32, #tpu.memory_space<hbm>>
      %dma_start3A_134 = tpu.memref_squeeze %dma_start3A_133 : memref<1x16384xi32, #tpu.memory_space<hbm>> -> memref<16384xi32, #tpu.memory_space<hbm>>
      %dma_start3A_135 = arith.constant 0 : i32
      %dma_start3A_136 = tpu.memref_slice %arg4[%dma_start3A_131, %dma_start3A_135] : memref<26x16384xi32, #tpu.memory_space<hbm>> -> memref<1x16384xi32, #tpu.memory_space<hbm>>
      %dma_start3A_137 = tpu.memref_squeeze %dma_start3A_136 : memref<1x16384xi32, #tpu.memory_space<hbm>> -> memref<16384xi32, #tpu.memory_space<hbm>>
      tpu.enqueue_dma source(%dma_start3A_137 : memref<16384xi32, #tpu.memory_space<hbm>>) target(%arg7 : memref<16384xi32, #tpu.memory_space<vmem>>) target_semaphore(%arg9 : memref<!tpu.dma_semaphore, #tpu.memory_space<semaphore_mem>>)
      %dma_wait3A = arith.constant 21 : i32
      %dma_wait3A_138 = arith.constant 0 : i32
      %dma_wait3A_139 = tpu.memref_slice %arg4[%dma_wait3A, %dma_wait3A_138] : memref<26x16384xi32, #tpu.memory_space<hbm>> -> memref<1x16384xi32, #tpu.memory_space<hbm>>
      %dma_wait3A_140 = tpu.memref_squeeze %dma_wait3A_139 : memref<1x16384xi32, #tpu.memory_space<hbm>> -> memref<16384xi32, #tpu.memory_space<hbm>>
      %dma_wait3A_141 = arith.constant 0 : i32
      %dma_wait3A_142 = tpu.memref_slice %arg4[%dma_wait3A, %dma_wait3A_141] : memref<26x16384xi32, #tpu.memory_space<hbm>> -> memref<1x16384xi32, #tpu.memory_space<hbm>>
      %dma_wait3A_143 = tpu.memref_squeeze %dma_wait3A_142 : memref<1x16384xi32, #tpu.memory_space<hbm>> -> memref<16384xi32, #tpu.memory_space<hbm>>
      tpu.wait_dma2 semaphore(%arg9 : memref<!tpu.dma_semaphore, #tpu.memory_space<semaphore_mem>>) src(%dma_wait3A_143 : memref<16384xi32, #tpu.memory_space<hbm>>) dst(%arg7 : memref<16384xi32, #tpu.memory_space<vmem>>)
      %dma_wait3A_144 = arith.constant 320000 : i32
      %dma_wait3A_145 = tpu.memref_slice %arg3[%dma_wait3A_144] : memref<520000xf32, #tpu.memory_space<hbm>> -> memref<40000xf32, #tpu.memory_space<hbm>>
      %dma_wait3A_146 = arith.constant 320000 : i32
      %dma_wait3A_147 = tpu.memref_slice %arg3[%dma_wait3A_146] : memref<520000xf32, #tpu.memory_space<hbm>> -> memref<40000xf32, #tpu.memory_space<hbm>>
      tpu.wait_dma2 semaphore(%arg10 : memref<!tpu.dma_semaphore, #tpu.memory_space<semaphore_mem>>) src(%dma_wait3A_147 : memref<40000xf32, #tpu.memory_space<hbm>>) dst(%arg6 : memref<40000xf32, #tpu.memory_space<vmem>>)
      %scan3A = arith.constant 0 : i32
      %scan3A_148 = arith.constant 0 : i32
      %scan3A_149 = arith.constant 1024 : i32
      %scan3A_150 = arith.addi %scan3A_148, %scan3A_149 : i32
      %scan3A_151 = arith.constant 1 : i32
      scf.for %scan3A_153 = %scan3A_148 to %scan3A_150 step %scan3A_151  : i32 {
        %mul3A_154 = arith.constant 16 : i32
        %mul3A_155 = arith.muli %scan3A_153, %mul3A_154 : i32
        %get3A = arith.index_cast %mul3A_155 : i32 to index
        %get3A_156 = tpu.vector_load %arg7[%get3A] {strides = array<i32>} : memref<16384xi32, #tpu.memory_space<vmem>>, vector<16xi32>,
        %gather3A = tpu.vector_load_idx %arg6[%get3A_156] : memref<40000xf32, #tpu.memory_space<vmem>>[vector<16xi32>], vector<16xf32>,
        %swap3A = arith.index_cast %mul3A_155 : i32 to index
        %swap3A_157 = tpu.vector_load %arg8[%swap3A] {strides = array<i32>} : memref<16384xf32, #tpu.memory_space<vmem>>, vector<16xf32>,
        tpu.vector_store %arg8[%swap3A], %gather3A {strides = array<i32>} : memref<16384xf32, #tpu.memory_space<vmem>>, vector<16xf32>,
      }
      %scan3A_152 = arith.constant 1024 : i32
      %run_scoped3A = arith.constant 21 : i32
      "tpu.region"() ({
        %run_scoped3A_153 = tpu.sem_alloc : memref<!tpu.dma_semaphore, #tpu.memory_space<semaphore_mem>>
        %dma_start3A_154 = arith.constant 0 : i32
        %dma_start3A_155 = tpu.memref_slice %arg5[%run_scoped3A, %dma_start3A_154] : memref<26x16384xf32, #tpu.memory_space<hbm>> -> memref<1x16384xf32, #tpu.memory_space<hbm>>
        %dma_start3A_156 = tpu.memref_squeeze %dma_start3A_155 : memref<1x16384xf32, #tpu.memory_space<hbm>> -> memref<16384xf32, #tpu.memory_space<hbm>>
        %dma_start3A_157 = arith.constant 0 : i32
        %dma_start3A_158 = tpu.memref_slice %arg5[%run_scoped3A, %dma_start3A_157] : memref<26x16384xf32, #tpu.memory_space<hbm>> -> memref<1x16384xf32, #tpu.memory_space<hbm>>
        %dma_start3A_159 = tpu.memref_squeeze %dma_start3A_158 : memref<1x16384xf32, #tpu.memory_space<hbm>> -> memref<16384xf32, #tpu.memory_space<hbm>>
        tpu.enqueue_dma source(%arg8 : memref<16384xf32, #tpu.memory_space<vmem>>) target(%dma_start3A_159 : memref<16384xf32, #tpu.memory_space<hbm>>) target_semaphore(%run_scoped3A_153 : memref<!tpu.dma_semaphore, #tpu.memory_space<semaphore_mem>>)
        %dma_wait3A_160 = arith.constant 0 : i32
        %dma_wait3A_161 = tpu.memref_slice %arg5[%run_scoped3A, %dma_wait3A_160] : memref<26x16384xf32, #tpu.memory_space<hbm>> -> memref<1x16384xf32, #tpu.memory_space<hbm>>
        %dma_wait3A_162 = tpu.memref_squeeze %dma_wait3A_161 : memref<1x16384xf32, #tpu.memory_space<hbm>> -> memref<16384xf32, #tpu.memory_space<hbm>>
        %dma_wait3A_163 = arith.constant 0 : i32
        %dma_wait3A_164 = tpu.memref_slice %arg5[%run_scoped3A, %dma_wait3A_163] : memref<26x16384xf32, #tpu.memory_space<hbm>> -> memref<1x16384xf32, #tpu.memory_space<hbm>>
        %dma_wait3A_165 = tpu.memref_squeeze %dma_wait3A_164 : memref<1x16384xf32, #tpu.memory_space<hbm>> -> memref<16384xf32, #tpu.memory_space<hbm>>
        tpu.wait_dma2 semaphore(%run_scoped3A_153 : memref<!tpu.dma_semaphore, #tpu.memory_space<semaphore_mem>>) src(%arg8 : memref<16384xf32, #tpu.memory_space<vmem>>) dst(%dma_wait3A_165 : memref<16384xf32, #tpu.memory_space<hbm>>)
        tpu.yield
      }) : () -> ()
    } else {
    }
    %eq3A_108 = arith.constant 22 : i32
    %eq3A_109 = arith.cmpi eq, %add3A, %eq3A_108 : i32
    %convert_element_type3A_110 = arith.extui %eq3A_109 : i1 to i32
    %cond3A_111 = arith.constant 0 : i32
    %cond3A_112 = arith.cmpi ne, %convert_element_type3A_110, %cond3A_111 : i32
    scf.if %cond3A_112 {
      %dma_start3A = arith.constant 360000 : i32
      %dma_start3A_128 = tpu.memref_slice %arg3[%dma_start3A] : memref<520000xf32, #tpu.memory_space<hbm>> -> memref<40000xf32, #tpu.memory_space<hbm>>
      %dma_start3A_129 = arith.constant 360000 : i32
      %dma_start3A_130 = tpu.memref_slice %arg3[%dma_start3A_129] : memref<520000xf32, #tpu.memory_space<hbm>> -> memref<40000xf32, #tpu.memory_space<hbm>>
      tpu.enqueue_dma source(%dma_start3A_130 : memref<40000xf32, #tpu.memory_space<hbm>>) target(%arg6 : memref<40000xf32, #tpu.memory_space<vmem>>) target_semaphore(%arg10 : memref<!tpu.dma_semaphore, #tpu.memory_space<semaphore_mem>>)
      %dma_start3A_131 = arith.constant 22 : i32
      %dma_start3A_132 = arith.constant 0 : i32
      %dma_start3A_133 = tpu.memref_slice %arg4[%dma_start3A_131, %dma_start3A_132] : memref<26x16384xi32, #tpu.memory_space<hbm>> -> memref<1x16384xi32, #tpu.memory_space<hbm>>
      %dma_start3A_134 = tpu.memref_squeeze %dma_start3A_133 : memref<1x16384xi32, #tpu.memory_space<hbm>> -> memref<16384xi32, #tpu.memory_space<hbm>>
      %dma_start3A_135 = arith.constant 0 : i32
      %dma_start3A_136 = tpu.memref_slice %arg4[%dma_start3A_131, %dma_start3A_135] : memref<26x16384xi32, #tpu.memory_space<hbm>> -> memref<1x16384xi32, #tpu.memory_space<hbm>>
      %dma_start3A_137 = tpu.memref_squeeze %dma_start3A_136 : memref<1x16384xi32, #tpu.memory_space<hbm>> -> memref<16384xi32, #tpu.memory_space<hbm>>
      tpu.enqueue_dma source(%dma_start3A_137 : memref<16384xi32, #tpu.memory_space<hbm>>) target(%arg7 : memref<16384xi32, #tpu.memory_space<vmem>>) target_semaphore(%arg9 : memref<!tpu.dma_semaphore, #tpu.memory_space<semaphore_mem>>)
      %dma_wait3A = arith.constant 22 : i32
      %dma_wait3A_138 = arith.constant 0 : i32
      %dma_wait3A_139 = tpu.memref_slice %arg4[%dma_wait3A, %dma_wait3A_138] : memref<26x16384xi32, #tpu.memory_space<hbm>> -> memref<1x16384xi32, #tpu.memory_space<hbm>>
      %dma_wait3A_140 = tpu.memref_squeeze %dma_wait3A_139 : memref<1x16384xi32, #tpu.memory_space<hbm>> -> memref<16384xi32, #tpu.memory_space<hbm>>
      %dma_wait3A_141 = arith.constant 0 : i32
      %dma_wait3A_142 = tpu.memref_slice %arg4[%dma_wait3A, %dma_wait3A_141] : memref<26x16384xi32, #tpu.memory_space<hbm>> -> memref<1x16384xi32, #tpu.memory_space<hbm>>
      %dma_wait3A_143 = tpu.memref_squeeze %dma_wait3A_142 : memref<1x16384xi32, #tpu.memory_space<hbm>> -> memref<16384xi32, #tpu.memory_space<hbm>>
      tpu.wait_dma2 semaphore(%arg9 : memref<!tpu.dma_semaphore, #tpu.memory_space<semaphore_mem>>) src(%dma_wait3A_143 : memref<16384xi32, #tpu.memory_space<hbm>>) dst(%arg7 : memref<16384xi32, #tpu.memory_space<vmem>>)
      %dma_wait3A_144 = arith.constant 360000 : i32
      %dma_wait3A_145 = tpu.memref_slice %arg3[%dma_wait3A_144] : memref<520000xf32, #tpu.memory_space<hbm>> -> memref<40000xf32, #tpu.memory_space<hbm>>
      %dma_wait3A_146 = arith.constant 360000 : i32
      %dma_wait3A_147 = tpu.memref_slice %arg3[%dma_wait3A_146] : memref<520000xf32, #tpu.memory_space<hbm>> -> memref<40000xf32, #tpu.memory_space<hbm>>
      tpu.wait_dma2 semaphore(%arg10 : memref<!tpu.dma_semaphore, #tpu.memory_space<semaphore_mem>>) src(%dma_wait3A_147 : memref<40000xf32, #tpu.memory_space<hbm>>) dst(%arg6 : memref<40000xf32, #tpu.memory_space<vmem>>)
      %scan3A = arith.constant 0 : i32
      %scan3A_148 = arith.constant 0 : i32
      %scan3A_149 = arith.constant 1024 : i32
      %scan3A_150 = arith.addi %scan3A_148, %scan3A_149 : i32
      %scan3A_151 = arith.constant 1 : i32
      scf.for %scan3A_153 = %scan3A_148 to %scan3A_150 step %scan3A_151  : i32 {
        %mul3A_154 = arith.constant 16 : i32
        %mul3A_155 = arith.muli %scan3A_153, %mul3A_154 : i32
        %get3A = arith.index_cast %mul3A_155 : i32 to index
        %get3A_156 = tpu.vector_load %arg7[%get3A] {strides = array<i32>} : memref<16384xi32, #tpu.memory_space<vmem>>, vector<16xi32>,
        %gather3A = tpu.vector_load_idx %arg6[%get3A_156] : memref<40000xf32, #tpu.memory_space<vmem>>[vector<16xi32>], vector<16xf32>,
        %swap3A = arith.index_cast %mul3A_155 : i32 to index
        %swap3A_157 = tpu.vector_load %arg8[%swap3A] {strides = array<i32>} : memref<16384xf32, #tpu.memory_space<vmem>>, vector<16xf32>,
        tpu.vector_store %arg8[%swap3A], %gather3A {strides = array<i32>} : memref<16384xf32, #tpu.memory_space<vmem>>, vector<16xf32>,
      }
      %scan3A_152 = arith.constant 1024 : i32
      %run_scoped3A = arith.constant 22 : i32
      "tpu.region"() ({
        %run_scoped3A_153 = tpu.sem_alloc : memref<!tpu.dma_semaphore, #tpu.memory_space<semaphore_mem>>
        %dma_start3A_154 = arith.constant 0 : i32
        %dma_start3A_155 = tpu.memref_slice %arg5[%run_scoped3A, %dma_start3A_154] : memref<26x16384xf32, #tpu.memory_space<hbm>> -> memref<1x16384xf32, #tpu.memory_space<hbm>>
        %dma_start3A_156 = tpu.memref_squeeze %dma_start3A_155 : memref<1x16384xf32, #tpu.memory_space<hbm>> -> memref<16384xf32, #tpu.memory_space<hbm>>
        %dma_start3A_157 = arith.constant 0 : i32
        %dma_start3A_158 = tpu.memref_slice %arg5[%run_scoped3A, %dma_start3A_157] : memref<26x16384xf32, #tpu.memory_space<hbm>> -> memref<1x16384xf32, #tpu.memory_space<hbm>>
        %dma_start3A_159 = tpu.memref_squeeze %dma_start3A_158 : memref<1x16384xf32, #tpu.memory_space<hbm>> -> memref<16384xf32, #tpu.memory_space<hbm>>
        tpu.enqueue_dma source(%arg8 : memref<16384xf32, #tpu.memory_space<vmem>>) target(%dma_start3A_159 : memref<16384xf32, #tpu.memory_space<hbm>>) target_semaphore(%run_scoped3A_153 : memref<!tpu.dma_semaphore, #tpu.memory_space<semaphore_mem>>)
        %dma_wait3A_160 = arith.constant 0 : i32
        %dma_wait3A_161 = tpu.memref_slice %arg5[%run_scoped3A, %dma_wait3A_160] : memref<26x16384xf32, #tpu.memory_space<hbm>> -> memref<1x16384xf32, #tpu.memory_space<hbm>>
        %dma_wait3A_162 = tpu.memref_squeeze %dma_wait3A_161 : memref<1x16384xf32, #tpu.memory_space<hbm>> -> memref<16384xf32, #tpu.memory_space<hbm>>
        %dma_wait3A_163 = arith.constant 0 : i32
        %dma_wait3A_164 = tpu.memref_slice %arg5[%run_scoped3A, %dma_wait3A_163] : memref<26x16384xf32, #tpu.memory_space<hbm>> -> memref<1x16384xf32, #tpu.memory_space<hbm>>
        %dma_wait3A_165 = tpu.memref_squeeze %dma_wait3A_164 : memref<1x16384xf32, #tpu.memory_space<hbm>> -> memref<16384xf32, #tpu.memory_space<hbm>>
        tpu.wait_dma2 semaphore(%run_scoped3A_153 : memref<!tpu.dma_semaphore, #tpu.memory_space<semaphore_mem>>) src(%arg8 : memref<16384xf32, #tpu.memory_space<vmem>>) dst(%dma_wait3A_165 : memref<16384xf32, #tpu.memory_space<hbm>>)
        tpu.yield
      }) : () -> ()
    } else {
    }
    %eq3A_113 = arith.constant 23 : i32
    %eq3A_114 = arith.cmpi eq, %add3A, %eq3A_113 : i32
    %convert_element_type3A_115 = arith.extui %eq3A_114 : i1 to i32
    %cond3A_116 = arith.constant 0 : i32
    %cond3A_117 = arith.cmpi ne, %convert_element_type3A_115, %cond3A_116 : i32
    scf.if %cond3A_117 {
      %dma_start3A = arith.constant 400000 : i32
      %dma_start3A_128 = tpu.memref_slice %arg3[%dma_start3A] : memref<520000xf32, #tpu.memory_space<hbm>> -> memref<40000xf32, #tpu.memory_space<hbm>>
      %dma_start3A_129 = arith.constant 400000 : i32
      %dma_start3A_130 = tpu.memref_slice %arg3[%dma_start3A_129] : memref<520000xf32, #tpu.memory_space<hbm>> -> memref<40000xf32, #tpu.memory_space<hbm>>
      tpu.enqueue_dma source(%dma_start3A_130 : memref<40000xf32, #tpu.memory_space<hbm>>) target(%arg6 : memref<40000xf32, #tpu.memory_space<vmem>>) target_semaphore(%arg10 : memref<!tpu.dma_semaphore, #tpu.memory_space<semaphore_mem>>)
      %dma_start3A_131 = arith.constant 23 : i32
      %dma_start3A_132 = arith.constant 0 : i32
      %dma_start3A_133 = tpu.memref_slice %arg4[%dma_start3A_131, %dma_start3A_132] : memref<26x16384xi32, #tpu.memory_space<hbm>> -> memref<1x16384xi32, #tpu.memory_space<hbm>>
      %dma_start3A_134 = tpu.memref_squeeze %dma_start3A_133 : memref<1x16384xi32, #tpu.memory_space<hbm>> -> memref<16384xi32, #tpu.memory_space<hbm>>
      %dma_start3A_135 = arith.constant 0 : i32
      %dma_start3A_136 = tpu.memref_slice %arg4[%dma_start3A_131, %dma_start3A_135] : memref<26x16384xi32, #tpu.memory_space<hbm>> -> memref<1x16384xi32, #tpu.memory_space<hbm>>
      %dma_start3A_137 = tpu.memref_squeeze %dma_start3A_136 : memref<1x16384xi32, #tpu.memory_space<hbm>> -> memref<16384xi32, #tpu.memory_space<hbm>>
      tpu.enqueue_dma source(%dma_start3A_137 : memref<16384xi32, #tpu.memory_space<hbm>>) target(%arg7 : memref<16384xi32, #tpu.memory_space<vmem>>) target_semaphore(%arg9 : memref<!tpu.dma_semaphore, #tpu.memory_space<semaphore_mem>>)
      %dma_wait3A = arith.constant 23 : i32
      %dma_wait3A_138 = arith.constant 0 : i32
      %dma_wait3A_139 = tpu.memref_slice %arg4[%dma_wait3A, %dma_wait3A_138] : memref<26x16384xi32, #tpu.memory_space<hbm>> -> memref<1x16384xi32, #tpu.memory_space<hbm>>
      %dma_wait3A_140 = tpu.memref_squeeze %dma_wait3A_139 : memref<1x16384xi32, #tpu.memory_space<hbm>> -> memref<16384xi32, #tpu.memory_space<hbm>>
      %dma_wait3A_141 = arith.constant 0 : i32
      %dma_wait3A_142 = tpu.memref_slice %arg4[%dma_wait3A, %dma_wait3A_141] : memref<26x16384xi32, #tpu.memory_space<hbm>> -> memref<1x16384xi32, #tpu.memory_space<hbm>>
      %dma_wait3A_143 = tpu.memref_squeeze %dma_wait3A_142 : memref<1x16384xi32, #tpu.memory_space<hbm>> -> memref<16384xi32, #tpu.memory_space<hbm>>
      tpu.wait_dma2 semaphore(%arg9 : memref<!tpu.dma_semaphore, #tpu.memory_space<semaphore_mem>>) src(%dma_wait3A_143 : memref<16384xi32, #tpu.memory_space<hbm>>) dst(%arg7 : memref<16384xi32, #tpu.memory_space<vmem>>)
      %dma_wait3A_144 = arith.constant 400000 : i32
      %dma_wait3A_145 = tpu.memref_slice %arg3[%dma_wait3A_144] : memref<520000xf32, #tpu.memory_space<hbm>> -> memref<40000xf32, #tpu.memory_space<hbm>>
      %dma_wait3A_146 = arith.constant 400000 : i32
      %dma_wait3A_147 = tpu.memref_slice %arg3[%dma_wait3A_146] : memref<520000xf32, #tpu.memory_space<hbm>> -> memref<40000xf32, #tpu.memory_space<hbm>>
      tpu.wait_dma2 semaphore(%arg10 : memref<!tpu.dma_semaphore, #tpu.memory_space<semaphore_mem>>) src(%dma_wait3A_147 : memref<40000xf32, #tpu.memory_space<hbm>>) dst(%arg6 : memref<40000xf32, #tpu.memory_space<vmem>>)
      %scan3A = arith.constant 0 : i32
      %scan3A_148 = arith.constant 0 : i32
      %scan3A_149 = arith.constant 1024 : i32
      %scan3A_150 = arith.addi %scan3A_148, %scan3A_149 : i32
      %scan3A_151 = arith.constant 1 : i32
      scf.for %scan3A_153 = %scan3A_148 to %scan3A_150 step %scan3A_151  : i32 {
        %mul3A_154 = arith.constant 16 : i32
        %mul3A_155 = arith.muli %scan3A_153, %mul3A_154 : i32
        %get3A = arith.index_cast %mul3A_155 : i32 to index
        %get3A_156 = tpu.vector_load %arg7[%get3A] {strides = array<i32>} : memref<16384xi32, #tpu.memory_space<vmem>>, vector<16xi32>,
        %gather3A = tpu.vector_load_idx %arg6[%get3A_156] : memref<40000xf32, #tpu.memory_space<vmem>>[vector<16xi32>], vector<16xf32>,
        %swap3A = arith.index_cast %mul3A_155 : i32 to index
        %swap3A_157 = tpu.vector_load %arg8[%swap3A] {strides = array<i32>} : memref<16384xf32, #tpu.memory_space<vmem>>, vector<16xf32>,
        tpu.vector_store %arg8[%swap3A], %gather3A {strides = array<i32>} : memref<16384xf32, #tpu.memory_space<vmem>>, vector<16xf32>,
      }
      %scan3A_152 = arith.constant 1024 : i32
      %run_scoped3A = arith.constant 23 : i32
      "tpu.region"() ({
        %run_scoped3A_153 = tpu.sem_alloc : memref<!tpu.dma_semaphore, #tpu.memory_space<semaphore_mem>>
        %dma_start3A_154 = arith.constant 0 : i32
        %dma_start3A_155 = tpu.memref_slice %arg5[%run_scoped3A, %dma_start3A_154] : memref<26x16384xf32, #tpu.memory_space<hbm>> -> memref<1x16384xf32, #tpu.memory_space<hbm>>
        %dma_start3A_156 = tpu.memref_squeeze %dma_start3A_155 : memref<1x16384xf32, #tpu.memory_space<hbm>> -> memref<16384xf32, #tpu.memory_space<hbm>>
        %dma_start3A_157 = arith.constant 0 : i32
        %dma_start3A_158 = tpu.memref_slice %arg5[%run_scoped3A, %dma_start3A_157] : memref<26x16384xf32, #tpu.memory_space<hbm>> -> memref<1x16384xf32, #tpu.memory_space<hbm>>
        %dma_start3A_159 = tpu.memref_squeeze %dma_start3A_158 : memref<1x16384xf32, #tpu.memory_space<hbm>> -> memref<16384xf32, #tpu.memory_space<hbm>>
        tpu.enqueue_dma source(%arg8 : memref<16384xf32, #tpu.memory_space<vmem>>) target(%dma_start3A_159 : memref<16384xf32, #tpu.memory_space<hbm>>) target_semaphore(%run_scoped3A_153 : memref<!tpu.dma_semaphore, #tpu.memory_space<semaphore_mem>>)
        %dma_wait3A_160 = arith.constant 0 : i32
        %dma_wait3A_161 = tpu.memref_slice %arg5[%run_scoped3A, %dma_wait3A_160] : memref<26x16384xf32, #tpu.memory_space<hbm>> -> memref<1x16384xf32, #tpu.memory_space<hbm>>
        %dma_wait3A_162 = tpu.memref_squeeze %dma_wait3A_161 : memref<1x16384xf32, #tpu.memory_space<hbm>> -> memref<16384xf32, #tpu.memory_space<hbm>>
        %dma_wait3A_163 = arith.constant 0 : i32
        %dma_wait3A_164 = tpu.memref_slice %arg5[%run_scoped3A, %dma_wait3A_163] : memref<26x16384xf32, #tpu.memory_space<hbm>> -> memref<1x16384xf32, #tpu.memory_space<hbm>>
        %dma_wait3A_165 = tpu.memref_squeeze %dma_wait3A_164 : memref<1x16384xf32, #tpu.memory_space<hbm>> -> memref<16384xf32, #tpu.memory_space<hbm>>
        tpu.wait_dma2 semaphore(%run_scoped3A_153 : memref<!tpu.dma_semaphore, #tpu.memory_space<semaphore_mem>>) src(%arg8 : memref<16384xf32, #tpu.memory_space<vmem>>) dst(%dma_wait3A_165 : memref<16384xf32, #tpu.memory_space<hbm>>)
        tpu.yield
      }) : () -> ()
    } else {
    }
    %eq3A_118 = arith.constant 24 : i32
    %eq3A_119 = arith.cmpi eq, %add3A, %eq3A_118 : i32
    %convert_element_type3A_120 = arith.extui %eq3A_119 : i1 to i32
    %cond3A_121 = arith.constant 0 : i32
    %cond3A_122 = arith.cmpi ne, %convert_element_type3A_120, %cond3A_121 : i32
    scf.if %cond3A_122 {
      %dma_start3A = arith.constant 440000 : i32
      %dma_start3A_128 = tpu.memref_slice %arg3[%dma_start3A] : memref<520000xf32, #tpu.memory_space<hbm>> -> memref<40000xf32, #tpu.memory_space<hbm>>
      %dma_start3A_129 = arith.constant 440000 : i32
      %dma_start3A_130 = tpu.memref_slice %arg3[%dma_start3A_129] : memref<520000xf32, #tpu.memory_space<hbm>> -> memref<40000xf32, #tpu.memory_space<hbm>>
      tpu.enqueue_dma source(%dma_start3A_130 : memref<40000xf32, #tpu.memory_space<hbm>>) target(%arg6 : memref<40000xf32, #tpu.memory_space<vmem>>) target_semaphore(%arg10 : memref<!tpu.dma_semaphore, #tpu.memory_space<semaphore_mem>>)
      %dma_start3A_131 = arith.constant 24 : i32
      %dma_start3A_132 = arith.constant 0 : i32
      %dma_start3A_133 = tpu.memref_slice %arg4[%dma_start3A_131, %dma_start3A_132] : memref<26x16384xi32, #tpu.memory_space<hbm>> -> memref<1x16384xi32, #tpu.memory_space<hbm>>
      %dma_start3A_134 = tpu.memref_squeeze %dma_start3A_133 : memref<1x16384xi32, #tpu.memory_space<hbm>> -> memref<16384xi32, #tpu.memory_space<hbm>>
      %dma_start3A_135 = arith.constant 0 : i32
      %dma_start3A_136 = tpu.memref_slice %arg4[%dma_start3A_131, %dma_start3A_135] : memref<26x16384xi32, #tpu.memory_space<hbm>> -> memref<1x16384xi32, #tpu.memory_space<hbm>>
      %dma_start3A_137 = tpu.memref_squeeze %dma_start3A_136 : memref<1x16384xi32, #tpu.memory_space<hbm>> -> memref<16384xi32, #tpu.memory_space<hbm>>
      tpu.enqueue_dma source(%dma_start3A_137 : memref<16384xi32, #tpu.memory_space<hbm>>) target(%arg7 : memref<16384xi32, #tpu.memory_space<vmem>>) target_semaphore(%arg9 : memref<!tpu.dma_semaphore, #tpu.memory_space<semaphore_mem>>)
      %dma_wait3A = arith.constant 24 : i32
      %dma_wait3A_138 = arith.constant 0 : i32
      %dma_wait3A_139 = tpu.memref_slice %arg4[%dma_wait3A, %dma_wait3A_138] : memref<26x16384xi32, #tpu.memory_space<hbm>> -> memref<1x16384xi32, #tpu.memory_space<hbm>>
      %dma_wait3A_140 = tpu.memref_squeeze %dma_wait3A_139 : memref<1x16384xi32, #tpu.memory_space<hbm>> -> memref<16384xi32, #tpu.memory_space<hbm>>
      %dma_wait3A_141 = arith.constant 0 : i32
      %dma_wait3A_142 = tpu.memref_slice %arg4[%dma_wait3A, %dma_wait3A_141] : memref<26x16384xi32, #tpu.memory_space<hbm>> -> memref<1x16384xi32, #tpu.memory_space<hbm>>
      %dma_wait3A_143 = tpu.memref_squeeze %dma_wait3A_142 : memref<1x16384xi32, #tpu.memory_space<hbm>> -> memref<16384xi32, #tpu.memory_space<hbm>>
      tpu.wait_dma2 semaphore(%arg9 : memref<!tpu.dma_semaphore, #tpu.memory_space<semaphore_mem>>) src(%dma_wait3A_143 : memref<16384xi32, #tpu.memory_space<hbm>>) dst(%arg7 : memref<16384xi32, #tpu.memory_space<vmem>>)
      %dma_wait3A_144 = arith.constant 440000 : i32
      %dma_wait3A_145 = tpu.memref_slice %arg3[%dma_wait3A_144] : memref<520000xf32, #tpu.memory_space<hbm>> -> memref<40000xf32, #tpu.memory_space<hbm>>
      %dma_wait3A_146 = arith.constant 440000 : i32
      %dma_wait3A_147 = tpu.memref_slice %arg3[%dma_wait3A_146] : memref<520000xf32, #tpu.memory_space<hbm>> -> memref<40000xf32, #tpu.memory_space<hbm>>
      tpu.wait_dma2 semaphore(%arg10 : memref<!tpu.dma_semaphore, #tpu.memory_space<semaphore_mem>>) src(%dma_wait3A_147 : memref<40000xf32, #tpu.memory_space<hbm>>) dst(%arg6 : memref<40000xf32, #tpu.memory_space<vmem>>)
      %scan3A = arith.constant 0 : i32
      %scan3A_148 = arith.constant 0 : i32
      %scan3A_149 = arith.constant 1024 : i32
      %scan3A_150 = arith.addi %scan3A_148, %scan3A_149 : i32
      %scan3A_151 = arith.constant 1 : i32
      scf.for %scan3A_153 = %scan3A_148 to %scan3A_150 step %scan3A_151  : i32 {
        %mul3A_154 = arith.constant 16 : i32
        %mul3A_155 = arith.muli %scan3A_153, %mul3A_154 : i32
        %get3A = arith.index_cast %mul3A_155 : i32 to index
        %get3A_156 = tpu.vector_load %arg7[%get3A] {strides = array<i32>} : memref<16384xi32, #tpu.memory_space<vmem>>, vector<16xi32>,
        %gather3A = tpu.vector_load_idx %arg6[%get3A_156] : memref<40000xf32, #tpu.memory_space<vmem>>[vector<16xi32>], vector<16xf32>,
        %swap3A = arith.index_cast %mul3A_155 : i32 to index
        %swap3A_157 = tpu.vector_load %arg8[%swap3A] {strides = array<i32>} : memref<16384xf32, #tpu.memory_space<vmem>>, vector<16xf32>,
        tpu.vector_store %arg8[%swap3A], %gather3A {strides = array<i32>} : memref<16384xf32, #tpu.memory_space<vmem>>, vector<16xf32>,
      }
      %scan3A_152 = arith.constant 1024 : i32
      %run_scoped3A = arith.constant 24 : i32
      "tpu.region"() ({
        %run_scoped3A_153 = tpu.sem_alloc : memref<!tpu.dma_semaphore, #tpu.memory_space<semaphore_mem>>
        %dma_start3A_154 = arith.constant 0 : i32
        %dma_start3A_155 = tpu.memref_slice %arg5[%run_scoped3A, %dma_start3A_154] : memref<26x16384xf32, #tpu.memory_space<hbm>> -> memref<1x16384xf32, #tpu.memory_space<hbm>>
        %dma_start3A_156 = tpu.memref_squeeze %dma_start3A_155 : memref<1x16384xf32, #tpu.memory_space<hbm>> -> memref<16384xf32, #tpu.memory_space<hbm>>
        %dma_start3A_157 = arith.constant 0 : i32
        %dma_start3A_158 = tpu.memref_slice %arg5[%run_scoped3A, %dma_start3A_157] : memref<26x16384xf32, #tpu.memory_space<hbm>> -> memref<1x16384xf32, #tpu.memory_space<hbm>>
        %dma_start3A_159 = tpu.memref_squeeze %dma_start3A_158 : memref<1x16384xf32, #tpu.memory_space<hbm>> -> memref<16384xf32, #tpu.memory_space<hbm>>
        tpu.enqueue_dma source(%arg8 : memref<16384xf32, #tpu.memory_space<vmem>>) target(%dma_start3A_159 : memref<16384xf32, #tpu.memory_space<hbm>>) target_semaphore(%run_scoped3A_153 : memref<!tpu.dma_semaphore, #tpu.memory_space<semaphore_mem>>)
        %dma_wait3A_160 = arith.constant 0 : i32
        %dma_wait3A_161 = tpu.memref_slice %arg5[%run_scoped3A, %dma_wait3A_160] : memref<26x16384xf32, #tpu.memory_space<hbm>> -> memref<1x16384xf32, #tpu.memory_space<hbm>>
        %dma_wait3A_162 = tpu.memref_squeeze %dma_wait3A_161 : memref<1x16384xf32, #tpu.memory_space<hbm>> -> memref<16384xf32, #tpu.memory_space<hbm>>
        %dma_wait3A_163 = arith.constant 0 : i32
        %dma_wait3A_164 = tpu.memref_slice %arg5[%run_scoped3A, %dma_wait3A_163] : memref<26x16384xf32, #tpu.memory_space<hbm>> -> memref<1x16384xf32, #tpu.memory_space<hbm>>
        %dma_wait3A_165 = tpu.memref_squeeze %dma_wait3A_164 : memref<1x16384xf32, #tpu.memory_space<hbm>> -> memref<16384xf32, #tpu.memory_space<hbm>>
        tpu.wait_dma2 semaphore(%run_scoped3A_153 : memref<!tpu.dma_semaphore, #tpu.memory_space<semaphore_mem>>) src(%arg8 : memref<16384xf32, #tpu.memory_space<vmem>>) dst(%dma_wait3A_165 : memref<16384xf32, #tpu.memory_space<hbm>>)
        tpu.yield
      }) : () -> ()
    } else {
    }
    %eq3A_123 = arith.constant 25 : i32
    %eq3A_124 = arith.cmpi eq, %add3A, %eq3A_123 : i32
    %convert_element_type3A_125 = arith.extui %eq3A_124 : i1 to i32
    %cond3A_126 = arith.constant 0 : i32
    %cond3A_127 = arith.cmpi ne, %convert_element_type3A_125, %cond3A_126 : i32
    scf.if %cond3A_127 {
      %dma_start3A = arith.constant 480000 : i32
      %dma_start3A_128 = tpu.memref_slice %arg3[%dma_start3A] : memref<520000xf32, #tpu.memory_space<hbm>> -> memref<40000xf32, #tpu.memory_space<hbm>>
      %dma_start3A_129 = arith.constant 480000 : i32
      %dma_start3A_130 = tpu.memref_slice %arg3[%dma_start3A_129] : memref<520000xf32, #tpu.memory_space<hbm>> -> memref<40000xf32, #tpu.memory_space<hbm>>
      tpu.enqueue_dma source(%dma_start3A_130 : memref<40000xf32, #tpu.memory_space<hbm>>) target(%arg6 : memref<40000xf32, #tpu.memory_space<vmem>>) target_semaphore(%arg10 : memref<!tpu.dma_semaphore, #tpu.memory_space<semaphore_mem>>)
      %dma_start3A_131 = arith.constant 25 : i32
      %dma_start3A_132 = arith.constant 0 : i32
      %dma_start3A_133 = tpu.memref_slice %arg4[%dma_start3A_131, %dma_start3A_132] : memref<26x16384xi32, #tpu.memory_space<hbm>> -> memref<1x16384xi32, #tpu.memory_space<hbm>>
      %dma_start3A_134 = tpu.memref_squeeze %dma_start3A_133 : memref<1x16384xi32, #tpu.memory_space<hbm>> -> memref<16384xi32, #tpu.memory_space<hbm>>
      %dma_start3A_135 = arith.constant 0 : i32
      %dma_start3A_136 = tpu.memref_slice %arg4[%dma_start3A_131, %dma_start3A_135] : memref<26x16384xi32, #tpu.memory_space<hbm>> -> memref<1x16384xi32, #tpu.memory_space<hbm>>
      %dma_start3A_137 = tpu.memref_squeeze %dma_start3A_136 : memref<1x16384xi32, #tpu.memory_space<hbm>> -> memref<16384xi32, #tpu.memory_space<hbm>>
      tpu.enqueue_dma source(%dma_start3A_137 : memref<16384xi32, #tpu.memory_space<hbm>>) target(%arg7 : memref<16384xi32, #tpu.memory_space<vmem>>) target_semaphore(%arg9 : memref<!tpu.dma_semaphore, #tpu.memory_space<semaphore_mem>>)
      %dma_wait3A = arith.constant 25 : i32
      %dma_wait3A_138 = arith.constant 0 : i32
      %dma_wait3A_139 = tpu.memref_slice %arg4[%dma_wait3A, %dma_wait3A_138] : memref<26x16384xi32, #tpu.memory_space<hbm>> -> memref<1x16384xi32, #tpu.memory_space<hbm>>
      %dma_wait3A_140 = tpu.memref_squeeze %dma_wait3A_139 : memref<1x16384xi32, #tpu.memory_space<hbm>> -> memref<16384xi32, #tpu.memory_space<hbm>>
      %dma_wait3A_141 = arith.constant 0 : i32
      %dma_wait3A_142 = tpu.memref_slice %arg4[%dma_wait3A, %dma_wait3A_141] : memref<26x16384xi32, #tpu.memory_space<hbm>> -> memref<1x16384xi32, #tpu.memory_space<hbm>>
      %dma_wait3A_143 = tpu.memref_squeeze %dma_wait3A_142 : memref<1x16384xi32, #tpu.memory_space<hbm>> -> memref<16384xi32, #tpu.memory_space<hbm>>
      tpu.wait_dma2 semaphore(%arg9 : memref<!tpu.dma_semaphore, #tpu.memory_space<semaphore_mem>>) src(%dma_wait3A_143 : memref<16384xi32, #tpu.memory_space<hbm>>) dst(%arg7 : memref<16384xi32, #tpu.memory_space<vmem>>)
      %dma_wait3A_144 = arith.constant 480000 : i32
      %dma_wait3A_145 = tpu.memref_slice %arg3[%dma_wait3A_144] : memref<520000xf32, #tpu.memory_space<hbm>> -> memref<40000xf32, #tpu.memory_space<hbm>>
      %dma_wait3A_146 = arith.constant 480000 : i32
      %dma_wait3A_147 = tpu.memref_slice %arg3[%dma_wait3A_146] : memref<520000xf32, #tpu.memory_space<hbm>> -> memref<40000xf32, #tpu.memory_space<hbm>>
      tpu.wait_dma2 semaphore(%arg10 : memref<!tpu.dma_semaphore, #tpu.memory_space<semaphore_mem>>) src(%dma_wait3A_147 : memref<40000xf32, #tpu.memory_space<hbm>>) dst(%arg6 : memref<40000xf32, #tpu.memory_space<vmem>>)
      %scan3A = arith.constant 0 : i32
      %scan3A_148 = arith.constant 0 : i32
      %scan3A_149 = arith.constant 1024 : i32
      %scan3A_150 = arith.addi %scan3A_148, %scan3A_149 : i32
      %scan3A_151 = arith.constant 1 : i32
      scf.for %scan3A_153 = %scan3A_148 to %scan3A_150 step %scan3A_151  : i32 {
        %mul3A_154 = arith.constant 16 : i32
        %mul3A_155 = arith.muli %scan3A_153, %mul3A_154 : i32
        %get3A = arith.index_cast %mul3A_155 : i32 to index
        %get3A_156 = tpu.vector_load %arg7[%get3A] {strides = array<i32>} : memref<16384xi32, #tpu.memory_space<vmem>>, vector<16xi32>,
        %gather3A = tpu.vector_load_idx %arg6[%get3A_156] : memref<40000xf32, #tpu.memory_space<vmem>>[vector<16xi32>], vector<16xf32>,
        %swap3A = arith.index_cast %mul3A_155 : i32 to index
        %swap3A_157 = tpu.vector_load %arg8[%swap3A] {strides = array<i32>} : memref<16384xf32, #tpu.memory_space<vmem>>, vector<16xf32>,
        tpu.vector_store %arg8[%swap3A], %gather3A {strides = array<i32>} : memref<16384xf32, #tpu.memory_space<vmem>>, vector<16xf32>,
      }
      %scan3A_152 = arith.constant 1024 : i32
      %run_scoped3A = arith.constant 25 : i32
      "tpu.region"() ({
        %run_scoped3A_153 = tpu.sem_alloc : memref<!tpu.dma_semaphore, #tpu.memory_space<semaphore_mem>>
        %dma_start3A_154 = arith.constant 0 : i32
        %dma_start3A_155 = tpu.memref_slice %arg5[%run_scoped3A, %dma_start3A_154] : memref<26x16384xf32, #tpu.memory_space<hbm>> -> memref<1x16384xf32, #tpu.memory_space<hbm>>
        %dma_start3A_156 = tpu.memref_squeeze %dma_start3A_155 : memref<1x16384xf32, #tpu.memory_space<hbm>> -> memref<16384xf32, #tpu.memory_space<hbm>>
        %dma_start3A_157 = arith.constant 0 : i32
        %dma_start3A_158 = tpu.memref_slice %arg5[%run_scoped3A, %dma_start3A_157] : memref<26x16384xf32, #tpu.memory_space<hbm>> -> memref<1x16384xf32, #tpu.memory_space<hbm>>
        %dma_start3A_159 = tpu.memref_squeeze %dma_start3A_158 : memref<1x16384xf32, #tpu.memory_space<hbm>> -> memref<16384xf32, #tpu.memory_space<hbm>>
        tpu.enqueue_dma source(%arg8 : memref<16384xf32, #tpu.memory_space<vmem>>) target(%dma_start3A_159 : memref<16384xf32, #tpu.memory_space<hbm>>) target_semaphore(%run_scoped3A_153 : memref<!tpu.dma_semaphore, #tpu.memory_space<semaphore_mem>>)
        %dma_wait3A_160 = arith.constant 0 : i32
        %dma_wait3A_161 = tpu.memref_slice %arg5[%run_scoped3A, %dma_wait3A_160] : memref<26x16384xf32, #tpu.memory_space<hbm>> -> memref<1x16384xf32, #tpu.memory_space<hbm>>
        %dma_wait3A_162 = tpu.memref_squeeze %dma_wait3A_161 : memref<1x16384xf32, #tpu.memory_space<hbm>> -> memref<16384xf32, #tpu.memory_space<hbm>>
        %dma_wait3A_163 = arith.constant 0 : i32
        %dma_wait3A_164 = tpu.memref_slice %arg5[%run_scoped3A, %dma_wait3A_163] : memref<26x16384xf32, #tpu.memory_space<hbm>> -> memref<1x16384xf32, #tpu.memory_space<hbm>>
        %dma_wait3A_165 = tpu.memref_squeeze %dma_wait3A_164 : memref<1x16384xf32, #tpu.memory_space<hbm>> -> memref<16384xf32, #tpu.memory_space<hbm>>
        tpu.wait_dma2 semaphore(%run_scoped3A_153 : memref<!tpu.dma_semaphore, #tpu.memory_space<semaphore_mem>>) src(%arg8 : memref<16384xf32, #tpu.memory_space<vmem>>) dst(%dma_wait3A_165 : memref<16384xf32, #tpu.memory_space<hbm>>)
        tpu.yield
      }) : () -> ()
    } else {
    }
    return
  }
}

</mosaic_0001>

<sc_bundles>
// kernel: fl_gather.3.cloned.1.call-start
scs
__scs_entry_jumppad:
0x0: {  	(pc) =	sbr.rel $0x88, $3  }
0x1: {  	(tag) =	ssettag $0x0;
	lr =	simm.s32 $0x1  }
0x2: {  	[smem:$0x3F9D] =	sst lr;
	_ =	strace $0xD0000000  }
0x3: {  	_ = 	snop  }
0x4: {  	_ = 	snop  }
0x5: {  	_ = 	snop  }
0x6: {  	_ = 	snop  }
0x7: {  	_ = 	snop  }
__scs_overlays_trampoline_lowered:
0x8: {  	[smem:$0x3FAC] =	sst s0  }
0x9: {  	[smem:$0x3FAD] =	sst s1  }
0xa: {  	[smem:$0x3FAE] =	sst s2  }
0xb: {  	[smem:$0x3FAF] =	sst s3  }
0xc: {  	[smem:$0x3FB0] =	sst s4  }
0xd: {  	[smem:$0x3FB1] =	sst s5  }
0xe: {  	[smem:$0x3FB2] =	sst s6  }
0xf: {  	[smem:$0x3FB3] =	sst s7  }
0x10: {  	[smem:$0x3FB4] =	sst s8  }
0x11: {  	[smem:$0x3FB5] =	sst s9;
	s0 =	simm.s32 @!p0 $0x0  }
0x12: {  	s1 =	sld [smem:$0x3F9B];
	s0 =	simm.s32 @p0 $0x1  }
0x13: {  	[smem:$0x3FB6] =	sst s0;
	s0 =	simm.s32 @!p1 $0x0  }
0x14: {  	s2 =	sld [smem:$0x3F9A];
	s0 =	simm.s32 @p1 $0x1  }
0x15: {  	[smem:$0x3FB7] =	sst s0;
	s0 =	simm.s32 @!p2 $0x0  }
0x16: {  	s3 =	sld [smem:$0x3FDB];
	s0 =	simm.s32 @p2 $0x1  }
0x17: {  	s4 =	simm.s32 $0x1BF5;
	[smem:$0x3FB9] =	sst s0  }
0x18: {  	s0 =	sld [smem:$0x3F9C];
	_ =	swait.ge [sflag:s4], $0x0  }
0x19: {  	s7 =	sld [smem:$0x3F9D]  }
0x1a: {  	s8 =	sadd.s32 $0xFFFFE003, lr  }
0x1b: {  	s9 =	sadd.s32 $0xFFFFFEF7, lr;
	s5 =	simm.s32 $0xFFFFFFFF;
	p2 =	slt.u32 s8, $0xFFFFF086  }
0x1c: {  	p1 =	slt.u32 s9, $0xF7A;
	s5 =	simm.s32 @!p2 $0x0  }
0x1d: {  	s5 =	simm.s32 @p1 $0x1;
	p0 =	seq.s32 s7, s2  }
0x1e: {  	s7 =	smul.u32 @!p0 $0xF7A, s2;
	p2 =	seq.s32 @!p0 s5, $0x0  }
0x1f: {  	s9 =	smul.u32 $0xF7A, s1;
	s8 =	simm.s32 @!p0 $0x1BF5;
	p2 =	por !p2, p0  }
0x20: {  	[sflag:s8] =	ssyncset.s32 @!p0 $0xFFFFF086;
	s6 =	sadd.s32 @!p0 s3, s7;
	s7 =	simm.s32 @!p0 $0x108  }
0x21: {  	s3 =	sadd.s32 s3, s9;
	s6 =	sadd.s32 @!p0 $0x88, s6;
	s7 =	simm.s32 @p2 $0x1082  }
0x22: {  	[simem:s7], [sflag:s8] =	dma.local @!p0 [hbm:s6], $0xF7A  }
0x23: {  	s9 =	sor.u32 $0xD0000000, s2;
	s6 =	simm.s32 $0x108;
	_ =	swait.ge @!p0 [sflag:s8], $0x0  }
0x24: {  	s3 =	sadd.s32 $0x88, s3;
	s6 =	simm.s32 @!p1 $0x1082;
	[sflag:s4] =	ssyncset.s32 $0xFFFFF086  }
0x25: {  	[simem:s6], [sflag:s4] =	dma.local [hbm:s3], $0xF7A  }
0x26: {  	[smem:$0x3F9D] =	sst s1;
	(tag) =	ssettag s2;
	_ =	strace s9  }
0x27: {  	s1 =	sld [smem:$0x3FAD]  }
0x28: {  	s2 =	sld [smem:$0x3FAE]  }
0x29: {  	s4 =	sld [smem:$0x3FB0]  }
0x2a: {  	p0 =	seq.s32 s5, $0x0;
	s5 =	sld [smem:$0x3FB1]  }
0x2b: {  	s6 =	sld [smem:$0x3FB2]  }
0x2c: {  	s7 =	sld [smem:$0x3FB3]  }
0x2d: {  	s3 =	simm.s32 $0x108;
	s8 =	sld [smem:$0x3FB4]  }
0x2e: {  	s3 =	simm.s32 @!p0 $0x1082;
	s9 =	sld [smem:$0x3FB5]  }
0x2f: {  	lr =	sadd.s32 s0, s3;
	s0 =	sld [smem:$0x3FAC]  }
0x30: {  	s3 =	sld [smem:$0x3FAF]  }
0x31: {  	[smem:$0x3FB8] =	sst s10  }
0x32: {  	s10 =	sld [smem:$0x3FB6];
	_ =	sdelay $0x3  }
0x33: {  	p0 =	seq.s32 s10, $0x1;
	s10 =	sld [smem:$0x3FB8];
	_ =	sdelay $0x3  }
0x34: {  	[smem:$0x3FB8] =	sst s10  }
0x35: {  	s10 =	sld [smem:$0x3FB7];
	_ =	sdelay $0x3  }
0x36: {  	p1 =	seq.s32 s10, $0x1;
	s10 =	sld [smem:$0x3FB8];
	_ =	sdelay $0x3  }
0x37: {  	[smem:$0x3FB8] =	sst s10  }
0x38: {  	s10 =	sld [smem:$0x3FB9]  }
0x39: {  	_ = 	snop;
	(pc) =	sbr.ind lr, $3  }
0x3a: {  	_ = 	snop  }
0x3b: {  	_ = 	snop  }
0x3c: {  	p2 =	seq.s32 s10, $0x1;
	s10 =	sld [smem:$0x3FB8]  }
0x3d: {  	_ =	shalt  }
0x3e: {  	_ =	shalt  }
0x3f: {  	_ =	shalt  }
0x40: {  	_ =	shalt  }
0x41: {  	_ =	shalt  }
0x42: {  	_ =	shalt  }
0x43: {  	_ =	shalt  }
0x44: {  	_ =	shalt  }
0x45: {  	_ =	shalt  }
0x46: {  	_ =	shalt  }
0x47: {  	_ =	shalt  }
0x48: {  	_ =	shalt  }
0x49: {  	_ =	shalt  }
0x4a: {  	_ =	shalt  }
0x4b: {  	_ =	shalt  }
0x4c: {  	_ =	shalt  }
0x4d: {  	_ =	shalt  }
0x4e: {  	_ =	shalt  }
0x4f: {  	_ =	shalt  }
0x50: {  	_ =	shalt  }
0x51: {  	_ =	shalt  }
0x52: {  	_ =	shalt  }
0x53: {  	_ =	shalt  }
0x54: {  	_ =	shalt  }
0x55: {  	_ =	shalt  }
0x56: {  	_ =	shalt  }
0x57: {  	_ =	shalt  }
0x58: {  	_ =	shalt  }
0x59: {  	_ =	shalt  }
0x5a: {  	_ =	shalt  }
0x5b: {  	_ =	shalt  }
0x5c: {  	_ =	shalt  }
0x5d: {  	_ =	shalt  }
0x5e: {  	_ =	shalt  }
0x5f: {  	_ =	shalt  }
0x60: {  	_ =	shalt  }
0x61: {  	_ =	shalt  }
0x62: {  	_ =	shalt  }
0x63: {  	_ =	shalt  }
0x64: {  	_ =	shalt  }
0x65: {  	_ =	shalt  }
0x66: {  	_ =	shalt  }
0x67: {  	_ =	shalt  }
0x68: {  	_ =	shalt  }
0x69: {  	_ =	shalt  }
0x6a: {  	_ =	shalt  }
0x6b: {  	_ =	shalt  }
0x6c: {  	_ =	shalt  }
0x6d: {  	_ =	shalt  }
0x6e: {  	_ =	shalt  }
0x6f: {  	_ =	shalt  }
0x70: {  	_ =	shalt  }
0x71: {  	_ =	shalt  }
0x72: {  	_ =	shalt  }
0x73: {  	_ =	shalt  }
0x74: {  	_ =	shalt  }
0x75: {  	_ =	shalt  }
0x76: {  	_ =	shalt  }
0x77: {  	_ =	shalt  }
0x78: {  	_ =	shalt  }
0x79: {  	_ =	shalt  }
0x7a: {  	_ =	shalt  }
0x7b: {  	_ =	shalt  }
0x7c: {  	_ =	shalt  }
0x7d: {  	_ =	shalt  }
0x7e: {  	_ =	shalt  }
0x7f: {  	_ =	shalt  }
0x80: {  	_ =	shalt  }
0x81: {  	_ =	shalt  }
0x82: {  	_ =	shalt  }
0x83: {  	_ =	shalt  }
0x84: {  	_ =	shalt  }
0x85: {  	_ =	shalt  }
0x86: {  	_ =	shalt  }
0x87: {  	_ =	shalt  }
.Lfunc_end0:
.L_simem_size_0:
called_computation.1_lowered:
.L_overlay_start_0:
0x88: {  	s2 =	sld [smem:$0x3FD9]  }
0x89: {  	s3 =	sld [smem:$0x3FFE];
	_ =	sdelay $0x1  }
0x8a: {  	s1 =	srdreg.scid  }
0x8b: {  	s0 =	sand.u32 $0x1, s1  }
0x8c: {  	s17 =	sshll.u32 s0, $0xA;
	s2 =	sadd.s32 s3, s2  }
0x8d: {  	s2 =	sadd.s32 s2, s17  }
0x8e: {  	[smem:$0x3FC4] =	sst s2  }
0x8f: {  	_ = 	snop  }
0x90: {  	s2 =	sld [smem:$0x3FC7]  }
0x91: {  	s18 =	sld [smem:$0x3FC6];
	(tm) =	ssettm $0x1  }
0x92: {  	s4 =	sld [smem:$0x3FFB];
	_ =	sdelay $0x3  }
0x93: {  	_ =	strace s4  }
0x94: {  	s4 =	sld [smem:$0x3FFC];
	_ =	sdelay $0x3  }
0x95: {  	_ =	strace s4  }
0x96: {  	s4 =	sld [smem:$0x3FFD];
	_ =	sdelay $0x3  }
0x97: {  	_ =	strace s4  }
0x98: {  	_ =	strace $0x8FFFFFFF  }
0x99: {  	s19 =	sld [smem:$0x3FDB];
	_ =	sdelay $0x1  }
0x9a: {  	s5 =	simm.s32 $_scs_section_size  }
0x9b: {  	s6 =	simm.s32 $_size__tile_overlayer_lowered;
	s7 =	simm.s32 $_tile_overlayer_lowered  }
0x9c: {  	s22 =	simm.s32 $0x1BFF;
	s21 =	sshll.u32 s7, $0x1;
	s4 =	sadd.s32 s5, s19  }
0x9d: {  	s8 =	simm.s32 $0x0;
	s20 =	sshll.u32 s6, $0x1;
	s6 =	sadd.s32 s21, s4  }
0x9e: {  	[timem:s8], [sflag:s22] =	dma.local [hbm:s6], s20  }
0x9f: {  	_ =	swait.ge [sflag:s22], s20  }
0xa0: {  	s5 =	ssub.s32 $0x0, s20;
	[sflag:s22] =	ssyncset.done $0x0  }
0xa1: {  	[sflag:s22] =	ssyncadd.s32 s5;
	_ =	sdelay $0x1  }
0xa2: {  	s23 =	simm.s32 $0x1B8B  }
0xa3: {  	_ =	swait.ge [sflag:s23], $0x1  }
0xa4: {  	[sflag:s23] =	ssyncset.done $0x0  }
0xa5: {  	s25 =	simm.s32 $0x1B8E;
	s24 =	sld [smem:$0x3FFE];
	[sflag:s23] =	ssyncadd.s32 $0xFFFFFFFF  }
0xa6: {  	s26 =	simm.s32 $execute0_lowered;
	[smem:$0x3FD2] =	sst s25  }
0xa7: {  	s6 =	sshll.u32 s26, $0x1;
	_ =	strace $0x80000049;
	[dreg:$0x1] =	wrdreg $0xFFFFFFFF  }
0xa8: {  	s28 =	simm.s32 $_size_execute0_lowered;
	s4 =	sadd.s32 s4, s6;
	[dreg:$0x0] =	wrdreg $0x0  }
0xa9: {  	s6 =	sshll.u32 s28, $0x1;
	[dreg:$0x2] =	wrdreg s4  }
0xaa: {  	[dreg:$0x3] =	wrdreg s6  }
0xab: {  	[dreg:$0x4] =	wrdreg $0xC0  }
0xac: {  	_ =	task [dreg:s8], $0x5FFFF  }
0xad: {  	[dreg:$0x1] =	wrdreg $0xFFFFFFFF  }
0xae: {  	[dreg:$0x0] =	wrdreg $0x60  }
0xaf: {  	[dreg:$0x2] =	wrdreg s2  }
0xb0: {  	[dreg:$0x3] =	wrdreg s18  }
0xb1: {  	[dreg:$0x4] =	wrdreg s24  }
0xb2: {  	[dreg:$0x5] =	wrdreg $0x9  }
0xb3: {  	_ =	task.clear_ibuf [dreg:s8], $0x6FFFF;
	_ =	strace $0x90000049  }
0xb4: {  	s29 =	simm.s32 $0x9;
	_ =	strace $0x8000004B  }
0xb5: {  	_ =	swait.ge [sflag:s29], $0x1  }
0xb6: {  	[sflag:s29] =	ssyncadd.s32 $0xFFFFFFFF  }
0xb7: {  	_ =	strace $0x9000004B  }
0xb8: {  	_ =	sfence  }
0xb9: {  	s30 =	sld [smem:$0x0];
	_ =	sdelay $0x2  }
0xba: {  	s31 =	sshll.u32 s1, $0xD;
	s1 =	sshrl.u32 s1, $0x2  }
0xbb: {  	s3 =	sand.u32 $0x4000, s31;
	s1 =	sadd.s32 s1, s30  }
0xbc: {  	s0 =	sor.u32 s3, s0;
	s1 =	sshll.u32 s1, $0x11  }
0xbd: {  	s0 =	sor.u32 s1, s0  }
0xbe: {  	s0 =	sadd.s32 $0x8F2B, s0  }
0xbf: {  	[sflag:s0] =	ssyncadd.remote.s32 $0x1  }
0xc0: {  	_ =	sfence.sel $0xFFFF  }
0xc1: {  	[dreg:$0x0] =	wrdreg $0xFFFFFFFF;
	(pc) =	sbr.abs _section_cstart, $3  }
0xc2: {  	[dreg:$0x1] =	wrdreg $0xFFFFFFFF  }
0xc3: {  	_ =	task.clear_ibuf [dreg:s8], $0x2FFFF;
	_ =	strace $0x9FFFFFFF  }
0xc4: {  	(tm) =	ssettm $0x7FFFFFFF  }
0xc5: {  	_ =	shalt  }
tec
execute0_lowered:
.L_overlay_start_1:
0x0: {  	(tag) =	ssettag $0x1  }
0x1: {  	s1 =	rddreg [dreg:$0x0]  }
0x2: {  	s2 =	rddreg [dreg:$0x1]  }
0x3: {  	s0 =	rddreg [dreg:$0x2];
	s3 =	simm.s32 $0x0  }
0x4: {  	[smem:$0x7FF] =	sst s3;
	s5 =	sadd.s32 $0x40C00, s0  }
0x5: {  	s6 =	sadd.s32 $0xC00, s0;
	_ =	strace $0x8000004A;
	[dreg:$0x4] =	wrdreg s5  }
0x6: {  	s9 =	sadd.s32 $0x40C10, s0;
	[dreg:$0x5] =	wrdreg s6  }
0x7: {  	s10 =	sadd.s32 $0xC10, s0;
	[dreg:$0x6] =	wrdreg s9  }
0x8: {  	s11 =	sadd.s32 $0x40C20, s0;
	[dreg:$0x7] =	wrdreg s10  }
0x9: {  	s12 =	sadd.s32 $0xC20, s0;
	[dreg:$0x8] =	wrdreg s11  }
0xa: {  	s13 =	sadd.s32 $0x40C30, s0;
	[dreg:$0x9] =	wrdreg s12  }
0xb: {  	s14 =	sadd.s32 $0xC30, s0;
	[dreg:$0xa] =	wrdreg s13  }
0xc: {  	s15 =	sadd.s32 $0x40C40, s0;
	[dreg:$0xb] =	wrdreg s14  }
0xd: {  	s16 =	sadd.s32 $0xC40, s0;
	[dreg:$0xc] =	wrdreg s15  }
0xe: {  	s17 =	sadd.s32 $0x40C50, s0;
	[dreg:$0xd] =	wrdreg s16  }
0xf: {  	s18 =	sadd.s32 $0xC50, s0;
	[dreg:$0xe] =	wrdreg s17  }
0x10: {  	s19 =	sadd.s32 $0x40C60, s0;
	[dreg:$0xf] =	wrdreg s18  }
0x11: {  	s20 =	sadd.s32 $0xC60, s0;
	[dreg:$0x10] =	wrdreg s19  }
0x12: {  	s21 =	sadd.s32 $0x40C70, s0;
	[dreg:$0x11] =	wrdreg s20  }
0x13: {  	s22 =	sadd.s32 $0xC70, s0;
	[dreg:$0x12] =	wrdreg s21  }
0x14: {  	s23 =	sadd.s32 $0x44C00, s0;
	[dreg:$0x13] =	wrdreg s22  }
0x15: {  	s24 =	sadd.s32 $0x4C00, s0;
	[dreg:$0x14] =	wrdreg s23  }
0x16: {  	s25 =	sadd.s32 $0x44C10, s0;
	[dreg:$0x15] =	wrdreg s24  }
0x17: {  	[dreg:$0x16] =	wrdreg s25;
	s6 =	sadd.s32 $0x44C20, s0  }
0x18: {  	s9 =	sadd.s32 $0x44C30, s0;
	[dreg:$0x18] =	wrdreg s6  }
0x19: {  	s10 =	sadd.s32 $0x4C30, s0;
	[dreg:$0x1a] =	wrdreg s9  }
0x1a: {  	s11 =	sadd.s32 $0x44C40, s0;
	[dreg:$0x1b] =	wrdreg s10  }
0x1b: {  	s12 =	sadd.s32 $0x4C40, s0;
	[dreg:$0x1c] =	wrdreg s11  }
0x1c: {  	s13 =	sadd.s32 $0x44C50, s0;
	[dreg:$0x1d] =	wrdreg s12  }
0x1d: {  	s14 =	sadd.s32 $0x4C50, s0;
	[dreg:$0x1e] =	wrdreg s13  }
0x1e: {  	s4 =	srdreg.scid;
	s15 =	sadd.s32 $0x44C60, s0;
	[dreg:$0x1f] =	wrdreg s14  }
0x1f: {  	s7 =	stileid.u32;
	s16 =	sadd.s32 $0x4C60, s0;
	[smem:$0x7C3] =	sst s15  }
0x20: {  	s30 =	simm.s32 $0x80;
	s17 =	sadd.s32 $0x44C70, s0;
	[smem:$0x7C4] =	sst s16  }
0x21: {  	s31 =	simm.s32 $0x400;
	s18 =	sadd.s32 $0x4C70, s0;
	[smem:$0x7C5] =	sst s17  }
0x22: {  	s4 =	sand.u32 $0x1, s4;
	s19 =	sadd.s32 $0x48C00, s0;
	[smem:$0x7C6] =	sst s18  }
0x23: {  	s7 =	sshll.u32 s7, $0x1;
	s20 =	sadd.s32 $0x8C00, s0;
	[smem:$0x7C7] =	sst s19  }
0x24: {  	s28 =	sadd.s32 $0xD6D8, s2;
	s21 =	sadd.s32 $0x48C10, s0;
	[smem:$0x7C8] =	sst s20  }
0x25: {  	s29 =	sadd.s32 $0xEA60, s2;
	s22 =	sadd.s32 $0x8C10, s0;
	[smem:$0x7C9] =	sst s21  }
0x26: {  	s26 =	ssub.s32 $0x2, s4;
	s23 =	sadd.s32 $0x48C20, s0;
	[smem:$0x7CA] =	sst s22  }
0x27: {  	s7 =	sor.u32 s4, s7;
	s24 =	sadd.s32 $0x8C20, s0;
	[smem:$0x7CB] =	sst s23  }
0x28: {  	s25 =	sadd.s32 $0x48C30, s0;
	s8 =	sshrl.u32 s26, $0x1;
	[smem:$0x7CC] =	sst s24  }
0x29: {  	[smem:$0x7CD] =	sst s25;
	s6 =	sadd.s32 $0x48C40, s0;
	s9 =	sadd.s32 $0x48C50, s0  }
0x2a: {  	s10 =	sadd.s32 $0x8C50, s0;
	s11 =	sadd.s32 $0x48C60, s0;
	s12 =	sadd.s32 $0x8C60, s0  }
0x2b: {  	s13 =	sadd.s32 $0x48C70, s0;
	s14 =	sadd.s32 $0x8C70, s0;
	[smem:$0x7CF] =	sst s6  }
0x2c: {  	s15 =	sadd.s32 $0x4CC00, s0;
	s16 =	sadd.s32 $0xCC00, s0;
	[smem:$0x7D1] =	sst s9  }
0x2d: {  	s17 =	sadd.s32 $0x4CC10, s0;
	p0 =	sgt.s32 s7, $0xC;
	[smem:$0x7D2] =	sst s10  }
0x2e: {  	p1 =	sgt.s32 s7, $0x5;
	p2 =	sgt.s32 s7, $0x2;
	[smem:$0x7D3] =	sst s11  }
0x2f: {  	p4 =	sgt.s32 s7, $0x8;
	p6 =	sgt.s32 s7, $0x12;
	[smem:$0x7D4] =	sst s12  }
0x30: {  	p5 =	sgt.s32 s7, $0xF;
	[smem:$0x7D5] =	sst s13;
	s4 =	simm.s32 @!p2 $0x0  }
0x31: {  	[smem:$0x7D6] =	sst s14;
	s4 =	simm.s32 @p2 $0x1;
	p2 =	seq.s32 s7, $0x0  }
0x32: {  	p3 =	sgt.s32 s7, $0x15;
	[smem:$0x7DB] =	sst s4;
	s4 =	simm.s32 @!p2 $0x0  }
0x33: {  	[smem:$0x7D7] =	sst s15;
	s4 =	simm.s32 @p2 $0x1;
	p2 =	seq.s32 s7, $0x1  }
0x34: {  	s18 =	sadd.s32 $0x1388, s1;
	[smem:$0x7DC] =	sst s4;
	s4 =	simm.s32 @!p2 $0x0  }
0x35: {  	[smem:$0x7D8] =	sst s16;
	s4 =	simm.s32 @p2 $0x1;
	p2 =	seq.s32 s7, $0x2  }
0x36: {  	s19 =	sadd.s32 $0x2710, s1;
	[smem:$0x7DD] =	sst s4;
	s4 =	simm.s32 @!p2 $0x0  }
0x37: {  	[smem:$0x7D9] =	sst s17;
	s4 =	simm.s32 @p2 $0x1;
	p2 =	seq.s32 s7, $0x3  }
0x38: {  	s20 =	sadd.s32 $0x3A98, s1;
	[smem:$0x7DE] =	sst s4;
	s4 =	simm.s32 @!p2 $0x0  }
0x39: {  	[smem:$0x7F5] =	sst s18;
	s4 =	simm.s32 @p2 $0x1;
	p2 =	seq.s32 s7, $0x4  }
0x3a: {  	s21 =	sadd.s32 $0x4E20, s1;
	[smem:$0x7DF] =	sst s4;
	s4 =	simm.s32 @!p2 $0x0  }
0x3b: {  	[smem:$0x7F6] =	sst s19;
	s4 =	simm.s32 @p2 $0x1;
	p2 =	seq.s32 s7, $0x5  }
0x3c: {  	s22 =	sadd.s32 $0x61A8, s1;
	[smem:$0x7E0] =	sst s4;
	s4 =	simm.s32 @!p2 $0x0  }
0x3d: {  	[smem:$0x7F7] =	sst s20;
	s4 =	simm.s32 @p2 $0x1;
	p2 =	seq.s32 s7, $0x6  }
0x3e: {  	s23 =	sadd.s32 $0x7530, s1;
	[smem:$0x7E1] =	sst s4;
	s4 =	simm.s32 @!p2 $0x0  }
0x3f: {  	[smem:$0x7F8] =	sst s21;
	s4 =	simm.s32 @p2 $0x1;
	p2 =	seq.s32 s7, $0x7  }
0x40: {  	s24 =	sadd.s32 $0x88B8, s1;
	[smem:$0x7E2] =	sst s4;
	s4 =	simm.s32 @!p2 $0x0  }
0x41: {  	[smem:$0x7F9] =	sst s22;
	s4 =	simm.s32 @p2 $0x1;
	p2 =	seq.s32 s7, $0x8  }
0x42: {  	s25 =	sadd.s32 $0x9C40, s1;
	[smem:$0x7E3] =	sst s4;
	s4 =	simm.s32 @!p2 $0x0  }
0x43: {  	[smem:$0x7FA] =	sst s23;
	s4 =	simm.s32 @p2 $0x1;
	p2 =	sgt.s32 s7, $0xA  }
0x44: {  	s5 =	ssub.s32 s26, s8;
	[smem:$0x7E4] =	sst s4;
	s4 =	simm.s32 @!p2 $0x0  }
0x45: {  	[smem:$0x7FB] =	sst s24;
	s4 =	simm.s32 @p2 $0x1;
	p2 =	seq.s32 s7, $0x9  }
0x46: {  	s26 =	sadd.s32 $0x4C10, s0;
	[smem:$0x7E5] =	sst s4;
	s4 =	simm.s32 @!p2 $0x0  }
0x47: {  	[smem:$0x7FC] =	sst s25;
	s4 =	simm.s32 @p2 $0x1;
	p2 =	seq.s32 s7, $0xA  }
0x48: {  	s8 =	sadd.s32 $0x4C20, s0;
	[smem:$0x7E6] =	sst s4;
	s4 =	simm.s32 @!p2 $0x0  }
0x49: {  	s14 =	sadd.s32 $0xC350, s1;
	s4 =	simm.s32 @p2 $0x1;
	p2 =	seq.s32 s7, $0xB  }
0x4a: {  	s15 =	sadd.s32 $0xD6D8, s1;
	[smem:$0x7E7] =	sst s4;
	s4 =	simm.s32 @!p2 $0x0  }
0x4b: {  	s16 =	sadd.s32 $0xEA60, s1;
	s4 =	simm.s32 @p2 $0x1;
	p2 =	seq.s32 s7, $0xC  }
0x4c: {  	s17 =	sadd.s32 $0x1388, s2;
	[smem:$0x7E8] =	sst s4;
	s4 =	simm.s32 @!p2 $0x0  }
0x4d: {  	s18 =	sadd.s32 $0x2710, s2;
	s4 =	simm.s32 @p2 $0x1;
	p2 =	seq.s32 s7, $0xD  }
0x4e: {  	s19 =	sadd.s32 $0x3A98, s2;
	[smem:$0x7E9] =	sst s4;
	s4 =	simm.s32 @!p2 $0x0  }
0x4f: {  	s20 =	sadd.s32 $0x4E20, s2;
	s4 =	simm.s32 @p2 $0x1;
	p2 =	seq.s32 s7, $0xE  }
0x50: {  	s21 =	sadd.s32 $0x61A8, s2;
	[smem:$0x7EA] =	sst s4;
	s4 =	simm.s32 @!p2 $0x0  }
0x51: {  	s22 =	sadd.s32 $0x7530, s2;
	s4 =	simm.s32 @p2 $0x1;
	p2 =	seq.s32 s7, $0xF  }
0x52: {  	s23 =	sadd.s32 $0x88B8, s2;
	[smem:$0x7EB] =	sst s4;
	s4 =	simm.s32 @!p2 $0x0  }
0x53: {  	s24 =	sadd.s32 $0x9C40, s2;
	s4 =	simm.s32 @p2 $0x1;
	p2 =	seq.s32 s7, $0x10  }
0x54: {  	s25 =	sadd.s32 $0xAFC8, s2;
	[smem:$0x7EC] =	sst s4;
	s4 =	simm.s32 @!p2 $0x0  }
0x55: {  	s6 =	simm.s32 $0x2;
	s4 =	simm.s32 @p2 $0x1;
	p2 =	seq.s32 s7, $0x11  }
0x56: {  	s9 =	simm.s32 $0x3;
	[smem:$0x7ED] =	sst s4;
	s4 =	simm.s32 @!p2 $0x0  }
0x57: {  	[dreg:$0x17] =	wrdreg s26;
	s4 =	simm.s32 @p2 $0x1;
	p2 =	seq.s32 s7, $0x12  }
0x58: {  	s10 =	simm.s32 $0x0;
	[smem:$0x7EE] =	sst s4;
	s4 =	simm.s32 @!p2 $0x0  }
0x59: {  	[dreg:$0x19] =	wrdreg s8;
	s4 =	simm.s32 @p2 $0x1;
	p2 =	seq.s32 s7, $0x13  }
0x5a: {  	s26 =	sadd.s32 $0x8C30, s0;
	[smem:$0x7EF] =	sst s4;
	s4 =	simm.s32 @!p2 $0x0  }
0x5b: {  	[smem:$0x7CE] =	sst s26;
	s4 =	simm.s32 @p2 $0x1;
	p2 =	seq.s32 s7, $0x14  }
0x5c: {  	s8 =	sadd.s32 $0x8C40, s0;
	[smem:$0x7F0] =	sst s4;
	s4 =	simm.s32 @!p2 $0x0  }
0x5d: {  	[smem:$0x7D0] =	sst s8;
	s4 =	simm.s32 @p2 $0x1;
	p2 =	seq.s32 s7, $0x15  }
0x5e: {  	s0 =	sadd.s32 $0xCC10, s0;
	[smem:$0x7F1] =	sst s4;
	s4 =	simm.s32 @!p2 $0x0  }
0x5f: {  	[smem:$0x7DA] =	sst s0;
	s4 =	simm.s32 @p2 $0x1;
	p2 =	sgt.s32 s7, $0x17  }
0x60: {  	s0 =	smax.u32 s5, $0x1;
	[smem:$0x7F2] =	sst s4;
	s4 =	simm.s32 @!p2 $0x0  }
0x61: {  	s26 =	sadd.s32 $0xAFC8, s1;
	s4 =	simm.s32 @p2 $0x1;
	p2 =	seq.s32 s7, $0x16  }
0x62: {  	s5 =	simm.s32 $0x1;
	[smem:$0x7F3] =	sst s4;
	s4 =	simm.s32 @!p2 $0x0  }
0x63: {  	s8 =	simm.s32 $0xDC80;
	[smem:$0x7FD] =	sst s26;
	s4 =	simm.s32 @p2 $0x1  }
0x64: {  	s26 =	sadd.s32 $0xC350, s2;
	[smem:$0x7F4] =	sst s4;
	s4 =	simm.s32 $0x9C80  }
.LBB2_1:
.Ltmp0:
0x65: {  	(pc) =	sbr.rel @p0 .LBB2_34-.Ltmp0, $1  }
0x66: {  	_ =	sdelay $0x3  }
.Ltmp1:
0x67: {  	(pc) =	sbr.rel @!p1 .LBB2_3-.Ltmp1, $1  }
0x68: {  	_ =	sdelay $0x3  }
.Ltmp2:
0x69: {  	(pc) =	sbr.rel @!p4 .LBB2_17-.Ltmp2, $1  }
0x6a: {  	_ =	sdelay $0x3  }
0x6b: {  	s11 =	sld [smem:$0x7E5];
	_ =	sdelay $0x2  }
0x6c: {  	p2 =	seq.s32 s11, $0x1  }
.Ltmp3:
0x6d: {  	_ = 	snop;
	(pc) =	sbr.rel @p2 .LBB2_29-.Ltmp3, $1  }
0x6e: {  	_ =	sdelay $0x3  }
0x6f: {  	s11 =	sld [smem:$0x7E6];
	_ =	sdelay $0x2  }
0x70: {  	p2 =	seq.s32 s11, $0x1  }
.Ltmp4:
0x71: {  	_ = 	snop;
	(pc) =	sbr.rel @p2 .LBB2_84-.Ltmp4, $1  }
0x72: {  	_ =	sdelay $0x3  }
0x73: {  	s11 =	sld [smem:$0x7E7];
	_ =	sdelay $0x2  }
0x74: {  	p2 =	seq.s32 s11, $0x1  }
.Ltmp5:
0x75: {  	_ = 	snop;
	(pc) =	sbr.rel @!p2 .LBB2_115-.Ltmp5, $1  }
0x76: {  	_ =	sdelay $0x3  }
0x77: {  	s11 =	simm.s32 $0x0  }
0x78: {  	[tilespmem:s11], [sflag:$0x2] =	stream.linear.gather [hbm4b:s14+s11], $0x9C40, $0x38;
	[tilespmem:$0x11C80] =	vst v63  }
0x79: {  	s13 =	rddreg [dreg:$0x18]  }
0x7a: {  	[tilespmem:s4], [sflag:$0x1] =	stream.strided.gather [hbm4b:s13+s30], $0x4000, s31, s30, $0x38;
	[tilespmem:$0x11C80] =	vst v63  }
0x7b: {  	_ =	swait.ge [sflag:s5], $0x4000  }
0x7c: {  	[sflag:s5] =	ssyncset.done $0x0  }
0x7d: {  	[sflag:s5] =	ssyncadd.s32 $0xFFFFC000  }
0x7e: {  	_ =	swait.ge [sflag:s6], $0x9C40  }
0x7f: {  	[sflag:s6] =	ssyncset.done $0x0  }
0x80: {  	s11 =	simm.s32 $0x0;
	[sflag:s6] =	ssyncadd.s32 $0xFFFF63C0  }
0x81: {  	v0 =	vld [tilespmem:s11+$0x9C80];
	_ =	sdelay $0x7  }
0x82: {  	s12 =	simm.s32 $0x10;
	s13 =	simm.s32 $0x80;
	v0 =	vld.idx.msk [tilespmem:v0+s3+$0x0], $0xffff  }
.LBB2_27:
0x83: {  	p2 =	sne.s32 s13, $0xFFC0;
	v1 =	vld [tilespmem:s12+$0x9C80];
	_ =	sdelay $0x3  }
.Ltmp6:
0x84: {  	(pc) =	sbr.rel @p2 .LBB2_27-.Ltmp6, $2  }
0x85: {  	[tilespmem:s11+$0xDC80] =	vst v0;
	s11 =	smov.u32 s12;
	_ =	sdelay $0x2  }
0x86: {  	s12 =	sshra.s32 s13, $0x2;
	s13 =	sadd.s32 $0x40, s13;
	v0 =	vld.idx.msk [tilespmem:v1+s3+$0x0], $0xffff  }
0x87: {  	v1 =	vld [tilespmem:s12+$0x9C80];
	_ =	sdelay $0x6  }
0x88: {  	[tilespmem:s11+$0xDC80] =	vst v0  }
0x89: {  	v0 =	vld.idx.msk [tilespmem:v1+s3+$0x0], $0xffff;
	_ =	sdelay $0x1  }
.Ltmp7:
0x8a: {  	_ = 	snop;
	(pc) =	sbr.rel .LBB2_114-.Ltmp7, $3  }
0x8b: {  	_ =	sdelay $0x1  }
0x8c: {  	s13 =	rddreg [dreg:$0x19];
	[tilespmem:s12+$0xDC80] =	vst v0  }
0x8d: {  	[hbm4b:s13+s30] =	stream.strided.scatter [tilespmem:s8], [sflag:$0x3], $0x4000, s31, s30, $0x38;
	[tilespmem:$0x11C80] =	vst v63  }
.LBB2_34:
.Ltmp8:
0x8e: {  	(pc) =	sbr.rel @!p6 .LBB2_35-.Ltmp8, $1  }
0x8f: {  	_ =	sdelay $0x3  }
.Ltmp9:
0x90: {  	(pc) =	sbr.rel @!p3 .LBB2_49-.Ltmp9, $1  }
0x91: {  	_ =	sdelay $0x3  }
0x92: {  	s11 =	sld [smem:$0x7F3];
	_ =	sdelay $0x2  }
0x93: {  	p2 =	seq.s32 s11, $0x1  }
.Ltmp10:
0x94: {  	_ = 	snop;
	(pc) =	sbr.rel @p2 .LBB2_61-.Ltmp10, $1  }
0x95: {  	_ =	sdelay $0x3  }
0x96: {  	s11 =	sld [smem:$0x7F4];
	_ =	sdelay $0x2  }
0x97: {  	p2 =	seq.s32 s11, $0x1  }
.Ltmp11:
0x98: {  	_ = 	snop;
	(pc) =	sbr.rel @p2 .LBB2_108-.Ltmp11, $1  }
0x99: {  	_ =	sdelay $0x3  }
0x9a: {  	p2 =	seq.s32 s7, $0x17  }
.Ltmp12:
0x9b: {  	_ = 	snop;
	(pc) =	sbr.rel @!p2 .LBB2_115-.Ltmp12, $1  }
0x9c: {  	_ =	sdelay $0x3  }
0x9d: {  	s11 =	simm.s32 $0x0;
	s13 =	sld [smem:$0x7D5]  }
0x9e: {  	[tilespmem:s11], [sflag:$0x2] =	stream.linear.gather [hbm4b:s26+s11], $0x9C40, $0x38;
	[tilespmem:$0x11C80] =	vst v63  }
0x9f: {  	_ = 	snop  }
0xa0: {  	[tilespmem:s4], [sflag:$0x1] =	stream.strided.gather [hbm4b:s13+s30], $0x4000, s31, s30, $0x38;
	[tilespmem:$0x11C80] =	vst v63  }
0xa1: {  	_ =	swait.ge [sflag:s5], $0x4000  }
0xa2: {  	[sflag:s5] =	ssyncset.done $0x0  }
0xa3: {  	[sflag:s5] =	ssyncadd.s32 $0xFFFFC000  }
0xa4: {  	_ =	swait.ge [sflag:s6], $0x9C40  }
0xa5: {  	[sflag:s6] =	ssyncset.done $0x0  }
0xa6: {  	s11 =	simm.s32 $0x0;
	[sflag:s6] =	ssyncadd.s32 $0xFFFF63C0  }
0xa7: {  	v0 =	vld [tilespmem:s11+$0x9C80];
	_ =	sdelay $0x7  }
0xa8: {  	s12 =	simm.s32 $0x10;
	s13 =	simm.s32 $0x80;
	v0 =	vld.idx.msk [tilespmem:v0+s3+$0x0], $0xffff  }
.LBB2_59:
0xa9: {  	p2 =	sne.s32 s13, $0xFFC0;
	v1 =	vld [tilespmem:s12+$0x9C80];
	_ =	sdelay $0x3  }
.Ltmp13:
0xaa: {  	(pc) =	sbr.rel @p2 .LBB2_59-.Ltmp13, $2  }
0xab: {  	[tilespmem:s11+$0xDC80] =	vst v0;
	s11 =	smov.u32 s12;
	_ =	sdelay $0x2  }
0xac: {  	s12 =	sshra.s32 s13, $0x2;
	s13 =	sadd.s32 $0x40, s13;
	v0 =	vld.idx.msk [tilespmem:v1+s3+$0x0], $0xffff  }
0xad: {  	v1 =	vld [tilespmem:s12+$0x9C80];
	_ =	sdelay $0x6  }
0xae: {  	[tilespmem:s11+$0xDC80] =	vst v0  }
0xaf: {  	v0 =	vld.idx.msk [tilespmem:v1+s3+$0x0], $0xffff;
	_ =	sdelay $0x1  }
.Ltmp14:
0xb0: {  	_ = 	snop;
	(pc) =	sbr.rel .LBB2_114-.Ltmp14, $3  }
0xb1: {  	s13 =	sld [smem:$0x7D6];
	_ =	sdelay $0x1  }
0xb2: {  	[tilespmem:s12+$0xDC80] =	vst v0  }
0xb3: {  	[hbm4b:s13+s30] =	stream.strided.scatter [tilespmem:s8], [sflag:$0x3], $0x4000, s31, s30, $0x38;
	[tilespmem:$0x11C80] =	vst v63  }
.LBB2_3:
0xb4: {  	s11 =	sld [smem:$0x7DB];
	_ =	sdelay $0x2  }
0xb5: {  	p2 =	seq.s32 s11, $0x1  }
.Ltmp15:
0xb6: {  	_ = 	snop;
	(pc) =	sbr.rel @p2 .LBB2_10-.Ltmp15, $1  }
0xb7: {  	_ =	sdelay $0x3  }
0xb8: {  	s11 =	sld [smem:$0x7DC];
	_ =	sdelay $0x2  }
0xb9: {  	p2 =	seq.s32 s11, $0x1  }
.Ltmp16:
0xba: {  	_ = 	snop;
	(pc) =	sbr.rel @p2 .LBB2_66-.Ltmp16, $1  }
0xbb: {  	_ =	sdelay $0x3  }
0xbc: {  	s11 =	sld [smem:$0x7DD];
	_ =	sdelay $0x2  }
0xbd: {  	p2 =	seq.s32 s11, $0x1  }
.Ltmp17:
0xbe: {  	_ = 	snop;
	(pc) =	sbr.rel @p2 .LBB2_69-.Ltmp17, $1  }
0xbf: {  	_ =	sdelay $0x3  }
0xc0: {  	s11 =	sld [smem:$0x7DE];
	_ =	sdelay $0x2  }
0xc1: {  	p2 =	seq.s32 s11, $0x1  }
.Ltmp18:
0xc2: {  	_ = 	snop;
	(pc) =	sbr.rel @!p2 .LBB2_115-.Ltmp18, $1  }
0xc3: {  	_ =	sdelay $0x3  }
0xc4: {  	s12 =	sld [smem:$0x7F6];
	_ =	sdelay $0x1  }
0xc5: {  	s11 =	simm.s32 $0x0  }
0xc6: {  	[tilespmem:s11], [sflag:$0x2] =	stream.linear.gather [hbm4b:s12+s11], $0x9C40, $0x38;
	[tilespmem:$0x11C80] =	vst v63  }
0xc7: {  	s13 =	rddreg [dreg:$0x8]  }
0xc8: {  	[tilespmem:s4], [sflag:$0x1] =	stream.strided.gather [hbm4b:s13+s30], $0x4000, s31, s30, $0x38;
	[tilespmem:$0x11C80] =	vst v63  }
0xc9: {  	_ =	swait.ge [sflag:s5], $0x4000  }
0xca: {  	[sflag:s5] =	ssyncset.done $0x0  }
0xcb: {  	[sflag:s5] =	ssyncadd.s32 $0xFFFFC000  }
0xcc: {  	_ =	swait.ge [sflag:s6], $0x9C40  }
0xcd: {  	[sflag:s6] =	ssyncset.done $0x0  }
0xce: {  	s11 =	simm.s32 $0x0;
	[sflag:s6] =	ssyncadd.s32 $0xFFFF63C0  }
0xcf: {  	v0 =	vld [tilespmem:s11+$0x9C80];
	_ =	sdelay $0x7  }
0xd0: {  	s12 =	simm.s32 $0x10;
	s13 =	simm.s32 $0x80;
	v0 =	vld.idx.msk [tilespmem:v0+s3+$0x0], $0xffff  }
.LBB2_8:
0xd1: {  	p2 =	sne.s32 s13, $0xFFC0;
	v1 =	vld [tilespmem:s12+$0x9C80];
	_ =	sdelay $0x3  }
.Ltmp19:
0xd2: {  	(pc) =	sbr.rel @p2 .LBB2_8-.Ltmp19, $2  }
0xd3: {  	[tilespmem:s11+$0xDC80] =	vst v0;
	s11 =	smov.u32 s12;
	_ =	sdelay $0x2  }
0xd4: {  	s12 =	sshra.s32 s13, $0x2;
	s13 =	sadd.s32 $0x40, s13;
	v0 =	vld.idx.msk [tilespmem:v1+s3+$0x0], $0xffff  }
0xd5: {  	v1 =	vld [tilespmem:s12+$0x9C80];
	_ =	sdelay $0x6  }
0xd6: {  	[tilespmem:s11+$0xDC80] =	vst v0  }
0xd7: {  	v0 =	vld.idx.msk [tilespmem:v1+s3+$0x0], $0xffff;
	_ =	sdelay $0x1  }
.Ltmp20:
0xd8: {  	_ = 	snop;
	(pc) =	sbr.rel .LBB2_114-.Ltmp20, $3  }
0xd9: {  	_ =	sdelay $0x1  }
0xda: {  	s13 =	rddreg [dreg:$0x9];
	[tilespmem:s12+$0xDC80] =	vst v0  }
0xdb: {  	[hbm4b:s13+s30] =	stream.strided.scatter [tilespmem:s8], [sflag:$0x3], $0x4000, s31, s30, $0x38;
	[tilespmem:$0x11C80] =	vst v63  }
.LBB2_35:
.Ltmp21:
0xdc: {  	(pc) =	sbr.rel @p5 .LBB2_42-.Ltmp21, $1  }
0xdd: {  	_ =	sdelay $0x3  }
0xde: {  	s11 =	sld [smem:$0x7EA];
	_ =	sdelay $0x2  }
0xdf: {  	p2 =	seq.s32 s11, $0x1  }
.Ltmp22:
0xe0: {  	_ = 	snop;
	(pc) =	sbr.rel @p2 .LBB2_90-.Ltmp22, $1  }
0xe1: {  	_ =	sdelay $0x3  }
0xe2: {  	s11 =	sld [smem:$0x7EB];
	_ =	sdelay $0x2  }
0xe3: {  	p2 =	seq.s32 s11, $0x1  }
.Ltmp23:
0xe4: {  	_ = 	snop;
	(pc) =	sbr.rel @p2 .LBB2_93-.Ltmp23, $1  }
0xe5: {  	_ =	sdelay $0x3  }
0xe6: {  	s11 =	sld [smem:$0x7EC];
	_ =	sdelay $0x2  }
0xe7: {  	p2 =	seq.s32 s11, $0x1  }
.Ltmp24:
0xe8: {  	_ = 	snop;
	(pc) =	sbr.rel @!p2 .LBB2_115-.Ltmp24, $1  }
0xe9: {  	_ =	sdelay $0x3  }
0xea: {  	s11 =	simm.s32 $0x0;
	s13 =	sld [smem:$0x7C5]  }
0xeb: {  	[tilespmem:s11], [sflag:$0x2] =	stream.linear.gather [hbm4b:s18+s11], $0x9C40, $0x38;
	[tilespmem:$0x11C80] =	vst v63  }
0xec: {  	_ = 	snop  }
0xed: {  	[tilespmem:s4], [sflag:$0x1] =	stream.strided.gather [hbm4b:s13+s30], $0x4000, s31, s30, $0x38;
	[tilespmem:$0x11C80] =	vst v63  }
0xee: {  	_ =	swait.ge [sflag:s5], $0x4000  }
0xef: {  	[sflag:s5] =	ssyncset.done $0x0  }
0xf0: {  	[sflag:s5] =	ssyncadd.s32 $0xFFFFC000  }
0xf1: {  	_ =	swait.ge [sflag:s6], $0x9C40  }
0xf2: {  	[sflag:s6] =	ssyncset.done $0x0  }
0xf3: {  	s11 =	simm.s32 $0x0;
	[sflag:s6] =	ssyncadd.s32 $0xFFFF63C0  }
0xf4: {  	v0 =	vld [tilespmem:s11+$0x9C80];
	_ =	sdelay $0x7  }
0xf5: {  	s12 =	simm.s32 $0x10;
	s13 =	simm.s32 $0x80;
	v0 =	vld.idx.msk [tilespmem:v0+s3+$0x0], $0xffff  }
.LBB2_40:
0xf6: {  	p2 =	sne.s32 s13, $0xFFC0;
	v1 =	vld [tilespmem:s12+$0x9C80];
	_ =	sdelay $0x3  }
.Ltmp25:
0xf7: {  	(pc) =	sbr.rel @p2 .LBB2_40-.Ltmp25, $2  }
0xf8: {  	[tilespmem:s11+$0xDC80] =	vst v0;
	s11 =	smov.u32 s12;
	_ =	sdelay $0x2  }
0xf9: {  	s12 =	sshra.s32 s13, $0x2;
	s13 =	sadd.s32 $0x40, s13;
	v0 =	vld.idx.msk [tilespmem:v1+s3+$0x0], $0xffff  }
0xfa: {  	v1 =	vld [tilespmem:s12+$0x9C80];
	_ =	sdelay $0x6  }
0xfb: {  	[tilespmem:s11+$0xDC80] =	vst v0  }
0xfc: {  	v0 =	vld.idx.msk [tilespmem:v1+s3+$0x0], $0xffff;
	_ =	sdelay $0x1  }
.Ltmp26:
0xfd: {  	_ = 	snop;
	(pc) =	sbr.rel .LBB2_114-.Ltmp26, $3  }
0xfe: {  	s13 =	sld [smem:$0x7C6];
	_ =	sdelay $0x1  }
0xff: {  	[tilespmem:s12+$0xDC80] =	vst v0  }
0x100: {  	[hbm4b:s13+s30] =	stream.strided.scatter [tilespmem:s8], [sflag:$0x3], $0x4000, s31, s30, $0x38;
	[tilespmem:$0x11C80] =	vst v63  }
.LBB2_17:
0x101: {  	s11 =	sld [smem:$0x7E2];
	_ =	sdelay $0x2  }
0x102: {  	p2 =	seq.s32 s11, $0x1  }
.Ltmp27:
0x103: {  	_ = 	snop;
	(pc) =	sbr.rel @p2 .LBB2_78-.Ltmp27, $1  }
0x104: {  	_ =	sdelay $0x3  }
0x105: {  	s11 =	sld [smem:$0x7E3];
	_ =	sdelay $0x2  }
0x106: {  	p2 =	seq.s32 s11, $0x1  }
.Ltmp28:
0x107: {  	_ = 	snop;
	(pc) =	sbr.rel @p2 .LBB2_81-.Ltmp28, $1  }
0x108: {  	_ =	sdelay $0x3  }
0x109: {  	s11 =	sld [smem:$0x7E4];
	_ =	sdelay $0x2  }
0x10a: {  	p2 =	seq.s32 s11, $0x1  }
.Ltmp29:
0x10b: {  	_ = 	snop;
	(pc) =	sbr.rel @!p2 .LBB2_115-.Ltmp29, $1  }
0x10c: {  	_ =	sdelay $0x3  }
0x10d: {  	s12 =	sld [smem:$0x7FC];
	_ =	sdelay $0x1  }
0x10e: {  	s11 =	simm.s32 $0x0  }
0x10f: {  	[tilespmem:s11], [sflag:$0x2] =	stream.linear.gather [hbm4b:s12+s11], $0x9C40, $0x38;
	[tilespmem:$0x11C80] =	vst v63  }
0x110: {  	s13 =	rddreg [dreg:$0x14]  }
0x111: {  	[tilespmem:s4], [sflag:$0x1] =	stream.strided.gather [hbm4b:s13+s30], $0x4000, s31, s30, $0x38;
	[tilespmem:$0x11C80] =	vst v63  }
0x112: {  	_ =	swait.ge [sflag:s5], $0x4000  }
0x113: {  	[sflag:s5] =	ssyncset.done $0x0  }
0x114: {  	[sflag:s5] =	ssyncadd.s32 $0xFFFFC000  }
0x115: {  	_ =	swait.ge [sflag:s6], $0x9C40  }
0x116: {  	[sflag:s6] =	ssyncset.done $0x0  }
0x117: {  	s11 =	simm.s32 $0x0;
	[sflag:s6] =	ssyncadd.s32 $0xFFFF63C0  }
0x118: {  	v0 =	vld [tilespmem:s11+$0x9C80];
	_ =	sdelay $0x7  }
0x119: {  	s12 =	simm.s32 $0x10;
	s13 =	simm.s32 $0x80;
	v0 =	vld.idx.msk [tilespmem:v0+s3+$0x0], $0xffff  }
.LBB2_21:
0x11a: {  	p2 =	sne.s32 s13, $0xFFC0;
	v1 =	vld [tilespmem:s12+$0x9C80];
	_ =	sdelay $0x3  }
.Ltmp30:
0x11b: {  	(pc) =	sbr.rel @p2 .LBB2_21-.Ltmp30, $2  }
0x11c: {  	[tilespmem:s11+$0xDC80] =	vst v0;
	s11 =	smov.u32 s12;
	_ =	sdelay $0x2  }
0x11d: {  	s12 =	sshra.s32 s13, $0x2;
	s13 =	sadd.s32 $0x40, s13;
	v0 =	vld.idx.msk [tilespmem:v1+s3+$0x0], $0xffff  }
0x11e: {  	v1 =	vld [tilespmem:s12+$0x9C80];
	_ =	sdelay $0x6  }
0x11f: {  	[tilespmem:s11+$0xDC80] =	vst v0  }
0x120: {  	v0 =	vld.idx.msk [tilespmem:v1+s3+$0x0], $0xffff;
	_ =	sdelay $0x1  }
.Ltmp31:
0x121: {  	_ = 	snop;
	(pc) =	sbr.rel .LBB2_114-.Ltmp31, $3  }
0x122: {  	_ =	sdelay $0x1  }
0x123: {  	s13 =	rddreg [dreg:$0x15];
	[tilespmem:s12+$0xDC80] =	vst v0  }
0x124: {  	[hbm4b:s13+s30] =	stream.strided.scatter [tilespmem:s8], [sflag:$0x3], $0x4000, s31, s30, $0x38;
	[tilespmem:$0x11C80] =	vst v63  }
.LBB2_49:
0x125: {  	s11 =	sld [smem:$0x7F0];
	_ =	sdelay $0x2  }
0x126: {  	p2 =	seq.s32 s11, $0x1  }
.Ltmp32:
0x127: {  	_ = 	snop;
	(pc) =	sbr.rel @p2 .LBB2_102-.Ltmp32, $1  }
0x128: {  	_ =	sdelay $0x3  }
0x129: {  	s11 =	sld [smem:$0x7F1];
	_ =	sdelay $0x2  }
0x12a: {  	p2 =	seq.s32 s11, $0x1  }
.Ltmp33:
0x12b: {  	_ = 	snop;
	(pc) =	sbr.rel @p2 .LBB2_105-.Ltmp33, $1  }
0x12c: {  	_ =	sdelay $0x3  }
0x12d: {  	s11 =	sld [smem:$0x7F2];
	_ =	sdelay $0x2  }
0x12e: {  	p2 =	seq.s32 s11, $0x1  }
.Ltmp34:
0x12f: {  	_ = 	snop;
	(pc) =	sbr.rel @!p2 .LBB2_115-.Ltmp34, $1  }
0x130: {  	_ =	sdelay $0x3  }
0x131: {  	s11 =	simm.s32 $0x0;
	s13 =	sld [smem:$0x7D1]  }
0x132: {  	[tilespmem:s11], [sflag:$0x2] =	stream.linear.gather [hbm4b:s24+s11], $0x9C40, $0x38;
	[tilespmem:$0x11C80] =	vst v63  }
0x133: {  	_ = 	snop  }
0x134: {  	[tilespmem:s4], [sflag:$0x1] =	stream.strided.gather [hbm4b:s13+s30], $0x4000, s31, s30, $0x38;
	[tilespmem:$0x11C80] =	vst v63  }
0x135: {  	_ =	swait.ge [sflag:s5], $0x4000  }
0x136: {  	[sflag:s5] =	ssyncset.done $0x0  }
0x137: {  	[sflag:s5] =	ssyncadd.s32 $0xFFFFC000  }
0x138: {  	_ =	swait.ge [sflag:s6], $0x9C40  }
0x139: {  	[sflag:s6] =	ssyncset.done $0x0  }
0x13a: {  	s11 =	simm.s32 $0x0;
	[sflag:s6] =	ssyncadd.s32 $0xFFFF63C0  }
0x13b: {  	v0 =	vld [tilespmem:s11+$0x9C80];
	_ =	sdelay $0x7  }
0x13c: {  	s12 =	simm.s32 $0x10;
	s13 =	simm.s32 $0x80;
	v0 =	vld.idx.msk [tilespmem:v0+s3+$0x0], $0xffff  }
.LBB2_53:
0x13d: {  	p2 =	sne.s32 s13, $0xFFC0;
	v1 =	vld [tilespmem:s12+$0x9C80];
	_ =	sdelay $0x3  }
.Ltmp35:
0x13e: {  	(pc) =	sbr.rel @p2 .LBB2_53-.Ltmp35, $2  }
0x13f: {  	[tilespmem:s11+$0xDC80] =	vst v0;
	s11 =	smov.u32 s12;
	_ =	sdelay $0x2  }
0x140: {  	s12 =	sshra.s32 s13, $0x2;
	s13 =	sadd.s32 $0x40, s13;
	v0 =	vld.idx.msk [tilespmem:v1+s3+$0x0], $0xffff  }
0x141: {  	v1 =	vld [tilespmem:s12+$0x9C80];
	_ =	sdelay $0x6  }
0x142: {  	[tilespmem:s11+$0xDC80] =	vst v0  }
0x143: {  	v0 =	vld.idx.msk [tilespmem:v1+s3+$0x0], $0xffff;
	_ =	sdelay $0x1  }
.Ltmp36:
0x144: {  	_ = 	snop;
	(pc) =	sbr.rel .LBB2_114-.Ltmp36, $3  }
0x145: {  	s13 =	sld [smem:$0x7D2];
	_ =	sdelay $0x1  }
0x146: {  	[tilespmem:s12+$0xDC80] =	vst v0  }
0x147: {  	[hbm4b:s13+s30] =	stream.strided.scatter [tilespmem:s8], [sflag:$0x3], $0x4000, s31, s30, $0x38;
	[tilespmem:$0x11C80] =	vst v63  }
.LBB2_10:
0x148: {  	s11 =	sld [smem:$0x7DF];
	_ =	sdelay $0x2  }
0x149: {  	p2 =	seq.s32 s11, $0x1  }
.Ltmp37:
0x14a: {  	_ = 	snop;
	(pc) =	sbr.rel @p2 .LBB2_72-.Ltmp37, $1  }
0x14b: {  	_ =	sdelay $0x3  }
0x14c: {  	s11 =	sld [smem:$0x7E0];
	_ =	sdelay $0x2  }
0x14d: {  	p2 =	seq.s32 s11, $0x1  }
.Ltmp38:
0x14e: {  	_ = 	snop;
	(pc) =	sbr.rel @p2 .LBB2_75-.Ltmp38, $1  }
0x14f: {  	_ =	sdelay $0x3  }
0x150: {  	s11 =	sld [smem:$0x7E1];
	_ =	sdelay $0x2  }
0x151: {  	p2 =	seq.s32 s11, $0x1  }
.Ltmp39:
0x152: {  	_ = 	snop;
	(pc) =	sbr.rel @!p2 .LBB2_115-.Ltmp39, $1  }
0x153: {  	_ =	sdelay $0x3  }
0x154: {  	s12 =	sld [smem:$0x7F9];
	_ =	sdelay $0x1  }
0x155: {  	s11 =	simm.s32 $0x0  }
0x156: {  	[tilespmem:s11], [sflag:$0x2] =	stream.linear.gather [hbm4b:s12+s11], $0x9C40, $0x38;
	[tilespmem:$0x11C80] =	vst v63  }
0x157: {  	s13 =	rddreg [dreg:$0xe]  }
0x158: {  	[tilespmem:s4], [sflag:$0x1] =	stream.strided.gather [hbm4b:s13+s30], $0x4000, s31, s30, $0x38;
	[tilespmem:$0x11C80] =	vst v63  }
0x159: {  	_ =	swait.ge [sflag:s5], $0x4000  }
0x15a: {  	[sflag:s5] =	ssyncset.done $0x0  }
0x15b: {  	[sflag:s5] =	ssyncadd.s32 $0xFFFFC000  }
0x15c: {  	_ =	swait.ge [sflag:s6], $0x9C40  }
0x15d: {  	[sflag:s6] =	ssyncset.done $0x0  }
0x15e: {  	s11 =	simm.s32 $0x0;
	[sflag:s6] =	ssyncadd.s32 $0xFFFF63C0  }
0x15f: {  	v0 =	vld [tilespmem:s11+$0x9C80];
	_ =	sdelay $0x7  }
0x160: {  	s12 =	simm.s32 $0x10;
	s13 =	simm.s32 $0x80;
	v0 =	vld.idx.msk [tilespmem:v0+s3+$0x0], $0xffff  }
.LBB2_14:
0x161: {  	p2 =	sne.s32 s13, $0xFFC0;
	v1 =	vld [tilespmem:s12+$0x9C80];
	_ =	sdelay $0x3  }
.Ltmp40:
0x162: {  	(pc) =	sbr.rel @p2 .LBB2_14-.Ltmp40, $2  }
0x163: {  	[tilespmem:s11+$0xDC80] =	vst v0;
	s11 =	smov.u32 s12;
	_ =	sdelay $0x2  }
0x164: {  	s12 =	sshra.s32 s13, $0x2;
	s13 =	sadd.s32 $0x40, s13;
	v0 =	vld.idx.msk [tilespmem:v1+s3+$0x0], $0xffff  }
0x165: {  	v1 =	vld [tilespmem:s12+$0x9C80];
	_ =	sdelay $0x6  }
0x166: {  	[tilespmem:s11+$0xDC80] =	vst v0  }
0x167: {  	v0 =	vld.idx.msk [tilespmem:v1+s3+$0x0], $0xffff;
	_ =	sdelay $0x1  }
.Ltmp41:
0x168: {  	_ = 	snop;
	(pc) =	sbr.rel .LBB2_114-.Ltmp41, $3  }
0x169: {  	_ =	sdelay $0x1  }
0x16a: {  	s13 =	rddreg [dreg:$0xf];
	[tilespmem:s12+$0xDC80] =	vst v0  }
0x16b: {  	[hbm4b:s13+s30] =	stream.strided.scatter [tilespmem:s8], [sflag:$0x3], $0x4000, s31, s30, $0x38;
	[tilespmem:$0x11C80] =	vst v63  }
.LBB2_42:
0x16c: {  	s11 =	sld [smem:$0x7ED];
	_ =	sdelay $0x2  }
0x16d: {  	p2 =	seq.s32 s11, $0x1  }
.Ltmp42:
0x16e: {  	_ = 	snop;
	(pc) =	sbr.rel @p2 .LBB2_96-.Ltmp42, $1  }
0x16f: {  	_ =	sdelay $0x3  }
0x170: {  	s11 =	sld [smem:$0x7EE];
	_ =	sdelay $0x2  }
0x171: {  	p2 =	seq.s32 s11, $0x1  }
.Ltmp43:
0x172: {  	_ = 	snop;
	(pc) =	sbr.rel @p2 .LBB2_99-.Ltmp43, $1  }
0x173: {  	_ =	sdelay $0x3  }
0x174: {  	s11 =	sld [smem:$0x7EF];
	_ =	sdelay $0x2  }
0x175: {  	p2 =	seq.s32 s11, $0x1  }
.Ltmp44:
0x176: {  	_ = 	snop;
	(pc) =	sbr.rel @!p2 .LBB2_115-.Ltmp44, $1  }
0x177: {  	_ =	sdelay $0x3  }
0x178: {  	s11 =	simm.s32 $0x0;
	s13 =	sld [smem:$0x7CB]  }
0x179: {  	[tilespmem:s11], [sflag:$0x2] =	stream.linear.gather [hbm4b:s21+s11], $0x9C40, $0x38;
	[tilespmem:$0x11C80] =	vst v63  }
0x17a: {  	_ = 	snop  }
0x17b: {  	[tilespmem:s4], [sflag:$0x1] =	stream.strided.gather [hbm4b:s13+s30], $0x4000, s31, s30, $0x38;
	[tilespmem:$0x11C80] =	vst v63  }
0x17c: {  	_ =	swait.ge [sflag:s5], $0x4000  }
0x17d: {  	[sflag:s5] =	ssyncset.done $0x0  }
0x17e: {  	[sflag:s5] =	ssyncadd.s32 $0xFFFFC000  }
0x17f: {  	_ =	swait.ge [sflag:s6], $0x9C40  }
0x180: {  	[sflag:s6] =	ssyncset.done $0x0  }
0x181: {  	s11 =	simm.s32 $0x0;
	[sflag:s6] =	ssyncadd.s32 $0xFFFF63C0  }
0x182: {  	v0 =	vld [tilespmem:s11+$0x9C80];
	_ =	sdelay $0x7  }
0x183: {  	s12 =	simm.s32 $0x10;
	s13 =	simm.s32 $0x80;
	v0 =	vld.idx.msk [tilespmem:v0+s3+$0x0], $0xffff  }
.LBB2_46:
0x184: {  	p2 =	sne.s32 s13, $0xFFC0;
	v1 =	vld [tilespmem:s12+$0x9C80];
	_ =	sdelay $0x3  }
.Ltmp45:
0x185: {  	(pc) =	sbr.rel @p2 .LBB2_46-.Ltmp45, $2  }
0x186: {  	[tilespmem:s11+$0xDC80] =	vst v0;
	s11 =	smov.u32 s12;
	_ =	sdelay $0x2  }
0x187: {  	s12 =	sshra.s32 s13, $0x2;
	s13 =	sadd.s32 $0x40, s13;
	v0 =	vld.idx.msk [tilespmem:v1+s3+$0x0], $0xffff  }
0x188: {  	v1 =	vld [tilespmem:s12+$0x9C80];
	_ =	sdelay $0x6  }
0x189: {  	[tilespmem:s11+$0xDC80] =	vst v0  }
0x18a: {  	v0 =	vld.idx.msk [tilespmem:v1+s3+$0x0], $0xffff;
	_ =	sdelay $0x1  }
.Ltmp46:
0x18b: {  	_ = 	snop;
	(pc) =	sbr.rel .LBB2_114-.Ltmp46, $3  }
0x18c: {  	s13 =	sld [smem:$0x7CC];
	_ =	sdelay $0x1  }
0x18d: {  	[tilespmem:s12+$0xDC80] =	vst v0  }
0x18e: {  	[hbm4b:s13+s30] =	stream.strided.scatter [tilespmem:s8], [sflag:$0x3], $0x4000, s31, s30, $0x38;
	[tilespmem:$0x11C80] =	vst v63  }
.LBB2_29:
0x18f: {  	s11 =	sld [smem:$0x7E8];
	_ =	sdelay $0x2  }
0x190: {  	p2 =	seq.s32 s11, $0x1  }
.Ltmp47:
0x191: {  	_ = 	snop;
	(pc) =	sbr.rel @p2 .LBB2_87-.Ltmp47, $1  }
0x192: {  	_ =	sdelay $0x3  }
0x193: {  	s11 =	sld [smem:$0x7E9];
	_ =	sdelay $0x2  }
0x194: {  	p2 =	seq.s32 s11, $0x1  }
.Ltmp48:
0x195: {  	_ = 	snop;
	(pc) =	sbr.rel @!p2 .LBB2_115-.Ltmp48, $1  }
0x196: {  	_ =	sdelay $0x3  }
0x197: {  	s11 =	simm.s32 $0x0  }
0x198: {  	[tilespmem:s11], [sflag:$0x2] =	stream.linear.gather [hbm4b:s16+s11], $0x9C40, $0x38;
	[tilespmem:$0x11C80] =	vst v63  }
0x199: {  	s13 =	rddreg [dreg:$0x1c]  }
0x19a: {  	[tilespmem:s4], [sflag:$0x1] =	stream.strided.gather [hbm4b:s13+s30], $0x4000, s31, s30, $0x38;
	[tilespmem:$0x11C80] =	vst v63  }
0x19b: {  	_ =	swait.ge [sflag:s5], $0x4000  }
0x19c: {  	[sflag:s5] =	ssyncset.done $0x0  }
0x19d: {  	[sflag:s5] =	ssyncadd.s32 $0xFFFFC000  }
0x19e: {  	_ =	swait.ge [sflag:s6], $0x9C40  }
0x19f: {  	[sflag:s6] =	ssyncset.done $0x0  }
0x1a0: {  	s11 =	simm.s32 $0x0;
	[sflag:s6] =	ssyncadd.s32 $0xFFFF63C0  }
0x1a1: {  	v0 =	vld [tilespmem:s11+$0x9C80];
	_ =	sdelay $0x7  }
0x1a2: {  	s12 =	simm.s32 $0x10;
	s13 =	simm.s32 $0x80;
	v0 =	vld.idx.msk [tilespmem:v0+s3+$0x0], $0xffff  }
.LBB2_32:
0x1a3: {  	p2 =	sne.s32 s13, $0xFFC0;
	v1 =	vld [tilespmem:s12+$0x9C80];
	_ =	sdelay $0x3  }
.Ltmp49:
0x1a4: {  	(pc) =	sbr.rel @p2 .LBB2_32-.Ltmp49, $2  }
0x1a5: {  	[tilespmem:s11+$0xDC80] =	vst v0;
	s11 =	smov.u32 s12;
	_ =	sdelay $0x2  }
0x1a6: {  	s12 =	sshra.s32 s13, $0x2;
	s13 =	sadd.s32 $0x40, s13;
	v0 =	vld.idx.msk [tilespmem:v1+s3+$0x0], $0xffff  }
0x1a7: {  	v1 =	vld [tilespmem:s12+$0x9C80];
	_ =	sdelay $0x6  }
0x1a8: {  	[tilespmem:s11+$0xDC80] =	vst v0  }
0x1a9: {  	v0 =	vld.idx.msk [tilespmem:v1+s3+$0x0], $0xffff;
	_ =	sdelay $0x1  }
.Ltmp50:
0x1aa: {  	_ = 	snop;
	(pc) =	sbr.rel .LBB2_114-.Ltmp50, $3  }
0x1ab: {  	_ =	sdelay $0x1  }
0x1ac: {  	s13 =	rddreg [dreg:$0x1d];
	[tilespmem:s12+$0xDC80] =	vst v0  }
0x1ad: {  	[hbm4b:s13+s30] =	stream.strided.scatter [tilespmem:s8], [sflag:$0x3], $0x4000, s31, s30, $0x38;
	[tilespmem:$0x11C80] =	vst v63  }
.LBB2_61:
0x1ae: {  	p2 =	seq.s32 s7, $0x18  }
.Ltmp51:
0x1af: {  	_ = 	snop;
	(pc) =	sbr.rel @p2 .LBB2_111-.Ltmp51, $1  }
0x1b0: {  	_ =	sdelay $0x3  }
0x1b1: {  	p2 =	seq.s32 s7, $0x19  }
.Ltmp52:
0x1b2: {  	_ = 	snop;
	(pc) =	sbr.rel @!p2 .LBB2_115-.Ltmp52, $1  }
0x1b3: {  	_ =	sdelay $0x3  }
0x1b4: {  	s11 =	simm.s32 $0x0;
	s13 =	sld [smem:$0x7D9]  }
0x1b5: {  	[tilespmem:s11], [sflag:$0x2] =	stream.linear.gather [hbm4b:s29+s11], $0x9C40, $0x38;
	[tilespmem:$0x11C80] =	vst v63  }
0x1b6: {  	_ = 	snop  }
0x1b7: {  	[tilespmem:s4], [sflag:$0x1] =	stream.strided.gather [hbm4b:s13+s30], $0x4000, s31, s30, $0x38;
	[tilespmem:$0x11C80] =	vst v63  }
0x1b8: {  	_ =	swait.ge [sflag:s5], $0x4000  }
0x1b9: {  	[sflag:s5] =	ssyncset.done $0x0  }
0x1ba: {  	[sflag:s5] =	ssyncadd.s32 $0xFFFFC000  }
0x1bb: {  	_ =	swait.ge [sflag:s6], $0x9C40  }
0x1bc: {  	[sflag:s6] =	ssyncset.done $0x0  }
0x1bd: {  	s11 =	simm.s32 $0x0;
	[sflag:s6] =	ssyncadd.s32 $0xFFFF63C0  }
0x1be: {  	v0 =	vld [tilespmem:s11+$0x9C80];
	_ =	sdelay $0x7  }
0x1bf: {  	s12 =	simm.s32 $0x10;
	s13 =	simm.s32 $0x80;
	v0 =	vld.idx.msk [tilespmem:v0+s3+$0x0], $0xffff  }
.LBB2_64:
0x1c0: {  	p2 =	sne.s32 s13, $0xFFC0;
	v1 =	vld [tilespmem:s12+$0x9C80];
	_ =	sdelay $0x3  }
.Ltmp53:
0x1c1: {  	(pc) =	sbr.rel @p2 .LBB2_64-.Ltmp53, $2  }
0x1c2: {  	[tilespmem:s11+$0xDC80] =	vst v0;
	s11 =	smov.u32 s12;
	_ =	sdelay $0x2  }
0x1c3: {  	s12 =	sshra.s32 s13, $0x2;
	s13 =	sadd.s32 $0x40, s13;
	v0 =	vld.idx.msk [tilespmem:v1+s3+$0x0], $0xffff  }
0x1c4: {  	v1 =	vld [tilespmem:s12+$0x9C80];
	_ =	sdelay $0x6  }
0x1c5: {  	[tilespmem:s11+$0xDC80] =	vst v0  }
0x1c6: {  	v0 =	vld.idx.msk [tilespmem:v1+s3+$0x0], $0xffff;
	_ =	sdelay $0x1  }
.Ltmp54:
0x1c7: {  	_ = 	snop;
	(pc) =	sbr.rel .LBB2_114-.Ltmp54, $3  }
0x1c8: {  	s13 =	sld [smem:$0x7DA];
	_ =	sdelay $0x1  }
0x1c9: {  	[tilespmem:s12+$0xDC80] =	vst v0  }
0x1ca: {  	[hbm4b:s13+s30] =	stream.strided.scatter [tilespmem:s8], [sflag:$0x3], $0x4000, s31, s30, $0x38;
	[tilespmem:$0x11C80] =	vst v63  }
.LBB2_84:
0x1cb: {  	s12 =	sld [smem:$0x7FD];
	_ =	sdelay $0x1  }
0x1cc: {  	s11 =	simm.s32 $0x0  }
0x1cd: {  	[tilespmem:s11], [sflag:$0x2] =	stream.linear.gather [hbm4b:s12+s11], $0x9C40, $0x38;
	[tilespmem:$0x11C80] =	vst v63  }
0x1ce: {  	s13 =	rddreg [dreg:$0x16]  }
0x1cf: {  	[tilespmem:s4], [sflag:$0x1] =	stream.strided.gather [hbm4b:s13+s30], $0x4000, s31, s30, $0x38;
	[tilespmem:$0x11C80] =	vst v63  }
0x1d0: {  	_ =	swait.ge [sflag:s5], $0x4000  }
0x1d1: {  	[sflag:s5] =	ssyncset.done $0x0  }
0x1d2: {  	[sflag:s5] =	ssyncadd.s32 $0xFFFFC000  }
0x1d3: {  	_ =	swait.ge [sflag:s6], $0x9C40  }
0x1d4: {  	[sflag:s6] =	ssyncset.done $0x0  }
0x1d5: {  	s11 =	simm.s32 $0x0;
	[sflag:s6] =	ssyncadd.s32 $0xFFFF63C0  }
0x1d6: {  	v0 =	vld [tilespmem:s11+$0x9C80];
	_ =	sdelay $0x7  }
0x1d7: {  	s12 =	simm.s32 $0x10;
	s13 =	simm.s32 $0x80;
	v0 =	vld.idx.msk [tilespmem:v0+s3+$0x0], $0xffff  }
.LBB2_85:
0x1d8: {  	p2 =	sne.s32 s13, $0xFFC0;
	v1 =	vld [tilespmem:s12+$0x9C80];
	_ =	sdelay $0x3  }
.Ltmp55:
0x1d9: {  	(pc) =	sbr.rel @p2 .LBB2_85-.Ltmp55, $2  }
0x1da: {  	[tilespmem:s11+$0xDC80] =	vst v0;
	s11 =	smov.u32 s12;
	_ =	sdelay $0x2  }
0x1db: {  	s12 =	sshra.s32 s13, $0x2;
	s13 =	sadd.s32 $0x40, s13;
	v0 =	vld.idx.msk [tilespmem:v1+s3+$0x0], $0xffff  }
0x1dc: {  	v1 =	vld [tilespmem:s12+$0x9C80];
	_ =	sdelay $0x6  }
0x1dd: {  	[tilespmem:s11+$0xDC80] =	vst v0  }
0x1de: {  	v0 =	vld.idx.msk [tilespmem:v1+s3+$0x0], $0xffff;
	_ =	sdelay $0x1  }
.Ltmp56:
0x1df: {  	_ = 	snop;
	(pc) =	sbr.rel .LBB2_114-.Ltmp56, $3  }
0x1e0: {  	_ =	sdelay $0x1  }
0x1e1: {  	s13 =	rddreg [dreg:$0x17];
	[tilespmem:s12+$0xDC80] =	vst v0  }
0x1e2: {  	[hbm4b:s13+s30] =	stream.strided.scatter [tilespmem:s8], [sflag:$0x3], $0x4000, s31, s30, $0x38;
	[tilespmem:$0x11C80] =	vst v63  }
.LBB2_108:
0x1e3: {  	s11 =	simm.s32 $0x0;
	s13 =	sld [smem:$0x7D3]  }
0x1e4: {  	[tilespmem:s11], [sflag:$0x2] =	stream.linear.gather [hbm4b:s25+s11], $0x9C40, $0x38;
	[tilespmem:$0x11C80] =	vst v63  }
0x1e5: {  	_ = 	snop  }
0x1e6: {  	[tilespmem:s4], [sflag:$0x1] =	stream.strided.gather [hbm4b:s13+s30], $0x4000, s31, s30, $0x38;
	[tilespmem:$0x11C80] =	vst v63  }
0x1e7: {  	_ =	swait.ge [sflag:s5], $0x4000  }
0x1e8: {  	[sflag:s5] =	ssyncset.done $0x0  }
0x1e9: {  	[sflag:s5] =	ssyncadd.s32 $0xFFFFC000  }
0x1ea: {  	_ =	swait.ge [sflag:s6], $0x9C40  }
0x1eb: {  	[sflag:s6] =	ssyncset.done $0x0  }
0x1ec: {  	s11 =	simm.s32 $0x0;
	[sflag:s6] =	ssyncadd.s32 $0xFFFF63C0  }
0x1ed: {  	v0 =	vld [tilespmem:s11+$0x9C80];
	_ =	sdelay $0x7  }
0x1ee: {  	s12 =	simm.s32 $0x10;
	s13 =	simm.s32 $0x80;
	v0 =	vld.idx.msk [tilespmem:v0+s3+$0x0], $0xffff  }
.LBB2_109:
0x1ef: {  	p2 =	sne.s32 s13, $0xFFC0;
	v1 =	vld [tilespmem:s12+$0x9C80];
	_ =	sdelay $0x3  }
.Ltmp57:
0x1f0: {  	(pc) =	sbr.rel @p2 .LBB2_109-.Ltmp57, $2  }
0x1f1: {  	[tilespmem:s11+$0xDC80] =	vst v0;
	s11 =	smov.u32 s12;
	_ =	sdelay $0x2  }
0x1f2: {  	s12 =	sshra.s32 s13, $0x2;
	s13 =	sadd.s32 $0x40, s13;
	v0 =	vld.idx.msk [tilespmem:v1+s3+$0x0], $0xffff  }
0x1f3: {  	v1 =	vld [tilespmem:s12+$0x9C80];
	_ =	sdelay $0x6  }
0x1f4: {  	[tilespmem:s11+$0xDC80] =	vst v0  }
0x1f5: {  	v0 =	vld.idx.msk [tilespmem:v1+s3+$0x0], $0xffff;
	_ =	sdelay $0x1  }
.Ltmp58:
0x1f6: {  	_ = 	snop;
	(pc) =	sbr.rel .LBB2_114-.Ltmp58, $3  }
0x1f7: {  	s13 =	sld [smem:$0x7D4];
	_ =	sdelay $0x1  }
0x1f8: {  	[tilespmem:s12+$0xDC80] =	vst v0  }
0x1f9: {  	[hbm4b:s13+s30] =	stream.strided.scatter [tilespmem:s8], [sflag:$0x3], $0x4000, s31, s30, $0x38;
	[tilespmem:$0x11C80] =	vst v63  }
.LBB2_87:
0x1fa: {  	s11 =	simm.s32 $0x0  }
0x1fb: {  	[tilespmem:s11], [sflag:$0x2] =	stream.linear.gather [hbm4b:s15+s11], $0x9C40, $0x38;
	[tilespmem:$0x11C80] =	vst v63  }
0x1fc: {  	s13 =	rddreg [dreg:$0x1a]  }
0x1fd: {  	[tilespmem:s4], [sflag:$0x1] =	stream.strided.gather [hbm4b:s13+s30], $0x4000, s31, s30, $0x38;
	[tilespmem:$0x11C80] =	vst v63  }
0x1fe: {  	_ =	swait.ge [sflag:s5], $0x4000  }
0x1ff: {  	[sflag:s5] =	ssyncset.done $0x0  }
0x200: {  	[sflag:s5] =	ssyncadd.s32 $0xFFFFC000  }
0x201: {  	_ =	swait.ge [sflag:s6], $0x9C40  }
0x202: {  	[sflag:s6] =	ssyncset.done $0x0  }
0x203: {  	s11 =	simm.s32 $0x0;
	[sflag:s6] =	ssyncadd.s32 $0xFFFF63C0  }
0x204: {  	v0 =	vld [tilespmem:s11+$0x9C80];
	_ =	sdelay $0x7  }
0x205: {  	s12 =	simm.s32 $0x10;
	s13 =	simm.s32 $0x80;
	v0 =	vld.idx.msk [tilespmem:v0+s3+$0x0], $0xffff  }
.LBB2_88:
0x206: {  	p2 =	sne.s32 s13, $0xFFC0;
	v1 =	vld [tilespmem:s12+$0x9C80];
	_ =	sdelay $0x3  }
.Ltmp59:
0x207: {  	(pc) =	sbr.rel @p2 .LBB2_88-.Ltmp59, $2  }
0x208: {  	[tilespmem:s11+$0xDC80] =	vst v0;
	s11 =	smov.u32 s12;
	_ =	sdelay $0x2  }
0x209: {  	s12 =	sshra.s32 s13, $0x2;
	s13 =	sadd.s32 $0x40, s13;
	v0 =	vld.idx.msk [tilespmem:v1+s3+$0x0], $0xffff  }
0x20a: {  	v1 =	vld [tilespmem:s12+$0x9C80];
	_ =	sdelay $0x6  }
0x20b: {  	[tilespmem:s11+$0xDC80] =	vst v0  }
0x20c: {  	v0 =	vld.idx.msk [tilespmem:v1+s3+$0x0], $0xffff;
	_ =	sdelay $0x1  }
.Ltmp60:
0x20d: {  	_ = 	snop;
	(pc) =	sbr.rel .LBB2_114-.Ltmp60, $3  }
0x20e: {  	_ =	sdelay $0x1  }
0x20f: {  	s13 =	rddreg [dreg:$0x1b];
	[tilespmem:s12+$0xDC80] =	vst v0  }
0x210: {  	[hbm4b:s13+s30] =	stream.strided.scatter [tilespmem:s8], [sflag:$0x3], $0x4000, s31, s30, $0x38;
	[tilespmem:$0x11C80] =	vst v63  }
.LBB2_111:
0x211: {  	s11 =	simm.s32 $0x0;
	s13 =	sld [smem:$0x7D7]  }
0x212: {  	[tilespmem:s11], [sflag:$0x2] =	stream.linear.gather [hbm4b:s28+s11], $0x9C40, $0x38;
	[tilespmem:$0x11C80] =	vst v63  }
0x213: {  	_ = 	snop  }
0x214: {  	[tilespmem:s4], [sflag:$0x1] =	stream.strided.gather [hbm4b:s13+s30], $0x4000, s31, s30, $0x38;
	[tilespmem:$0x11C80] =	vst v63  }
0x215: {  	_ =	swait.ge [sflag:s5], $0x4000  }
0x216: {  	[sflag:s5] =	ssyncset.done $0x0  }
0x217: {  	[sflag:s5] =	ssyncadd.s32 $0xFFFFC000  }
0x218: {  	_ =	swait.ge [sflag:s6], $0x9C40  }
0x219: {  	[sflag:s6] =	ssyncset.done $0x0  }
0x21a: {  	s11 =	simm.s32 $0x0;
	[sflag:s6] =	ssyncadd.s32 $0xFFFF63C0  }
0x21b: {  	v0 =	vld [tilespmem:s11+$0x9C80];
	_ =	sdelay $0x7  }
0x21c: {  	s12 =	simm.s32 $0x10;
	s13 =	simm.s32 $0x80;
	v0 =	vld.idx.msk [tilespmem:v0+s3+$0x0], $0xffff  }
.LBB2_112:
0x21d: {  	p2 =	sne.s32 s13, $0xFFC0;
	v1 =	vld [tilespmem:s12+$0x9C80];
	_ =	sdelay $0x3  }
.Ltmp61:
0x21e: {  	(pc) =	sbr.rel @p2 .LBB2_112-.Ltmp61, $2  }
0x21f: {  	[tilespmem:s11+$0xDC80] =	vst v0;
	s11 =	smov.u32 s12;
	_ =	sdelay $0x2  }
0x220: {  	s12 =	sshra.s32 s13, $0x2;
	s13 =	sadd.s32 $0x40, s13;
	v0 =	vld.idx.msk [tilespmem:v1+s3+$0x0], $0xffff  }
0x221: {  	v1 =	vld [tilespmem:s12+$0x9C80];
	_ =	sdelay $0x6  }
0x222: {  	[tilespmem:s11+$0xDC80] =	vst v0  }
0x223: {  	v0 =	vld.idx.msk [tilespmem:v1+s3+$0x0], $0xffff;
	_ =	sdelay $0x1  }
.Ltmp62:
0x224: {  	_ = 	snop;
	(pc) =	sbr.rel .LBB2_114-.Ltmp62, $3  }
0x225: {  	s13 =	sld [smem:$0x7D8];
	_ =	sdelay $0x1  }
0x226: {  	[tilespmem:s12+$0xDC80] =	vst v0  }
0x227: {  	[hbm4b:s13+s30] =	stream.strided.scatter [tilespmem:s8], [sflag:$0x3], $0x4000, s31, s30, $0x38;
	[tilespmem:$0x11C80] =	vst v63  }
.LBB2_78:
0x228: {  	s12 =	sld [smem:$0x7FA];
	_ =	sdelay $0x1  }
0x229: {  	s11 =	simm.s32 $0x0  }
0x22a: {  	[tilespmem:s11], [sflag:$0x2] =	stream.linear.gather [hbm4b:s12+s11], $0x9C40, $0x38;
	[tilespmem:$0x11C80] =	vst v63  }
0x22b: {  	s13 =	rddreg [dreg:$0x10]  }
0x22c: {  	[tilespmem:s4], [sflag:$0x1] =	stream.strided.gather [hbm4b:s13+s30], $0x4000, s31, s30, $0x38;
	[tilespmem:$0x11C80] =	vst v63  }
0x22d: {  	_ =	swait.ge [sflag:s5], $0x4000  }
0x22e: {  	[sflag:s5] =	ssyncset.done $0x0  }
0x22f: {  	[sflag:s5] =	ssyncadd.s32 $0xFFFFC000  }
0x230: {  	_ =	swait.ge [sflag:s6], $0x9C40  }
0x231: {  	[sflag:s6] =	ssyncset.done $0x0  }
0x232: {  	s11 =	simm.s32 $0x0;
	[sflag:s6] =	ssyncadd.s32 $0xFFFF63C0  }
0x233: {  	v0 =	vld [tilespmem:s11+$0x9C80];
	_ =	sdelay $0x7  }
0x234: {  	s12 =	simm.s32 $0x10;
	s13 =	simm.s32 $0x80;
	v0 =	vld.idx.msk [tilespmem:v0+s3+$0x0], $0xffff  }
.LBB2_79:
0x235: {  	p2 =	sne.s32 s13, $0xFFC0;
	v1 =	vld [tilespmem:s12+$0x9C80];
	_ =	sdelay $0x3  }
.Ltmp63:
0x236: {  	(pc) =	sbr.rel @p2 .LBB2_79-.Ltmp63, $2  }
0x237: {  	[tilespmem:s11+$0xDC80] =	vst v0;
	s11 =	smov.u32 s12;
	_ =	sdelay $0x2  }
0x238: {  	s12 =	sshra.s32 s13, $0x2;
	s13 =	sadd.s32 $0x40, s13;
	v0 =	vld.idx.msk [tilespmem:v1+s3+$0x0], $0xffff  }
0x239: {  	v1 =	vld [tilespmem:s12+$0x9C80];
	_ =	sdelay $0x6  }
0x23a: {  	[tilespmem:s11+$0xDC80] =	vst v0  }
0x23b: {  	v0 =	vld.idx.msk [tilespmem:v1+s3+$0x0], $0xffff;
	_ =	sdelay $0x1  }
.Ltmp64:
0x23c: {  	_ = 	snop;
	(pc) =	sbr.rel .LBB2_114-.Ltmp64, $3  }
0x23d: {  	_ =	sdelay $0x1  }
0x23e: {  	s13 =	rddreg [dreg:$0x11];
	[tilespmem:s12+$0xDC80] =	vst v0  }
0x23f: {  	[hbm4b:s13+s30] =	stream.strided.scatter [tilespmem:s8], [sflag:$0x3], $0x4000, s31, s30, $0x38;
	[tilespmem:$0x11C80] =	vst v63  }
.LBB2_102:
0x240: {  	s11 =	simm.s32 $0x0;
	s13 =	sld [smem:$0x7CD]  }
0x241: {  	[tilespmem:s11], [sflag:$0x2] =	stream.linear.gather [hbm4b:s22+s11], $0x9C40, $0x38;
	[tilespmem:$0x11C80] =	vst v63  }
0x242: {  	_ = 	snop  }
0x243: {  	[tilespmem:s4], [sflag:$0x1] =	stream.strided.gather [hbm4b:s13+s30], $0x4000, s31, s30, $0x38;
	[tilespmem:$0x11C80] =	vst v63  }
0x244: {  	_ =	swait.ge [sflag:s5], $0x4000  }
0x245: {  	[sflag:s5] =	ssyncset.done $0x0  }
0x246: {  	[sflag:s5] =	ssyncadd.s32 $0xFFFFC000  }
0x247: {  	_ =	swait.ge [sflag:s6], $0x9C40  }
0x248: {  	[sflag:s6] =	ssyncset.done $0x0  }
0x249: {  	s11 =	simm.s32 $0x0;
	[sflag:s6] =	ssyncadd.s32 $0xFFFF63C0  }
0x24a: {  	v0 =	vld [tilespmem:s11+$0x9C80];
	_ =	sdelay $0x7  }
0x24b: {  	s12 =	simm.s32 $0x10;
	s13 =	simm.s32 $0x80;
	v0 =	vld.idx.msk [tilespmem:v0+s3+$0x0], $0xffff  }
.LBB2_103:
0x24c: {  	p2 =	sne.s32 s13, $0xFFC0;
	v1 =	vld [tilespmem:s12+$0x9C80];
	_ =	sdelay $0x3  }
.Ltmp65:
0x24d: {  	(pc) =	sbr.rel @p2 .LBB2_103-.Ltmp65, $2  }
0x24e: {  	[tilespmem:s11+$0xDC80] =	vst v0;
	s11 =	smov.u32 s12;
	_ =	sdelay $0x2  }
0x24f: {  	s12 =	sshra.s32 s13, $0x2;
	s13 =	sadd.s32 $0x40, s13;
	v0 =	vld.idx.msk [tilespmem:v1+s3+$0x0], $0xffff  }
0x250: {  	v1 =	vld [tilespmem:s12+$0x9C80];
	_ =	sdelay $0x6  }
0x251: {  	[tilespmem:s11+$0xDC80] =	vst v0  }
0x252: {  	v0 =	vld.idx.msk [tilespmem:v1+s3+$0x0], $0xffff;
	_ =	sdelay $0x1  }
.Ltmp66:
0x253: {  	_ = 	snop;
	(pc) =	sbr.rel .LBB2_114-.Ltmp66, $3  }
0x254: {  	s13 =	sld [smem:$0x7CE];
	_ =	sdelay $0x1  }
0x255: {  	[tilespmem:s12+$0xDC80] =	vst v0  }
0x256: {  	[hbm4b:s13+s30] =	stream.strided.scatter [tilespmem:s8], [sflag:$0x3], $0x4000, s31, s30, $0x38;
	[tilespmem:$0x11C80] =	vst v63  }
.LBB2_66:
0x257: {  	s11 =	simm.s32 $0x0  }
0x258: {  	[tilespmem:s11], [sflag:$0x2] =	stream.linear.gather [hbm4b:s1+s11], $0x9C40, $0x38;
	[tilespmem:$0x11C80] =	vst v63  }
0x259: {  	s13 =	rddreg [dreg:$0x4]  }
0x25a: {  	[tilespmem:s4], [sflag:$0x1] =	stream.strided.gather [hbm4b:s13+s30], $0x4000, s31, s30, $0x38;
	[tilespmem:$0x11C80] =	vst v63  }
0x25b: {  	_ =	swait.ge [sflag:s5], $0x4000  }
0x25c: {  	[sflag:s5] =	ssyncset.done $0x0  }
0x25d: {  	[sflag:s5] =	ssyncadd.s32 $0xFFFFC000  }
0x25e: {  	_ =	swait.ge [sflag:s6], $0x9C40  }
0x25f: {  	[sflag:s6] =	ssyncset.done $0x0  }
0x260: {  	s11 =	simm.s32 $0x0;
	[sflag:s6] =	ssyncadd.s32 $0xFFFF63C0  }
0x261: {  	v0 =	vld [tilespmem:s11+$0x9C80];
	_ =	sdelay $0x7  }
0x262: {  	s12 =	simm.s32 $0x10;
	s13 =	simm.s32 $0x80;
	v0 =	vld.idx.msk [tilespmem:v0+s3+$0x0], $0xffff  }
.LBB2_67:
0x263: {  	p2 =	sne.s32 s13, $0xFFC0;
	v1 =	vld [tilespmem:s12+$0x9C80];
	_ =	sdelay $0x3  }
.Ltmp67:
0x264: {  	(pc) =	sbr.rel @p2 .LBB2_67-.Ltmp67, $2  }
0x265: {  	[tilespmem:s11+$0xDC80] =	vst v0;
	s11 =	smov.u32 s12;
	_ =	sdelay $0x2  }
0x266: {  	s12 =	sshra.s32 s13, $0x2;
	s13 =	sadd.s32 $0x40, s13;
	v0 =	vld.idx.msk [tilespmem:v1+s3+$0x0], $0xffff  }
0x267: {  	v1 =	vld [tilespmem:s12+$0x9C80];
	_ =	sdelay $0x6  }
0x268: {  	[tilespmem:s11+$0xDC80] =	vst v0  }
0x269: {  	v0 =	vld.idx.msk [tilespmem:v1+s3+$0x0], $0xffff;
	_ =	sdelay $0x1  }
.Ltmp68:
0x26a: {  	_ = 	snop;
	(pc) =	sbr.rel .LBB2_114-.Ltmp68, $3  }
0x26b: {  	_ =	sdelay $0x1  }
0x26c: {  	s13 =	rddreg [dreg:$0x5];
	[tilespmem:s12+$0xDC80] =	vst v0  }
0x26d: {  	[hbm4b:s13+s30] =	stream.strided.scatter [tilespmem:s8], [sflag:$0x3], $0x4000, s31, s30, $0x38;
	[tilespmem:$0x11C80] =	vst v63  }
.LBB2_90:
0x26e: {  	s11 =	simm.s32 $0x0  }
0x26f: {  	[tilespmem:s11], [sflag:$0x2] =	stream.linear.gather [hbm4b:s2+s11], $0x9C40, $0x38;
	[tilespmem:$0x11C80] =	vst v63  }
0x270: {  	s13 =	rddreg [dreg:$0x1e]  }
0x271: {  	[tilespmem:s4], [sflag:$0x1] =	stream.strided.gather [hbm4b:s13+s30], $0x4000, s31, s30, $0x38;
	[tilespmem:$0x11C80] =	vst v63  }
0x272: {  	_ =	swait.ge [sflag:s5], $0x4000  }
0x273: {  	[sflag:s5] =	ssyncset.done $0x0  }
0x274: {  	[sflag:s5] =	ssyncadd.s32 $0xFFFFC000  }
0x275: {  	_ =	swait.ge [sflag:s6], $0x9C40  }
0x276: {  	[sflag:s6] =	ssyncset.done $0x0  }
0x277: {  	s11 =	simm.s32 $0x0;
	[sflag:s6] =	ssyncadd.s32 $0xFFFF63C0  }
0x278: {  	v0 =	vld [tilespmem:s11+$0x9C80];
	_ =	sdelay $0x7  }
0x279: {  	s12 =	simm.s32 $0x10;
	s13 =	simm.s32 $0x80;
	v0 =	vld.idx.msk [tilespmem:v0+s3+$0x0], $0xffff  }
.LBB2_91:
0x27a: {  	p2 =	sne.s32 s13, $0xFFC0;
	v1 =	vld [tilespmem:s12+$0x9C80];
	_ =	sdelay $0x3  }
.Ltmp69:
0x27b: {  	(pc) =	sbr.rel @p2 .LBB2_91-.Ltmp69, $2  }
0x27c: {  	[tilespmem:s11+$0xDC80] =	vst v0;
	s11 =	smov.u32 s12;
	_ =	sdelay $0x2  }
0x27d: {  	s12 =	sshra.s32 s13, $0x2;
	s13 =	sadd.s32 $0x40, s13;
	v0 =	vld.idx.msk [tilespmem:v1+s3+$0x0], $0xffff  }
0x27e: {  	v1 =	vld [tilespmem:s12+$0x9C80];
	_ =	sdelay $0x6  }
0x27f: {  	[tilespmem:s11+$0xDC80] =	vst v0  }
0x280: {  	v0 =	vld.idx.msk [tilespmem:v1+s3+$0x0], $0xffff;
	_ =	sdelay $0x1  }
.Ltmp70:
0x281: {  	_ = 	snop;
	(pc) =	sbr.rel .LBB2_114-.Ltmp70, $3  }
0x282: {  	_ =	sdelay $0x1  }
0x283: {  	s13 =	rddreg [dreg:$0x1f];
	[tilespmem:s12+$0xDC80] =	vst v0  }
0x284: {  	[hbm4b:s13+s30] =	stream.strided.scatter [tilespmem:s8], [sflag:$0x3], $0x4000, s31, s30, $0x38;
	[tilespmem:$0x11C80] =	vst v63  }
.LBB2_72:
0x285: {  	s12 =	sld [smem:$0x7F7];
	_ =	sdelay $0x1  }
0x286: {  	s11 =	simm.s32 $0x0  }
0x287: {  	[tilespmem:s11], [sflag:$0x2] =	stream.linear.gather [hbm4b:s12+s11], $0x9C40, $0x38;
	[tilespmem:$0x11C80] =	vst v63  }
0x288: {  	s13 =	rddreg [dreg:$0xa]  }
0x289: {  	[tilespmem:s4], [sflag:$0x1] =	stream.strided.gather [hbm4b:s13+s30], $0x4000, s31, s30, $0x38;
	[tilespmem:$0x11C80] =	vst v63  }
0x28a: {  	_ =	swait.ge [sflag:s5], $0x4000  }
0x28b: {  	[sflag:s5] =	ssyncset.done $0x0  }
0x28c: {  	[sflag:s5] =	ssyncadd.s32 $0xFFFFC000  }
0x28d: {  	_ =	swait.ge [sflag:s6], $0x9C40  }
0x28e: {  	[sflag:s6] =	ssyncset.done $0x0  }
0x28f: {  	s11 =	simm.s32 $0x0;
	[sflag:s6] =	ssyncadd.s32 $0xFFFF63C0  }
0x290: {  	v0 =	vld [tilespmem:s11+$0x9C80];
	_ =	sdelay $0x7  }
0x291: {  	s12 =	simm.s32 $0x10;
	s13 =	simm.s32 $0x80;
	v0 =	vld.idx.msk [tilespmem:v0+s3+$0x0], $0xffff  }
.LBB2_73:
0x292: {  	p2 =	sne.s32 s13, $0xFFC0;
	v1 =	vld [tilespmem:s12+$0x9C80];
	_ =	sdelay $0x3  }
.Ltmp71:
0x293: {  	(pc) =	sbr.rel @p2 .LBB2_73-.Ltmp71, $2  }
0x294: {  	[tilespmem:s11+$0xDC80] =	vst v0;
	s11 =	smov.u32 s12;
	_ =	sdelay $0x2  }
0x295: {  	s12 =	sshra.s32 s13, $0x2;
	s13 =	sadd.s32 $0x40, s13;
	v0 =	vld.idx.msk [tilespmem:v1+s3+$0x0], $0xffff  }
0x296: {  	v1 =	vld [tilespmem:s12+$0x9C80];
	_ =	sdelay $0x6  }
0x297: {  	[tilespmem:s11+$0xDC80] =	vst v0  }
0x298: {  	v0 =	vld.idx.msk [tilespmem:v1+s3+$0x0], $0xffff;
	_ =	sdelay $0x1  }
.Ltmp72:
0x299: {  	_ = 	snop;
	(pc) =	sbr.rel .LBB2_114-.Ltmp72, $3  }
0x29a: {  	_ =	sdelay $0x1  }
0x29b: {  	s13 =	rddreg [dreg:$0xb];
	[tilespmem:s12+$0xDC80] =	vst v0  }
0x29c: {  	[hbm4b:s13+s30] =	stream.strided.scatter [tilespmem:s8], [sflag:$0x3], $0x4000, s31, s30, $0x38;
	[tilespmem:$0x11C80] =	vst v63  }
.LBB2_96:
0x29d: {  	s11 =	simm.s32 $0x0;
	s13 =	sld [smem:$0x7C7]  }
0x29e: {  	[tilespmem:s11], [sflag:$0x2] =	stream.linear.gather [hbm4b:s19+s11], $0x9C40, $0x38;
	[tilespmem:$0x11C80] =	vst v63  }
0x29f: {  	_ = 	snop  }
0x2a0: {  	[tilespmem:s4], [sflag:$0x1] =	stream.strided.gather [hbm4b:s13+s30], $0x4000, s31, s30, $0x38;
	[tilespmem:$0x11C80] =	vst v63  }
0x2a1: {  	_ =	swait.ge [sflag:s5], $0x4000  }
0x2a2: {  	[sflag:s5] =	ssyncset.done $0x0  }
0x2a3: {  	[sflag:s5] =	ssyncadd.s32 $0xFFFFC000  }
0x2a4: {  	_ =	swait.ge [sflag:s6], $0x9C40  }
0x2a5: {  	[sflag:s6] =	ssyncset.done $0x0  }
0x2a6: {  	s11 =	simm.s32 $0x0;
	[sflag:s6] =	ssyncadd.s32 $0xFFFF63C0  }
0x2a7: {  	v0 =	vld [tilespmem:s11+$0x9C80];
	_ =	sdelay $0x7  }
0x2a8: {  	s12 =	simm.s32 $0x10;
	s13 =	simm.s32 $0x80;
	v0 =	vld.idx.msk [tilespmem:v0+s3+$0x0], $0xffff  }
.LBB2_97:
0x2a9: {  	p2 =	sne.s32 s13, $0xFFC0;
	v1 =	vld [tilespmem:s12+$0x9C80];
	_ =	sdelay $0x3  }
.Ltmp73:
0x2aa: {  	(pc) =	sbr.rel @p2 .LBB2_97-.Ltmp73, $2  }
0x2ab: {  	[tilespmem:s11+$0xDC80] =	vst v0;
	s11 =	smov.u32 s12;
	_ =	sdelay $0x2  }
0x2ac: {  	s12 =	sshra.s32 s13, $0x2;
	s13 =	sadd.s32 $0x40, s13;
	v0 =	vld.idx.msk [tilespmem:v1+s3+$0x0], $0xffff  }
0x2ad: {  	v1 =	vld [tilespmem:s12+$0x9C80];
	_ =	sdelay $0x6  }
0x2ae: {  	[tilespmem:s11+$0xDC80] =	vst v0  }
0x2af: {  	v0 =	vld.idx.msk [tilespmem:v1+s3+$0x0], $0xffff;
	_ =	sdelay $0x1  }
.Ltmp74:
0x2b0: {  	_ = 	snop;
	(pc) =	sbr.rel .LBB2_114-.Ltmp74, $3  }
0x2b1: {  	s13 =	sld [smem:$0x7C8];
	_ =	sdelay $0x1  }
0x2b2: {  	[tilespmem:s12+$0xDC80] =	vst v0  }
0x2b3: {  	[hbm4b:s13+s30] =	stream.strided.scatter [tilespmem:s8], [sflag:$0x3], $0x4000, s31, s30, $0x38;
	[tilespmem:$0x11C80] =	vst v63  }
.LBB2_81:
0x2b4: {  	s12 =	sld [smem:$0x7FB];
	_ =	sdelay $0x1  }
0x2b5: {  	s11 =	simm.s32 $0x0  }
0x2b6: {  	[tilespmem:s11], [sflag:$0x2] =	stream.linear.gather [hbm4b:s12+s11], $0x9C40, $0x38;
	[tilespmem:$0x11C80] =	vst v63  }
0x2b7: {  	s13 =	rddreg [dreg:$0x12]  }
0x2b8: {  	[tilespmem:s4], [sflag:$0x1] =	stream.strided.gather [hbm4b:s13+s30], $0x4000, s31, s30, $0x38;
	[tilespmem:$0x11C80] =	vst v63  }
0x2b9: {  	_ =	swait.ge [sflag:s5], $0x4000  }
0x2ba: {  	[sflag:s5] =	ssyncset.done $0x0  }
0x2bb: {  	[sflag:s5] =	ssyncadd.s32 $0xFFFFC000  }
0x2bc: {  	_ =	swait.ge [sflag:s6], $0x9C40  }
0x2bd: {  	[sflag:s6] =	ssyncset.done $0x0  }
0x2be: {  	s11 =	simm.s32 $0x0;
	[sflag:s6] =	ssyncadd.s32 $0xFFFF63C0  }
0x2bf: {  	v0 =	vld [tilespmem:s11+$0x9C80];
	_ =	sdelay $0x7  }
0x2c0: {  	s12 =	simm.s32 $0x10;
	s13 =	simm.s32 $0x80;
	v0 =	vld.idx.msk [tilespmem:v0+s3+$0x0], $0xffff  }
.LBB2_82:
0x2c1: {  	p2 =	sne.s32 s13, $0xFFC0;
	v1 =	vld [tilespmem:s12+$0x9C80];
	_ =	sdelay $0x3  }
.Ltmp75:
0x2c2: {  	(pc) =	sbr.rel @p2 .LBB2_82-.Ltmp75, $2  }
0x2c3: {  	[tilespmem:s11+$0xDC80] =	vst v0;
	s11 =	smov.u32 s12;
	_ =	sdelay $0x2  }
0x2c4: {  	s12 =	sshra.s32 s13, $0x2;
	s13 =	sadd.s32 $0x40, s13;
	v0 =	vld.idx.msk [tilespmem:v1+s3+$0x0], $0xffff  }
0x2c5: {  	v1 =	vld [tilespmem:s12+$0x9C80];
	_ =	sdelay $0x6  }
0x2c6: {  	[tilespmem:s11+$0xDC80] =	vst v0  }
0x2c7: {  	v0 =	vld.idx.msk [tilespmem:v1+s3+$0x0], $0xffff;
	_ =	sdelay $0x1  }
.Ltmp76:
0x2c8: {  	_ = 	snop;
	(pc) =	sbr.rel .LBB2_114-.Ltmp76, $3  }
0x2c9: {  	_ =	sdelay $0x1  }
0x2ca: {  	s13 =	rddreg [dreg:$0x13];
	[tilespmem:s12+$0xDC80] =	vst v0  }
0x2cb: {  	[hbm4b:s13+s30] =	stream.strided.scatter [tilespmem:s8], [sflag:$0x3], $0x4000, s31, s30, $0x38;
	[tilespmem:$0x11C80] =	vst v63  }
.LBB2_105:
0x2cc: {  	s11 =	simm.s32 $0x0;
	s13 =	sld [smem:$0x7CF]  }
0x2cd: {  	[tilespmem:s11], [sflag:$0x2] =	stream.linear.gather [hbm4b:s23+s11], $0x9C40, $0x38;
	[tilespmem:$0x11C80] =	vst v63  }
0x2ce: {  	_ = 	snop  }
0x2cf: {  	[tilespmem:s4], [sflag:$0x1] =	stream.strided.gather [hbm4b:s13+s30], $0x4000, s31, s30, $0x38;
	[tilespmem:$0x11C80] =	vst v63  }
0x2d0: {  	_ =	swait.ge [sflag:s5], $0x4000  }
0x2d1: {  	[sflag:s5] =	ssyncset.done $0x0  }
0x2d2: {  	[sflag:s5] =	ssyncadd.s32 $0xFFFFC000  }
0x2d3: {  	_ =	swait.ge [sflag:s6], $0x9C40  }
0x2d4: {  	[sflag:s6] =	ssyncset.done $0x0  }
0x2d5: {  	s11 =	simm.s32 $0x0;
	[sflag:s6] =	ssyncadd.s32 $0xFFFF63C0  }
0x2d6: {  	v0 =	vld [tilespmem:s11+$0x9C80];
	_ =	sdelay $0x7  }
0x2d7: {  	s12 =	simm.s32 $0x10;
	s13 =	simm.s32 $0x80;
	v0 =	vld.idx.msk [tilespmem:v0+s3+$0x0], $0xffff  }
.LBB2_106:
0x2d8: {  	p2 =	sne.s32 s13, $0xFFC0;
	v1 =	vld [tilespmem:s12+$0x9C80];
	_ =	sdelay $0x3  }
.Ltmp77:
0x2d9: {  	(pc) =	sbr.rel @p2 .LBB2_106-.Ltmp77, $2  }
0x2da: {  	[tilespmem:s11+$0xDC80] =	vst v0;
	s11 =	smov.u32 s12;
	_ =	sdelay $0x2  }
0x2db: {  	s12 =	sshra.s32 s13, $0x2;
	s13 =	sadd.s32 $0x40, s13;
	v0 =	vld.idx.msk [tilespmem:v1+s3+$0x0], $0xffff  }
0x2dc: {  	v1 =	vld [tilespmem:s12+$0x9C80];
	_ =	sdelay $0x6  }
0x2dd: {  	[tilespmem:s11+$0xDC80] =	vst v0  }
0x2de: {  	v0 =	vld.idx.msk [tilespmem:v1+s3+$0x0], $0xffff;
	_ =	sdelay $0x1  }
.Ltmp78:
0x2df: {  	_ = 	snop;
	(pc) =	sbr.rel .LBB2_114-.Ltmp78, $3  }
0x2e0: {  	s13 =	sld [smem:$0x7D0];
	_ =	sdelay $0x1  }
0x2e1: {  	[tilespmem:s12+$0xDC80] =	vst v0  }
0x2e2: {  	[hbm4b:s13+s30] =	stream.strided.scatter [tilespmem:s8], [sflag:$0x3], $0x4000, s31, s30, $0x38;
	[tilespmem:$0x11C80] =	vst v63  }
.LBB2_69:
0x2e3: {  	s12 =	sld [smem:$0x7F5];
	_ =	sdelay $0x1  }
0x2e4: {  	s11 =	simm.s32 $0x0  }
0x2e5: {  	[tilespmem:s11], [sflag:$0x2] =	stream.linear.gather [hbm4b:s12+s11], $0x9C40, $0x38;
	[tilespmem:$0x11C80] =	vst v63  }
0x2e6: {  	s13 =	rddreg [dreg:$0x6]  }
0x2e7: {  	[tilespmem:s4], [sflag:$0x1] =	stream.strided.gather [hbm4b:s13+s30], $0x4000, s31, s30, $0x38;
	[tilespmem:$0x11C80] =	vst v63  }
0x2e8: {  	_ =	swait.ge [sflag:s5], $0x4000  }
0x2e9: {  	[sflag:s5] =	ssyncset.done $0x0  }
0x2ea: {  	[sflag:s5] =	ssyncadd.s32 $0xFFFFC000  }
0x2eb: {  	_ =	swait.ge [sflag:s6], $0x9C40  }
0x2ec: {  	[sflag:s6] =	ssyncset.done $0x0  }
0x2ed: {  	s11 =	simm.s32 $0x0;
	[sflag:s6] =	ssyncadd.s32 $0xFFFF63C0  }
0x2ee: {  	v0 =	vld [tilespmem:s11+$0x9C80];
	_ =	sdelay $0x7  }
0x2ef: {  	s12 =	simm.s32 $0x10;
	s13 =	simm.s32 $0x80;
	v0 =	vld.idx.msk [tilespmem:v0+s3+$0x0], $0xffff  }
.LBB2_70:
0x2f0: {  	p2 =	sne.s32 s13, $0xFFC0;
	v1 =	vld [tilespmem:s12+$0x9C80];
	_ =	sdelay $0x3  }
.Ltmp79:
0x2f1: {  	(pc) =	sbr.rel @p2 .LBB2_70-.Ltmp79, $2  }
0x2f2: {  	[tilespmem:s11+$0xDC80] =	vst v0;
	s11 =	smov.u32 s12;
	_ =	sdelay $0x2  }
0x2f3: {  	s12 =	sshra.s32 s13, $0x2;
	s13 =	sadd.s32 $0x40, s13;
	v0 =	vld.idx.msk [tilespmem:v1+s3+$0x0], $0xffff  }
0x2f4: {  	v1 =	vld [tilespmem:s12+$0x9C80];
	_ =	sdelay $0x6  }
0x2f5: {  	[tilespmem:s11+$0xDC80] =	vst v0  }
0x2f6: {  	v0 =	vld.idx.msk [tilespmem:v1+s3+$0x0], $0xffff;
	_ =	sdelay $0x1  }
.Ltmp80:
0x2f7: {  	_ = 	snop;
	(pc) =	sbr.rel .LBB2_114-.Ltmp80, $3  }
0x2f8: {  	_ =	sdelay $0x1  }
0x2f9: {  	s13 =	rddreg [dreg:$0x7];
	[tilespmem:s12+$0xDC80] =	vst v0  }
0x2fa: {  	[hbm4b:s13+s30] =	stream.strided.scatter [tilespmem:s8], [sflag:$0x3], $0x4000, s31, s30, $0x38;
	[tilespmem:$0x11C80] =	vst v63  }
.LBB2_93:
0x2fb: {  	s11 =	simm.s32 $0x0;
	s13 =	sld [smem:$0x7C3]  }
0x2fc: {  	[tilespmem:s11], [sflag:$0x2] =	stream.linear.gather [hbm4b:s17+s11], $0x9C40, $0x38;
	[tilespmem:$0x11C80] =	vst v63  }
0x2fd: {  	_ = 	snop  }
0x2fe: {  	[tilespmem:s4], [sflag:$0x1] =	stream.strided.gather [hbm4b:s13+s30], $0x4000, s31, s30, $0x38;
	[tilespmem:$0x11C80] =	vst v63  }
0x2ff: {  	_ =	swait.ge [sflag:s5], $0x4000  }
0x300: {  	[sflag:s5] =	ssyncset.done $0x0  }
0x301: {  	[sflag:s5] =	ssyncadd.s32 $0xFFFFC000  }
0x302: {  	_ =	swait.ge [sflag:s6], $0x9C40  }
0x303: {  	[sflag:s6] =	ssyncset.done $0x0  }
0x304: {  	s11 =	simm.s32 $0x0;
	[sflag:s6] =	ssyncadd.s32 $0xFFFF63C0  }
0x305: {  	v0 =	vld [tilespmem:s11+$0x9C80];
	_ =	sdelay $0x7  }
0x306: {  	s12 =	simm.s32 $0x10;
	s13 =	simm.s32 $0x80;
	v0 =	vld.idx.msk [tilespmem:v0+s3+$0x0], $0xffff  }
.LBB2_94:
0x307: {  	p2 =	sne.s32 s13, $0xFFC0;
	v1 =	vld [tilespmem:s12+$0x9C80];
	_ =	sdelay $0x3  }
.Ltmp81:
0x308: {  	(pc) =	sbr.rel @p2 .LBB2_94-.Ltmp81, $2  }
0x309: {  	[tilespmem:s11+$0xDC80] =	vst v0;
	s11 =	smov.u32 s12;
	_ =	sdelay $0x2  }
0x30a: {  	s12 =	sshra.s32 s13, $0x2;
	s13 =	sadd.s32 $0x40, s13;
	v0 =	vld.idx.msk [tilespmem:v1+s3+$0x0], $0xffff  }
0x30b: {  	v1 =	vld [tilespmem:s12+$0x9C80];
	_ =	sdelay $0x6  }
0x30c: {  	[tilespmem:s11+$0xDC80] =	vst v0  }
0x30d: {  	v0 =	vld.idx.msk [tilespmem:v1+s3+$0x0], $0xffff;
	_ =	sdelay $0x1  }
.Ltmp82:
0x30e: {  	_ = 	snop;
	(pc) =	sbr.rel .LBB2_114-.Ltmp82, $3  }
0x30f: {  	s13 =	sld [smem:$0x7C4];
	_ =	sdelay $0x1  }
0x310: {  	[tilespmem:s12+$0xDC80] =	vst v0  }
0x311: {  	[hbm4b:s13+s30] =	stream.strided.scatter [tilespmem:s8], [sflag:$0x3], $0x4000, s31, s30, $0x38;
	[tilespmem:$0x11C80] =	vst v63  }
.LBB2_75:
0x312: {  	s12 =	sld [smem:$0x7F8];
	_ =	sdelay $0x1  }
0x313: {  	s11 =	simm.s32 $0x0  }
0x314: {  	[tilespmem:s11], [sflag:$0x2] =	stream.linear.gather [hbm4b:s12+s11], $0x9C40, $0x38;
	[tilespmem:$0x11C80] =	vst v63  }
0x315: {  	s13 =	rddreg [dreg:$0xc]  }
0x316: {  	[tilespmem:s4], [sflag:$0x1] =	stream.strided.gather [hbm4b:s13+s30], $0x4000, s31, s30, $0x38;
	[tilespmem:$0x11C80] =	vst v63  }
0x317: {  	_ =	swait.ge [sflag:s5], $0x4000  }
0x318: {  	[sflag:s5] =	ssyncset.done $0x0  }
0x319: {  	[sflag:s5] =	ssyncadd.s32 $0xFFFFC000  }
0x31a: {  	_ =	swait.ge [sflag:s6], $0x9C40  }
0x31b: {  	[sflag:s6] =	ssyncset.done $0x0  }
0x31c: {  	s11 =	simm.s32 $0x0;
	[sflag:s6] =	ssyncadd.s32 $0xFFFF63C0  }
0x31d: {  	v0 =	vld [tilespmem:s11+$0x9C80];
	_ =	sdelay $0x7  }
0x31e: {  	s12 =	simm.s32 $0x10;
	s13 =	simm.s32 $0x80;
	v0 =	vld.idx.msk [tilespmem:v0+s3+$0x0], $0xffff  }
.LBB2_76:
0x31f: {  	p2 =	sne.s32 s13, $0xFFC0;
	v1 =	vld [tilespmem:s12+$0x9C80];
	_ =	sdelay $0x3  }
.Ltmp83:
0x320: {  	(pc) =	sbr.rel @p2 .LBB2_76-.Ltmp83, $2  }
0x321: {  	[tilespmem:s11+$0xDC80] =	vst v0;
	s11 =	smov.u32 s12;
	_ =	sdelay $0x2  }
0x322: {  	s12 =	sshra.s32 s13, $0x2;
	s13 =	sadd.s32 $0x40, s13;
	v0 =	vld.idx.msk [tilespmem:v1+s3+$0x0], $0xffff  }
0x323: {  	v1 =	vld [tilespmem:s12+$0x9C80];
	_ =	sdelay $0x6  }
0x324: {  	[tilespmem:s11+$0xDC80] =	vst v0  }
0x325: {  	v0 =	vld.idx.msk [tilespmem:v1+s3+$0x0], $0xffff;
	_ =	sdelay $0x1  }
.Ltmp84:
0x326: {  	_ = 	snop;
	(pc) =	sbr.rel .LBB2_114-.Ltmp84, $3  }
0x327: {  	_ =	sdelay $0x1  }
0x328: {  	s13 =	rddreg [dreg:$0xd];
	[tilespmem:s12+$0xDC80] =	vst v0  }
0x329: {  	[hbm4b:s13+s30] =	stream.strided.scatter [tilespmem:s8], [sflag:$0x3], $0x4000, s31, s30, $0x38;
	[tilespmem:$0x11C80] =	vst v63  }
.LBB2_99:
0x32a: {  	s11 =	simm.s32 $0x0;
	s13 =	sld [smem:$0x7C9]  }
0x32b: {  	[tilespmem:s11], [sflag:$0x2] =	stream.linear.gather [hbm4b:s20+s11], $0x9C40, $0x38;
	[tilespmem:$0x11C80] =	vst v63  }
0x32c: {  	_ = 	snop  }
0x32d: {  	[tilespmem:s4], [sflag:$0x1] =	stream.strided.gather [hbm4b:s13+s30], $0x4000, s31, s30, $0x38;
	[tilespmem:$0x11C80] =	vst v63  }
0x32e: {  	_ =	swait.ge [sflag:s5], $0x4000  }
0x32f: {  	[sflag:s5] =	ssyncset.done $0x0  }
0x330: {  	[sflag:s5] =	ssyncadd.s32 $0xFFFFC000  }
0x331: {  	_ =	swait.ge [sflag:s6], $0x9C40  }
0x332: {  	[sflag:s6] =	ssyncset.done $0x0  }
0x333: {  	s11 =	simm.s32 $0x0;
	[sflag:s6] =	ssyncadd.s32 $0xFFFF63C0  }
0x334: {  	v0 =	vld [tilespmem:s11+$0x9C80];
	_ =	sdelay $0x7  }
0x335: {  	s12 =	simm.s32 $0x10;
	s13 =	simm.s32 $0x80;
	v0 =	vld.idx.msk [tilespmem:v0+s3+$0x0], $0xffff  }
.LBB2_100:
0x336: {  	p2 =	sne.s32 s13, $0xFFC0;
	v1 =	vld [tilespmem:s12+$0x9C80];
	_ =	sdelay $0x3  }
.Ltmp85:
0x337: {  	(pc) =	sbr.rel @p2 .LBB2_100-.Ltmp85, $2  }
0x338: {  	[tilespmem:s11+$0xDC80] =	vst v0;
	s11 =	smov.u32 s12;
	_ =	sdelay $0x2  }
0x339: {  	s12 =	sshra.s32 s13, $0x2;
	s13 =	sadd.s32 $0x40, s13;
	v0 =	vld.idx.msk [tilespmem:v1+s3+$0x0], $0xffff  }
0x33a: {  	v1 =	vld [tilespmem:s12+$0x9C80];
	_ =	sdelay $0x6  }
0x33b: {  	[tilespmem:s11+$0xDC80] =	vst v0  }
0x33c: {  	v0 =	vld.idx.msk [tilespmem:v1+s3+$0x0], $0xffff;
	_ =	sdelay $0x2  }
0x33d: {  	s13 =	sld [smem:$0x7CA];
	_ =	sdelay $0x1  }
0x33e: {  	[tilespmem:s12+$0xDC80] =	vst v0  }
0x33f: {  	[hbm4b:s13+s30] =	stream.strided.scatter [tilespmem:s8], [sflag:$0x3], $0x4000, s31, s30, $0x38;
	[tilespmem:$0x11C80] =	vst v63  }
.LBB2_114:
0x340: {  	_ =	swait.ge [sflag:s9], $0x4000  }
0x341: {  	[sflag:s9] =	ssyncset.done $0x0  }
0x342: {  	[sflag:s9] =	ssyncadd.s32 $0xFFFFC000  }
.LBB2_115:
0x343: {  	s10 =	sadd.s32 $0x1, s10  }
0x344: {  	p2 =	sne.s32 s10, s0  }
.Ltmp86:
0x345: {  	_ = 	snop;
	(pc) =	sbr.rel @p2 .LBB2_1-.Ltmp86, $1  }
0x346: {  	_ =	sdelay $0x3  }
0x347: {  	_ =	sfence.sel $0x180000  }
0x348: {  	[bflag:$0x0] =	sbarrier.arrive $0xFFFF  }
0x349: {  	_ =	strace $0x9000004A  }
0x34a: {  	s0 =	stileid.u32;
	[bflag:$0x2] =	sbarrier.arrive $0xFFFF  }
0x34b: {  	p0 =	sne.s32 s0, $0x0;
	s0 =	rddreg [dreg:$0x3]  }
0x34c: {  	s0 =	sadd.s32 @!p0 $0x100000, s0  }
0x34d: {  	[sflag:s0] =	ssyncadd.tile.s32 @!p0 $0x1;
	_ =	shalt  }
.Lfunc_end2:
_tile_overlayer_lowered:
.L_overlay_start_2:
0x34e: {  	(tag) =	ssettag $0x2  }
0x34f: {  	s0 =	rddreg [dreg:$0x0];
	s2 =	stileid.u32  }
0x350: {  	s1 =	rddreg [dreg:$0x1];
	p0 =	sne.s32 s2, $0x0  }
0x351: {  	s3 =	rddreg [dreg:$0x2];
	[bflag:$0x3] =	sbarrier.arrive $0xFFFF;
	s2 =	simm.s32 @!p0 $0x1C03  }
0x352: {  	[timem:s3], [sflag:s2] =	dma.local @!p0 [hbm:s0], s1  }
0x353: {  	s0 =	simm.s32 @!p0 $0x3  }
0x354: {  	_ =	swait.ge @!p0 [sflag:s0], s1  }
0x355: {  	s1 =	ssub.s32 @!p0 $0x0, s1;
	[sflag:s0] =	ssyncset.done @!p0 $0x0  }
0x356: {  	[sflag:s0] =	ssyncadd.s32 @!p0 s1  }
0x357: {  	[bflag:$0x3] =	sbarrier.arrive $0xFFFF  }
0x358: {  	_ =	shalt  }

// kernel: fl_reduce.3.cloned.1.call-start
scs
__scs_entry_jumppad:
0x0: {  	(pc) =	sbr.rel $0x88, $3  }
0x1: {  	(tag) =	ssettag $0x0;
	lr =	simm.s32 $0x1  }
0x2: {  	[smem:$0x3F9D] =	sst lr;
	_ =	strace $0xD0000000  }
0x3: {  	_ = 	snop  }
0x4: {  	_ = 	snop  }
0x5: {  	_ = 	snop  }
0x6: {  	_ = 	snop  }
0x7: {  	_ = 	snop  }
__scs_overlays_trampoline_lowered:
0x8: {  	[smem:$0x3FAC] =	sst s0  }
0x9: {  	[smem:$0x3FAD] =	sst s1  }
0xa: {  	[smem:$0x3FAE] =	sst s2  }
0xb: {  	[smem:$0x3FAF] =	sst s3  }
0xc: {  	[smem:$0x3FB0] =	sst s4  }
0xd: {  	[smem:$0x3FB1] =	sst s5  }
0xe: {  	[smem:$0x3FB2] =	sst s6  }
0xf: {  	[smem:$0x3FB3] =	sst s7  }
0x10: {  	[smem:$0x3FB4] =	sst s8  }
0x11: {  	[smem:$0x3FB5] =	sst s9;
	s0 =	simm.s32 @!p0 $0x0  }
0x12: {  	s1 =	sld [smem:$0x3F9B];
	s0 =	simm.s32 @p0 $0x1  }
0x13: {  	[smem:$0x3FB6] =	sst s0;
	s0 =	simm.s32 @!p1 $0x0  }
0x14: {  	s2 =	sld [smem:$0x3F9A];
	s0 =	simm.s32 @p1 $0x1  }
0x15: {  	[smem:$0x3FB7] =	sst s0;
	s0 =	simm.s32 @!p2 $0x0  }
0x16: {  	s3 =	sld [smem:$0x3FDB];
	s0 =	simm.s32 @p2 $0x1  }
0x17: {  	s4 =	simm.s32 $0x1BF5;
	[smem:$0x3FB9] =	sst s0  }
0x18: {  	s0 =	sld [smem:$0x3F9C];
	_ =	swait.ge [sflag:s4], $0x0  }
0x19: {  	s7 =	sld [smem:$0x3F9D]  }
0x1a: {  	s8 =	sadd.s32 $0xFFFFE003, lr  }
0x1b: {  	s9 =	sadd.s32 $0xFFFFFEF7, lr;
	s5 =	simm.s32 $0xFFFFFFFF;
	p2 =	slt.u32 s8, $0xFFFFF086  }
0x1c: {  	p1 =	slt.u32 s9, $0xF7A;
	s5 =	simm.s32 @!p2 $0x0  }
0x1d: {  	s5 =	simm.s32 @p1 $0x1;
	p0 =	seq.s32 s7, s2  }
0x1e: {  	s7 =	smul.u32 @!p0 $0xF7A, s2;
	p2 =	seq.s32 @!p0 s5, $0x0  }
0x1f: {  	s9 =	smul.u32 $0xF7A, s1;
	s8 =	simm.s32 @!p0 $0x1BF5;
	p2 =	por !p2, p0  }
0x20: {  	[sflag:s8] =	ssyncset.s32 @!p0 $0xFFFFF086;
	s6 =	sadd.s32 @!p0 s3, s7;
	s7 =	simm.s32 @!p0 $0x108  }
0x21: {  	s3 =	sadd.s32 s3, s9;
	s6 =	sadd.s32 @!p0 $0x88, s6;
	s7 =	simm.s32 @p2 $0x1082  }
0x22: {  	[simem:s7], [sflag:s8] =	dma.local @!p0 [hbm:s6], $0xF7A  }
0x23: {  	s9 =	sor.u32 $0xD0000000, s2;
	s6 =	simm.s32 $0x108;
	_ =	swait.ge @!p0 [sflag:s8], $0x0  }
0x24: {  	s3 =	sadd.s32 $0x88, s3;
	s6 =	simm.s32 @!p1 $0x1082;
	[sflag:s4] =	ssyncset.s32 $0xFFFFF086  }
0x25: {  	[simem:s6], [sflag:s4] =	dma.local [hbm:s3], $0xF7A  }
0x26: {  	[smem:$0x3F9D] =	sst s1;
	(tag) =	ssettag s2;
	_ =	strace s9  }
0x27: {  	s1 =	sld [smem:$0x3FAD]  }
0x28: {  	s2 =	sld [smem:$0x3FAE]  }
0x29: {  	s4 =	sld [smem:$0x3FB0]  }
0x2a: {  	p0 =	seq.s32 s5, $0x0;
	s5 =	sld [smem:$0x3FB1]  }
0x2b: {  	s6 =	sld [smem:$0x3FB2]  }
0x2c: {  	s7 =	sld [smem:$0x3FB3]  }
0x2d: {  	s3 =	simm.s32 $0x108;
	s8 =	sld [smem:$0x3FB4]  }
0x2e: {  	s3 =	simm.s32 @!p0 $0x1082;
	s9 =	sld [smem:$0x3FB5]  }
0x2f: {  	lr =	sadd.s32 s0, s3;
	s0 =	sld [smem:$0x3FAC]  }
0x30: {  	s3 =	sld [smem:$0x3FAF]  }
0x31: {  	[smem:$0x3FB8] =	sst s10  }
0x32: {  	s10 =	sld [smem:$0x3FB6];
	_ =	sdelay $0x3  }
0x33: {  	p0 =	seq.s32 s10, $0x1;
	s10 =	sld [smem:$0x3FB8];
	_ =	sdelay $0x3  }
0x34: {  	[smem:$0x3FB8] =	sst s10  }
0x35: {  	s10 =	sld [smem:$0x3FB7];
	_ =	sdelay $0x3  }
0x36: {  	p1 =	seq.s32 s10, $0x1;
	s10 =	sld [smem:$0x3FB8];
	_ =	sdelay $0x3  }
0x37: {  	[smem:$0x3FB8] =	sst s10  }
0x38: {  	s10 =	sld [smem:$0x3FB9]  }
0x39: {  	_ = 	snop;
	(pc) =	sbr.ind lr, $3  }
0x3a: {  	_ = 	snop  }
0x3b: {  	_ = 	snop  }
0x3c: {  	p2 =	seq.s32 s10, $0x1;
	s10 =	sld [smem:$0x3FB8]  }
0x3d: {  	_ =	shalt  }
0x3e: {  	_ =	shalt  }
0x3f: {  	_ =	shalt  }
0x40: {  	_ =	shalt  }
0x41: {  	_ =	shalt  }
0x42: {  	_ =	shalt  }
0x43: {  	_ =	shalt  }
0x44: {  	_ =	shalt  }
0x45: {  	_ =	shalt  }
0x46: {  	_ =	shalt  }
0x47: {  	_ =	shalt  }
0x48: {  	_ =	shalt  }
0x49: {  	_ =	shalt  }
0x4a: {  	_ =	shalt  }
0x4b: {  	_ =	shalt  }
0x4c: {  	_ =	shalt  }
0x4d: {  	_ =	shalt  }
0x4e: {  	_ =	shalt  }
0x4f: {  	_ =	shalt  }
0x50: {  	_ =	shalt  }
0x51: {  	_ =	shalt  }
0x52: {  	_ =	shalt  }
0x53: {  	_ =	shalt  }
0x54: {  	_ =	shalt  }
0x55: {  	_ =	shalt  }
0x56: {  	_ =	shalt  }
0x57: {  	_ =	shalt  }
0x58: {  	_ =	shalt  }
0x59: {  	_ =	shalt  }
0x5a: {  	_ =	shalt  }
0x5b: {  	_ =	shalt  }
0x5c: {  	_ =	shalt  }
0x5d: {  	_ =	shalt  }
0x5e: {  	_ =	shalt  }
0x5f: {  	_ =	shalt  }
0x60: {  	_ =	shalt  }
0x61: {  	_ =	shalt  }
0x62: {  	_ =	shalt  }
0x63: {  	_ =	shalt  }
0x64: {  	_ =	shalt  }
0x65: {  	_ =	shalt  }
0x66: {  	_ =	shalt  }
0x67: {  	_ =	shalt  }
0x68: {  	_ =	shalt  }
0x69: {  	_ =	shalt  }
0x6a: {  	_ =	shalt  }
0x6b: {  	_ =	shalt  }
0x6c: {  	_ =	shalt  }
0x6d: {  	_ =	shalt  }
0x6e: {  	_ =	shalt  }
0x6f: {  	_ =	shalt  }
0x70: {  	_ =	shalt  }
0x71: {  	_ =	shalt  }
0x72: {  	_ =	shalt  }
0x73: {  	_ =	shalt  }
0x74: {  	_ =	shalt  }
0x75: {  	_ =	shalt  }
0x76: {  	_ =	shalt  }
0x77: {  	_ =	shalt  }
0x78: {  	_ =	shalt  }
0x79: {  	_ =	shalt  }
0x7a: {  	_ =	shalt  }
0x7b: {  	_ =	shalt  }
0x7c: {  	_ =	shalt  }
0x7d: {  	_ =	shalt  }
0x7e: {  	_ =	shalt  }
0x7f: {  	_ =	shalt  }
0x80: {  	_ =	shalt  }
0x81: {  	_ =	shalt  }
0x82: {  	_ =	shalt  }
0x83: {  	_ =	shalt  }
0x84: {  	_ =	shalt  }
0x85: {  	_ =	shalt  }
0x86: {  	_ =	shalt  }
0x87: {  	_ =	shalt  }
.Lfunc_end0:
.L_simem_size_0:
called_computation.2_lowered:
.L_overlay_start_0:
0x88: {  	s2 =	sld [smem:$0x3FD9]  }
0x89: {  	s3 =	sld [smem:$0x3FFE];
	_ =	sdelay $0x1  }
0x8a: {  	s1 =	srdreg.scid  }
0x8b: {  	s0 =	sand.u32 $0x1, s1  }
0x8c: {  	s17 =	sshll.u32 s0, $0xA;
	s2 =	sadd.s32 s3, s2  }
0x8d: {  	s2 =	sadd.s32 s2, s17  }
0x8e: {  	[smem:$0x3FC4] =	sst s2  }
0x8f: {  	_ = 	snop  }
0x90: {  	s2 =	sld [smem:$0x3FC8]  }
0x91: {  	s18 =	sld [smem:$0x3FD0];
	(tm) =	ssettm $0x1  }
0x92: {  	s4 =	sld [smem:$0x3FFB];
	_ =	sdelay $0x3  }
0x93: {  	_ =	strace s4  }
0x94: {  	s4 =	sld [smem:$0x3FFC];
	_ =	sdelay $0x3  }
0x95: {  	_ =	strace s4  }
0x96: {  	s4 =	sld [smem:$0x3FFD];
	_ =	sdelay $0x3  }
0x97: {  	_ =	strace s4  }
0x98: {  	_ =	strace $0x8FFFFFFF  }
0x99: {  	s19 =	sld [smem:$0x3FDB];
	_ =	sdelay $0x1  }
0x9a: {  	s5 =	simm.s32 $_scs_section_size  }
0x9b: {  	s6 =	simm.s32 $_size__tile_overlayer_lowered;
	s7 =	simm.s32 $_tile_overlayer_lowered  }
0x9c: {  	s22 =	simm.s32 $0x1BFF;
	s21 =	sshll.u32 s7, $0x1;
	s4 =	sadd.s32 s5, s19  }
0x9d: {  	s8 =	simm.s32 $0x0;
	s20 =	sshll.u32 s6, $0x1;
	s6 =	sadd.s32 s21, s4  }
0x9e: {  	[timem:s8], [sflag:s22] =	dma.local [hbm:s6], s20  }
0x9f: {  	_ =	swait.ge [sflag:s22], s20  }
0xa0: {  	s5 =	ssub.s32 $0x0, s20;
	[sflag:s22] =	ssyncset.done $0x0  }
0xa1: {  	[sflag:s22] =	ssyncadd.s32 s5;
	_ =	sdelay $0x1  }
0xa2: {  	s23 =	simm.s32 $0x1B8B  }
0xa3: {  	_ =	swait.ge [sflag:s23], $0x1  }
0xa4: {  	[sflag:s23] =	ssyncset.done $0x0  }
0xa5: {  	s25 =	simm.s32 $0x1B8E;
	s24 =	sld [smem:$0x3FFE];
	[sflag:s23] =	ssyncadd.s32 $0xFFFFFFFF  }
0xa6: {  	s26 =	simm.s32 $execute0_lowered;
	[smem:$0x3FD2] =	sst s25  }
0xa7: {  	s6 =	sshll.u32 s26, $0x1;
	_ =	strace $0x8000004C;
	[dreg:$0x1] =	wrdreg $0xFFFFFFFF  }
0xa8: {  	s28 =	simm.s32 $_size_execute0_lowered;
	s4 =	sadd.s32 s4, s6;
	[dreg:$0x0] =	wrdreg $0x0  }
0xa9: {  	s6 =	sshll.u32 s28, $0x1;
	[dreg:$0x2] =	wrdreg s4  }
0xaa: {  	[dreg:$0x3] =	wrdreg s6  }
0xab: {  	[dreg:$0x4] =	wrdreg $0xC0  }
0xac: {  	_ =	task [dreg:s8], $0x5FFFF  }
0xad: {  	[dreg:$0x1] =	wrdreg $0xFFFFFFFF  }
0xae: {  	[dreg:$0x0] =	wrdreg $0x60  }
0xaf: {  	[dreg:$0x2] =	wrdreg s24  }
0xb0: {  	[dreg:$0x3] =	wrdreg s2  }
0xb1: {  	[dreg:$0x4] =	wrdreg s18  }
0xb2: {  	[dreg:$0x5] =	wrdreg $0x9  }
0xb3: {  	_ =	task.clear_ibuf [dreg:s8], $0x6FFFF;
	_ =	strace $0x9000004C  }
0xb4: {  	s29 =	simm.s32 $0x9;
	_ =	strace $0x8000004E  }
0xb5: {  	_ =	swait.ge [sflag:s29], $0x1  }
0xb6: {  	[sflag:s29] =	ssyncadd.s32 $0xFFFFFFFF  }
0xb7: {  	_ =	strace $0x9000004E  }
0xb8: {  	_ =	sfence  }
0xb9: {  	s30 =	sld [smem:$0x0];
	_ =	sdelay $0x2  }
0xba: {  	s31 =	sshll.u32 s1, $0xD;
	s1 =	sshrl.u32 s1, $0x2  }
0xbb: {  	s3 =	sand.u32 $0x4000, s31;
	s1 =	sadd.s32 s1, s30  }
0xbc: {  	s0 =	sor.u32 s3, s0;
	s1 =	sshll.u32 s1, $0x11  }
0xbd: {  	s0 =	sor.u32 s1, s0  }
0xbe: {  	s0 =	sadd.s32 $0x8F2B, s0  }
0xbf: {  	[sflag:s0] =	ssyncadd.remote.s32 $0x1  }
0xc0: {  	_ =	sfence.sel $0xFFFF  }
0xc1: {  	[dreg:$0x0] =	wrdreg $0xFFFFFFFF;
	(pc) =	sbr.abs _section_cstart, $3  }
0xc2: {  	[dreg:$0x1] =	wrdreg $0xFFFFFFFF  }
0xc3: {  	_ =	task.clear_ibuf [dreg:s8], $0x2FFFF;
	_ =	strace $0x9FFFFFFF  }
0xc4: {  	(tm) =	ssettm $0x7FFFFFFF  }
0xc5: {  	_ =	shalt  }
tec
execute0_lowered:
.L_overlay_start_1:
0x0: {  	(tag) =	ssettag $0x1  }
0x1: {  	s4 =	rddreg [dreg:$0x0]  }
0x2: {  	s1 =	rddreg [dreg:$0x1]  }
0x3: {  	s5 =	rddreg [dreg:$0x2]  }
0x4: {  	s0 =	rddreg [dreg:$0x3];
	s3 =	simm.s32 $0x0;
	s6 =	srdreg.scid  }
0x5: {  	s2 =	stileid.u32;
	s9 =	simm.s32 $0x1;
	s10 =	simm.s32 $0x4000  }
0x6: {  	s11 =	simm.s32 $0x4080;
	s12 =	simm.s32 $0x0;
	s6 =	sand.u32 $0x1, s6  }
0x7: {  	[smem:$0x7FF] =	sst s3;
	s7 =	sshll.u32 s2, $0xA;
	s8 =	sshll.u32 s6, $0x9  }
0x8: {  	s6 =	ssub.s32 $0x2, s6;
	_ =	strace $0x8000004D;
	s7 =	sor.u32 s8, s7  }
0x9: {  	s31 =	sshrl.u32 s6, $0x1;
	s8 =	simm.s32 $0x20000;
	s4 =	sadd.s32 s7, s4  }
0xa: {  	s6 =	ssub.s32 s6, s31;
	s7 =	sshrl.u32 s7, $0x3;
	s4 =	sadd.s32 $0xC00, s4  }
0xb: {  	s5 =	sadd.s32 s5, s7;
	s6 =	smax.u32 s6, $0x1;
	s7 =	simm.s32 $0x1000  }
.LBB2_1:
0xc: {  	[tilespmem:s3], [sflag:$0x1] =	stream.strided.gather [hbm4b:s4+s7], $0x4000, s8, s7, $0x38;
	[tilespmem:$0x4280] =	vst v63  }
0xd: {  	_ =	swait.ge [sflag:s9], $0x4000  }
0xe: {  	[sflag:s9] =	ssyncset.done $0x0  }
0xf: {  	[sflag:s9] =	ssyncadd.s32 $0xFFFFC000  }
0x10: {  	[tilespmem:s10], [sflag:$0x1] =	stream.linear.gather [hbm4b:s1+s3], $0x80, $0x38;
	[tilespmem:$0x4280] =	vst v63  }
0x11: {  	_ =	swait.ge [sflag:s9], $0x80  }
0x12: {  	[sflag:s9] =	ssyncset.done $0x0  }
0x13: {  	s13 =	sand.u32 $0x70, s3;
	s14 =	sand.u32 $0xC00, s3;
	[sflag:s9] =	ssyncadd.s32 $0xFFFFFF80  }
0x14: {  	s13 =	sor.u32 s13, s14;
	v0 =	vld.msk [tilespmem:s10+$0x0], $0xffff  }
0x15: {  	v1 =	vld [tilespmem:s13+$0x0];
	_ =	sdelay $0x1  }
0x16: {  	v2 =	vld [tilespmem:s13+$0x80];
	_ =	sdelay $0x1  }
0x17: {  	v3 =	vld [tilespmem:s13+$0x100]  }
0x18: {  	v1 =	vadd.f32 v1, v0  }
0x19: {  	v4 =	vld [tilespmem:s13+$0x180]  }
0x1a: {  	v1 =	vadd.f32 v2, v1  }
0x1b: {  	v2 =	vld [tilespmem:s13+$0x200]  }
0x1c: {  	v1 =	vadd.f32 v3, v1  }
0x1d: {  	v3 =	vld [tilespmem:s13+$0x280]  }
0x1e: {  	v1 =	vadd.f32 v4, v1  }
0x1f: {  	v57 =	vld [tilespmem:s13+$0x300]  }
0x20: {  	v1 =	vadd.f32 v2, v1  }
0x21: {  	v2 =	vld [tilespmem:s13+$0x380]  }
0x22: {  	v1 =	vadd.f32 v3, v1  }
0x23: {  	v3 =	vld [tilespmem:s13+$0x1000]  }
0x24: {  	v1 =	vadd.f32 v57, v1  }
0x25: {  	v58 =	vld [tilespmem:s13+$0x1080]  }
0x26: {  	v1 =	vadd.f32 v2, v1  }
0x27: {  	v2 =	vld [tilespmem:s13+$0x1100]  }
0x28: {  	v1 =	vadd.f32 v3, v1  }
0x29: {  	v3 =	vld [tilespmem:s13+$0x1180]  }
0x2a: {  	v1 =	vadd.f32 v58, v1  }
0x2b: {  	v59 =	vld [tilespmem:s13+$0x1200]  }
0x2c: {  	v1 =	vadd.f32 v2, v1  }
0x2d: {  	v2 =	vld [tilespmem:s13+$0x1280]  }
0x2e: {  	v1 =	vadd.f32 v3, v1  }
0x2f: {  	v3 =	vld [tilespmem:s13+$0x1300]  }
0x30: {  	v1 =	vadd.f32 v59, v1  }
0x31: {  	v60 =	vld [tilespmem:s13+$0x1380]  }
0x32: {  	v1 =	vadd.f32 v2, v1  }
0x33: {  	v2 =	vld [tilespmem:s13+$0x2000]  }
0x34: {  	v1 =	vadd.f32 v3, v1  }
0x35: {  	v3 =	vld [tilespmem:s13+$0x2080]  }
0x36: {  	v1 =	vadd.f32 v60, v1  }
0x37: {  	v61 =	vld [tilespmem:s13+$0x2100]  }
0x38: {  	v1 =	vadd.f32 v2, v1  }
0x39: {  	v2 =	vld [tilespmem:s13+$0x2180]  }
0x3a: {  	v1 =	vadd.f32 v3, v1  }
0x3b: {  	v3 =	vld [tilespmem:s13+$0x2200]  }
0x3c: {  	v1 =	vadd.f32 v61, v1  }
0x3d: {  	v62 =	vld [tilespmem:s13+$0x2280]  }
0x3e: {  	v1 =	vadd.f32 v2, v1  }
0x3f: {  	v2 =	vld [tilespmem:s13+$0x2300]  }
0x40: {  	v1 =	vadd.f32 v3, v1  }
0x41: {  	v3 =	vld [tilespmem:s13+$0x2380]  }
0x42: {  	v1 =	vadd.f32 v62, v1  }
0x43: {  	v63 =	vld [tilespmem:s13+$0x3000]  }
0x44: {  	v1 =	vadd.f32 v2, v1  }
0x45: {  	v2 =	vld [tilespmem:s13+$0x3080]  }
0x46: {  	v1 =	vadd.f32 v3, v1;
	_ =	sdelay $0x1  }
0x47: {  	v1 =	vadd.f32 v63, v1;
	_ =	sdelay $0x1  }
0x48: {  	s31 =	simm.s32 $0x10;
	s15 =	simm.s32 $0x20;
	s14 =	simm.s32 $0x80;
	v1 =	vadd.f32 v2, v1  }
0x49: {  	s16 =	sand.u32 $0x70, s31;
	s17 =	sand.u32 $0xC00, s14;
	s13 =	simm.s32 $0x4080  }
.LBB2_2:
0x4a: {  	p0 =	sne.s32 s15, $0x1F0;
	s16 =	sor.u32 s16, s17;
	[tilespmem:s13+$0x0] =	vst v1  }
0x4b: {  	v1 =	vld [tilespmem:s16+$0x0];
	_ =	sdelay $0x1  }
0x4c: {  	v2 =	vld [tilespmem:s16+$0x80];
	_ =	sdelay $0x1  }
0x4d: {  	v3 =	vld [tilespmem:s16+$0x100]  }
0x4e: {  	v1 =	vadd.f32 v1, v0  }
0x4f: {  	v4 =	vld [tilespmem:s16+$0x180]  }
0x50: {  	v1 =	vadd.f32 v2, v1  }
0x51: {  	v2 =	vld [tilespmem:s16+$0x200]  }
0x52: {  	v1 =	vadd.f32 v3, v1  }
0x53: {  	v3 =	vld [tilespmem:s16+$0x280]  }
0x54: {  	v1 =	vadd.f32 v4, v1  }
0x55: {  	v4 =	vld [tilespmem:s16+$0x300]  }
0x56: {  	v1 =	vadd.f32 v2, v1  }
0x57: {  	v2 =	vld [tilespmem:s16+$0x380]  }
0x58: {  	v1 =	vadd.f32 v3, v1  }
0x59: {  	v3 =	vld [tilespmem:s16+$0x1000]  }
0x5a: {  	v1 =	vadd.f32 v4, v1  }
0x5b: {  	v4 =	vld [tilespmem:s16+$0x1080]  }
0x5c: {  	v1 =	vadd.f32 v2, v1  }
0x5d: {  	v2 =	vld [tilespmem:s16+$0x1100]  }
0x5e: {  	v1 =	vadd.f32 v3, v1  }
0x5f: {  	v3 =	vld [tilespmem:s16+$0x1180]  }
0x60: {  	v1 =	vadd.f32 v4, v1  }
0x61: {  	v4 =	vld [tilespmem:s16+$0x1200]  }
0x62: {  	v1 =	vadd.f32 v2, v1  }
0x63: {  	v2 =	vld [tilespmem:s16+$0x1280]  }
0x64: {  	v1 =	vadd.f32 v3, v1  }
0x65: {  	v3 =	vld [tilespmem:s16+$0x1300]  }
0x66: {  	v1 =	vadd.f32 v4, v1  }
0x67: {  	v4 =	vld [tilespmem:s16+$0x1380]  }
0x68: {  	v1 =	vadd.f32 v2, v1  }
0x69: {  	v2 =	vld [tilespmem:s16+$0x2000]  }
0x6a: {  	v1 =	vadd.f32 v3, v1  }
0x6b: {  	v3 =	vld [tilespmem:s16+$0x2080]  }
0x6c: {  	v1 =	vadd.f32 v4, v1  }
0x6d: {  	v4 =	vld [tilespmem:s16+$0x2100]  }
0x6e: {  	v1 =	vadd.f32 v2, v1  }
0x6f: {  	v2 =	vld [tilespmem:s16+$0x2180]  }
0x70: {  	v1 =	vadd.f32 v3, v1  }
0x71: {  	v3 =	vld [tilespmem:s16+$0x2200]  }
0x72: {  	v1 =	vadd.f32 v4, v1  }
0x73: {  	v4 =	vld [tilespmem:s16+$0x2280]  }
0x74: {  	v1 =	vadd.f32 v2, v1  }
0x75: {  	v2 =	vld [tilespmem:s16+$0x2300]  }
0x76: {  	v1 =	vadd.f32 v3, v1  }
0x77: {  	v3 =	vld [tilespmem:s16+$0x2380]  }
0x78: {  	v1 =	vadd.f32 v4, v1  }
0x79: {  	v4 =	vld [tilespmem:s16+$0x3000]  }
0x7a: {  	v1 =	vadd.f32 v2, v1  }
0x7b: {  	v2 =	vld [tilespmem:s16+$0x3080]  }
0x7c: {  	v1 =	vadd.f32 v3, v1  }
.Ltmp0:
0x7d: {  	(pc) =	sbr.rel @p0 .LBB2_2-.Ltmp0, $3  }
0x7e: {  	v1 =	vadd.f32 v4, v1;
	_ =	sdelay $0x1  }
0x7f: {  	s14 =	sadd.s32 $0x80, s14;
	s13 =	sadd.s32 $0x10, s13;
	v1 =	vadd.f32 v2, v1  }
0x80: {  	s17 =	sand.u32 $0xC00, s14;
	s16 =	sand.u32 $0x70, s15;
	s15 =	sadd.s32 $0x10, s15  }
0x81: {  	s14 =	sor.u32 s16, s17;
	[tilespmem:s13+$0x0] =	vst v1  }
0x82: {  	v1 =	vld [tilespmem:s14+$0x0];
	_ =	sdelay $0x1  }
0x83: {  	v2 =	vld [tilespmem:s14+$0x80];
	_ =	sdelay $0x1  }
0x84: {  	v3 =	vld [tilespmem:s14+$0x100]  }
0x85: {  	v0 =	vadd.f32 v1, v0  }
0x86: {  	v41 =	vld [tilespmem:s14+$0x180]  }
0x87: {  	v0 =	vadd.f32 v2, v0  }
0x88: {  	v42 =	vld [tilespmem:s14+$0x200]  }
0x89: {  	v0 =	vadd.f32 v3, v0  }
0x8a: {  	v43 =	vld [tilespmem:s14+$0x280]  }
0x8b: {  	v0 =	vadd.f32 v41, v0  }
0x8c: {  	v44 =	vld [tilespmem:s14+$0x300]  }
0x8d: {  	v0 =	vadd.f32 v42, v0  }
0x8e: {  	v45 =	vld [tilespmem:s14+$0x380]  }
0x8f: {  	v0 =	vadd.f32 v43, v0  }
0x90: {  	v46 =	vld [tilespmem:s14+$0x1000]  }
0x91: {  	v0 =	vadd.f32 v44, v0  }
0x92: {  	v47 =	vld [tilespmem:s14+$0x1080]  }
0x93: {  	v0 =	vadd.f32 v45, v0  }
0x94: {  	v48 =	vld [tilespmem:s14+$0x1100]  }
0x95: {  	v0 =	vadd.f32 v46, v0  }
0x96: {  	v49 =	vld [tilespmem:s14+$0x1180]  }
0x97: {  	v0 =	vadd.f32 v47, v0  }
0x98: {  	v50 =	vld [tilespmem:s14+$0x1200]  }
0x99: {  	v0 =	vadd.f32 v48, v0  }
0x9a: {  	v51 =	vld [tilespmem:s14+$0x1280]  }
0x9b: {  	v0 =	vadd.f32 v49, v0  }
0x9c: {  	v52 =	vld [tilespmem:s14+$0x1300]  }
0x9d: {  	v0 =	vadd.f32 v50, v0  }
0x9e: {  	v53 =	vld [tilespmem:s14+$0x1380]  }
0x9f: {  	v0 =	vadd.f32 v51, v0  }
0xa0: {  	v54 =	vld [tilespmem:s14+$0x2000]  }
0xa1: {  	v0 =	vadd.f32 v52, v0  }
0xa2: {  	v55 =	vld [tilespmem:s14+$0x2080]  }
0xa3: {  	v0 =	vadd.f32 v53, v0  }
0xa4: {  	v56 =	vld [tilespmem:s14+$0x2100]  }
0xa5: {  	v0 =	vadd.f32 v54, v0  }
0xa6: {  	v57 =	vld [tilespmem:s14+$0x2180]  }
0xa7: {  	v0 =	vadd.f32 v55, v0  }
0xa8: {  	v58 =	vld [tilespmem:s14+$0x2200]  }
0xa9: {  	v0 =	vadd.f32 v56, v0  }
0xaa: {  	v59 =	vld [tilespmem:s14+$0x2280]  }
0xab: {  	v0 =	vadd.f32 v57, v0  }
0xac: {  	v60 =	vld [tilespmem:s14+$0x2300]  }
0xad: {  	v0 =	vadd.f32 v58, v0  }
0xae: {  	v61 =	vld [tilespmem:s14+$0x2380]  }
0xaf: {  	v0 =	vadd.f32 v59, v0  }
0xb0: {  	v62 =	vld [tilespmem:s14+$0x3000]  }
0xb1: {  	v0 =	vadd.f32 v60, v0  }
0xb2: {  	v63 =	vld [tilespmem:s14+$0x3080]  }
0xb3: {  	v0 =	vadd.f32 v61, v0;
	_ =	sdelay $0x1  }
0xb4: {  	v0 =	vadd.f32 v62, v0;
	_ =	sdelay $0x1  }
0xb5: {  	s12 =	sadd.s32 $0x1, s12;
	v0 =	vadd.f32 v63, v0  }
0xb6: {  	s31 =	sadd.s32 $0x10, s13;
	p0 =	sne.s32 s12, s6  }
.Ltmp1:
0xb7: {  	[tilespmem:s31+$0x0] =	vst v0;
	(pc) =	sbr.rel @p0 .LBB2_1-.Ltmp1, $4  }
0xb8: {  	[hbm4b:s5+s3] =	stream.linear.scatter [tilespmem:s11], [sflag:$0x1], $0x200, $0x38;
	[tilespmem:$0x4280] =	vst v63  }
0xb9: {  	_ =	swait.ge [sflag:s9], $0x200  }
0xba: {  	[sflag:s9] =	ssyncset.done $0x0  }
0xbb: {  	[sflag:s9] =	ssyncadd.s32 $0xFFFFFE00  }
0xbc: {  	_ =	sfence.sel $0x180000  }
0xbd: {  	[bflag:$0x0] =	sbarrier.arrive $0xFFFF  }
0xbe: {  	p0 =	sne.s32 s2, $0x0;
	_ =	strace $0x9000004D  }
0xbf: {  	s0 =	sadd.s32 @!p0 $0x100000, s0;
	[bflag:$0x2] =	sbarrier.arrive $0xFFFF  }
0xc0: {  	[sflag:s0] =	ssyncadd.tile.s32 @!p0 $0x1;
	_ =	shalt  }
.Lfunc_end2:
_tile_overlayer_lowered:
.L_overlay_start_2:
0xc1: {  	(tag) =	ssettag $0x2  }
0xc2: {  	s0 =	rddreg [dreg:$0x0];
	s2 =	stileid.u32  }
0xc3: {  	s1 =	rddreg [dreg:$0x1];
	p0 =	sne.s32 s2, $0x0  }
0xc4: {  	s3 =	rddreg [dreg:$0x2];
	[bflag:$0x3] =	sbarrier.arrive $0xFFFF;
	s2 =	simm.s32 @!p0 $0x1C01  }
0xc5: {  	[timem:s3], [sflag:s2] =	dma.local @!p0 [hbm:s0], s1  }
0xc6: {  	s0 =	simm.s32 @!p0 $0x1  }
0xc7: {  	_ =	swait.ge @!p0 [sflag:s0], s1  }
0xc8: {  	s1 =	ssub.s32 @!p0 $0x0, s1;
	[sflag:s0] =	ssyncset.done @!p0 $0x0  }
0xc9: {  	[sflag:s0] =	ssyncadd.s32 @!p0 s1  }
0xca: {  	[bflag:$0x3] =	sbarrier.arrive $0xFFFF  }
0xcb: {  	_ =	shalt  }

// kernel: fl_transpose.3.cloned.1.call-start
scs
__scs_entry_jumppad:
0x0: {  	(pc) =	sbr.rel $0x88, $3  }
0x1: {  	(tag) =	ssettag $0x0;
	lr =	simm.s32 $0x1  }
0x2: {  	[smem:$0x3F9D] =	sst lr;
	_ =	strace $0xD0000000  }
0x3: {  	_ = 	snop  }
0x4: {  	_ = 	snop  }
0x5: {  	_ = 	snop  }
0x6: {  	_ = 	snop  }
0x7: {  	_ = 	snop  }
__scs_overlays_trampoline_lowered:
0x8: {  	[smem:$0x3FAC] =	sst s0  }
0x9: {  	[smem:$0x3FAD] =	sst s1  }
0xa: {  	[smem:$0x3FAE] =	sst s2  }
0xb: {  	[smem:$0x3FAF] =	sst s3  }
0xc: {  	[smem:$0x3FB0] =	sst s4  }
0xd: {  	[smem:$0x3FB1] =	sst s5  }
0xe: {  	[smem:$0x3FB2] =	sst s6  }
0xf: {  	[smem:$0x3FB3] =	sst s7  }
0x10: {  	[smem:$0x3FB4] =	sst s8  }
0x11: {  	[smem:$0x3FB5] =	sst s9;
	s0 =	simm.s32 @!p0 $0x0  }
0x12: {  	s1 =	sld [smem:$0x3F9B];
	s0 =	simm.s32 @p0 $0x1  }
0x13: {  	[smem:$0x3FB6] =	sst s0;
	s0 =	simm.s32 @!p1 $0x0  }
0x14: {  	s2 =	sld [smem:$0x3F9A];
	s0 =	simm.s32 @p1 $0x1  }
0x15: {  	[smem:$0x3FB7] =	sst s0;
	s0 =	simm.s32 @!p2 $0x0  }
0x16: {  	s3 =	sld [smem:$0x3FDB];
	s0 =	simm.s32 @p2 $0x1  }
0x17: {  	s4 =	simm.s32 $0x1BF5;
	[smem:$0x3FB9] =	sst s0  }
0x18: {  	s0 =	sld [smem:$0x3F9C];
	_ =	swait.ge [sflag:s4], $0x0  }
0x19: {  	s7 =	sld [smem:$0x3F9D]  }
0x1a: {  	s8 =	sadd.s32 $0xFFFFE003, lr  }
0x1b: {  	s9 =	sadd.s32 $0xFFFFFEF7, lr;
	s5 =	simm.s32 $0xFFFFFFFF;
	p2 =	slt.u32 s8, $0xFFFFF086  }
0x1c: {  	p1 =	slt.u32 s9, $0xF7A;
	s5 =	simm.s32 @!p2 $0x0  }
0x1d: {  	s5 =	simm.s32 @p1 $0x1;
	p0 =	seq.s32 s7, s2  }
0x1e: {  	s7 =	smul.u32 @!p0 $0xF7A, s2;
	p2 =	seq.s32 @!p0 s5, $0x0  }
0x1f: {  	s9 =	smul.u32 $0xF7A, s1;
	s8 =	simm.s32 @!p0 $0x1BF5;
	p2 =	por !p2, p0  }
0x20: {  	[sflag:s8] =	ssyncset.s32 @!p0 $0xFFFFF086;
	s6 =	sadd.s32 @!p0 s3, s7;
	s7 =	simm.s32 @!p0 $0x108  }
0x21: {  	s3 =	sadd.s32 s3, s9;
	s6 =	sadd.s32 @!p0 $0x88, s6;
	s7 =	simm.s32 @p2 $0x1082  }
0x22: {  	[simem:s7], [sflag:s8] =	dma.local @!p0 [hbm:s6], $0xF7A  }
0x23: {  	s9 =	sor.u32 $0xD0000000, s2;
	s6 =	simm.s32 $0x108;
	_ =	swait.ge @!p0 [sflag:s8], $0x0  }
0x24: {  	s3 =	sadd.s32 $0x88, s3;
	s6 =	simm.s32 @!p1 $0x1082;
	[sflag:s4] =	ssyncset.s32 $0xFFFFF086  }
0x25: {  	[simem:s6], [sflag:s4] =	dma.local [hbm:s3], $0xF7A  }
0x26: {  	[smem:$0x3F9D] =	sst s1;
	(tag) =	ssettag s2;
	_ =	strace s9  }
0x27: {  	s1 =	sld [smem:$0x3FAD]  }
0x28: {  	s2 =	sld [smem:$0x3FAE]  }
0x29: {  	s4 =	sld [smem:$0x3FB0]  }
0x2a: {  	p0 =	seq.s32 s5, $0x0;
	s5 =	sld [smem:$0x3FB1]  }
0x2b: {  	s6 =	sld [smem:$0x3FB2]  }
0x2c: {  	s7 =	sld [smem:$0x3FB3]  }
0x2d: {  	s3 =	simm.s32 $0x108;
	s8 =	sld [smem:$0x3FB4]  }
0x2e: {  	s3 =	simm.s32 @!p0 $0x1082;
	s9 =	sld [smem:$0x3FB5]  }
0x2f: {  	lr =	sadd.s32 s0, s3;
	s0 =	sld [smem:$0x3FAC]  }
0x30: {  	s3 =	sld [smem:$0x3FAF]  }
0x31: {  	[smem:$0x3FB8] =	sst s10  }
0x32: {  	s10 =	sld [smem:$0x3FB6];
	_ =	sdelay $0x3  }
0x33: {  	p0 =	seq.s32 s10, $0x1;
	s10 =	sld [smem:$0x3FB8];
	_ =	sdelay $0x3  }
0x34: {  	[smem:$0x3FB8] =	sst s10  }
0x35: {  	s10 =	sld [smem:$0x3FB7];
	_ =	sdelay $0x3  }
0x36: {  	p1 =	seq.s32 s10, $0x1;
	s10 =	sld [smem:$0x3FB8];
	_ =	sdelay $0x3  }
0x37: {  	[smem:$0x3FB8] =	sst s10  }
0x38: {  	s10 =	sld [smem:$0x3FB9]  }
0x39: {  	_ = 	snop;
	(pc) =	sbr.ind lr, $3  }
0x3a: {  	_ = 	snop  }
0x3b: {  	_ = 	snop  }
0x3c: {  	p2 =	seq.s32 s10, $0x1;
	s10 =	sld [smem:$0x3FB8]  }
0x3d: {  	_ =	shalt  }
0x3e: {  	_ =	shalt  }
0x3f: {  	_ =	shalt  }
0x40: {  	_ =	shalt  }
0x41: {  	_ =	shalt  }
0x42: {  	_ =	shalt  }
0x43: {  	_ =	shalt  }
0x44: {  	_ =	shalt  }
0x45: {  	_ =	shalt  }
0x46: {  	_ =	shalt  }
0x47: {  	_ =	shalt  }
0x48: {  	_ =	shalt  }
0x49: {  	_ =	shalt  }
0x4a: {  	_ =	shalt  }
0x4b: {  	_ =	shalt  }
0x4c: {  	_ =	shalt  }
0x4d: {  	_ =	shalt  }
0x4e: {  	_ =	shalt  }
0x4f: {  	_ =	shalt  }
0x50: {  	_ =	shalt  }
0x51: {  	_ =	shalt  }
0x52: {  	_ =	shalt  }
0x53: {  	_ =	shalt  }
0x54: {  	_ =	shalt  }
0x55: {  	_ =	shalt  }
0x56: {  	_ =	shalt  }
0x57: {  	_ =	shalt  }
0x58: {  	_ =	shalt  }
0x59: {  	_ =	shalt  }
0x5a: {  	_ =	shalt  }
0x5b: {  	_ =	shalt  }
0x5c: {  	_ =	shalt  }
0x5d: {  	_ =	shalt  }
0x5e: {  	_ =	shalt  }
0x5f: {  	_ =	shalt  }
0x60: {  	_ =	shalt  }
0x61: {  	_ =	shalt  }
0x62: {  	_ =	shalt  }
0x63: {  	_ =	shalt  }
0x64: {  	_ =	shalt  }
0x65: {  	_ =	shalt  }
0x66: {  	_ =	shalt  }
0x67: {  	_ =	shalt  }
0x68: {  	_ =	shalt  }
0x69: {  	_ =	shalt  }
0x6a: {  	_ =	shalt  }
0x6b: {  	_ =	shalt  }
0x6c: {  	_ =	shalt  }
0x6d: {  	_ =	shalt  }
0x6e: {  	_ =	shalt  }
0x6f: {  	_ =	shalt  }
0x70: {  	_ =	shalt  }
0x71: {  	_ =	shalt  }
0x72: {  	_ =	shalt  }
0x73: {  	_ =	shalt  }
0x74: {  	_ =	shalt  }
0x75: {  	_ =	shalt  }
0x76: {  	_ =	shalt  }
0x77: {  	_ =	shalt  }
0x78: {  	_ =	shalt  }
0x79: {  	_ =	shalt  }
0x7a: {  	_ =	shalt  }
0x7b: {  	_ =	shalt  }
0x7c: {  	_ =	shalt  }
0x7d: {  	_ =	shalt  }
0x7e: {  	_ =	shalt  }
0x7f: {  	_ =	shalt  }
0x80: {  	_ =	shalt  }
0x81: {  	_ =	shalt  }
0x82: {  	_ =	shalt  }
0x83: {  	_ =	shalt  }
0x84: {  	_ =	shalt  }
0x85: {  	_ =	shalt  }
0x86: {  	_ =	shalt  }
0x87: {  	_ =	shalt  }
.Lfunc_end0:
.L_simem_size_0:
called_computation_lowered:
.L_overlay_start_0:
0x88: {  	s2 =	sld [smem:$0x3FD9]  }
0x89: {  	s3 =	sld [smem:$0x3FFE];
	_ =	sdelay $0x1  }
0x8a: {  	s1 =	srdreg.scid  }
0x8b: {  	s0 =	sand.u32 $0x1, s1  }
0x8c: {  	s16 =	sshll.u32 s0, $0xA;
	s2 =	sadd.s32 s3, s2  }
0x8d: {  	s2 =	sadd.s32 s2, s16  }
0x8e: {  	[smem:$0x3FC4] =	sst s2  }
0x8f: {  	_ = 	snop  }
0x90: {  	(tm) =	ssettm $0x1  }
0x91: {  	s17 =	sld [smem:$0x3FFB];
	_ =	sdelay $0x3  }
0x92: {  	_ =	strace s17  }
0x93: {  	s2 =	sld [smem:$0x3FFC];
	_ =	sdelay $0x3  }
0x94: {  	_ =	strace s2  }
0x95: {  	s2 =	sld [smem:$0x3FFD];
	_ =	sdelay $0x3  }
0x96: {  	_ =	strace s2  }
0x97: {  	_ =	strace $0x8FFFFFFF  }
0x98: {  	s18 =	sld [smem:$0x3FDB];
	_ =	sdelay $0x1  }
0x99: {  	s19 =	simm.s32 $_scs_section_size  }
0x9a: {  	s4 =	simm.s32 $_size__tile_overlayer_lowered;
	s5 =	simm.s32 $_tile_overlayer_lowered  }
0x9b: {  	s22 =	simm.s32 $0x1BFF;
	s21 =	sshll.u32 s5, $0x1;
	s2 =	sadd.s32 s19, s18  }
0x9c: {  	s6 =	simm.s32 $0x0;
	s20 =	sshll.u32 s4, $0x1;
	s4 =	sadd.s32 s21, s2  }
0x9d: {  	[timem:s6], [sflag:s22] =	dma.local [hbm:s4], s20  }
0x9e: {  	_ =	swait.ge [sflag:s22], s20  }
0x9f: {  	s3 =	ssub.s32 $0x0, s20;
	[sflag:s22] =	ssyncset.done $0x0  }
0xa0: {  	[sflag:s22] =	ssyncadd.s32 s3;
	_ =	sdelay $0x1  }
0xa1: {  	s23 =	simm.s32 $0x1B8B  }
0xa2: {  	_ =	swait.ge [sflag:s23], $0x1  }
0xa3: {  	[sflag:s23] =	ssyncset.done $0x0  }
0xa4: {  	s25 =	simm.s32 $0x1B8E;
	s24 =	sld [smem:$0x3FFE];
	[sflag:s23] =	ssyncadd.s32 $0xFFFFFFFF  }
0xa5: {  	s26 =	simm.s32 $execute0_lowered;
	[smem:$0x3FD2] =	sst s25  }
0xa6: {  	s4 =	sshll.u32 s26, $0x1;
	_ =	strace $0x80000046;
	[dreg:$0x1] =	wrdreg $0xFFFFFFFF  }
0xa7: {  	s28 =	simm.s32 $_size_execute0_lowered;
	s2 =	sadd.s32 s2, s4;
	[dreg:$0x0] =	wrdreg $0x0  }
0xa8: {  	s4 =	sshll.u32 s28, $0x1;
	[dreg:$0x2] =	wrdreg s2  }
0xa9: {  	[dreg:$0x3] =	wrdreg s4  }
0xaa: {  	[dreg:$0x4] =	wrdreg $0xC0  }
0xab: {  	_ =	task [dreg:s6], $0x5FFFF  }
0xac: {  	[dreg:$0x1] =	wrdreg $0xFFFFFFFF  }
0xad: {  	[dreg:$0x0] =	wrdreg $0x60  }
0xae: {  	[dreg:$0x2] =	wrdreg s24  }
0xaf: {  	[dreg:$0x3] =	wrdreg $0x9  }
0xb0: {  	_ =	task.clear_ibuf [dreg:s6], $0x4FFFF;
	_ =	strace $0x90000046  }
0xb1: {  	s29 =	simm.s32 $0x9;
	_ =	strace $0x80000048  }
0xb2: {  	_ =	swait.ge [sflag:s29], $0x1  }
0xb3: {  	[sflag:s29] =	ssyncadd.s32 $0xFFFFFFFF  }
0xb4: {  	_ =	strace $0x90000048  }
0xb5: {  	_ =	sfence  }
0xb6: {  	s30 =	sld [smem:$0x0];
	_ =	sdelay $0x2  }
0xb7: {  	s31 =	sshll.u32 s1, $0xD;
	s1 =	sshrl.u32 s1, $0x2  }
0xb8: {  	s3 =	sand.u32 $0x4000, s31;
	s1 =	sadd.s32 s1, s30  }
0xb9: {  	s0 =	sor.u32 s3, s0;
	s1 =	sshll.u32 s1, $0x11  }
0xba: {  	s0 =	sor.u32 s1, s0  }
0xbb: {  	s0 =	sadd.s32 $0x8F2B, s0  }
0xbc: {  	[sflag:s0] =	ssyncadd.remote.s32 $0x1  }
0xbd: {  	_ =	sfence.sel $0xFFFF  }
0xbe: {  	[dreg:$0x0] =	wrdreg $0xFFFFFFFF;
	(pc) =	sbr.abs _section_cstart, $3  }
0xbf: {  	[dreg:$0x1] =	wrdreg $0xFFFFFFFF  }
0xc0: {  	_ =	task.clear_ibuf [dreg:s6], $0x2FFFF;
	_ =	strace $0x9FFFFFFF  }
0xc1: {  	(tm) =	ssettm $0x7FFFFFFF  }
tec
execute0_lowered:
.L_overlay_start_1:
0x0: {  	(tag) =	ssettag $0x1  }
0x1: {  	s3 =	rddreg [dreg:$0x0];
	s2 =	srdreg.scid  }
0x2: {  	s0 =	rddreg [dreg:$0x1];
	s1 =	stileid.u32  }
0x3: {  	s8 =	simm.s32 $0x20000;
	s9 =	simm.s32 $0x10000;
	s10 =	simm.s32 $0x0  }
0x4: {  	s4 =	sand.u32 $0x1, s2;
	s2 =	simm.s32 $0x0;
	s5 =	sshll.u32 s1, $0xA  }
0x5: {  	s6 =	sshll.u32 s4, $0x9;
	[smem:$0x7FF] =	sst s2;
	s4 =	ssub.s32 $0x2, s4  }
0x6: {  	s5 =	sor.u32 s6, s5;
	_ =	strace $0x80000047;
	s31 =	sshrl.u32 s4, $0x1  }
0x7: {  	s6 =	sshll.u32 s5, $0x4;
	s5 =	sadd.s32 s5, s3;
	s7 =	ssub.s32 s4, s31  }
0x8: {  	v0 =	vlaneseq.u32;
	s6 =	sadd.s32 s6, s3;
	s4 =	sadd.s32 $0x40C00, s5;
	s5 =	smax.u32 s7, $0x1  }
0x9: {  	v0 =	vmul.u32 $0x80, v0;
	s7 =	simm.s32 $0x1000;
	s3 =	sadd.s32 $0xC00, s6;
	s6 =	simm.s32 $0x1  }
.LBB2_1:
0xa: {  	v1 =	vmov s2  }
0xb: {  	v1 =	vshll.u32 v1, $0x7  }
0xc: {  	v1 =	vor.u32 v0, v1  }
0xd: {  	[tilespmem:s2], [sflag:$0x1] =	stream.linear.gather [hbm4b:s3+s2], $0x10000, $0x38;
	[tilespmem:$0x14000] =	vst v63  }
0xe: {  	_ =	swait.ge [sflag:s6], $0x10000  }
0xf: {  	[sflag:s6] =	ssyncset.done $0x0  }
0x10: {  	[sflag:s6] =	ssyncadd.s32 $0xFFFF0000  }
0x11: {  	v2 =	vld.idx.msk [tilespmem:v1+s2+$0x0], $0xffff  }
0x12: {  	v3 =	vor.u32 $0x1, v1;
	_ =	sdelay $0x1  }
0x13: {  	s11 =	sand.u32 $0x70, s2;
	s12 =	sand.u32 $0xC00, s2  }
0x14: {  	s11 =	sor.u32 s11, s12  }
0x15: {  	[tilespmem:s11+$0x10000] =	vst v2  }
0x16: {  	v2 =	vld.idx.msk [tilespmem:v3+s2+$0x0], $0xffff  }
0x17: {  	v3 =	vor.u32 $0x2, v1;
	_ =	sdelay $0x3  }
0x18: {  	[tilespmem:s11+$0x10080] =	vst v2  }
0x19: {  	v2 =	vld.idx.msk [tilespmem:v3+s2+$0x0], $0xffff  }
0x1a: {  	v3 =	vor.u32 $0x3, v1;
	_ =	sdelay $0x3  }
0x1b: {  	[tilespmem:s11+$0x10100] =	vst v2  }
0x1c: {  	v2 =	vld.idx.msk [tilespmem:v3+s2+$0x0], $0xffff  }
0x1d: {  	v3 =	vor.u32 $0x4, v1;
	_ =	sdelay $0x3  }
0x1e: {  	[tilespmem:s11+$0x10180] =	vst v2  }
0x1f: {  	v2 =	vld.idx.msk [tilespmem:v3+s2+$0x0], $0xffff  }
0x20: {  	v3 =	vor.u32 $0x5, v1;
	_ =	sdelay $0x3  }
0x21: {  	[tilespmem:s11+$0x10200] =	vst v2  }
0x22: {  	v2 =	vld.idx.msk [tilespmem:v3+s2+$0x0], $0xffff  }
0x23: {  	v3 =	vor.u32 $0x6, v1;
	_ =	sdelay $0x3  }
0x24: {  	[tilespmem:s11+$0x10280] =	vst v2  }
0x25: {  	v2 =	vld.idx.msk [tilespmem:v3+s2+$0x0], $0xffff  }
0x26: {  	v3 =	vor.u32 $0x7, v1;
	_ =	sdelay $0x3  }
0x27: {  	[tilespmem:s11+$0x10300] =	vst v2  }
0x28: {  	v2 =	vld.idx.msk [tilespmem:v3+s2+$0x0], $0xffff  }
0x29: {  	v3 =	vor.u32 $0x8, v1;
	_ =	sdelay $0x1  }
0x2a: {  	s31 =	sor.u32 s2, s2  }
0x2b: {  	s12 =	sor.u32 $0x380, s31  }
0x2c: {  	[tilespmem:s12+$0x10000] =	vst v2  }
0x2d: {  	v2 =	vld.idx.msk [tilespmem:v3+s2+$0x0], $0xffff  }
0x2e: {  	v3 =	vor.u32 $0x9, v1;
	_ =	sdelay $0x3  }
0x2f: {  	[tilespmem:s11+$0x11000] =	vst v2  }
0x30: {  	v2 =	vld.idx.msk [tilespmem:v3+s2+$0x0], $0xffff  }
0x31: {  	v3 =	vor.u32 $0xA, v1;
	_ =	sdelay $0x3  }
0x32: {  	[tilespmem:s11+$0x11080] =	vst v2  }
0x33: {  	v2 =	vld.idx.msk [tilespmem:v3+s2+$0x0], $0xffff  }
0x34: {  	v3 =	vor.u32 $0xB, v1;
	_ =	sdelay $0x3  }
0x35: {  	[tilespmem:s11+$0x11100] =	vst v2  }
0x36: {  	v2 =	vld.idx.msk [tilespmem:v3+s2+$0x0], $0xffff  }
0x37: {  	v3 =	vor.u32 $0xC, v1;
	_ =	sdelay $0x3  }
0x38: {  	[tilespmem:s11+$0x11180] =	vst v2  }
0x39: {  	v2 =	vld.idx.msk [tilespmem:v3+s2+$0x0], $0xffff  }
0x3a: {  	v3 =	vor.u32 $0xD, v1;
	_ =	sdelay $0x3  }
0x3b: {  	[tilespmem:s11+$0x11200] =	vst v2  }
0x3c: {  	v2 =	vld.idx.msk [tilespmem:v3+s2+$0x0], $0xffff  }
0x3d: {  	v3 =	vor.u32 $0xE, v1;
	_ =	sdelay $0x3  }
0x3e: {  	[tilespmem:s11+$0x11280] =	vst v2  }
0x3f: {  	v2 =	vld.idx.msk [tilespmem:v3+s2+$0x0], $0xffff  }
0x40: {  	v3 =	vor.u32 $0xF, v1;
	_ =	sdelay $0x3  }
0x41: {  	[tilespmem:s11+$0x11300] =	vst v2  }
0x42: {  	v2 =	vld.idx.msk [tilespmem:v3+s2+$0x0], $0xffff  }
0x43: {  	v3 =	vor.u32 $0x10, v1;
	_ =	sdelay $0x3  }
0x44: {  	[tilespmem:s11+$0x11380] =	vst v2  }
0x45: {  	v2 =	vld.idx.msk [tilespmem:v3+s2+$0x0], $0xffff  }
0x46: {  	v3 =	vor.u32 $0x11, v1;
	_ =	sdelay $0x3  }
0x47: {  	[tilespmem:s11+$0x12000] =	vst v2  }
0x48: {  	v2 =	vld.idx.msk [tilespmem:v3+s2+$0x0], $0xffff  }
0x49: {  	v3 =	vor.u32 $0x12, v1;
	_ =	sdelay $0x3  }
0x4a: {  	[tilespmem:s11+$0x12080] =	vst v2  }
0x4b: {  	v2 =	vld.idx.msk [tilespmem:v3+s2+$0x0], $0xffff  }
0x4c: {  	v3 =	vor.u32 $0x13, v1;
	_ =	sdelay $0x3  }
0x4d: {  	[tilespmem:s11+$0x12100] =	vst v2  }
0x4e: {  	v2 =	vld.idx.msk [tilespmem:v3+s2+$0x0], $0xffff  }
0x4f: {  	v3 =	vor.u32 $0x14, v1;
	_ =	sdelay $0x3  }
0x50: {  	[tilespmem:s11+$0x12180] =	vst v2  }
0x51: {  	v2 =	vld.idx.msk [tilespmem:v3+s2+$0x0], $0xffff  }
0x52: {  	v3 =	vor.u32 $0x15, v1;
	_ =	sdelay $0x3  }
0x53: {  	[tilespmem:s11+$0x12200] =	vst v2  }
0x54: {  	v2 =	vld.idx.msk [tilespmem:v3+s2+$0x0], $0xffff  }
0x55: {  	v3 =	vor.u32 $0x16, v1;
	_ =	sdelay $0x3  }
0x56: {  	[tilespmem:s11+$0x12280] =	vst v2  }
0x57: {  	v2 =	vld.idx.msk [tilespmem:v3+s2+$0x0], $0xffff  }
0x58: {  	v3 =	vor.u32 $0x17, v1;
	_ =	sdelay $0x3  }
0x59: {  	[tilespmem:s11+$0x12300] =	vst v2  }
0x5a: {  	v2 =	vld.idx.msk [tilespmem:v3+s2+$0x0], $0xffff  }
0x5b: {  	v3 =	vor.u32 $0x18, v1;
	_ =	sdelay $0x3  }
0x5c: {  	[tilespmem:s11+$0x12380] =	vst v2  }
0x5d: {  	v2 =	vld.idx.msk [tilespmem:v3+s2+$0x0], $0xffff  }
0x5e: {  	v3 =	vor.u32 $0x19, v1;
	_ =	sdelay $0x3  }
0x5f: {  	s12 =	simm.s32 $0x10;
	[tilespmem:s11+$0x13000] =	vst v2  }
0x60: {  	s14 =	simm.s32 $0x20;
	s13 =	simm.s32 $0x0;
	v1 =	vmov s12;
	v2 =	vld.idx.msk [tilespmem:v3+s2+$0x0], $0xffff  }
.LBB2_2:
0x61: {  	p0 =	sne.s32 s14, $0x1F0;
	v1 =	vshll.u32 v1, $0x7  }
0x62: {  	v1 =	vor.u32 v0, v1;
	_ =	sdelay $0x3  }
0x63: {  	[tilespmem:s11+$0x13080] =	vst v2  }
0x64: {  	v2 =	vld.idx.msk [tilespmem:v1+s2+$0x0], $0xffff;
	_ =	sdelay $0x1  }
0x65: {  	v3 =	vor.u32 $0x1, v1  }
0x66: {  	s13 =	sadd.s32 $0x80, s13  }
0x67: {  	s15 =	sand.u32 $0xC00, s13;
	s11 =	sand.u32 $0x70, s12  }
0x68: {  	s11 =	sor.u32 s11, s15  }
0x69: {  	[tilespmem:s11+$0x10000] =	vst v2  }
0x6a: {  	v2 =	vld.idx.msk [tilespmem:v3+s2+$0x0], $0xffff;
	_ =	sdelay $0x1  }
0x6b: {  	v3 =	vor.u32 $0x2, v1;
	_ =	sdelay $0x3  }
0x6c: {  	[tilespmem:s11+$0x10080] =	vst v2  }
0x6d: {  	v2 =	vld.idx.msk [tilespmem:v3+s2+$0x0], $0xffff;
	_ =	sdelay $0x1  }
0x6e: {  	v3 =	vor.u32 $0x3, v1;
	_ =	sdelay $0x3  }
0x6f: {  	[tilespmem:s11+$0x10100] =	vst v2  }
0x70: {  	v2 =	vld.idx.msk [tilespmem:v3+s2+$0x0], $0xffff;
	_ =	sdelay $0x1  }
0x71: {  	v3 =	vor.u32 $0x4, v1;
	_ =	sdelay $0x3  }
0x72: {  	[tilespmem:s11+$0x10180] =	vst v2  }
0x73: {  	v2 =	vld.idx.msk [tilespmem:v3+s2+$0x0], $0xffff;
	_ =	sdelay $0x1  }
0x74: {  	v3 =	vor.u32 $0x5, v1;
	_ =	sdelay $0x3  }
0x75: {  	[tilespmem:s11+$0x10200] =	vst v2  }
0x76: {  	v2 =	vld.idx.msk [tilespmem:v3+s2+$0x0], $0xffff;
	_ =	sdelay $0x1  }
0x77: {  	v3 =	vor.u32 $0x6, v1;
	_ =	sdelay $0x3  }
0x78: {  	[tilespmem:s11+$0x10280] =	vst v2  }
0x79: {  	v2 =	vld.idx.msk [tilespmem:v3+s2+$0x0], $0xffff;
	_ =	sdelay $0x1  }
0x7a: {  	v3 =	vor.u32 $0x7, v1;
	_ =	sdelay $0x3  }
0x7b: {  	[tilespmem:s11+$0x10300] =	vst v2  }
0x7c: {  	v2 =	vld.idx.msk [tilespmem:v3+s2+$0x0], $0xffff;
	_ =	sdelay $0x1  }
0x7d: {  	v3 =	vor.u32 $0x8, v1;
	_ =	sdelay $0x1  }
0x7e: {  	s15 =	sor.u32 s13, s12;
	s12 =	smov.u32 s14  }
0x7f: {  	s15 =	sor.u32 $0x380, s15  }
0x80: {  	[tilespmem:s15+$0x10000] =	vst v2  }
0x81: {  	v2 =	vld.idx.msk [tilespmem:v3+s2+$0x0], $0xffff;
	_ =	sdelay $0x1  }
0x82: {  	v3 =	vor.u32 $0x9, v1;
	_ =	sdelay $0x3  }
0x83: {  	[tilespmem:s11+$0x11000] =	vst v2  }
0x84: {  	v2 =	vld.idx.msk [tilespmem:v3+s2+$0x0], $0xffff;
	_ =	sdelay $0x1  }
0x85: {  	v3 =	vor.u32 $0xA, v1;
	_ =	sdelay $0x3  }
0x86: {  	[tilespmem:s11+$0x11080] =	vst v2  }
0x87: {  	v2 =	vld.idx.msk [tilespmem:v3+s2+$0x0], $0xffff;
	_ =	sdelay $0x1  }
0x88: {  	v3 =	vor.u32 $0xB, v1;
	_ =	sdelay $0x3  }
0x89: {  	[tilespmem:s11+$0x11100] =	vst v2  }
0x8a: {  	v2 =	vld.idx.msk [tilespmem:v3+s2+$0x0], $0xffff;
	_ =	sdelay $0x1  }
0x8b: {  	v3 =	vor.u32 $0xC, v1;
	_ =	sdelay $0x3  }
0x8c: {  	[tilespmem:s11+$0x11180] =	vst v2  }
0x8d: {  	v2 =	vld.idx.msk [tilespmem:v3+s2+$0x0], $0xffff;
	_ =	sdelay $0x1  }
0x8e: {  	v3 =	vor.u32 $0xD, v1;
	_ =	sdelay $0x3  }
0x8f: {  	[tilespmem:s11+$0x11200] =	vst v2  }
0x90: {  	v2 =	vld.idx.msk [tilespmem:v3+s2+$0x0], $0xffff;
	_ =	sdelay $0x1  }
0x91: {  	v3 =	vor.u32 $0xE, v1;
	_ =	sdelay $0x3  }
0x92: {  	[tilespmem:s11+$0x11280] =	vst v2  }
0x93: {  	v2 =	vld.idx.msk [tilespmem:v3+s2+$0x0], $0xffff;
	_ =	sdelay $0x1  }
0x94: {  	v3 =	vor.u32 $0xF, v1;
	_ =	sdelay $0x3  }
0x95: {  	[tilespmem:s11+$0x11300] =	vst v2  }
0x96: {  	v2 =	vld.idx.msk [tilespmem:v3+s2+$0x0], $0xffff;
	_ =	sdelay $0x1  }
0x97: {  	v3 =	vor.u32 $0x10, v1;
	_ =	sdelay $0x3  }
0x98: {  	[tilespmem:s11+$0x11380] =	vst v2  }
0x99: {  	v2 =	vld.idx.msk [tilespmem:v3+s2+$0x0], $0xffff;
	_ =	sdelay $0x1  }
0x9a: {  	v3 =	vor.u32 $0x11, v1;
	_ =	sdelay $0x3  }
0x9b: {  	[tilespmem:s11+$0x12000] =	vst v2  }
0x9c: {  	v2 =	vld.idx.msk [tilespmem:v3+s2+$0x0], $0xffff;
	_ =	sdelay $0x1  }
0x9d: {  	v3 =	vor.u32 $0x12, v1;
	_ =	sdelay $0x3  }
0x9e: {  	[tilespmem:s11+$0x12080] =	vst v2  }
0x9f: {  	v2 =	vld.idx.msk [tilespmem:v3+s2+$0x0], $0xffff;
	_ =	sdelay $0x1  }
0xa0: {  	v3 =	vor.u32 $0x13, v1;
	_ =	sdelay $0x3  }
0xa1: {  	[tilespmem:s11+$0x12100] =	vst v2  }
0xa2: {  	v2 =	vld.idx.msk [tilespmem:v3+s2+$0x0], $0xffff;
	_ =	sdelay $0x1  }
0xa3: {  	v3 =	vor.u32 $0x14, v1;
	_ =	sdelay $0x3  }
0xa4: {  	[tilespmem:s11+$0x12180] =	vst v2  }
0xa5: {  	v2 =	vld.idx.msk [tilespmem:v3+s2+$0x0], $0xffff;
	_ =	sdelay $0x1  }
0xa6: {  	v3 =	vor.u32 $0x15, v1;
	_ =	sdelay $0x3  }
0xa7: {  	[tilespmem:s11+$0x12200] =	vst v2  }
0xa8: {  	v2 =	vld.idx.msk [tilespmem:v3+s2+$0x0], $0xffff;
	_ =	sdelay $0x1  }
0xa9: {  	v3 =	vor.u32 $0x16, v1;
	_ =	sdelay $0x3  }
0xaa: {  	[tilespmem:s11+$0x12280] =	vst v2  }
0xab: {  	v2 =	vld.idx.msk [tilespmem:v3+s2+$0x0], $0xffff;
	_ =	sdelay $0x1  }
0xac: {  	v3 =	vor.u32 $0x17, v1;
	_ =	sdelay $0x3  }
0xad: {  	[tilespmem:s11+$0x12300] =	vst v2  }
0xae: {  	v2 =	vld.idx.msk [tilespmem:v3+s2+$0x0], $0xffff;
	_ =	sdelay $0x1  }
0xaf: {  	v3 =	vor.u32 $0x18, v1;
	_ =	sdelay $0x3  }
0xb0: {  	[tilespmem:s11+$0x12380] =	vst v2  }
0xb1: {  	v2 =	vld.idx.msk [tilespmem:v3+s2+$0x0], $0xffff;
	_ =	sdelay $0x1  }
0xb2: {  	v3 =	vor.u32 $0x19, v1  }
.Ltmp0:
0xb3: {  	(pc) =	sbr.rel @p0 .LBB2_2-.Ltmp0, $3  }
0xb4: {  	_ =	sdelay $0x1  }
0xb5: {  	[tilespmem:s11+$0x13000] =	vst v2  }
0xb6: {  	s14 =	sadd.s32 $0x10, s14;
	v1 =	vmov s12;
	v2 =	vld.idx.msk [tilespmem:v3+s2+$0x0], $0xffff  }
0xb7: {  	v1 =	vshll.u32 v1, $0x7  }
0xb8: {  	v1 =	vor.u32 v0, v1;
	_ =	sdelay $0x3  }
0xb9: {  	[tilespmem:s11+$0x13080] =	vst v2  }
0xba: {  	v2 =	vld.idx.msk [tilespmem:v1+s2+$0x0], $0xffff  }
0xbb: {  	v3 =	vor.u32 $0x1, v1  }
0xbc: {  	s13 =	sadd.s32 $0x80, s13  }
0xbd: {  	s30 =	sand.u32 $0x70, s12;
	s14 =	sand.u32 $0xC00, s13  }
0xbe: {  	s11 =	sor.u32 s30, s14  }
0xbf: {  	[tilespmem:s11+$0x10000] =	vst v2  }
0xc0: {  	v2 =	vld.idx.msk [tilespmem:v3+s2+$0x0], $0xffff  }
0xc1: {  	v3 =	vor.u32 $0x2, v1;
	_ =	sdelay $0x3  }
0xc2: {  	[tilespmem:s11+$0x10080] =	vst v2  }
0xc3: {  	v2 =	vld.idx.msk [tilespmem:v3+s2+$0x0], $0xffff  }
0xc4: {  	v3 =	vor.u32 $0x3, v1;
	_ =	sdelay $0x3  }
0xc5: {  	[tilespmem:s11+$0x10100] =	vst v2  }
0xc6: {  	v2 =	vld.idx.msk [tilespmem:v3+s2+$0x0], $0xffff  }
0xc7: {  	v3 =	vor.u32 $0x4, v1;
	_ =	sdelay $0x3  }
0xc8: {  	[tilespmem:s11+$0x10180] =	vst v2  }
0xc9: {  	v2 =	vld.idx.msk [tilespmem:v3+s2+$0x0], $0xffff  }
0xca: {  	v3 =	vor.u32 $0x5, v1;
	_ =	sdelay $0x3  }
0xcb: {  	[tilespmem:s11+$0x10200] =	vst v2  }
0xcc: {  	v2 =	vld.idx.msk [tilespmem:v3+s2+$0x0], $0xffff  }
0xcd: {  	v3 =	vor.u32 $0x6, v1;
	_ =	sdelay $0x3  }
0xce: {  	[tilespmem:s11+$0x10280] =	vst v2  }
0xcf: {  	v2 =	vld.idx.msk [tilespmem:v3+s2+$0x0], $0xffff  }
0xd0: {  	v3 =	vor.u32 $0x7, v1;
	_ =	sdelay $0x3  }
0xd1: {  	[tilespmem:s11+$0x10300] =	vst v2  }
0xd2: {  	v2 =	vld.idx.msk [tilespmem:v3+s2+$0x0], $0xffff  }
0xd3: {  	v3 =	vor.u32 $0x8, v1;
	_ =	sdelay $0x1  }
0xd4: {  	s31 =	sor.u32 s13, s12  }
0xd5: {  	s12 =	sor.u32 $0x380, s31  }
0xd6: {  	[tilespmem:s12+$0x10000] =	vst v2  }
0xd7: {  	v2 =	vld.idx.msk [tilespmem:v3+s2+$0x0], $0xffff  }
0xd8: {  	v3 =	vor.u32 $0x9, v1;
	_ =	sdelay $0x3  }
0xd9: {  	[tilespmem:s11+$0x11000] =	vst v2  }
0xda: {  	v2 =	vld.idx.msk [tilespmem:v3+s2+$0x0], $0xffff  }
0xdb: {  	v3 =	vor.u32 $0xA, v1;
	_ =	sdelay $0x3  }
0xdc: {  	[tilespmem:s11+$0x11080] =	vst v2  }
0xdd: {  	v2 =	vld.idx.msk [tilespmem:v3+s2+$0x0], $0xffff  }
0xde: {  	v3 =	vor.u32 $0xB, v1;
	_ =	sdelay $0x3  }
0xdf: {  	[tilespmem:s11+$0x11100] =	vst v2  }
0xe0: {  	v2 =	vld.idx.msk [tilespmem:v3+s2+$0x0], $0xffff  }
0xe1: {  	v3 =	vor.u32 $0xC, v1;
	_ =	sdelay $0x3  }
0xe2: {  	[tilespmem:s11+$0x11180] =	vst v2  }
0xe3: {  	v2 =	vld.idx.msk [tilespmem:v3+s2+$0x0], $0xffff  }
0xe4: {  	v3 =	vor.u32 $0xD, v1;
	_ =	sdelay $0x3  }
0xe5: {  	[tilespmem:s11+$0x11200] =	vst v2  }
0xe6: {  	v2 =	vld.idx.msk [tilespmem:v3+s2+$0x0], $0xffff  }
0xe7: {  	v3 =	vor.u32 $0xE, v1;
	_ =	sdelay $0x3  }
0xe8: {  	[tilespmem:s11+$0x11280] =	vst v2  }
0xe9: {  	v2 =	vld.idx.msk [tilespmem:v3+s2+$0x0], $0xffff  }
0xea: {  	v3 =	vor.u32 $0xF, v1;
	_ =	sdelay $0x3  }
0xeb: {  	[tilespmem:s11+$0x11300] =	vst v2  }
0xec: {  	v2 =	vld.idx.msk [tilespmem:v3+s2+$0x0], $0xffff  }
0xed: {  	v3 =	vor.u32 $0x10, v1;
	_ =	sdelay $0x3  }
0xee: {  	[tilespmem:s11+$0x11380] =	vst v2  }
0xef: {  	v2 =	vld.idx.msk [tilespmem:v3+s2+$0x0], $0xffff  }
0xf0: {  	v3 =	vor.u32 $0x11, v1;
	_ =	sdelay $0x3  }
0xf1: {  	[tilespmem:s11+$0x12000] =	vst v2  }
0xf2: {  	v2 =	vld.idx.msk [tilespmem:v3+s2+$0x0], $0xffff  }
0xf3: {  	v3 =	vor.u32 $0x12, v1;
	_ =	sdelay $0x3  }
0xf4: {  	[tilespmem:s11+$0x12080] =	vst v2  }
0xf5: {  	v2 =	vld.idx.msk [tilespmem:v3+s2+$0x0], $0xffff  }
0xf6: {  	v3 =	vor.u32 $0x13, v1;
	_ =	sdelay $0x3  }
0xf7: {  	[tilespmem:s11+$0x12100] =	vst v2  }
0xf8: {  	v2 =	vld.idx.msk [tilespmem:v3+s2+$0x0], $0xffff  }
0xf9: {  	v3 =	vor.u32 $0x14, v1;
	_ =	sdelay $0x3  }
0xfa: {  	[tilespmem:s11+$0x12180] =	vst v2  }
0xfb: {  	v2 =	vld.idx.msk [tilespmem:v3+s2+$0x0], $0xffff  }
0xfc: {  	v3 =	vor.u32 $0x15, v1;
	_ =	sdelay $0x3  }
0xfd: {  	[tilespmem:s11+$0x12200] =	vst v2  }
0xfe: {  	v2 =	vld.idx.msk [tilespmem:v3+s2+$0x0], $0xffff  }
0xff: {  	v3 =	vor.u32 $0x16, v1;
	_ =	sdelay $0x3  }
0x100: {  	[tilespmem:s11+$0x12280] =	vst v2  }
0x101: {  	v2 =	vld.idx.msk [tilespmem:v3+s2+$0x0], $0xffff  }
0x102: {  	v3 =	vor.u32 $0x17, v1;
	_ =	sdelay $0x3  }
0x103: {  	[tilespmem:s11+$0x12300] =	vst v2  }
0x104: {  	v2 =	vld.idx.msk [tilespmem:v3+s2+$0x0], $0xffff  }
0x105: {  	v3 =	vor.u32 $0x18, v1;
	_ =	sdelay $0x3  }
0x106: {  	[tilespmem:s11+$0x12380] =	vst v2  }
0x107: {  	v2 =	vld.idx.msk [tilespmem:v3+s2+$0x0], $0xffff  }
0x108: {  	v1 =	vor.u32 $0x19, v1;
	_ =	sdelay $0x3  }
0x109: {  	[tilespmem:s11+$0x13000] =	vst v2  }
0x10a: {  	v1 =	vld.idx.msk [tilespmem:v1+s2+$0x0], $0xffff;
	_ =	sdelay $0x2  }
0x10b: {  	s10 =	sadd.s32 $0x1, s10  }
0x10c: {  	p0 =	sne.s32 s10, s5  }
.Ltmp1:
0x10d: {  	[tilespmem:s11+$0x13080] =	vst v1;
	(pc) =	sbr.rel @p0 .LBB2_1-.Ltmp1, $4  }
0x10e: {  	[hbm4b:s4+s7] =	stream.strided.scatter [tilespmem:s9], [sflag:$0x1], $0x4000, s8, s7, $0x38;
	[tilespmem:$0x14000] =	vst v63  }
0x10f: {  	_ =	swait.ge [sflag:s6], $0x4000  }
0x110: {  	[sflag:s6] =	ssyncset.done $0x0  }
0x111: {  	[sflag:s6] =	ssyncadd.s32 $0xFFFFC000  }
0x112: {  	_ =	sfence.sel $0x180000  }
0x113: {  	[bflag:$0x0] =	sbarrier.arrive $0xFFFF  }
0x114: {  	p0 =	sne.s32 s1, $0x0;
	_ =	strace $0x90000047  }
0x115: {  	s0 =	sadd.s32 @!p0 $0x100000, s0;
	[bflag:$0x2] =	sbarrier.arrive $0xFFFF  }
0x116: {  	[sflag:s0] =	ssyncadd.tile.s32 @!p0 $0x1;
	_ =	shalt  }
.Lfunc_end2:
_tile_overlayer_lowered:
.L_overlay_start_2:
0x117: {  	(tag) =	ssettag $0x2  }
0x118: {  	s0 =	rddreg [dreg:$0x0];
	s2 =	stileid.u32  }
0x119: {  	s1 =	rddreg [dreg:$0x1];
	p0 =	sne.s32 s2, $0x0  }
0x11a: {  	s3 =	rddreg [dreg:$0x2];
	[bflag:$0x3] =	sbarrier.arrive $0xFFFF;
	s2 =	simm.s32 @!p0 $0x1C01  }
0x11b: {  	[timem:s3], [sflag:s2] =	dma.local @!p0 [hbm:s0], s1  }
0x11c: {  	s0 =	simm.s32 @!p0 $0x1  }
0x11d: {  	_ =	swait.ge @!p0 [sflag:s0], s1  }
0x11e: {  	s1 =	ssub.s32 @!p0 $0x0, s1;
	[sflag:s0] =	ssyncset.done @!p0 $0x0  }
0x11f: {  	[sflag:s0] =	ssyncadd.s32 @!p0 s1  }
0x120: {  	[bflag:$0x3] =	sbarrier.arrive $0xFFFF  }
0x121: {  	_ =	shalt  }

</sc_bundles>
